<compile_context>
chip_gen: v7x
topology: tpu7x:2x2x1
jax: 0.10.2.dev20260603
libtpu: 0.0.44.dev20260713+nightly
codegen_flags: <defaults>
</compile_context>

<pallas_src>
import functools

import numpy as np

import jax
import jax.numpy as jnp
from jax import lax
from jax.experimental import pallas as pl
from jax.experimental.pallas import tpu as pltpu
from jax.experimental.pallas import tpu_sc as plsc

B = 16384
D = 768
C = 5
NC = 2
NS = 16
NW = NC * NS
BPW = B // NW
CHUNK = 16
NCHUNK = BPW // CHUNK
NG = D // 32
CD = CHUNK * D
SW = CD // 2

_W = np.arange(D // 2)
_IDX_LO = 32 * (_W // 16) + (_W % 16)
_IDX_HI = _IDX_LO + 16


def _gather_sc(user_ids, item_ids, user_table, item_table):
    mesh = plsc.VectorSubcoreMesh(core_axis_name="c", subcore_axis_name="s")

    @functools.partial(
        pl.kernel,
        mesh=mesh,
        out_type=[
            jax.ShapeDtypeStruct((B, D // 2), jnp.float32),
            jax.ShapeDtypeStruct((B, D // 2), jnp.float32),
        ],
        scratch_types=[
            pltpu.VMEM((BPW,), jnp.int32),
            pltpu.VMEM((BPW,), jnp.int32),
            pltpu.VMEM((2, CHUNK, D), jnp.float32),
            pltpu.VMEM((2, CHUNK, D), jnp.float32),
            pltpu.VMEM((2 * CHUNK, D // 2), jnp.float32),
            pltpu.VMEM((2 * CHUNK, D // 2), jnp.float32),
            [pltpu.SemaphoreType.DMA] * 2,
            [pltpu.SemaphoreType.DMA] * 2,
            [pltpu.SemaphoreType.DMA] * 2,
            [pltpu.SemaphoreType.DMA] * 2,
        ],
    )
    def k(uid_hbm, iid_hbm, utab_hbm, itab_hbm, uout_hbm, iout_hbm,
          uidx, iidx, ubuf, ibuf, ustage, istage, gsem_u, gsem_i,
          osem_u, osem_i):
        wid = lax.axis_index("s") * NC + lax.axis_index("c")
        base = wid * BPW
        pltpu.sync_copy(uid_hbm.at[pl.ds(base, BPW)], uidx)
        pltpu.sync_copy(iid_hbm.at[pl.ds(base, BPW)], iidx)

        def start_gather(c, bsl):
            off = pl.multiple_of(c * CHUNK, CHUNK)
            pltpu.async_copy(utab_hbm.at[uidx.at[pl.ds(off, CHUNK)]],
                             ubuf.at[bsl], gsem_u[bsl])
            pltpu.async_copy(itab_hbm.at[iidx.at[pl.ds(off, CHUNK)]],
                             ibuf.at[bsl], gsem_i[bsl])

        def wait_gather(bsl):
            pltpu.make_async_copy(utab_hbm.at[uidx.at[pl.ds(0, CHUNK)]],
                                  ubuf.at[bsl], gsem_u[bsl]).wait()
            pltpu.make_async_copy(itab_hbm.at[iidx.at[pl.ds(0, CHUNK)]],
                                  ibuf.at[bsl], gsem_i[bsl]).wait()

        def start_out(c, bsl):
            off = pl.multiple_of(base + c * CHUNK, CHUNK)
            pltpu.async_copy(ustage.at[pl.ds(bsl * CHUNK, CHUNK)],
                             uout_hbm.at[pl.ds(off, CHUNK)], osem_u[bsl])
            pltpu.async_copy(istage.at[pl.ds(bsl * CHUNK, CHUNK)],
                             iout_hbm.at[pl.ds(off, CHUNK)], osem_i[bsl])

        def wait_out(bsl):
            pltpu.make_async_copy(ustage.at[pl.ds(bsl * CHUNK, CHUNK)],
                                  uout_hbm.at[pl.ds(0, CHUNK)],
                                  osem_u[bsl]).wait()
            pltpu.make_async_copy(istage.at[pl.ds(bsl * CHUNK, CHUNK)],
                                  iout_hbm.at[pl.ds(0, CHUNK)],
                                  osem_i[bsl]).wait()

        def convert_chunk(bsl):
            def row_body(r):
                sr = bsl * CHUNK + r

                def cvt(buf, stage):
                    for g in range(NG):
                        lo = buf[bsl, r, pl.ds(32 * g, 16)]
                        hi = buf[bsl, r, pl.ds(32 * g + 16, 16)]
                        blo = lax.bitcast_convert_type(lo, jnp.uint32)
                        bhi = lax.bitcast_convert_type(hi, jnp.uint32)
                        word = ((bhi & jnp.uint32(0xFFFF0000))
                                | lax.shift_right_logical(
                                    blo, jnp.uint32(16)))
                        stage[sr, pl.ds(16 * g, 16)] = (
                            lax.bitcast_convert_type(word, jnp.float32))

                cvt(ubuf, ustage)
                cvt(ibuf, istage)

            plsc.parallel_loop(0, CHUNK, unroll=4)(row_body)

        start_gather(0, 0)
        start_gather(1, 1)

        def gbody(g, _):
            for par in range(2):
                c = g * 2 + par
                wait_gather(par)

                @pl.when(c >= 2)
                def _():
                    wait_out(par)

                convert_chunk(par)

                @pl.when(c + 2 < NCHUNK)
                def _():
                    start_gather(c + 2, par)

                start_out(c, par)
            return 0

        lax.fori_loop(0, NCHUNK // 2, gbody, 0)
        wait_out(0)
        wait_out(1)

    return k(user_ids, item_ids, user_table, item_table)


BM = 2048


def _unpack_words(w_ref):
    words = lax.bitcast_convert_type(w_ref[...], jnp.uint32)
    lo = lax.bitcast_convert_type(
        lax.shift_left(words, jnp.uint32(16)), jnp.float32)
    hi = lax.bitcast_convert_type(
        words & jnp.uint32(0xFFFF0000), jnp.float32)
    return lo, hi


def _mm_body(u_ref, i_ref, wul_ref, wuh_ref, wil_ref, wih_ref, b_ref, o_ref):
    ulo, uhi = _unpack_words(u_ref)
    ilo, ihi = _unpack_words(i_ref)
    acc = jnp.dot(ulo, wul_ref[...], preferred_element_type=jnp.float32)
    acc = acc + jnp.dot(uhi, wuh_ref[...], preferred_element_type=jnp.float32)
    acc = acc + jnp.dot(ilo, wil_ref[...], preferred_element_type=jnp.float32)
    acc = acc + jnp.dot(ihi, wih_ref[...], preferred_element_type=jnp.float32)
    o_ref[...] = acc + b_ref[...]


def _mm_tc(u_words, i_words, wul, wuh, wil, wih, b2d):
    hw = D // 2
    return pl.pallas_call(
        _mm_body,
        grid=(B // BM,),
        in_specs=[
            pl.BlockSpec((BM, hw), lambda m: (m, 0)),
            pl.BlockSpec((BM, hw), lambda m: (m, 0)),
            pl.BlockSpec((hw, C), lambda m: (0, 0)),
            pl.BlockSpec((hw, C), lambda m: (0, 0)),
            pl.BlockSpec((hw, C), lambda m: (0, 0)),
            pl.BlockSpec((hw, C), lambda m: (0, 0)),
            pl.BlockSpec((1, C), lambda m: (0, 0)),
        ],
        out_specs=pl.BlockSpec((BM, C), lambda m: (m, 0)),
        out_shape=jax.ShapeDtypeStruct((B, C), jnp.float32),
    )(u_words, i_words, wul, wuh, wil, wih, b2d)


def kernel(user_ids, item_ids, user_table, item_table, W, b):
    uids = user_ids.astype(jnp.int32)
    iids = item_ids.astype(jnp.int32)
    uw, iw = _gather_sc(uids, iids, user_table, item_table)
    ilo = jnp.asarray(_IDX_LO)
    ihi = jnp.asarray(_IDX_HI)
    wu, wi_ = W[:D], W[D:]
    return _mm_tc(uw, iw, wu[ilo], wu[ihi], wi_[ilo], wi_[ihi],
                  b.reshape(1, C))

# --- scband reference (transcript-rebuilt; emitter-appended) ---
"""Pipeline reference for scband-vanilla-classifier-user-text-profile-item-text-profile-precalculated-21337397527214 (READ-ONLY COPY).

The authoritative reference and input builder live on the scoring server;
editing this copy changes nothing except your own understanding.
"""

import jax, jax.numpy as jnp
import numpy as np

B = 16384
NU = 100000
NI = 100000
D = 768
C = 5

def setup_inputs(seed: int = 0) -> dict:
    key = jax.random.key(seed)
    k1, k2, k3, k4, k5 = jax.random.split(key, 5)
    return {
        "user_ids": jax.random.randint(k1, (B,), 0, NU),
        "item_ids": jax.random.randint(k2, (B,), 0, NI),
        "user_table": jax.random.normal(k3, (NU, D), dtype=jnp.float32) * 0.02,
        "item_table": jax.random.normal(k4, (NI, D), dtype=jnp.float32) * 0.02,
        "W": jax.random.normal(k5, (2 * D, C), dtype=jnp.float32) * 0.02,
        "b": jnp.zeros((C,), dtype=jnp.float32),
    }

def reference(user_ids, item_ids, user_table, item_table, W, b):
    # user_rep = self.user_rep(user_ids); item_rep = self.item_rep(item_ids)
    user_rep = jnp.take(user_table, user_ids, axis=0)
    item_rep = jnp.take(item_table, item_ids, axis=0)
    # result = self.classifier(concat([user_rep, item_rep], dim=1))
    h = jnp.concatenate([user_rep, item_rep], axis=1)
    return h @ W + b

if __name__ == "__main__":
    import jax
    _d = setup_inputs()
    print(jax.jit(kernel)(*tuple(_d.values())))

</pallas_src>

<mosaic_0001>
#map = affine_map<(d0, d1) -> (0)>
#map1 = affine_map<(d0, d1) -> (0, 0)>
module attributes {stable_mosaic.version = 14 : i64} {
  func.func @k(%arg0: i32, %arg1: i32, %arg2: memref<16384xi32, #tpu.memory_space<hbm>>, %arg3: memref<16384xi32, #tpu.memory_space<hbm>>, %arg4: memref<100000x768xf32, #tpu.memory_space<hbm>>, %arg5: memref<100000x768xf32, #tpu.memory_space<hbm>>, %arg6: memref<16384x384xf32, #tpu.memory_space<hbm>>, %arg7: memref<16384x384xf32, #tpu.memory_space<hbm>>, %arg8: memref<512xi32, #tpu.memory_space<vmem>>, %arg9: memref<512xi32, #tpu.memory_space<vmem>>, %arg10: memref<2x16x768xf32, #tpu.memory_space<vmem>>, %arg11: memref<2x16x768xf32, #tpu.memory_space<vmem>>, %arg12: memref<32x384xf32, #tpu.memory_space<vmem>>, %arg13: memref<32x384xf32, #tpu.memory_space<vmem>>, %arg14: memref<!tpu.dma_semaphore, #tpu.memory_space<semaphore_mem>>, %arg15: memref<!tpu.dma_semaphore, #tpu.memory_space<semaphore_mem>>, %arg16: memref<!tpu.dma_semaphore, #tpu.memory_space<semaphore_mem>>, %arg17: memref<!tpu.dma_semaphore, #tpu.memory_space<semaphore_mem>>, %arg18: memref<!tpu.dma_semaphore, #tpu.memory_space<semaphore_mem>>, %arg19: memref<!tpu.dma_semaphore, #tpu.memory_space<semaphore_mem>>, %arg20: memref<!tpu.dma_semaphore, #tpu.memory_space<semaphore_mem>>, %arg21: memref<!tpu.dma_semaphore, #tpu.memory_space<semaphore_mem>>) attributes {dimension_semantics = [#tpu.dimension_semantics<core_parallel>, #tpu.dimension_semantics<subcore_parallel>], iteration_bounds = array<i64: 2, 16>, scalar_prefetch = 0 : i64, scratch_operands = 14 : i64, tpu.core_type = #tpu.core_type<sc_vector_subcore>, window_params = [{transform_indices = #map}, {transform_indices = #map}, {transform_indices = #map1}, {transform_indices = #map1}, {transform_indices = #map1}, {transform_indices = #map1}]} {
    %mul3A = arith.constant 2 : i32
    %mul3A_0 = arith.muli %arg1, %mul3A : i32
    %add3A = arith.addi %mul3A_0, %arg0 : i32
    %mul3A_1 = arith.constant 512 : i32
    %mul3A_2 = arith.muli %add3A, %mul3A_1 : i32
    "tpu.region"() ({
      %run_scoped3A = tpu.sem_alloc : memref<!tpu.dma_semaphore, #tpu.memory_space<semaphore_mem>>
      %dma_start3A_94 = tpu.memref_slice %arg2[%mul3A_2] : memref<16384xi32, #tpu.memory_space<hbm>> -> memref<512xi32, #tpu.memory_space<hbm>>
      %dma_start3A_95 = tpu.memref_slice %arg2[%mul3A_2] : memref<16384xi32, #tpu.memory_space<hbm>> -> memref<512xi32, #tpu.memory_space<hbm>>
      tpu.enqueue_dma source(%dma_start3A_95 : memref<512xi32, #tpu.memory_space<hbm>>) target(%arg8 : memref<512xi32, #tpu.memory_space<vmem>>) target_semaphore(%run_scoped3A : memref<!tpu.dma_semaphore, #tpu.memory_space<semaphore_mem>>)
      %dma_wait3A_96 = tpu.memref_slice %arg2[%mul3A_2] : memref<16384xi32, #tpu.memory_space<hbm>> -> memref<512xi32, #tpu.memory_space<hbm>>
      %dma_wait3A_97 = tpu.memref_slice %arg2[%mul3A_2] : memref<16384xi32, #tpu.memory_space<hbm>> -> memref<512xi32, #tpu.memory_space<hbm>>
      tpu.wait_dma2 semaphore(%run_scoped3A : memref<!tpu.dma_semaphore, #tpu.memory_space<semaphore_mem>>) src(%dma_wait3A_97 : memref<512xi32, #tpu.memory_space<hbm>>) dst(%arg8 : memref<512xi32, #tpu.memory_space<vmem>>)
      tpu.yield
    }) : () -> ()
    "tpu.region"() ({
      %run_scoped3A = tpu.sem_alloc : memref<!tpu.dma_semaphore, #tpu.memory_space<semaphore_mem>>
      %dma_start3A_94 = tpu.memref_slice %arg3[%mul3A_2] : memref<16384xi32, #tpu.memory_space<hbm>> -> memref<512xi32, #tpu.memory_space<hbm>>
      %dma_start3A_95 = tpu.memref_slice %arg3[%mul3A_2] : memref<16384xi32, #tpu.memory_space<hbm>> -> memref<512xi32, #tpu.memory_space<hbm>>
      tpu.enqueue_dma source(%dma_start3A_95 : memref<512xi32, #tpu.memory_space<hbm>>) target(%arg9 : memref<512xi32, #tpu.memory_space<vmem>>) target_semaphore(%run_scoped3A : memref<!tpu.dma_semaphore, #tpu.memory_space<semaphore_mem>>)
      %dma_wait3A_96 = tpu.memref_slice %arg3[%mul3A_2] : memref<16384xi32, #tpu.memory_space<hbm>> -> memref<512xi32, #tpu.memory_space<hbm>>
      %dma_wait3A_97 = tpu.memref_slice %arg3[%mul3A_2] : memref<16384xi32, #tpu.memory_space<hbm>> -> memref<512xi32, #tpu.memory_space<hbm>>
      tpu.wait_dma2 semaphore(%run_scoped3A : memref<!tpu.dma_semaphore, #tpu.memory_space<semaphore_mem>>) src(%dma_wait3A_97 : memref<512xi32, #tpu.memory_space<hbm>>) dst(%arg9 : memref<512xi32, #tpu.memory_space<vmem>>)
      tpu.yield
    }) : () -> ()
    %multiple_of3A = arith.constant 0 : i32
    %multiple_of3A_3 = tpu.assume_multiple %multiple_of3A, 16 : i32
    %dma_start3A = arith.constant 0 : i32
    %dma_start3A_4 = arith.constant 0 : i32
    %dma_start3A_5 = arith.constant 0 : i32
    %dma_start3A_6 = tpu.memref_slice %arg10[%dma_start3A, %dma_start3A_4, %dma_start3A_5] : memref<2x16x768xf32, #tpu.memory_space<vmem>> -> memref<1x16x768xf32, #tpu.memory_space<vmem>>
    %dma_start3A_7 = tpu.memref_squeeze %dma_start3A_6 : memref<1x16x768xf32, #tpu.memory_space<vmem>> -> memref<16x768xf32, #tpu.memory_space<vmem>>
    %dma_start3A_8 = tpu.memref_slice %arg8[%multiple_of3A_3] : memref<512xi32, #tpu.memory_space<vmem>> -> memref<16xi32, #tpu.memory_space<vmem>>
    %dma_start3A_9 = arith.constant 0 : i32
    %dma_start3A_10 = arith.constant 0 : i32
    %dma_start3A_11 = tpu.memref_slice %arg4[%dma_start3A_9, %dma_start3A_10] : memref<100000x768xf32, #tpu.memory_space<hbm>> -> memref<100000x768xf32, #tpu.memory_space<hbm>>
    tpu.enqueue_indirect_dma source(%dma_start3A_11 : memref<100000x768xf32, #tpu.memory_space<hbm>>) target(%dma_start3A_7 : memref<16x768xf32, #tpu.memory_space<vmem>>) offsets(%dma_start3A_8 : memref<16xi32, #tpu.memory_space<vmem>>) semaphore(%arg14 : memref<!tpu.dma_semaphore, #tpu.memory_space<semaphore_mem>>)
    %dma_start3A_12 = arith.constant 0 : i32
    %dma_start3A_13 = arith.constant 0 : i32
    %dma_start3A_14 = arith.constant 0 : i32
    %dma_start3A_15 = tpu.memref_slice %arg11[%dma_start3A_12, %dma_start3A_13, %dma_start3A_14] : memref<2x16x768xf32, #tpu.memory_space<vmem>> -> memref<1x16x768xf32, #tpu.memory_space<vmem>>
    %dma_start3A_16 = tpu.memref_squeeze %dma_start3A_15 : memref<1x16x768xf32, #tpu.memory_space<vmem>> -> memref<16x768xf32, #tpu.memory_space<vmem>>
    %dma_start3A_17 = tpu.memref_slice %arg9[%multiple_of3A_3] : memref<512xi32, #tpu.memory_space<vmem>> -> memref<16xi32, #tpu.memory_space<vmem>>
    %dma_start3A_18 = arith.constant 0 : i32
    %dma_start3A_19 = arith.constant 0 : i32
    %dma_start3A_20 = tpu.memref_slice %arg5[%dma_start3A_18, %dma_start3A_19] : memref<100000x768xf32, #tpu.memory_space<hbm>> -> memref<100000x768xf32, #tpu.memory_space<hbm>>
    tpu.enqueue_indirect_dma source(%dma_start3A_20 : memref<100000x768xf32, #tpu.memory_space<hbm>>) target(%dma_start3A_16 : memref<16x768xf32, #tpu.memory_space<vmem>>) offsets(%dma_start3A_17 : memref<16xi32, #tpu.memory_space<vmem>>) semaphore(%arg16 : memref<!tpu.dma_semaphore, #tpu.memory_space<semaphore_mem>>)
    %multiple_of3A_21 = arith.constant 16 : i32
    %multiple_of3A_22 = tpu.assume_multiple %multiple_of3A_21, 16 : i32
    %dma_start3A_23 = arith.constant 1 : i32
    %dma_start3A_24 = arith.constant 0 : i32
    %dma_start3A_25 = arith.constant 0 : i32
    %dma_start3A_26 = tpu.memref_slice %arg10[%dma_start3A_23, %dma_start3A_24, %dma_start3A_25] : memref<2x16x768xf32, #tpu.memory_space<vmem>> -> memref<1x16x768xf32, #tpu.memory_space<vmem>>
    %dma_start3A_27 = tpu.memref_squeeze %dma_start3A_26 : memref<1x16x768xf32, #tpu.memory_space<vmem>> -> memref<16x768xf32, #tpu.memory_space<vmem>>
    %dma_start3A_28 = tpu.memref_slice %arg8[%multiple_of3A_22] : memref<512xi32, #tpu.memory_space<vmem>> -> memref<16xi32, #tpu.memory_space<vmem>>
    %dma_start3A_29 = arith.constant 0 : i32
    %dma_start3A_30 = arith.constant 0 : i32
    %dma_start3A_31 = tpu.memref_slice %arg4[%dma_start3A_29, %dma_start3A_30] : memref<100000x768xf32, #tpu.memory_space<hbm>> -> memref<100000x768xf32, #tpu.memory_space<hbm>>
    tpu.enqueue_indirect_dma source(%dma_start3A_31 : memref<100000x768xf32, #tpu.memory_space<hbm>>) target(%dma_start3A_27 : memref<16x768xf32, #tpu.memory_space<vmem>>) offsets(%dma_start3A_28 : memref<16xi32, #tpu.memory_space<vmem>>) semaphore(%arg15 : memref<!tpu.dma_semaphore, #tpu.memory_space<semaphore_mem>>)
    %dma_start3A_32 = arith.constant 1 : i32
    %dma_start3A_33 = arith.constant 0 : i32
    %dma_start3A_34 = arith.constant 0 : i32
    %dma_start3A_35 = tpu.memref_slice %arg11[%dma_start3A_32, %dma_start3A_33, %dma_start3A_34] : memref<2x16x768xf32, #tpu.memory_space<vmem>> -> memref<1x16x768xf32, #tpu.memory_space<vmem>>
    %dma_start3A_36 = tpu.memref_squeeze %dma_start3A_35 : memref<1x16x768xf32, #tpu.memory_space<vmem>> -> memref<16x768xf32, #tpu.memory_space<vmem>>
    %dma_start3A_37 = tpu.memref_slice %arg9[%multiple_of3A_22] : memref<512xi32, #tpu.memory_space<vmem>> -> memref<16xi32, #tpu.memory_space<vmem>>
    %dma_start3A_38 = arith.constant 0 : i32
    %dma_start3A_39 = arith.constant 0 : i32
    %dma_start3A_40 = tpu.memref_slice %arg5[%dma_start3A_38, %dma_start3A_39] : memref<100000x768xf32, #tpu.memory_space<hbm>> -> memref<100000x768xf32, #tpu.memory_space<hbm>>
    tpu.enqueue_indirect_dma source(%dma_start3A_40 : memref<100000x768xf32, #tpu.memory_space<hbm>>) target(%dma_start3A_36 : memref<16x768xf32, #tpu.memory_space<vmem>>) offsets(%dma_start3A_37 : memref<16xi32, #tpu.memory_space<vmem>>) semaphore(%arg17 : memref<!tpu.dma_semaphore, #tpu.memory_space<semaphore_mem>>)
    %scan3A = arith.constant 0 : i32
    %scan3A_41 = arith.constant 0 : i32
    %scan3A_42 = arith.constant 16 : i32
    %scan3A_43 = arith.addi %scan3A_41, %scan3A_42 : i32
    %scan3A_44 = arith.constant 1 : i32
    %scan3A_45 = scf.for %scan3A_94 = %scan3A_41 to %scan3A_43 step %scan3A_44 iter_args(%scan3A_95 = %scan3A) -> (i32)  : i32 {
      %mul3A_96 = arith.constant 2 : i32
      %mul3A_97 = arith.muli %scan3A_94, %mul3A_96 : i32
      %add3A_98 = arith.constant 0 : i32
      %add3A_99 = arith.addi %mul3A_97, %add3A_98 : i32
      %dma_wait3A_100 = arith.constant 0 : i32
      %dma_wait3A_101 = arith.constant 0 : i32
      %dma_wait3A_102 = arith.constant 0 : i32
      %dma_wait3A_103 = tpu.memref_slice %arg10[%dma_wait3A_100, %dma_wait3A_101, %dma_wait3A_102] : memref<2x16x768xf32, #tpu.memory_space<vmem>> -> memref<1x16x768xf32, #tpu.memory_space<vmem>>
      %dma_wait3A_104 = tpu.memref_squeeze %dma_wait3A_103 : memref<1x16x768xf32, #tpu.memory_space<vmem>> -> memref<16x768xf32, #tpu.memory_space<vmem>>
      %dma_wait3A_105 = arith.constant 0 : i32
      %dma_wait3A_106 = tpu.memref_slice %arg8[%dma_wait3A_105] : memref<512xi32, #tpu.memory_space<vmem>> -> memref<16xi32, #tpu.memory_space<vmem>>
      %dma_wait3A_107 = arith.constant 0 : i32
      %dma_wait3A_108 = arith.constant 0 : i32
      %dma_wait3A_109 = tpu.memref_slice %arg4[%dma_wait3A_107, %dma_wait3A_108] : memref<100000x768xf32, #tpu.memory_space<hbm>> -> memref<100000x768xf32, #tpu.memory_space<hbm>>
      tpu.wait_indirect_dma semaphore(%arg14 : memref<!tpu.dma_semaphore, #tpu.memory_space<semaphore_mem>>) src(%dma_wait3A_109 : memref<100000x768xf32, #tpu.memory_space<hbm>>) dst(%dma_wait3A_104 : memref<16x768xf32, #tpu.memory_space<vmem>>)
      %dma_wait3A_110 = arith.constant 0 : i32
      %dma_wait3A_111 = arith.constant 0 : i32
      %dma_wait3A_112 = arith.constant 0 : i32
      %dma_wait3A_113 = tpu.memref_slice %arg11[%dma_wait3A_110, %dma_wait3A_111, %dma_wait3A_112] : memref<2x16x768xf32, #tpu.memory_space<vmem>> -> memref<1x16x768xf32, #tpu.memory_space<vmem>>
      %dma_wait3A_114 = tpu.memref_squeeze %dma_wait3A_113 : memref<1x16x768xf32, #tpu.memory_space<vmem>> -> memref<16x768xf32, #tpu.memory_space<vmem>>
      %dma_wait3A_115 = arith.constant 0 : i32
      %dma_wait3A_116 = tpu.memref_slice %arg9[%dma_wait3A_115] : memref<512xi32, #tpu.memory_space<vmem>> -> memref<16xi32, #tpu.memory_space<vmem>>
      %dma_wait3A_117 = arith.constant 0 : i32
      %dma_wait3A_118 = arith.constant 0 : i32
      %dma_wait3A_119 = tpu.memref_slice %arg5[%dma_wait3A_117, %dma_wait3A_118] : memref<100000x768xf32, #tpu.memory_space<hbm>> -> memref<100000x768xf32, #tpu.memory_space<hbm>>
      tpu.wait_indirect_dma semaphore(%arg16 : memref<!tpu.dma_semaphore, #tpu.memory_space<semaphore_mem>>) src(%dma_wait3A_119 : memref<100000x768xf32, #tpu.memory_space<hbm>>) dst(%dma_wait3A_114 : memref<16x768xf32, #tpu.memory_space<vmem>>)
      %ge3A = arith.constant 2 : i32
      %ge3A_120 = arith.cmpi sge, %add3A_99, %ge3A : i32
      %convert_element_type3A = arith.extui %ge3A_120 : i1 to i32
      %cond3A = arith.constant 0 : i32
      %cond3A_121 = arith.cmpi ne, %convert_element_type3A, %cond3A : i32
      scf.if %cond3A_121 {
        %dma_wait3A_218 = arith.constant 0 : i32
        %dma_wait3A_219 = arith.constant 0 : i32
        %dma_wait3A_220 = tpu.memref_slice %arg12[%dma_wait3A_218, %dma_wait3A_219] : memref<32x384xf32, #tpu.memory_space<vmem>> -> memref<16x384xf32, #tpu.memory_space<vmem>>
        %dma_wait3A_221 = arith.constant 0 : i32
        %dma_wait3A_222 = arith.constant 0 : i32
        %dma_wait3A_223 = tpu.memref_slice %arg6[%dma_wait3A_221, %dma_wait3A_222] : memref<16384x384xf32, #tpu.memory_space<hbm>> -> memref<16x384xf32, #tpu.memory_space<hbm>>
        %dma_wait3A_224 = arith.constant 0 : i32
        %dma_wait3A_225 = arith.constant 0 : i32
        %dma_wait3A_226 = tpu.memref_slice %arg6[%dma_wait3A_224, %dma_wait3A_225] : memref<16384x384xf32, #tpu.memory_space<hbm>> -> memref<16x384xf32, #tpu.memory_space<hbm>>
        %dma_wait3A_227 = arith.constant 0 : i32
        %dma_wait3A_228 = arith.constant 0 : i32
        %dma_wait3A_229 = tpu.memref_slice %arg12[%dma_wait3A_227, %dma_wait3A_228] : memref<32x384xf32, #tpu.memory_space<vmem>> -> memref<16x384xf32, #tpu.memory_space<vmem>>
        tpu.wait_dma2 semaphore(%arg18 : memref<!tpu.dma_semaphore, #tpu.memory_space<semaphore_mem>>) src(%dma_wait3A_229 : memref<16x384xf32, #tpu.memory_space<vmem>>) dst(%dma_wait3A_226 : memref<16x384xf32, #tpu.memory_space<hbm>>)
        %dma_wait3A_230 = arith.constant 0 : i32
        %dma_wait3A_231 = arith.constant 0 : i32
        %dma_wait3A_232 = tpu.memref_slice %arg13[%dma_wait3A_230, %dma_wait3A_231] : memref<32x384xf32, #tpu.memory_space<vmem>> -> memref<16x384xf32, #tpu.memory_space<vmem>>
        %dma_wait3A_233 = arith.constant 0 : i32
        %dma_wait3A_234 = arith.constant 0 : i32
        %dma_wait3A_235 = tpu.memref_slice %arg7[%dma_wait3A_233, %dma_wait3A_234] : memref<16384x384xf32, #tpu.memory_space<hbm>> -> memref<16x384xf32, #tpu.memory_space<hbm>>
        %dma_wait3A_236 = arith.constant 0 : i32
        %dma_wait3A_237 = arith.constant 0 : i32
        %dma_wait3A_238 = tpu.memref_slice %arg7[%dma_wait3A_236, %dma_wait3A_237] : memref<16384x384xf32, #tpu.memory_space<hbm>> -> memref<16x384xf32, #tpu.memory_space<hbm>>
        %dma_wait3A_239 = arith.constant 0 : i32
        %dma_wait3A_240 = arith.constant 0 : i32
        %dma_wait3A_241 = tpu.memref_slice %arg13[%dma_wait3A_239, %dma_wait3A_240] : memref<32x384xf32, #tpu.memory_space<vmem>> -> memref<16x384xf32, #tpu.memory_space<vmem>>
        tpu.wait_dma2 semaphore(%arg20 : memref<!tpu.dma_semaphore, #tpu.memory_space<semaphore_mem>>) src(%dma_wait3A_241 : memref<16x384xf32, #tpu.memory_space<vmem>>) dst(%dma_wait3A_238 : memref<16x384xf32, #tpu.memory_space<hbm>>)
      } else {
      }
      %parallel_loop3A = arith.constant 0 : i32
      %parallel_loop3A_122 = arith.constant 16 : i32
      %parallel_loop3A_123 = arith.constant 1 : i32
      scf.for %parallel_loop3A_218 = %parallel_loop3A to %parallel_loop3A_122 step %parallel_loop3A_123  : i32 {
        %parallel_loop3A_219 = arith.constant 0 : i32
        %parallel_loop3A_220 = arith.addi %parallel_loop3A_219, %parallel_loop3A_218 : i32
        %parallel_loop3A_221 = arith.constant 0 : i32
        %parallel_loop3A_222 = arith.index_cast %parallel_loop3A_221 : i32 to index
        %parallel_loop3A_223 = arith.index_cast %parallel_loop3A_218 : i32 to index
        %parallel_loop3A_224 = arith.constant 0 : index
        %parallel_loop3A_225 = tpu.vector_load %arg10[%parallel_loop3A_222, %parallel_loop3A_223, %parallel_loop3A_224] {strides = array<i32>} : memref<2x16x768xf32, #tpu.memory_space<vmem>>, vector<1x1x16xf32>,
        %parallel_loop3A_226 = vector.shape_cast %parallel_loop3A_225 : vector<1x1x16xf32> to vector<16xf32>
        %parallel_loop3A_227 = arith.constant 0 : i32
        %parallel_loop3A_228 = arith.index_cast %parallel_loop3A_227 : i32 to index
        %parallel_loop3A_229 = arith.index_cast %parallel_loop3A_218 : i32 to index
        %parallel_loop3A_230 = arith.constant 16 : index
        %parallel_loop3A_231 = tpu.vector_load %arg10[%parallel_loop3A_228, %parallel_loop3A_229, %parallel_loop3A_230] {strides = array<i32>} : memref<2x16x768xf32, #tpu.memory_space<vmem>>, vector<1x1x16xf32>,
        %parallel_loop3A_232 = vector.shape_cast %parallel_loop3A_231 : vector<1x1x16xf32> to vector<16xf32>
        %parallel_loop3A_233 = tpu.bitcast %parallel_loop3A_226 : vector<16xf32> -> vector<16xi32>
        %parallel_loop3A_234 = tpu.bitcast %parallel_loop3A_232 : vector<16xf32> -> vector<16xi32>
        %parallel_loop3A_235 = arith.constant -65536 : i32
        %parallel_loop3A_236 = vector.broadcast %parallel_loop3A_235 : i32 to vector<16xi32>
        %parallel_loop3A_237 = arith.andi %parallel_loop3A_234, %parallel_loop3A_236 : vector<16xi32>
        %parallel_loop3A_238 = arith.constant 16 : i32
        %parallel_loop3A_239 = vector.broadcast %parallel_loop3A_238 : i32 to vector<16xi32>
        %parallel_loop3A_240 = arith.shrui %parallel_loop3A_233, %parallel_loop3A_239 : vector<16xi32>
        %parallel_loop3A_241 = arith.ori %parallel_loop3A_237, %parallel_loop3A_240 : vector<16xi32>
        %parallel_loop3A_242 = tpu.bitcast %parallel_loop3A_241 : vector<16xi32> -> vector<16xf32>
        %parallel_loop3A_243 = arith.index_cast %parallel_loop3A_220 : i32 to index
        %parallel_loop3A_244 = arith.constant 0 : index
        %parallel_loop3A_245 = tpu.vector_load %arg12[%parallel_loop3A_243, %parallel_loop3A_244] {strides = array<i32>} : memref<32x384xf32, #tpu.memory_space<vmem>>, vector<1x16xf32>,
        %parallel_loop3A_246 = vector.shape_cast %parallel_loop3A_245 : vector<1x16xf32> to vector<16xf32>
        %parallel_loop3A_247 = vector.shape_cast %parallel_loop3A_242 : vector<16xf32> to vector<1x16xf32>
        tpu.vector_store %arg12[%parallel_loop3A_243, %parallel_loop3A_244], %parallel_loop3A_247 {strides = array<i32>} : memref<32x384xf32, #tpu.memory_space<vmem>>, vector<1x16xf32>,
        %parallel_loop3A_248 = arith.constant 0 : i32
        %parallel_loop3A_249 = arith.index_cast %parallel_loop3A_248 : i32 to index
        %parallel_loop3A_250 = arith.index_cast %parallel_loop3A_218 : i32 to index
        %parallel_loop3A_251 = arith.constant 32 : index
        %parallel_loop3A_252 = tpu.vector_load %arg10[%parallel_loop3A_249, %parallel_loop3A_250, %parallel_loop3A_251] {strides = array<i32>} : memref<2x16x768xf32, #tpu.memory_space<vmem>>, vector<1x1x16xf32>,
        %parallel_loop3A_253 = vector.shape_cast %parallel_loop3A_252 : vector<1x1x16xf32> to vector<16xf32>
        %parallel_loop3A_254 = arith.constant 0 : i32
        %parallel_loop3A_255 = arith.index_cast %parallel_loop3A_254 : i32 to index
        %parallel_loop3A_256 = arith.index_cast %parallel_loop3A_218 : i32 to index
        %parallel_loop3A_257 = arith.constant 48 : index
        %parallel_loop3A_258 = tpu.vector_load %arg10[%parallel_loop3A_255, %parallel_loop3A_256, %parallel_loop3A_257] {strides = array<i32>} : memref<2x16x768xf32, #tpu.memory_space<vmem>>, vector<1x1x16xf32>,
        %parallel_loop3A_259 = vector.shape_cast %parallel_loop3A_258 : vector<1x1x16xf32> to vector<16xf32>
        %parallel_loop3A_260 = tpu.bitcast %parallel_loop3A_253 : vector<16xf32> -> vector<16xi32>
        %parallel_loop3A_261 = tpu.bitcast %parallel_loop3A_259 : vector<16xf32> -> vector<16xi32>
        %parallel_loop3A_262 = arith.constant -65536 : i32
        %parallel_loop3A_263 = vector.broadcast %parallel_loop3A_262 : i32 to vector<16xi32>
        %parallel_loop3A_264 = arith.andi %parallel_loop3A_261, %parallel_loop3A_263 : vector<16xi32>
        %parallel_loop3A_265 = arith.constant 16 : i32
        %parallel_loop3A_266 = vector.broadcast %parallel_loop3A_265 : i32 to vector<16xi32>
        %parallel_loop3A_267 = arith.shrui %parallel_loop3A_260, %parallel_loop3A_266 : vector<16xi32>
        %parallel_loop3A_268 = arith.ori %parallel_loop3A_264, %parallel_loop3A_267 : vector<16xi32>
        %parallel_loop3A_269 = tpu.bitcast %parallel_loop3A_268 : vector<16xi32> -> vector<16xf32>
        %parallel_loop3A_270 = arith.index_cast %parallel_loop3A_220 : i32 to index
        %parallel_loop3A_271 = arith.constant 16 : index
        %parallel_loop3A_272 = tpu.vector_load %arg12[%parallel_loop3A_270, %parallel_loop3A_271] {strides = array<i32>} : memref<32x384xf32, #tpu.memory_space<vmem>>, vector<1x16xf32>,
        %parallel_loop3A_273 = vector.shape_cast %parallel_loop3A_272 : vector<1x16xf32> to vector<16xf32>
        %parallel_loop3A_274 = vector.shape_cast %parallel_loop3A_269 : vector<16xf32> to vector<1x16xf32>
        tpu.vector_store %arg12[%parallel_loop3A_270, %parallel_loop3A_271], %parallel_loop3A_274 {strides = array<i32>} : memref<32x384xf32, #tpu.memory_space<vmem>>, vector<1x16xf32>,
        %parallel_loop3A_275 = arith.constant 0 : i32
        %parallel_loop3A_276 = arith.index_cast %parallel_loop3A_275 : i32 to index
        %parallel_loop3A_277 = arith.index_cast %parallel_loop3A_218 : i32 to index
        %parallel_loop3A_278 = arith.constant 64 : index
        %parallel_loop3A_279 = tpu.vector_load %arg10[%parallel_loop3A_276, %parallel_loop3A_277, %parallel_loop3A_278] {strides = array<i32>} : memref<2x16x768xf32, #tpu.memory_space<vmem>>, vector<1x1x16xf32>,
        %parallel_loop3A_280 = vector.shape_cast %parallel_loop3A_279 : vector<1x1x16xf32> to vector<16xf32>
        %parallel_loop3A_281 = arith.constant 0 : i32
        %parallel_loop3A_282 = arith.index_cast %parallel_loop3A_281 : i32 to index
        %parallel_loop3A_283 = arith.index_cast %parallel_loop3A_218 : i32 to index
        %parallel_loop3A_284 = arith.constant 80 : index
        %parallel_loop3A_285 = tpu.vector_load %arg10[%parallel_loop3A_282, %parallel_loop3A_283, %parallel_loop3A_284] {strides = array<i32>} : memref<2x16x768xf32, #tpu.memory_space<vmem>>, vector<1x1x16xf32>,
        %parallel_loop3A_286 = vector.shape_cast %parallel_loop3A_285 : vector<1x1x16xf32> to vector<16xf32>
        %parallel_loop3A_287 = tpu.bitcast %parallel_loop3A_280 : vector<16xf32> -> vector<16xi32>
        %parallel_loop3A_288 = tpu.bitcast %parallel_loop3A_286 : vector<16xf32> -> vector<16xi32>
        %parallel_loop3A_289 = arith.constant -65536 : i32
        %parallel_loop3A_290 = vector.broadcast %parallel_loop3A_289 : i32 to vector<16xi32>
        %parallel_loop3A_291 = arith.andi %parallel_loop3A_288, %parallel_loop3A_290 : vector<16xi32>
        %parallel_loop3A_292 = arith.constant 16 : i32
        %parallel_loop3A_293 = vector.broadcast %parallel_loop3A_292 : i32 to vector<16xi32>
        %parallel_loop3A_294 = arith.shrui %parallel_loop3A_287, %parallel_loop3A_293 : vector<16xi32>
        %parallel_loop3A_295 = arith.ori %parallel_loop3A_291, %parallel_loop3A_294 : vector<16xi32>
        %parallel_loop3A_296 = tpu.bitcast %parallel_loop3A_295 : vector<16xi32> -> vector<16xf32>
        %parallel_loop3A_297 = arith.index_cast %parallel_loop3A_220 : i32 to index
        %parallel_loop3A_298 = arith.constant 32 : index
        %parallel_loop3A_299 = tpu.vector_load %arg12[%parallel_loop3A_297, %parallel_loop3A_298] {strides = array<i32>} : memref<32x384xf32, #tpu.memory_space<vmem>>, vector<1x16xf32>,
        %parallel_loop3A_300 = vector.shape_cast %parallel_loop3A_299 : vector<1x16xf32> to vector<16xf32>
        %parallel_loop3A_301 = vector.shape_cast %parallel_loop3A_296 : vector<16xf32> to vector<1x16xf32>
        tpu.vector_store %arg12[%parallel_loop3A_297, %parallel_loop3A_298], %parallel_loop3A_301 {strides = array<i32>} : memref<32x384xf32, #tpu.memory_space<vmem>>, vector<1x16xf32>,
        %parallel_loop3A_302 = arith.constant 0 : i32
        %parallel_loop3A_303 = arith.index_cast %parallel_loop3A_302 : i32 to index
        %parallel_loop3A_304 = arith.index_cast %parallel_loop3A_218 : i32 to index
        %parallel_loop3A_305 = arith.constant 96 : index
        %parallel_loop3A_306 = tpu.vector_load %arg10[%parallel_loop3A_303, %parallel_loop3A_304, %parallel_loop3A_305] {strides = array<i32>} : memref<2x16x768xf32, #tpu.memory_space<vmem>>, vector<1x1x16xf32>,
        %parallel_loop3A_307 = vector.shape_cast %parallel_loop3A_306 : vector<1x1x16xf32> to vector<16xf32>
        %parallel_loop3A_308 = arith.constant 0 : i32
        %parallel_loop3A_309 = arith.index_cast %parallel_loop3A_308 : i32 to index
        %parallel_loop3A_310 = arith.index_cast %parallel_loop3A_218 : i32 to index
        %parallel_loop3A_311 = arith.constant 112 : index
        %parallel_loop3A_312 = tpu.vector_load %arg10[%parallel_loop3A_309, %parallel_loop3A_310, %parallel_loop3A_311] {strides = array<i32>} : memref<2x16x768xf32, #tpu.memory_space<vmem>>, vector<1x1x16xf32>,
        %parallel_loop3A_313 = vector.shape_cast %parallel_loop3A_312 : vector<1x1x16xf32> to vector<16xf32>
        %parallel_loop3A_314 = tpu.bitcast %parallel_loop3A_307 : vector<16xf32> -> vector<16xi32>
        %parallel_loop3A_315 = tpu.bitcast %parallel_loop3A_313 : vector<16xf32> -> vector<16xi32>
        %parallel_loop3A_316 = arith.constant -65536 : i32
        %parallel_loop3A_317 = vector.broadcast %parallel_loop3A_316 : i32 to vector<16xi32>
        %parallel_loop3A_318 = arith.andi %parallel_loop3A_315, %parallel_loop3A_317 : vector<16xi32>
        %parallel_loop3A_319 = arith.constant 16 : i32
        %parallel_loop3A_320 = vector.broadcast %parallel_loop3A_319 : i32 to vector<16xi32>
        %parallel_loop3A_321 = arith.shrui %parallel_loop3A_314, %parallel_loop3A_320 : vector<16xi32>
        %parallel_loop3A_322 = arith.ori %parallel_loop3A_318, %parallel_loop3A_321 : vector<16xi32>
        %parallel_loop3A_323 = tpu.bitcast %parallel_loop3A_322 : vector<16xi32> -> vector<16xf32>
        %parallel_loop3A_324 = arith.index_cast %parallel_loop3A_220 : i32 to index
        %parallel_loop3A_325 = arith.constant 48 : index
        %parallel_loop3A_326 = tpu.vector_load %arg12[%parallel_loop3A_324, %parallel_loop3A_325] {strides = array<i32>} : memref<32x384xf32, #tpu.memory_space<vmem>>, vector<1x16xf32>,
        %parallel_loop3A_327 = vector.shape_cast %parallel_loop3A_326 : vector<1x16xf32> to vector<16xf32>
        %parallel_loop3A_328 = vector.shape_cast %parallel_loop3A_323 : vector<16xf32> to vector<1x16xf32>
        tpu.vector_store %arg12[%parallel_loop3A_324, %parallel_loop3A_325], %parallel_loop3A_328 {strides = array<i32>} : memref<32x384xf32, #tpu.memory_space<vmem>>, vector<1x16xf32>,
        %parallel_loop3A_329 = arith.constant 0 : i32
        %parallel_loop3A_330 = arith.index_cast %parallel_loop3A_329 : i32 to index
        %parallel_loop3A_331 = arith.index_cast %parallel_loop3A_218 : i32 to index
        %parallel_loop3A_332 = arith.constant 128 : index
        %parallel_loop3A_333 = tpu.vector_load %arg10[%parallel_loop3A_330, %parallel_loop3A_331, %parallel_loop3A_332] {strides = array<i32>} : memref<2x16x768xf32, #tpu.memory_space<vmem>>, vector<1x1x16xf32>,
        %parallel_loop3A_334 = vector.shape_cast %parallel_loop3A_333 : vector<1x1x16xf32> to vector<16xf32>
        %parallel_loop3A_335 = arith.constant 0 : i32
        %parallel_loop3A_336 = arith.index_cast %parallel_loop3A_335 : i32 to index
        %parallel_loop3A_337 = arith.index_cast %parallel_loop3A_218 : i32 to index
        %parallel_loop3A_338 = arith.constant 144 : index
        %parallel_loop3A_339 = tpu.vector_load %arg10[%parallel_loop3A_336, %parallel_loop3A_337, %parallel_loop3A_338] {strides = array<i32>} : memref<2x16x768xf32, #tpu.memory_space<vmem>>, vector<1x1x16xf32>,
        %parallel_loop3A_340 = vector.shape_cast %parallel_loop3A_339 : vector<1x1x16xf32> to vector<16xf32>
        %parallel_loop3A_341 = tpu.bitcast %parallel_loop3A_334 : vector<16xf32> -> vector<16xi32>
        %parallel_loop3A_342 = tpu.bitcast %parallel_loop3A_340 : vector<16xf32> -> vector<16xi32>
        %parallel_loop3A_343 = arith.constant -65536 : i32
        %parallel_loop3A_344 = vector.broadcast %parallel_loop3A_343 : i32 to vector<16xi32>
        %parallel_loop3A_345 = arith.andi %parallel_loop3A_342, %parallel_loop3A_344 : vector<16xi32>
        %parallel_loop3A_346 = arith.constant 16 : i32
        %parallel_loop3A_347 = vector.broadcast %parallel_loop3A_346 : i32 to vector<16xi32>
        %parallel_loop3A_348 = arith.shrui %parallel_loop3A_341, %parallel_loop3A_347 : vector<16xi32>
        %parallel_loop3A_349 = arith.ori %parallel_loop3A_345, %parallel_loop3A_348 : vector<16xi32>
        %parallel_loop3A_350 = tpu.bitcast %parallel_loop3A_349 : vector<16xi32> -> vector<16xf32>
        %parallel_loop3A_351 = arith.index_cast %parallel_loop3A_220 : i32 to index
        %parallel_loop3A_352 = arith.constant 64 : index
        %parallel_loop3A_353 = tpu.vector_load %arg12[%parallel_loop3A_351, %parallel_loop3A_352] {strides = array<i32>} : memref<32x384xf32, #tpu.memory_space<vmem>>, vector<1x16xf32>,
        %parallel_loop3A_354 = vector.shape_cast %parallel_loop3A_353 : vector<1x16xf32> to vector<16xf32>
        %parallel_loop3A_355 = vector.shape_cast %parallel_loop3A_350 : vector<16xf32> to vector<1x16xf32>
        tpu.vector_store %arg12[%parallel_loop3A_351, %parallel_loop3A_352], %parallel_loop3A_355 {strides = array<i32>} : memref<32x384xf32, #tpu.memory_space<vmem>>, vector<1x16xf32>,
        %parallel_loop3A_356 = arith.constant 0 : i32
        %parallel_loop3A_357 = arith.index_cast %parallel_loop3A_356 : i32 to index
        %parallel_loop3A_358 = arith.index_cast %parallel_loop3A_218 : i32 to index
        %parallel_loop3A_359 = arith.constant 160 : index
        %parallel_loop3A_360 = tpu.vector_load %arg10[%parallel_loop3A_357, %parallel_loop3A_358, %parallel_loop3A_359] {strides = array<i32>} : memref<2x16x768xf32, #tpu.memory_space<vmem>>, vector<1x1x16xf32>,
        %parallel_loop3A_361 = vector.shape_cast %parallel_loop3A_360 : vector<1x1x16xf32> to vector<16xf32>
        %parallel_loop3A_362 = arith.constant 0 : i32
        %parallel_loop3A_363 = arith.index_cast %parallel_loop3A_362 : i32 to index
        %parallel_loop3A_364 = arith.index_cast %parallel_loop3A_218 : i32 to index
        %parallel_loop3A_365 = arith.constant 176 : index
        %parallel_loop3A_366 = tpu.vector_load %arg10[%parallel_loop3A_363, %parallel_loop3A_364, %parallel_loop3A_365] {strides = array<i32>} : memref<2x16x768xf32, #tpu.memory_space<vmem>>, vector<1x1x16xf32>,
        %parallel_loop3A_367 = vector.shape_cast %parallel_loop3A_366 : vector<1x1x16xf32> to vector<16xf32>
        %parallel_loop3A_368 = tpu.bitcast %parallel_loop3A_361 : vector<16xf32> -> vector<16xi32>
        %parallel_loop3A_369 = tpu.bitcast %parallel_loop3A_367 : vector<16xf32> -> vector<16xi32>
        %parallel_loop3A_370 = arith.constant -65536 : i32
        %parallel_loop3A_371 = vector.broadcast %parallel_loop3A_370 : i32 to vector<16xi32>
        %parallel_loop3A_372 = arith.andi %parallel_loop3A_369, %parallel_loop3A_371 : vector<16xi32>
        %parallel_loop3A_373 = arith.constant 16 : i32
        %parallel_loop3A_374 = vector.broadcast %parallel_loop3A_373 : i32 to vector<16xi32>
        %parallel_loop3A_375 = arith.shrui %parallel_loop3A_368, %parallel_loop3A_374 : vector<16xi32>
        %parallel_loop3A_376 = arith.ori %parallel_loop3A_372, %parallel_loop3A_375 : vector<16xi32>
        %parallel_loop3A_377 = tpu.bitcast %parallel_loop3A_376 : vector<16xi32> -> vector<16xf32>
        %parallel_loop3A_378 = arith.index_cast %parallel_loop3A_220 : i32 to index
        %parallel_loop3A_379 = arith.constant 80 : index
        %parallel_loop3A_380 = tpu.vector_load %arg12[%parallel_loop3A_378, %parallel_loop3A_379] {strides = array<i32>} : memref<32x384xf32, #tpu.memory_space<vmem>>, vector<1x16xf32>,
        %parallel_loop3A_381 = vector.shape_cast %parallel_loop3A_380 : vector<1x16xf32> to vector<16xf32>
        %parallel_loop3A_382 = vector.shape_cast %parallel_loop3A_377 : vector<16xf32> to vector<1x16xf32>
        tpu.vector_store %arg12[%parallel_loop3A_378, %parallel_loop3A_379], %parallel_loop3A_382 {strides = array<i32>} : memref<32x384xf32, #tpu.memory_space<vmem>>, vector<1x16xf32>,
        %parallel_loop3A_383 = arith.constant 0 : i32
        %parallel_loop3A_384 = arith.index_cast %parallel_loop3A_383 : i32 to index
        %parallel_loop3A_385 = arith.index_cast %parallel_loop3A_218 : i32 to index
        %parallel_loop3A_386 = arith.constant 192 : index
        %parallel_loop3A_387 = tpu.vector_load %arg10[%parallel_loop3A_384, %parallel_loop3A_385, %parallel_loop3A_386] {strides = array<i32>} : memref<2x16x768xf32, #tpu.memory_space<vmem>>, vector<1x1x16xf32>,
        %parallel_loop3A_388 = vector.shape_cast %parallel_loop3A_387 : vector<1x1x16xf32> to vector<16xf32>
        %parallel_loop3A_389 = arith.constant 0 : i32
        %parallel_loop3A_390 = arith.index_cast %parallel_loop3A_389 : i32 to index
        %parallel_loop3A_391 = arith.index_cast %parallel_loop3A_218 : i32 to index
        %parallel_loop3A_392 = arith.constant 208 : index
        %parallel_loop3A_393 = tpu.vector_load %arg10[%parallel_loop3A_390, %parallel_loop3A_391, %parallel_loop3A_392] {strides = array<i32>} : memref<2x16x768xf32, #tpu.memory_space<vmem>>, vector<1x1x16xf32>,
        %parallel_loop3A_394 = vector.shape_cast %parallel_loop3A_393 : vector<1x1x16xf32> to vector<16xf32>
        %parallel_loop3A_395 = tpu.bitcast %parallel_loop3A_388 : vector<16xf32> -> vector<16xi32>
        %parallel_loop3A_396 = tpu.bitcast %parallel_loop3A_394 : vector<16xf32> -> vector<16xi32>
        %parallel_loop3A_397 = arith.constant -65536 : i32
        %parallel_loop3A_398 = vector.broadcast %parallel_loop3A_397 : i32 to vector<16xi32>
        %parallel_loop3A_399 = arith.andi %parallel_loop3A_396, %parallel_loop3A_398 : vector<16xi32>
        %parallel_loop3A_400 = arith.constant 16 : i32
        %parallel_loop3A_401 = vector.broadcast %parallel_loop3A_400 : i32 to vector<16xi32>
        %parallel_loop3A_402 = arith.shrui %parallel_loop3A_395, %parallel_loop3A_401 : vector<16xi32>
        %parallel_loop3A_403 = arith.ori %parallel_loop3A_399, %parallel_loop3A_402 : vector<16xi32>
        %parallel_loop3A_404 = tpu.bitcast %parallel_loop3A_403 : vector<16xi32> -> vector<16xf32>
        %parallel_loop3A_405 = arith.index_cast %parallel_loop3A_220 : i32 to index
        %parallel_loop3A_406 = arith.constant 96 : index
        %parallel_loop3A_407 = tpu.vector_load %arg12[%parallel_loop3A_405, %parallel_loop3A_406] {strides = array<i32>} : memref<32x384xf32, #tpu.memory_space<vmem>>, vector<1x16xf32>,
        %parallel_loop3A_408 = vector.shape_cast %parallel_loop3A_407 : vector<1x16xf32> to vector<16xf32>
        %parallel_loop3A_409 = vector.shape_cast %parallel_loop3A_404 : vector<16xf32> to vector<1x16xf32>
        tpu.vector_store %arg12[%parallel_loop3A_405, %parallel_loop3A_406], %parallel_loop3A_409 {strides = array<i32>} : memref<32x384xf32, #tpu.memory_space<vmem>>, vector<1x16xf32>,
        %parallel_loop3A_410 = arith.constant 0 : i32
        %parallel_loop3A_411 = arith.index_cast %parallel_loop3A_410 : i32 to index
        %parallel_loop3A_412 = arith.index_cast %parallel_loop3A_218 : i32 to index
        %parallel_loop3A_413 = arith.constant 224 : index
        %parallel_loop3A_414 = tpu.vector_load %arg10[%parallel_loop3A_411, %parallel_loop3A_412, %parallel_loop3A_413] {strides = array<i32>} : memref<2x16x768xf32, #tpu.memory_space<vmem>>, vector<1x1x16xf32>,
        %parallel_loop3A_415 = vector.shape_cast %parallel_loop3A_414 : vector<1x1x16xf32> to vector<16xf32>
        %parallel_loop3A_416 = arith.constant 0 : i32
        %parallel_loop3A_417 = arith.index_cast %parallel_loop3A_416 : i32 to index
        %parallel_loop3A_418 = arith.index_cast %parallel_loop3A_218 : i32 to index
        %parallel_loop3A_419 = arith.constant 240 : index
        %parallel_loop3A_420 = tpu.vector_load %arg10[%parallel_loop3A_417, %parallel_loop3A_418, %parallel_loop3A_419] {strides = array<i32>} : memref<2x16x768xf32, #tpu.memory_space<vmem>>, vector<1x1x16xf32>,
        %parallel_loop3A_421 = vector.shape_cast %parallel_loop3A_420 : vector<1x1x16xf32> to vector<16xf32>
        %parallel_loop3A_422 = tpu.bitcast %parallel_loop3A_415 : vector<16xf32> -> vector<16xi32>
        %parallel_loop3A_423 = tpu.bitcast %parallel_loop3A_421 : vector<16xf32> -> vector<16xi32>
        %parallel_loop3A_424 = arith.constant -65536 : i32
        %parallel_loop3A_425 = vector.broadcast %parallel_loop3A_424 : i32 to vector<16xi32>
        %parallel_loop3A_426 = arith.andi %parallel_loop3A_423, %parallel_loop3A_425 : vector<16xi32>
        %parallel_loop3A_427 = arith.constant 16 : i32
        %parallel_loop3A_428 = vector.broadcast %parallel_loop3A_427 : i32 to vector<16xi32>
        %parallel_loop3A_429 = arith.shrui %parallel_loop3A_422, %parallel_loop3A_428 : vector<16xi32>
        %parallel_loop3A_430 = arith.ori %parallel_loop3A_426, %parallel_loop3A_429 : vector<16xi32>
        %parallel_loop3A_431 = tpu.bitcast %parallel_loop3A_430 : vector<16xi32> -> vector<16xf32>
        %parallel_loop3A_432 = arith.index_cast %parallel_loop3A_220 : i32 to index
        %parallel_loop3A_433 = arith.constant 112 : index
        %parallel_loop3A_434 = tpu.vector_load %arg12[%parallel_loop3A_432, %parallel_loop3A_433] {strides = array<i32>} : memref<32x384xf32, #tpu.memory_space<vmem>>, vector<1x16xf32>,
        %parallel_loop3A_435 = vector.shape_cast %parallel_loop3A_434 : vector<1x16xf32> to vector<16xf32>
        %parallel_loop3A_436 = vector.shape_cast %parallel_loop3A_431 : vector<16xf32> to vector<1x16xf32>
        tpu.vector_store %arg12[%parallel_loop3A_432, %parallel_loop3A_433], %parallel_loop3A_436 {strides = array<i32>} : memref<32x384xf32, #tpu.memory_space<vmem>>, vector<1x16xf32>,
        %parallel_loop3A_437 = arith.constant 0 : i32
        %parallel_loop3A_438 = arith.index_cast %parallel_loop3A_437 : i32 to index
        %parallel_loop3A_439 = arith.index_cast %parallel_loop3A_218 : i32 to index
        %parallel_loop3A_440 = arith.constant 256 : index
        %parallel_loop3A_441 = tpu.vector_load %arg10[%parallel_loop3A_438, %parallel_loop3A_439, %parallel_loop3A_440] {strides = array<i32>} : memref<2x16x768xf32, #tpu.memory_space<vmem>>, vector<1x1x16xf32>,
        %parallel_loop3A_442 = vector.shape_cast %parallel_loop3A_441 : vector<1x1x16xf32> to vector<16xf32>
        %parallel_loop3A_443 = arith.constant 0 : i32
        %parallel_loop3A_444 = arith.index_cast %parallel_loop3A_443 : i32 to index
        %parallel_loop3A_445 = arith.index_cast %parallel_loop3A_218 : i32 to index
        %parallel_loop3A_446 = arith.constant 272 : index
        %parallel_loop3A_447 = tpu.vector_load %arg10[%parallel_loop3A_444, %parallel_loop3A_445, %parallel_loop3A_446] {strides = array<i32>} : memref<2x16x768xf32, #tpu.memory_space<vmem>>, vector<1x1x16xf32>,
        %parallel_loop3A_448 = vector.shape_cast %parallel_loop3A_447 : vector<1x1x16xf32> to vector<16xf32>
        %parallel_loop3A_449 = tpu.bitcast %parallel_loop3A_442 : vector<16xf32> -> vector<16xi32>
        %parallel_loop3A_450 = tpu.bitcast %parallel_loop3A_448 : vector<16xf32> -> vector<16xi32>
        %parallel_loop3A_451 = arith.constant -65536 : i32
        %parallel_loop3A_452 = vector.broadcast %parallel_loop3A_451 : i32 to vector<16xi32>
        %parallel_loop3A_453 = arith.andi %parallel_loop3A_450, %parallel_loop3A_452 : vector<16xi32>
        %parallel_loop3A_454 = arith.constant 16 : i32
        %parallel_loop3A_455 = vector.broadcast %parallel_loop3A_454 : i32 to vector<16xi32>
        %parallel_loop3A_456 = arith.shrui %parallel_loop3A_449, %parallel_loop3A_455 : vector<16xi32>
        %parallel_loop3A_457 = arith.ori %parallel_loop3A_453, %parallel_loop3A_456 : vector<16xi32>
        %parallel_loop3A_458 = tpu.bitcast %parallel_loop3A_457 : vector<16xi32> -> vector<16xf32>
        %parallel_loop3A_459 = arith.index_cast %parallel_loop3A_220 : i32 to index
        %parallel_loop3A_460 = arith.constant 128 : index
        %parallel_loop3A_461 = tpu.vector_load %arg12[%parallel_loop3A_459, %parallel_loop3A_460] {strides = array<i32>} : memref<32x384xf32, #tpu.memory_space<vmem>>, vector<1x16xf32>,
        %parallel_loop3A_462 = vector.shape_cast %parallel_loop3A_461 : vector<1x16xf32> to vector<16xf32>
        %parallel_loop3A_463 = vector.shape_cast %parallel_loop3A_458 : vector<16xf32> to vector<1x16xf32>
        tpu.vector_store %arg12[%parallel_loop3A_459, %parallel_loop3A_460], %parallel_loop3A_463 {strides = array<i32>} : memref<32x384xf32, #tpu.memory_space<vmem>>, vector<1x16xf32>,
        %parallel_loop3A_464 = arith.constant 0 : i32
        %parallel_loop3A_465 = arith.index_cast %parallel_loop3A_464 : i32 to index
        %parallel_loop3A_466 = arith.index_cast %parallel_loop3A_218 : i32 to index
        %parallel_loop3A_467 = arith.constant 288 : index
        %parallel_loop3A_468 = tpu.vector_load %arg10[%parallel_loop3A_465, %parallel_loop3A_466, %parallel_loop3A_467] {strides = array<i32>} : memref<2x16x768xf32, #tpu.memory_space<vmem>>, vector<1x1x16xf32>,
        %parallel_loop3A_469 = vector.shape_cast %parallel_loop3A_468 : vector<1x1x16xf32> to vector<16xf32>
        %parallel_loop3A_470 = arith.constant 0 : i32
        %parallel_loop3A_471 = arith.index_cast %parallel_loop3A_470 : i32 to index
        %parallel_loop3A_472 = arith.index_cast %parallel_loop3A_218 : i32 to index
        %parallel_loop3A_473 = arith.constant 304 : index
        %parallel_loop3A_474 = tpu.vector_load %arg10[%parallel_loop3A_471, %parallel_loop3A_472, %parallel_loop3A_473] {strides = array<i32>} : memref<2x16x768xf32, #tpu.memory_space<vmem>>, vector<1x1x16xf32>,
        %parallel_loop3A_475 = vector.shape_cast %parallel_loop3A_474 : vector<1x1x16xf32> to vector<16xf32>
        %parallel_loop3A_476 = tpu.bitcast %parallel_loop3A_469 : vector<16xf32> -> vector<16xi32>
        %parallel_loop3A_477 = tpu.bitcast %parallel_loop3A_475 : vector<16xf32> -> vector<16xi32>
        %parallel_loop3A_478 = arith.constant -65536 : i32
        %parallel_loop3A_479 = vector.broadcast %parallel_loop3A_478 : i32 to vector<16xi32>
        %parallel_loop3A_480 = arith.andi %parallel_loop3A_477, %parallel_loop3A_479 : vector<16xi32>
        %parallel_loop3A_481 = arith.constant 16 : i32
        %parallel_loop3A_482 = vector.broadcast %parallel_loop3A_481 : i32 to vector<16xi32>
        %parallel_loop3A_483 = arith.shrui %parallel_loop3A_476, %parallel_loop3A_482 : vector<16xi32>
        %parallel_loop3A_484 = arith.ori %parallel_loop3A_480, %parallel_loop3A_483 : vector<16xi32>
        %parallel_loop3A_485 = tpu.bitcast %parallel_loop3A_484 : vector<16xi32> -> vector<16xf32>
        %parallel_loop3A_486 = arith.index_cast %parallel_loop3A_220 : i32 to index
        %parallel_loop3A_487 = arith.constant 144 : index
        %parallel_loop3A_488 = tpu.vector_load %arg12[%parallel_loop3A_486, %parallel_loop3A_487] {strides = array<i32>} : memref<32x384xf32, #tpu.memory_space<vmem>>, vector<1x16xf32>,
        %parallel_loop3A_489 = vector.shape_cast %parallel_loop3A_488 : vector<1x16xf32> to vector<16xf32>
        %parallel_loop3A_490 = vector.shape_cast %parallel_loop3A_485 : vector<16xf32> to vector<1x16xf32>
        tpu.vector_store %arg12[%parallel_loop3A_486, %parallel_loop3A_487], %parallel_loop3A_490 {strides = array<i32>} : memref<32x384xf32, #tpu.memory_space<vmem>>, vector<1x16xf32>,
        %parallel_loop3A_491 = arith.constant 0 : i32
        %parallel_loop3A_492 = arith.index_cast %parallel_loop3A_491 : i32 to index
        %parallel_loop3A_493 = arith.index_cast %parallel_loop3A_218 : i32 to index
        %parallel_loop3A_494 = arith.constant 320 : index
        %parallel_loop3A_495 = tpu.vector_load %arg10[%parallel_loop3A_492, %parallel_loop3A_493, %parallel_loop3A_494] {strides = array<i32>} : memref<2x16x768xf32, #tpu.memory_space<vmem>>, vector<1x1x16xf32>,
        %parallel_loop3A_496 = vector.shape_cast %parallel_loop3A_495 : vector<1x1x16xf32> to vector<16xf32>
        %parallel_loop3A_497 = arith.constant 0 : i32
        %parallel_loop3A_498 = arith.index_cast %parallel_loop3A_497 : i32 to index
        %parallel_loop3A_499 = arith.index_cast %parallel_loop3A_218 : i32 to index
        %parallel_loop3A_500 = arith.constant 336 : index
        %parallel_loop3A_501 = tpu.vector_load %arg10[%parallel_loop3A_498, %parallel_loop3A_499, %parallel_loop3A_500] {strides = array<i32>} : memref<2x16x768xf32, #tpu.memory_space<vmem>>, vector<1x1x16xf32>,
        %parallel_loop3A_502 = vector.shape_cast %parallel_loop3A_501 : vector<1x1x16xf32> to vector<16xf32>
        %parallel_loop3A_503 = tpu.bitcast %parallel_loop3A_496 : vector<16xf32> -> vector<16xi32>
        %parallel_loop3A_504 = tpu.bitcast %parallel_loop3A_502 : vector<16xf32> -> vector<16xi32>
        %parallel_loop3A_505 = arith.constant -65536 : i32
        %parallel_loop3A_506 = vector.broadcast %parallel_loop3A_505 : i32 to vector<16xi32>
        %parallel_loop3A_507 = arith.andi %parallel_loop3A_504, %parallel_loop3A_506 : vector<16xi32>
        %parallel_loop3A_508 = arith.constant 16 : i32
        %parallel_loop3A_509 = vector.broadcast %parallel_loop3A_508 : i32 to vector<16xi32>
        %parallel_loop3A_510 = arith.shrui %parallel_loop3A_503, %parallel_loop3A_509 : vector<16xi32>
        %parallel_loop3A_511 = arith.ori %parallel_loop3A_507, %parallel_loop3A_510 : vector<16xi32>
        %parallel_loop3A_512 = tpu.bitcast %parallel_loop3A_511 : vector<16xi32> -> vector<16xf32>
        %parallel_loop3A_513 = arith.index_cast %parallel_loop3A_220 : i32 to index
        %parallel_loop3A_514 = arith.constant 160 : index
        %parallel_loop3A_515 = tpu.vector_load %arg12[%parallel_loop3A_513, %parallel_loop3A_514] {strides = array<i32>} : memref<32x384xf32, #tpu.memory_space<vmem>>, vector<1x16xf32>,
        %parallel_loop3A_516 = vector.shape_cast %parallel_loop3A_515 : vector<1x16xf32> to vector<16xf32>
        %parallel_loop3A_517 = vector.shape_cast %parallel_loop3A_512 : vector<16xf32> to vector<1x16xf32>
        tpu.vector_store %arg12[%parallel_loop3A_513, %parallel_loop3A_514], %parallel_loop3A_517 {strides = array<i32>} : memref<32x384xf32, #tpu.memory_space<vmem>>, vector<1x16xf32>,
        %parallel_loop3A_518 = arith.constant 0 : i32
        %parallel_loop3A_519 = arith.index_cast %parallel_loop3A_518 : i32 to index
        %parallel_loop3A_520 = arith.index_cast %parallel_loop3A_218 : i32 to index
        %parallel_loop3A_521 = arith.constant 352 : index
        %parallel_loop3A_522 = tpu.vector_load %arg10[%parallel_loop3A_519, %parallel_loop3A_520, %parallel_loop3A_521] {strides = array<i32>} : memref<2x16x768xf32, #tpu.memory_space<vmem>>, vector<1x1x16xf32>,
        %parallel_loop3A_523 = vector.shape_cast %parallel_loop3A_522 : vector<1x1x16xf32> to vector<16xf32>
        %parallel_loop3A_524 = arith.constant 0 : i32
        %parallel_loop3A_525 = arith.index_cast %parallel_loop3A_524 : i32 to index
        %parallel_loop3A_526 = arith.index_cast %parallel_loop3A_218 : i32 to index
        %parallel_loop3A_527 = arith.constant 368 : index
        %parallel_loop3A_528 = tpu.vector_load %arg10[%parallel_loop3A_525, %parallel_loop3A_526, %parallel_loop3A_527] {strides = array<i32>} : memref<2x16x768xf32, #tpu.memory_space<vmem>>, vector<1x1x16xf32>,
        %parallel_loop3A_529 = vector.shape_cast %parallel_loop3A_528 : vector<1x1x16xf32> to vector<16xf32>
        %parallel_loop3A_530 = tpu.bitcast %parallel_loop3A_523 : vector<16xf32> -> vector<16xi32>
        %parallel_loop3A_531 = tpu.bitcast %parallel_loop3A_529 : vector<16xf32> -> vector<16xi32>
        %parallel_loop3A_532 = arith.constant -65536 : i32
        %parallel_loop3A_533 = vector.broadcast %parallel_loop3A_532 : i32 to vector<16xi32>
        %parallel_loop3A_534 = arith.andi %parallel_loop3A_531, %parallel_loop3A_533 : vector<16xi32>
        %parallel_loop3A_535 = arith.constant 16 : i32
        %parallel_loop3A_536 = vector.broadcast %parallel_loop3A_535 : i32 to vector<16xi32>
        %parallel_loop3A_537 = arith.shrui %parallel_loop3A_530, %parallel_loop3A_536 : vector<16xi32>
        %parallel_loop3A_538 = arith.ori %parallel_loop3A_534, %parallel_loop3A_537 : vector<16xi32>
        %parallel_loop3A_539 = tpu.bitcast %parallel_loop3A_538 : vector<16xi32> -> vector<16xf32>
        %parallel_loop3A_540 = arith.index_cast %parallel_loop3A_220 : i32 to index
        %parallel_loop3A_541 = arith.constant 176 : index
        %parallel_loop3A_542 = tpu.vector_load %arg12[%parallel_loop3A_540, %parallel_loop3A_541] {strides = array<i32>} : memref<32x384xf32, #tpu.memory_space<vmem>>, vector<1x16xf32>,
        %parallel_loop3A_543 = vector.shape_cast %parallel_loop3A_542 : vector<1x16xf32> to vector<16xf32>
        %parallel_loop3A_544 = vector.shape_cast %parallel_loop3A_539 : vector<16xf32> to vector<1x16xf32>
        tpu.vector_store %arg12[%parallel_loop3A_540, %parallel_loop3A_541], %parallel_loop3A_544 {strides = array<i32>} : memref<32x384xf32, #tpu.memory_space<vmem>>, vector<1x16xf32>,
        %parallel_loop3A_545 = arith.constant 0 : i32
        %parallel_loop3A_546 = arith.index_cast %parallel_loop3A_545 : i32 to index
        %parallel_loop3A_547 = arith.index_cast %parallel_loop3A_218 : i32 to index
        %parallel_loop3A_548 = arith.constant 384 : index
        %parallel_loop3A_549 = tpu.vector_load %arg10[%parallel_loop3A_546, %parallel_loop3A_547, %parallel_loop3A_548] {strides = array<i32>} : memref<2x16x768xf32, #tpu.memory_space<vmem>>, vector<1x1x16xf32>,
        %parallel_loop3A_550 = vector.shape_cast %parallel_loop3A_549 : vector<1x1x16xf32> to vector<16xf32>
        %parallel_loop3A_551 = arith.constant 0 : i32
        %parallel_loop3A_552 = arith.index_cast %parallel_loop3A_551 : i32 to index
        %parallel_loop3A_553 = arith.index_cast %parallel_loop3A_218 : i32 to index
        %parallel_loop3A_554 = arith.constant 400 : index
        %parallel_loop3A_555 = tpu.vector_load %arg10[%parallel_loop3A_552, %parallel_loop3A_553, %parallel_loop3A_554] {strides = array<i32>} : memref<2x16x768xf32, #tpu.memory_space<vmem>>, vector<1x1x16xf32>,
        %parallel_loop3A_556 = vector.shape_cast %parallel_loop3A_555 : vector<1x1x16xf32> to vector<16xf32>
        %parallel_loop3A_557 = tpu.bitcast %parallel_loop3A_550 : vector<16xf32> -> vector<16xi32>
        %parallel_loop3A_558 = tpu.bitcast %parallel_loop3A_556 : vector<16xf32> -> vector<16xi32>
        %parallel_loop3A_559 = arith.constant -65536 : i32
        %parallel_loop3A_560 = vector.broadcast %parallel_loop3A_559 : i32 to vector<16xi32>
        %parallel_loop3A_561 = arith.andi %parallel_loop3A_558, %parallel_loop3A_560 : vector<16xi32>
        %parallel_loop3A_562 = arith.constant 16 : i32
        %parallel_loop3A_563 = vector.broadcast %parallel_loop3A_562 : i32 to vector<16xi32>
        %parallel_loop3A_564 = arith.shrui %parallel_loop3A_557, %parallel_loop3A_563 : vector<16xi32>
        %parallel_loop3A_565 = arith.ori %parallel_loop3A_561, %parallel_loop3A_564 : vector<16xi32>
        %parallel_loop3A_566 = tpu.bitcast %parallel_loop3A_565 : vector<16xi32> -> vector<16xf32>
        %parallel_loop3A_567 = arith.index_cast %parallel_loop3A_220 : i32 to index
        %parallel_loop3A_568 = arith.constant 192 : index
        %parallel_loop3A_569 = tpu.vector_load %arg12[%parallel_loop3A_567, %parallel_loop3A_568] {strides = array<i32>} : memref<32x384xf32, #tpu.memory_space<vmem>>, vector<1x16xf32>,
        %parallel_loop3A_570 = vector.shape_cast %parallel_loop3A_569 : vector<1x16xf32> to vector<16xf32>
        %parallel_loop3A_571 = vector.shape_cast %parallel_loop3A_566 : vector<16xf32> to vector<1x16xf32>
        tpu.vector_store %arg12[%parallel_loop3A_567, %parallel_loop3A_568], %parallel_loop3A_571 {strides = array<i32>} : memref<32x384xf32, #tpu.memory_space<vmem>>, vector<1x16xf32>,
        %parallel_loop3A_572 = arith.constant 0 : i32
        %parallel_loop3A_573 = arith.index_cast %parallel_loop3A_572 : i32 to index
        %parallel_loop3A_574 = arith.index_cast %parallel_loop3A_218 : i32 to index
        %parallel_loop3A_575 = arith.constant 416 : index
        %parallel_loop3A_576 = tpu.vector_load %arg10[%parallel_loop3A_573, %parallel_loop3A_574, %parallel_loop3A_575] {strides = array<i32>} : memref<2x16x768xf32, #tpu.memory_space<vmem>>, vector<1x1x16xf32>,
        %parallel_loop3A_577 = vector.shape_cast %parallel_loop3A_576 : vector<1x1x16xf32> to vector<16xf32>
        %parallel_loop3A_578 = arith.constant 0 : i32
        %parallel_loop3A_579 = arith.index_cast %parallel_loop3A_578 : i32 to index
        %parallel_loop3A_580 = arith.index_cast %parallel_loop3A_218 : i32 to index
        %parallel_loop3A_581 = arith.constant 432 : index
        %parallel_loop3A_582 = tpu.vector_load %arg10[%parallel_loop3A_579, %parallel_loop3A_580, %parallel_loop3A_581] {strides = array<i32>} : memref<2x16x768xf32, #tpu.memory_space<vmem>>, vector<1x1x16xf32>,
        %parallel_loop3A_583 = vector.shape_cast %parallel_loop3A_582 : vector<1x1x16xf32> to vector<16xf32>
        %parallel_loop3A_584 = tpu.bitcast %parallel_loop3A_577 : vector<16xf32> -> vector<16xi32>
        %parallel_loop3A_585 = tpu.bitcast %parallel_loop3A_583 : vector<16xf32> -> vector<16xi32>
        %parallel_loop3A_586 = arith.constant -65536 : i32
        %parallel_loop3A_587 = vector.broadcast %parallel_loop3A_586 : i32 to vector<16xi32>
        %parallel_loop3A_588 = arith.andi %parallel_loop3A_585, %parallel_loop3A_587 : vector<16xi32>
        %parallel_loop3A_589 = arith.constant 16 : i32
        %parallel_loop3A_590 = vector.broadcast %parallel_loop3A_589 : i32 to vector<16xi32>
        %parallel_loop3A_591 = arith.shrui %parallel_loop3A_584, %parallel_loop3A_590 : vector<16xi32>
        %parallel_loop3A_592 = arith.ori %parallel_loop3A_588, %parallel_loop3A_591 : vector<16xi32>
        %parallel_loop3A_593 = tpu.bitcast %parallel_loop3A_592 : vector<16xi32> -> vector<16xf32>
        %parallel_loop3A_594 = arith.index_cast %parallel_loop3A_220 : i32 to index
        %parallel_loop3A_595 = arith.constant 208 : index
        %parallel_loop3A_596 = tpu.vector_load %arg12[%parallel_loop3A_594, %parallel_loop3A_595] {strides = array<i32>} : memref<32x384xf32, #tpu.memory_space<vmem>>, vector<1x16xf32>,
        %parallel_loop3A_597 = vector.shape_cast %parallel_loop3A_596 : vector<1x16xf32> to vector<16xf32>
        %parallel_loop3A_598 = vector.shape_cast %parallel_loop3A_593 : vector<16xf32> to vector<1x16xf32>
        tpu.vector_store %arg12[%parallel_loop3A_594, %parallel_loop3A_595], %parallel_loop3A_598 {strides = array<i32>} : memref<32x384xf32, #tpu.memory_space<vmem>>, vector<1x16xf32>,
        %parallel_loop3A_599 = arith.constant 0 : i32
        %parallel_loop3A_600 = arith.index_cast %parallel_loop3A_599 : i32 to index
        %parallel_loop3A_601 = arith.index_cast %parallel_loop3A_218 : i32 to index
        %parallel_loop3A_602 = arith.constant 448 : index
        %parallel_loop3A_603 = tpu.vector_load %arg10[%parallel_loop3A_600, %parallel_loop3A_601, %parallel_loop3A_602] {strides = array<i32>} : memref<2x16x768xf32, #tpu.memory_space<vmem>>, vector<1x1x16xf32>,
        %parallel_loop3A_604 = vector.shape_cast %parallel_loop3A_603 : vector<1x1x16xf32> to vector<16xf32>
        %parallel_loop3A_605 = arith.constant 0 : i32
        %parallel_loop3A_606 = arith.index_cast %parallel_loop3A_605 : i32 to index
        %parallel_loop3A_607 = arith.index_cast %parallel_loop3A_218 : i32 to index
        %parallel_loop3A_608 = arith.constant 464 : index
        %parallel_loop3A_609 = tpu.vector_load %arg10[%parallel_loop3A_606, %parallel_loop3A_607, %parallel_loop3A_608] {strides = array<i32>} : memref<2x16x768xf32, #tpu.memory_space<vmem>>, vector<1x1x16xf32>,
        %parallel_loop3A_610 = vector.shape_cast %parallel_loop3A_609 : vector<1x1x16xf32> to vector<16xf32>
        %parallel_loop3A_611 = tpu.bitcast %parallel_loop3A_604 : vector<16xf32> -> vector<16xi32>
        %parallel_loop3A_612 = tpu.bitcast %parallel_loop3A_610 : vector<16xf32> -> vector<16xi32>
        %parallel_loop3A_613 = arith.constant -65536 : i32
        %parallel_loop3A_614 = vector.broadcast %parallel_loop3A_613 : i32 to vector<16xi32>
        %parallel_loop3A_615 = arith.andi %parallel_loop3A_612, %parallel_loop3A_614 : vector<16xi32>
        %parallel_loop3A_616 = arith.constant 16 : i32
        %parallel_loop3A_617 = vector.broadcast %parallel_loop3A_616 : i32 to vector<16xi32>
        %parallel_loop3A_618 = arith.shrui %parallel_loop3A_611, %parallel_loop3A_617 : vector<16xi32>
        %parallel_loop3A_619 = arith.ori %parallel_loop3A_615, %parallel_loop3A_618 : vector<16xi32>
        %parallel_loop3A_620 = tpu.bitcast %parallel_loop3A_619 : vector<16xi32> -> vector<16xf32>
        %parallel_loop3A_621 = arith.index_cast %parallel_loop3A_220 : i32 to index
        %parallel_loop3A_622 = arith.constant 224 : index
        %parallel_loop3A_623 = tpu.vector_load %arg12[%parallel_loop3A_621, %parallel_loop3A_622] {strides = array<i32>} : memref<32x384xf32, #tpu.memory_space<vmem>>, vector<1x16xf32>,
        %parallel_loop3A_624 = vector.shape_cast %parallel_loop3A_623 : vector<1x16xf32> to vector<16xf32>
        %parallel_loop3A_625 = vector.shape_cast %parallel_loop3A_620 : vector<16xf32> to vector<1x16xf32>
        tpu.vector_store %arg12[%parallel_loop3A_621, %parallel_loop3A_622], %parallel_loop3A_625 {strides = array<i32>} : memref<32x384xf32, #tpu.memory_space<vmem>>, vector<1x16xf32>,
        %parallel_loop3A_626 = arith.constant 0 : i32
        %parallel_loop3A_627 = arith.index_cast %parallel_loop3A_626 : i32 to index
        %parallel_loop3A_628 = arith.index_cast %parallel_loop3A_218 : i32 to index
        %parallel_loop3A_629 = arith.constant 480 : index
        %parallel_loop3A_630 = tpu.vector_load %arg10[%parallel_loop3A_627, %parallel_loop3A_628, %parallel_loop3A_629] {strides = array<i32>} : memref<2x16x768xf32, #tpu.memory_space<vmem>>, vector<1x1x16xf32>,
        %parallel_loop3A_631 = vector.shape_cast %parallel_loop3A_630 : vector<1x1x16xf32> to vector<16xf32>
        %parallel_loop3A_632 = arith.constant 0 : i32
        %parallel_loop3A_633 = arith.index_cast %parallel_loop3A_632 : i32 to index
        %parallel_loop3A_634 = arith.index_cast %parallel_loop3A_218 : i32 to index
        %parallel_loop3A_635 = arith.constant 496 : index
        %parallel_loop3A_636 = tpu.vector_load %arg10[%parallel_loop3A_633, %parallel_loop3A_634, %parallel_loop3A_635] {strides = array<i32>} : memref<2x16x768xf32, #tpu.memory_space<vmem>>, vector<1x1x16xf32>,
        %parallel_loop3A_637 = vector.shape_cast %parallel_loop3A_636 : vector<1x1x16xf32> to vector<16xf32>
        %parallel_loop3A_638 = tpu.bitcast %parallel_loop3A_631 : vector<16xf32> -> vector<16xi32>
        %parallel_loop3A_639 = tpu.bitcast %parallel_loop3A_637 : vector<16xf32> -> vector<16xi32>
        %parallel_loop3A_640 = arith.constant -65536 : i32
        %parallel_loop3A_641 = vector.broadcast %parallel_loop3A_640 : i32 to vector<16xi32>
        %parallel_loop3A_642 = arith.andi %parallel_loop3A_639, %parallel_loop3A_641 : vector<16xi32>
        %parallel_loop3A_643 = arith.constant 16 : i32
        %parallel_loop3A_644 = vector.broadcast %parallel_loop3A_643 : i32 to vector<16xi32>
        %parallel_loop3A_645 = arith.shrui %parallel_loop3A_638, %parallel_loop3A_644 : vector<16xi32>
        %parallel_loop3A_646 = arith.ori %parallel_loop3A_642, %parallel_loop3A_645 : vector<16xi32>
        %parallel_loop3A_647 = tpu.bitcast %parallel_loop3A_646 : vector<16xi32> -> vector<16xf32>
        %parallel_loop3A_648 = arith.index_cast %parallel_loop3A_220 : i32 to index
        %parallel_loop3A_649 = arith.constant 240 : index
        %parallel_loop3A_650 = tpu.vector_load %arg12[%parallel_loop3A_648, %parallel_loop3A_649] {strides = array<i32>} : memref<32x384xf32, #tpu.memory_space<vmem>>, vector<1x16xf32>,
        %parallel_loop3A_651 = vector.shape_cast %parallel_loop3A_650 : vector<1x16xf32> to vector<16xf32>
        %parallel_loop3A_652 = vector.shape_cast %parallel_loop3A_647 : vector<16xf32> to vector<1x16xf32>
        tpu.vector_store %arg12[%parallel_loop3A_648, %parallel_loop3A_649], %parallel_loop3A_652 {strides = array<i32>} : memref<32x384xf32, #tpu.memory_space<vmem>>, vector<1x16xf32>,
        %parallel_loop3A_653 = arith.constant 0 : i32
        %parallel_loop3A_654 = arith.index_cast %parallel_loop3A_653 : i32 to index
        %parallel_loop3A_655 = arith.index_cast %parallel_loop3A_218 : i32 to index
        %parallel_loop3A_656 = arith.constant 512 : index
        %parallel_loop3A_657 = tpu.vector_load %arg10[%parallel_loop3A_654, %parallel_loop3A_655, %parallel_loop3A_656] {strides = array<i32>} : memref<2x16x768xf32, #tpu.memory_space<vmem>>, vector<1x1x16xf32>,
        %parallel_loop3A_658 = vector.shape_cast %parallel_loop3A_657 : vector<1x1x16xf32> to vector<16xf32>
        %parallel_loop3A_659 = arith.constant 0 : i32
        %parallel_loop3A_660 = arith.index_cast %parallel_loop3A_659 : i32 to index
        %parallel_loop3A_661 = arith.index_cast %parallel_loop3A_218 : i32 to index
        %parallel_loop3A_662 = arith.constant 528 : index
        %parallel_loop3A_663 = tpu.vector_load %arg10[%parallel_loop3A_660, %parallel_loop3A_661, %parallel_loop3A_662] {strides = array<i32>} : memref<2x16x768xf32, #tpu.memory_space<vmem>>, vector<1x1x16xf32>,
        %parallel_loop3A_664 = vector.shape_cast %parallel_loop3A_663 : vector<1x1x16xf32> to vector<16xf32>
        %parallel_loop3A_665 = tpu.bitcast %parallel_loop3A_658 : vector<16xf32> -> vector<16xi32>
        %parallel_loop3A_666 = tpu.bitcast %parallel_loop3A_664 : vector<16xf32> -> vector<16xi32>
        %parallel_loop3A_667 = arith.constant -65536 : i32
        %parallel_loop3A_668 = vector.broadcast %parallel_loop3A_667 : i32 to vector<16xi32>
        %parallel_loop3A_669 = arith.andi %parallel_loop3A_666, %parallel_loop3A_668 : vector<16xi32>
        %parallel_loop3A_670 = arith.constant 16 : i32
        %parallel_loop3A_671 = vector.broadcast %parallel_loop3A_670 : i32 to vector<16xi32>
        %parallel_loop3A_672 = arith.shrui %parallel_loop3A_665, %parallel_loop3A_671 : vector<16xi32>
        %parallel_loop3A_673 = arith.ori %parallel_loop3A_669, %parallel_loop3A_672 : vector<16xi32>
        %parallel_loop3A_674 = tpu.bitcast %parallel_loop3A_673 : vector<16xi32> -> vector<16xf32>
        %parallel_loop3A_675 = arith.index_cast %parallel_loop3A_220 : i32 to index
        %parallel_loop3A_676 = arith.constant 256 : index
        %parallel_loop3A_677 = tpu.vector_load %arg12[%parallel_loop3A_675, %parallel_loop3A_676] {strides = array<i32>} : memref<32x384xf32, #tpu.memory_space<vmem>>, vector<1x16xf32>,
        %parallel_loop3A_678 = vector.shape_cast %parallel_loop3A_677 : vector<1x16xf32> to vector<16xf32>
        %parallel_loop3A_679 = vector.shape_cast %parallel_loop3A_674 : vector<16xf32> to vector<1x16xf32>
        tpu.vector_store %arg12[%parallel_loop3A_675, %parallel_loop3A_676], %parallel_loop3A_679 {strides = array<i32>} : memref<32x384xf32, #tpu.memory_space<vmem>>, vector<1x16xf32>,
        %parallel_loop3A_680 = arith.constant 0 : i32
        %parallel_loop3A_681 = arith.index_cast %parallel_loop3A_680 : i32 to index
        %parallel_loop3A_682 = arith.index_cast %parallel_loop3A_218 : i32 to index
        %parallel_loop3A_683 = arith.constant 544 : index
        %parallel_loop3A_684 = tpu.vector_load %arg10[%parallel_loop3A_681, %parallel_loop3A_682, %parallel_loop3A_683] {strides = array<i32>} : memref<2x16x768xf32, #tpu.memory_space<vmem>>, vector<1x1x16xf32>,
        %parallel_loop3A_685 = vector.shape_cast %parallel_loop3A_684 : vector<1x1x16xf32> to vector<16xf32>
        %parallel_loop3A_686 = arith.constant 0 : i32
        %parallel_loop3A_687 = arith.index_cast %parallel_loop3A_686 : i32 to index
        %parallel_loop3A_688 = arith.index_cast %parallel_loop3A_218 : i32 to index
        %parallel_loop3A_689 = arith.constant 560 : index
        %parallel_loop3A_690 = tpu.vector_load %arg10[%parallel_loop3A_687, %parallel_loop3A_688, %parallel_loop3A_689] {strides = array<i32>} : memref<2x16x768xf32, #tpu.memory_space<vmem>>, vector<1x1x16xf32>,
        %parallel_loop3A_691 = vector.shape_cast %parallel_loop3A_690 : vector<1x1x16xf32> to vector<16xf32>
        %parallel_loop3A_692 = tpu.bitcast %parallel_loop3A_685 : vector<16xf32> -> vector<16xi32>
        %parallel_loop3A_693 = tpu.bitcast %parallel_loop3A_691 : vector<16xf32> -> vector<16xi32>
        %parallel_loop3A_694 = arith.constant -65536 : i32
        %parallel_loop3A_695 = vector.broadcast %parallel_loop3A_694 : i32 to vector<16xi32>
        %parallel_loop3A_696 = arith.andi %parallel_loop3A_693, %parallel_loop3A_695 : vector<16xi32>
        %parallel_loop3A_697 = arith.constant 16 : i32
        %parallel_loop3A_698 = vector.broadcast %parallel_loop3A_697 : i32 to vector<16xi32>
        %parallel_loop3A_699 = arith.shrui %parallel_loop3A_692, %parallel_loop3A_698 : vector<16xi32>
        %parallel_loop3A_700 = arith.ori %parallel_loop3A_696, %parallel_loop3A_699 : vector<16xi32>
        %parallel_loop3A_701 = tpu.bitcast %parallel_loop3A_700 : vector<16xi32> -> vector<16xf32>
        %parallel_loop3A_702 = arith.index_cast %parallel_loop3A_220 : i32 to index
        %parallel_loop3A_703 = arith.constant 272 : index
        %parallel_loop3A_704 = tpu.vector_load %arg12[%parallel_loop3A_702, %parallel_loop3A_703] {strides = array<i32>} : memref<32x384xf32, #tpu.memory_space<vmem>>, vector<1x16xf32>,
        %parallel_loop3A_705 = vector.shape_cast %parallel_loop3A_704 : vector<1x16xf32> to vector<16xf32>
        %parallel_loop3A_706 = vector.shape_cast %parallel_loop3A_701 : vector<16xf32> to vector<1x16xf32>
        tpu.vector_store %arg12[%parallel_loop3A_702, %parallel_loop3A_703], %parallel_loop3A_706 {strides = array<i32>} : memref<32x384xf32, #tpu.memory_space<vmem>>, vector<1x16xf32>,
        %parallel_loop3A_707 = arith.constant 0 : i32
        %parallel_loop3A_708 = arith.index_cast %parallel_loop3A_707 : i32 to index
        %parallel_loop3A_709 = arith.index_cast %parallel_loop3A_218 : i32 to index
        %parallel_loop3A_710 = arith.constant 576 : index
        %parallel_loop3A_711 = tpu.vector_load %arg10[%parallel_loop3A_708, %parallel_loop3A_709, %parallel_loop3A_710] {strides = array<i32>} : memref<2x16x768xf32, #tpu.memory_space<vmem>>, vector<1x1x16xf32>,
        %parallel_loop3A_712 = vector.shape_cast %parallel_loop3A_711 : vector<1x1x16xf32> to vector<16xf32>
        %parallel_loop3A_713 = arith.constant 0 : i32
        %parallel_loop3A_714 = arith.index_cast %parallel_loop3A_713 : i32 to index
        %parallel_loop3A_715 = arith.index_cast %parallel_loop3A_218 : i32 to index
        %parallel_loop3A_716 = arith.constant 592 : index
        %parallel_loop3A_717 = tpu.vector_load %arg10[%parallel_loop3A_714, %parallel_loop3A_715, %parallel_loop3A_716] {strides = array<i32>} : memref<2x16x768xf32, #tpu.memory_space<vmem>>, vector<1x1x16xf32>,
        %parallel_loop3A_718 = vector.shape_cast %parallel_loop3A_717 : vector<1x1x16xf32> to vector<16xf32>
        %parallel_loop3A_719 = tpu.bitcast %parallel_loop3A_712 : vector<16xf32> -> vector<16xi32>
        %parallel_loop3A_720 = tpu.bitcast %parallel_loop3A_718 : vector<16xf32> -> vector<16xi32>
        %parallel_loop3A_721 = arith.constant -65536 : i32
        %parallel_loop3A_722 = vector.broadcast %parallel_loop3A_721 : i32 to vector<16xi32>
        %parallel_loop3A_723 = arith.andi %parallel_loop3A_720, %parallel_loop3A_722 : vector<16xi32>
        %parallel_loop3A_724 = arith.constant 16 : i32
        %parallel_loop3A_725 = vector.broadcast %parallel_loop3A_724 : i32 to vector<16xi32>
        %parallel_loop3A_726 = arith.shrui %parallel_loop3A_719, %parallel_loop3A_725 : vector<16xi32>
        %parallel_loop3A_727 = arith.ori %parallel_loop3A_723, %parallel_loop3A_726 : vector<16xi32>
        %parallel_loop3A_728 = tpu.bitcast %parallel_loop3A_727 : vector<16xi32> -> vector<16xf32>
        %parallel_loop3A_729 = arith.index_cast %parallel_loop3A_220 : i32 to index
        %parallel_loop3A_730 = arith.constant 288 : index
        %parallel_loop3A_731 = tpu.vector_load %arg12[%parallel_loop3A_729, %parallel_loop3A_730] {strides = array<i32>} : memref<32x384xf32, #tpu.memory_space<vmem>>, vector<1x16xf32>,
        %parallel_loop3A_732 = vector.shape_cast %parallel_loop3A_731 : vector<1x16xf32> to vector<16xf32>
        %parallel_loop3A_733 = vector.shape_cast %parallel_loop3A_728 : vector<16xf32> to vector<1x16xf32>
        tpu.vector_store %arg12[%parallel_loop3A_729, %parallel_loop3A_730], %parallel_loop3A_733 {strides = array<i32>} : memref<32x384xf32, #tpu.memory_space<vmem>>, vector<1x16xf32>,
        %parallel_loop3A_734 = arith.constant 0 : i32
        %parallel_loop3A_735 = arith.index_cast %parallel_loop3A_734 : i32 to index
        %parallel_loop3A_736 = arith.index_cast %parallel_loop3A_218 : i32 to index
        %parallel_loop3A_737 = arith.constant 608 : index
        %parallel_loop3A_738 = tpu.vector_load %arg10[%parallel_loop3A_735, %parallel_loop3A_736, %parallel_loop3A_737] {strides = array<i32>} : memref<2x16x768xf32, #tpu.memory_space<vmem>>, vector<1x1x16xf32>,
        %parallel_loop3A_739 = vector.shape_cast %parallel_loop3A_738 : vector<1x1x16xf32> to vector<16xf32>
        %parallel_loop3A_740 = arith.constant 0 : i32
        %parallel_loop3A_741 = arith.index_cast %parallel_loop3A_740 : i32 to index
        %parallel_loop3A_742 = arith.index_cast %parallel_loop3A_218 : i32 to index
        %parallel_loop3A_743 = arith.constant 624 : index
        %parallel_loop3A_744 = tpu.vector_load %arg10[%parallel_loop3A_741, %parallel_loop3A_742, %parallel_loop3A_743] {strides = array<i32>} : memref<2x16x768xf32, #tpu.memory_space<vmem>>, vector<1x1x16xf32>,
        %parallel_loop3A_745 = vector.shape_cast %parallel_loop3A_744 : vector<1x1x16xf32> to vector<16xf32>
        %parallel_loop3A_746 = tpu.bitcast %parallel_loop3A_739 : vector<16xf32> -> vector<16xi32>
        %parallel_loop3A_747 = tpu.bitcast %parallel_loop3A_745 : vector<16xf32> -> vector<16xi32>
        %parallel_loop3A_748 = arith.constant -65536 : i32
        %parallel_loop3A_749 = vector.broadcast %parallel_loop3A_748 : i32 to vector<16xi32>
        %parallel_loop3A_750 = arith.andi %parallel_loop3A_747, %parallel_loop3A_749 : vector<16xi32>
        %parallel_loop3A_751 = arith.constant 16 : i32
        %parallel_loop3A_752 = vector.broadcast %parallel_loop3A_751 : i32 to vector<16xi32>
        %parallel_loop3A_753 = arith.shrui %parallel_loop3A_746, %parallel_loop3A_752 : vector<16xi32>
        %parallel_loop3A_754 = arith.ori %parallel_loop3A_750, %parallel_loop3A_753 : vector<16xi32>
        %parallel_loop3A_755 = tpu.bitcast %parallel_loop3A_754 : vector<16xi32> -> vector<16xf32>
        %parallel_loop3A_756 = arith.index_cast %parallel_loop3A_220 : i32 to index
        %parallel_loop3A_757 = arith.constant 304 : index
        %parallel_loop3A_758 = tpu.vector_load %arg12[%parallel_loop3A_756, %parallel_loop3A_757] {strides = array<i32>} : memref<32x384xf32, #tpu.memory_space<vmem>>, vector<1x16xf32>,
        %parallel_loop3A_759 = vector.shape_cast %parallel_loop3A_758 : vector<1x16xf32> to vector<16xf32>
        %parallel_loop3A_760 = vector.shape_cast %parallel_loop3A_755 : vector<16xf32> to vector<1x16xf32>
        tpu.vector_store %arg12[%parallel_loop3A_756, %parallel_loop3A_757], %parallel_loop3A_760 {strides = array<i32>} : memref<32x384xf32, #tpu.memory_space<vmem>>, vector<1x16xf32>,
        %parallel_loop3A_761 = arith.constant 0 : i32
        %parallel_loop3A_762 = arith.index_cast %parallel_loop3A_761 : i32 to index
        %parallel_loop3A_763 = arith.index_cast %parallel_loop3A_218 : i32 to index
        %parallel_loop3A_764 = arith.constant 640 : index
        %parallel_loop3A_765 = tpu.vector_load %arg10[%parallel_loop3A_762, %parallel_loop3A_763, %parallel_loop3A_764] {strides = array<i32>} : memref<2x16x768xf32, #tpu.memory_space<vmem>>, vector<1x1x16xf32>,
        %parallel_loop3A_766 = vector.shape_cast %parallel_loop3A_765 : vector<1x1x16xf32> to vector<16xf32>
        %parallel_loop3A_767 = arith.constant 0 : i32
        %parallel_loop3A_768 = arith.index_cast %parallel_loop3A_767 : i32 to index
        %parallel_loop3A_769 = arith.index_cast %parallel_loop3A_218 : i32 to index
        %parallel_loop3A_770 = arith.constant 656 : index
        %parallel_loop3A_771 = tpu.vector_load %arg10[%parallel_loop3A_768, %parallel_loop3A_769, %parallel_loop3A_770] {strides = array<i32>} : memref<2x16x768xf32, #tpu.memory_space<vmem>>, vector<1x1x16xf32>,
        %parallel_loop3A_772 = vector.shape_cast %parallel_loop3A_771 : vector<1x1x16xf32> to vector<16xf32>
        %parallel_loop3A_773 = tpu.bitcast %parallel_loop3A_766 : vector<16xf32> -> vector<16xi32>
        %parallel_loop3A_774 = tpu.bitcast %parallel_loop3A_772 : vector<16xf32> -> vector<16xi32>
        %parallel_loop3A_775 = arith.constant -65536 : i32
        %parallel_loop3A_776 = vector.broadcast %parallel_loop3A_775 : i32 to vector<16xi32>
        %parallel_loop3A_777 = arith.andi %parallel_loop3A_774, %parallel_loop3A_776 : vector<16xi32>
        %parallel_loop3A_778 = arith.constant 16 : i32
        %parallel_loop3A_779 = vector.broadcast %parallel_loop3A_778 : i32 to vector<16xi32>
        %parallel_loop3A_780 = arith.shrui %parallel_loop3A_773, %parallel_loop3A_779 : vector<16xi32>
        %parallel_loop3A_781 = arith.ori %parallel_loop3A_777, %parallel_loop3A_780 : vector<16xi32>
        %parallel_loop3A_782 = tpu.bitcast %parallel_loop3A_781 : vector<16xi32> -> vector<16xf32>
        %parallel_loop3A_783 = arith.index_cast %parallel_loop3A_220 : i32 to index
        %parallel_loop3A_784 = arith.constant 320 : index
        %parallel_loop3A_785 = tpu.vector_load %arg12[%parallel_loop3A_783, %parallel_loop3A_784] {strides = array<i32>} : memref<32x384xf32, #tpu.memory_space<vmem>>, vector<1x16xf32>,
        %parallel_loop3A_786 = vector.shape_cast %parallel_loop3A_785 : vector<1x16xf32> to vector<16xf32>
        %parallel_loop3A_787 = vector.shape_cast %parallel_loop3A_782 : vector<16xf32> to vector<1x16xf32>
        tpu.vector_store %arg12[%parallel_loop3A_783, %parallel_loop3A_784], %parallel_loop3A_787 {strides = array<i32>} : memref<32x384xf32, #tpu.memory_space<vmem>>, vector<1x16xf32>,
        %parallel_loop3A_788 = arith.constant 0 : i32
        %parallel_loop3A_789 = arith.index_cast %parallel_loop3A_788 : i32 to index
        %parallel_loop3A_790 = arith.index_cast %parallel_loop3A_218 : i32 to index
        %parallel_loop3A_791 = arith.constant 672 : index
        %parallel_loop3A_792 = tpu.vector_load %arg10[%parallel_loop3A_789, %parallel_loop3A_790, %parallel_loop3A_791] {strides = array<i32>} : memref<2x16x768xf32, #tpu.memory_space<vmem>>, vector<1x1x16xf32>,
        %parallel_loop3A_793 = vector.shape_cast %parallel_loop3A_792 : vector<1x1x16xf32> to vector<16xf32>
        %parallel_loop3A_794 = arith.constant 0 : i32
        %parallel_loop3A_795 = arith.index_cast %parallel_loop3A_794 : i32 to index
        %parallel_loop3A_796 = arith.index_cast %parallel_loop3A_218 : i32 to index
        %parallel_loop3A_797 = arith.constant 688 : index
        %parallel_loop3A_798 = tpu.vector_load %arg10[%parallel_loop3A_795, %parallel_loop3A_796, %parallel_loop3A_797] {strides = array<i32>} : memref<2x16x768xf32, #tpu.memory_space<vmem>>, vector<1x1x16xf32>,
        %parallel_loop3A_799 = vector.shape_cast %parallel_loop3A_798 : vector<1x1x16xf32> to vector<16xf32>
        %parallel_loop3A_800 = tpu.bitcast %parallel_loop3A_793 : vector<16xf32> -> vector<16xi32>
        %parallel_loop3A_801 = tpu.bitcast %parallel_loop3A_799 : vector<16xf32> -> vector<16xi32>
        %parallel_loop3A_802 = arith.constant -65536 : i32
        %parallel_loop3A_803 = vector.broadcast %parallel_loop3A_802 : i32 to vector<16xi32>
        %parallel_loop3A_804 = arith.andi %parallel_loop3A_801, %parallel_loop3A_803 : vector<16xi32>
        %parallel_loop3A_805 = arith.constant 16 : i32
        %parallel_loop3A_806 = vector.broadcast %parallel_loop3A_805 : i32 to vector<16xi32>
        %parallel_loop3A_807 = arith.shrui %parallel_loop3A_800, %parallel_loop3A_806 : vector<16xi32>
        %parallel_loop3A_808 = arith.ori %parallel_loop3A_804, %parallel_loop3A_807 : vector<16xi32>
        %parallel_loop3A_809 = tpu.bitcast %parallel_loop3A_808 : vector<16xi32> -> vector<16xf32>
        %parallel_loop3A_810 = arith.index_cast %parallel_loop3A_220 : i32 to index
        %parallel_loop3A_811 = arith.constant 336 : index
        %parallel_loop3A_812 = tpu.vector_load %arg12[%parallel_loop3A_810, %parallel_loop3A_811] {strides = array<i32>} : memref<32x384xf32, #tpu.memory_space<vmem>>, vector<1x16xf32>,
        %parallel_loop3A_813 = vector.shape_cast %parallel_loop3A_812 : vector<1x16xf32> to vector<16xf32>
        %parallel_loop3A_814 = vector.shape_cast %parallel_loop3A_809 : vector<16xf32> to vector<1x16xf32>
        tpu.vector_store %arg12[%parallel_loop3A_810, %parallel_loop3A_811], %parallel_loop3A_814 {strides = array<i32>} : memref<32x384xf32, #tpu.memory_space<vmem>>, vector<1x16xf32>,
        %parallel_loop3A_815 = arith.constant 0 : i32
        %parallel_loop3A_816 = arith.index_cast %parallel_loop3A_815 : i32 to index
        %parallel_loop3A_817 = arith.index_cast %parallel_loop3A_218 : i32 to index
        %parallel_loop3A_818 = arith.constant 704 : index
        %parallel_loop3A_819 = tpu.vector_load %arg10[%parallel_loop3A_816, %parallel_loop3A_817, %parallel_loop3A_818] {strides = array<i32>} : memref<2x16x768xf32, #tpu.memory_space<vmem>>, vector<1x1x16xf32>,
        %parallel_loop3A_820 = vector.shape_cast %parallel_loop3A_819 : vector<1x1x16xf32> to vector<16xf32>
        %parallel_loop3A_821 = arith.constant 0 : i32
        %parallel_loop3A_822 = arith.index_cast %parallel_loop3A_821 : i32 to index
        %parallel_loop3A_823 = arith.index_cast %parallel_loop3A_218 : i32 to index
        %parallel_loop3A_824 = arith.constant 720 : index
        %parallel_loop3A_825 = tpu.vector_load %arg10[%parallel_loop3A_822, %parallel_loop3A_823, %parallel_loop3A_824] {strides = array<i32>} : memref<2x16x768xf32, #tpu.memory_space<vmem>>, vector<1x1x16xf32>,
        %parallel_loop3A_826 = vector.shape_cast %parallel_loop3A_825 : vector<1x1x16xf32> to vector<16xf32>
        %parallel_loop3A_827 = tpu.bitcast %parallel_loop3A_820 : vector<16xf32> -> vector<16xi32>
        %parallel_loop3A_828 = tpu.bitcast %parallel_loop3A_826 : vector<16xf32> -> vector<16xi32>
        %parallel_loop3A_829 = arith.constant -65536 : i32
        %parallel_loop3A_830 = vector.broadcast %parallel_loop3A_829 : i32 to vector<16xi32>
        %parallel_loop3A_831 = arith.andi %parallel_loop3A_828, %parallel_loop3A_830 : vector<16xi32>
        %parallel_loop3A_832 = arith.constant 16 : i32
        %parallel_loop3A_833 = vector.broadcast %parallel_loop3A_832 : i32 to vector<16xi32>
        %parallel_loop3A_834 = arith.shrui %parallel_loop3A_827, %parallel_loop3A_833 : vector<16xi32>
        %parallel_loop3A_835 = arith.ori %parallel_loop3A_831, %parallel_loop3A_834 : vector<16xi32>
        %parallel_loop3A_836 = tpu.bitcast %parallel_loop3A_835 : vector<16xi32> -> vector<16xf32>
        %parallel_loop3A_837 = arith.index_cast %parallel_loop3A_220 : i32 to index
        %parallel_loop3A_838 = arith.constant 352 : index
        %parallel_loop3A_839 = tpu.vector_load %arg12[%parallel_loop3A_837, %parallel_loop3A_838] {strides = array<i32>} : memref<32x384xf32, #tpu.memory_space<vmem>>, vector<1x16xf32>,
        %parallel_loop3A_840 = vector.shape_cast %parallel_loop3A_839 : vector<1x16xf32> to vector<16xf32>
        %parallel_loop3A_841 = vector.shape_cast %parallel_loop3A_836 : vector<16xf32> to vector<1x16xf32>
        tpu.vector_store %arg12[%parallel_loop3A_837, %parallel_loop3A_838], %parallel_loop3A_841 {strides = array<i32>} : memref<32x384xf32, #tpu.memory_space<vmem>>, vector<1x16xf32>,
        %parallel_loop3A_842 = arith.constant 0 : i32
        %parallel_loop3A_843 = arith.index_cast %parallel_loop3A_842 : i32 to index
        %parallel_loop3A_844 = arith.index_cast %parallel_loop3A_218 : i32 to index
        %parallel_loop3A_845 = arith.constant 736 : index
        %parallel_loop3A_846 = tpu.vector_load %arg10[%parallel_loop3A_843, %parallel_loop3A_844, %parallel_loop3A_845] {strides = array<i32>} : memref<2x16x768xf32, #tpu.memory_space<vmem>>, vector<1x1x16xf32>,
        %parallel_loop3A_847 = vector.shape_cast %parallel_loop3A_846 : vector<1x1x16xf32> to vector<16xf32>
        %parallel_loop3A_848 = arith.constant 0 : i32
        %parallel_loop3A_849 = arith.index_cast %parallel_loop3A_848 : i32 to index
        %parallel_loop3A_850 = arith.index_cast %parallel_loop3A_218 : i32 to index
        %parallel_loop3A_851 = arith.constant 752 : index
        %parallel_loop3A_852 = tpu.vector_load %arg10[%parallel_loop3A_849, %parallel_loop3A_850, %parallel_loop3A_851] {strides = array<i32>} : memref<2x16x768xf32, #tpu.memory_space<vmem>>, vector<1x1x16xf32>,
        %parallel_loop3A_853 = vector.shape_cast %parallel_loop3A_852 : vector<1x1x16xf32> to vector<16xf32>
        %parallel_loop3A_854 = tpu.bitcast %parallel_loop3A_847 : vector<16xf32> -> vector<16xi32>
        %parallel_loop3A_855 = tpu.bitcast %parallel_loop3A_853 : vector<16xf32> -> vector<16xi32>
        %parallel_loop3A_856 = arith.constant -65536 : i32
        %parallel_loop3A_857 = vector.broadcast %parallel_loop3A_856 : i32 to vector<16xi32>
        %parallel_loop3A_858 = arith.andi %parallel_loop3A_855, %parallel_loop3A_857 : vector<16xi32>
        %parallel_loop3A_859 = arith.constant 16 : i32
        %parallel_loop3A_860 = vector.broadcast %parallel_loop3A_859 : i32 to vector<16xi32>
        %parallel_loop3A_861 = arith.shrui %parallel_loop3A_854, %parallel_loop3A_860 : vector<16xi32>
        %parallel_loop3A_862 = arith.ori %parallel_loop3A_858, %parallel_loop3A_861 : vector<16xi32>
        %parallel_loop3A_863 = tpu.bitcast %parallel_loop3A_862 : vector<16xi32> -> vector<16xf32>
        %parallel_loop3A_864 = arith.index_cast %parallel_loop3A_220 : i32 to index
        %parallel_loop3A_865 = arith.constant 368 : index
        %parallel_loop3A_866 = tpu.vector_load %arg12[%parallel_loop3A_864, %parallel_loop3A_865] {strides = array<i32>} : memref<32x384xf32, #tpu.memory_space<vmem>>, vector<1x16xf32>,
        %parallel_loop3A_867 = vector.shape_cast %parallel_loop3A_866 : vector<1x16xf32> to vector<16xf32>
        %parallel_loop3A_868 = vector.shape_cast %parallel_loop3A_863 : vector<16xf32> to vector<1x16xf32>
        tpu.vector_store %arg12[%parallel_loop3A_864, %parallel_loop3A_865], %parallel_loop3A_868 {strides = array<i32>} : memref<32x384xf32, #tpu.memory_space<vmem>>, vector<1x16xf32>,
        %parallel_loop3A_869 = arith.constant 0 : i32
        %parallel_loop3A_870 = arith.index_cast %parallel_loop3A_869 : i32 to index
        %parallel_loop3A_871 = arith.index_cast %parallel_loop3A_218 : i32 to index
        %parallel_loop3A_872 = arith.constant 0 : index
        %parallel_loop3A_873 = tpu.vector_load %arg11[%parallel_loop3A_870, %parallel_loop3A_871, %parallel_loop3A_872] {strides = array<i32>} : memref<2x16x768xf32, #tpu.memory_space<vmem>>, vector<1x1x16xf32>,
        %parallel_loop3A_874 = vector.shape_cast %parallel_loop3A_873 : vector<1x1x16xf32> to vector<16xf32>
        %parallel_loop3A_875 = arith.constant 0 : i32
        %parallel_loop3A_876 = arith.index_cast %parallel_loop3A_875 : i32 to index
        %parallel_loop3A_877 = arith.index_cast %parallel_loop3A_218 : i32 to index
        %parallel_loop3A_878 = arith.constant 16 : index
        %parallel_loop3A_879 = tpu.vector_load %arg11[%parallel_loop3A_876, %parallel_loop3A_877, %parallel_loop3A_878] {strides = array<i32>} : memref<2x16x768xf32, #tpu.memory_space<vmem>>, vector<1x1x16xf32>,
        %parallel_loop3A_880 = vector.shape_cast %parallel_loop3A_879 : vector<1x1x16xf32> to vector<16xf32>
        %parallel_loop3A_881 = tpu.bitcast %parallel_loop3A_874 : vector<16xf32> -> vector<16xi32>
        %parallel_loop3A_882 = tpu.bitcast %parallel_loop3A_880 : vector<16xf32> -> vector<16xi32>
        %parallel_loop3A_883 = arith.constant -65536 : i32
        %parallel_loop3A_884 = vector.broadcast %parallel_loop3A_883 : i32 to vector<16xi32>
        %parallel_loop3A_885 = arith.andi %parallel_loop3A_882, %parallel_loop3A_884 : vector<16xi32>
        %parallel_loop3A_886 = arith.constant 16 : i32
        %parallel_loop3A_887 = vector.broadcast %parallel_loop3A_886 : i32 to vector<16xi32>
        %parallel_loop3A_888 = arith.shrui %parallel_loop3A_881, %parallel_loop3A_887 : vector<16xi32>
        %parallel_loop3A_889 = arith.ori %parallel_loop3A_885, %parallel_loop3A_888 : vector<16xi32>
        %parallel_loop3A_890 = tpu.bitcast %parallel_loop3A_889 : vector<16xi32> -> vector<16xf32>
        %parallel_loop3A_891 = arith.index_cast %parallel_loop3A_220 : i32 to index
        %parallel_loop3A_892 = arith.constant 0 : index
        %parallel_loop3A_893 = tpu.vector_load %arg13[%parallel_loop3A_891, %parallel_loop3A_892] {strides = array<i32>} : memref<32x384xf32, #tpu.memory_space<vmem>>, vector<1x16xf32>,
        %parallel_loop3A_894 = vector.shape_cast %parallel_loop3A_893 : vector<1x16xf32> to vector<16xf32>
        %parallel_loop3A_895 = vector.shape_cast %parallel_loop3A_890 : vector<16xf32> to vector<1x16xf32>
        tpu.vector_store %arg13[%parallel_loop3A_891, %parallel_loop3A_892], %parallel_loop3A_895 {strides = array<i32>} : memref<32x384xf32, #tpu.memory_space<vmem>>, vector<1x16xf32>,
        %parallel_loop3A_896 = arith.constant 0 : i32
        %parallel_loop3A_897 = arith.index_cast %parallel_loop3A_896 : i32 to index
        %parallel_loop3A_898 = arith.index_cast %parallel_loop3A_218 : i32 to index
        %parallel_loop3A_899 = arith.constant 32 : index
        %parallel_loop3A_900 = tpu.vector_load %arg11[%parallel_loop3A_897, %parallel_loop3A_898, %parallel_loop3A_899] {strides = array<i32>} : memref<2x16x768xf32, #tpu.memory_space<vmem>>, vector<1x1x16xf32>,
        %parallel_loop3A_901 = vector.shape_cast %parallel_loop3A_900 : vector<1x1x16xf32> to vector<16xf32>
        %parallel_loop3A_902 = arith.constant 0 : i32
        %parallel_loop3A_903 = arith.index_cast %parallel_loop3A_902 : i32 to index
        %parallel_loop3A_904 = arith.index_cast %parallel_loop3A_218 : i32 to index
        %parallel_loop3A_905 = arith.constant 48 : index
        %parallel_loop3A_906 = tpu.vector_load %arg11[%parallel_loop3A_903, %parallel_loop3A_904, %parallel_loop3A_905] {strides = array<i32>} : memref<2x16x768xf32, #tpu.memory_space<vmem>>, vector<1x1x16xf32>,
        %parallel_loop3A_907 = vector.shape_cast %parallel_loop3A_906 : vector<1x1x16xf32> to vector<16xf32>
        %parallel_loop3A_908 = tpu.bitcast %parallel_loop3A_901 : vector<16xf32> -> vector<16xi32>
        %parallel_loop3A_909 = tpu.bitcast %parallel_loop3A_907 : vector<16xf32> -> vector<16xi32>
        %parallel_loop3A_910 = arith.constant -65536 : i32
        %parallel_loop3A_911 = vector.broadcast %parallel_loop3A_910 : i32 to vector<16xi32>
        %parallel_loop3A_912 = arith.andi %parallel_loop3A_909, %parallel_loop3A_911 : vector<16xi32>
        %parallel_loop3A_913 = arith.constant 16 : i32
        %parallel_loop3A_914 = vector.broadcast %parallel_loop3A_913 : i32 to vector<16xi32>
        %parallel_loop3A_915 = arith.shrui %parallel_loop3A_908, %parallel_loop3A_914 : vector<16xi32>
        %parallel_loop3A_916 = arith.ori %parallel_loop3A_912, %parallel_loop3A_915 : vector<16xi32>
        %parallel_loop3A_917 = tpu.bitcast %parallel_loop3A_916 : vector<16xi32> -> vector<16xf32>
        %parallel_loop3A_918 = arith.index_cast %parallel_loop3A_220 : i32 to index
        %parallel_loop3A_919 = arith.constant 16 : index
        %parallel_loop3A_920 = tpu.vector_load %arg13[%parallel_loop3A_918, %parallel_loop3A_919] {strides = array<i32>} : memref<32x384xf32, #tpu.memory_space<vmem>>, vector<1x16xf32>,
        %parallel_loop3A_921 = vector.shape_cast %parallel_loop3A_920 : vector<1x16xf32> to vector<16xf32>
        %parallel_loop3A_922 = vector.shape_cast %parallel_loop3A_917 : vector<16xf32> to vector<1x16xf32>
        tpu.vector_store %arg13[%parallel_loop3A_918, %parallel_loop3A_919], %parallel_loop3A_922 {strides = array<i32>} : memref<32x384xf32, #tpu.memory_space<vmem>>, vector<1x16xf32>,
        %parallel_loop3A_923 = arith.constant 0 : i32
        %parallel_loop3A_924 = arith.index_cast %parallel_loop3A_923 : i32 to index
        %parallel_loop3A_925 = arith.index_cast %parallel_loop3A_218 : i32 to index
        %parallel_loop3A_926 = arith.constant 64 : index
        %parallel_loop3A_927 = tpu.vector_load %arg11[%parallel_loop3A_924, %parallel_loop3A_925, %parallel_loop3A_926] {strides = array<i32>} : memref<2x16x768xf32, #tpu.memory_space<vmem>>, vector<1x1x16xf32>,
        %parallel_loop3A_928 = vector.shape_cast %parallel_loop3A_927 : vector<1x1x16xf32> to vector<16xf32>
        %parallel_loop3A_929 = arith.constant 0 : i32
        %parallel_loop3A_930 = arith.index_cast %parallel_loop3A_929 : i32 to index
        %parallel_loop3A_931 = arith.index_cast %parallel_loop3A_218 : i32 to index
        %parallel_loop3A_932 = arith.constant 80 : index
        %parallel_loop3A_933 = tpu.vector_load %arg11[%parallel_loop3A_930, %parallel_loop3A_931, %parallel_loop3A_932] {strides = array<i32>} : memref<2x16x768xf32, #tpu.memory_space<vmem>>, vector<1x1x16xf32>,
        %parallel_loop3A_934 = vector.shape_cast %parallel_loop3A_933 : vector<1x1x16xf32> to vector<16xf32>
        %parallel_loop3A_935 = tpu.bitcast %parallel_loop3A_928 : vector<16xf32> -> vector<16xi32>
        %parallel_loop3A_936 = tpu.bitcast %parallel_loop3A_934 : vector<16xf32> -> vector<16xi32>
        %parallel_loop3A_937 = arith.constant -65536 : i32
        %parallel_loop3A_938 = vector.broadcast %parallel_loop3A_937 : i32 to vector<16xi32>
        %parallel_loop3A_939 = arith.andi %parallel_loop3A_936, %parallel_loop3A_938 : vector<16xi32>
        %parallel_loop3A_940 = arith.constant 16 : i32
        %parallel_loop3A_941 = vector.broadcast %parallel_loop3A_940 : i32 to vector<16xi32>
        %parallel_loop3A_942 = arith.shrui %parallel_loop3A_935, %parallel_loop3A_941 : vector<16xi32>
        %parallel_loop3A_943 = arith.ori %parallel_loop3A_939, %parallel_loop3A_942 : vector<16xi32>
        %parallel_loop3A_944 = tpu.bitcast %parallel_loop3A_943 : vector<16xi32> -> vector<16xf32>
        %parallel_loop3A_945 = arith.index_cast %parallel_loop3A_220 : i32 to index
        %parallel_loop3A_946 = arith.constant 32 : index
        %parallel_loop3A_947 = tpu.vector_load %arg13[%parallel_loop3A_945, %parallel_loop3A_946] {strides = array<i32>} : memref<32x384xf32, #tpu.memory_space<vmem>>, vector<1x16xf32>,
        %parallel_loop3A_948 = vector.shape_cast %parallel_loop3A_947 : vector<1x16xf32> to vector<16xf32>
        %parallel_loop3A_949 = vector.shape_cast %parallel_loop3A_944 : vector<16xf32> to vector<1x16xf32>
        tpu.vector_store %arg13[%parallel_loop3A_945, %parallel_loop3A_946], %parallel_loop3A_949 {strides = array<i32>} : memref<32x384xf32, #tpu.memory_space<vmem>>, vector<1x16xf32>,
        %parallel_loop3A_950 = arith.constant 0 : i32
        %parallel_loop3A_951 = arith.index_cast %parallel_loop3A_950 : i32 to index
        %parallel_loop3A_952 = arith.index_cast %parallel_loop3A_218 : i32 to index
        %parallel_loop3A_953 = arith.constant 96 : index
        %parallel_loop3A_954 = tpu.vector_load %arg11[%parallel_loop3A_951, %parallel_loop3A_952, %parallel_loop3A_953] {strides = array<i32>} : memref<2x16x768xf32, #tpu.memory_space<vmem>>, vector<1x1x16xf32>,
        %parallel_loop3A_955 = vector.shape_cast %parallel_loop3A_954 : vector<1x1x16xf32> to vector<16xf32>
        %parallel_loop3A_956 = arith.constant 0 : i32
        %parallel_loop3A_957 = arith.index_cast %parallel_loop3A_956 : i32 to index
        %parallel_loop3A_958 = arith.index_cast %parallel_loop3A_218 : i32 to index
        %parallel_loop3A_959 = arith.constant 112 : index
        %parallel_loop3A_960 = tpu.vector_load %arg11[%parallel_loop3A_957, %parallel_loop3A_958, %parallel_loop3A_959] {strides = array<i32>} : memref<2x16x768xf32, #tpu.memory_space<vmem>>, vector<1x1x16xf32>,
        %parallel_loop3A_961 = vector.shape_cast %parallel_loop3A_960 : vector<1x1x16xf32> to vector<16xf32>
        %parallel_loop3A_962 = tpu.bitcast %parallel_loop3A_955 : vector<16xf32> -> vector<16xi32>
        %parallel_loop3A_963 = tpu.bitcast %parallel_loop3A_961 : vector<16xf32> -> vector<16xi32>
        %parallel_loop3A_964 = arith.constant -65536 : i32
        %parallel_loop3A_965 = vector.broadcast %parallel_loop3A_964 : i32 to vector<16xi32>
        %parallel_loop3A_966 = arith.andi %parallel_loop3A_963, %parallel_loop3A_965 : vector<16xi32>
        %parallel_loop3A_967 = arith.constant 16 : i32
        %parallel_loop3A_968 = vector.broadcast %parallel_loop3A_967 : i32 to vector<16xi32>
        %parallel_loop3A_969 = arith.shrui %parallel_loop3A_962, %parallel_loop3A_968 : vector<16xi32>
        %parallel_loop3A_970 = arith.ori %parallel_loop3A_966, %parallel_loop3A_969 : vector<16xi32>
        %parallel_loop3A_971 = tpu.bitcast %parallel_loop3A_970 : vector<16xi32> -> vector<16xf32>
        %parallel_loop3A_972 = arith.index_cast %parallel_loop3A_220 : i32 to index
        %parallel_loop3A_973 = arith.constant 48 : index
        %parallel_loop3A_974 = tpu.vector_load %arg13[%parallel_loop3A_972, %parallel_loop3A_973] {strides = array<i32>} : memref<32x384xf32, #tpu.memory_space<vmem>>, vector<1x16xf32>,
        %parallel_loop3A_975 = vector.shape_cast %parallel_loop3A_974 : vector<1x16xf32> to vector<16xf32>
        %parallel_loop3A_976 = vector.shape_cast %parallel_loop3A_971 : vector<16xf32> to vector<1x16xf32>
        tpu.vector_store %arg13[%parallel_loop3A_972, %parallel_loop3A_973], %parallel_loop3A_976 {strides = array<i32>} : memref<32x384xf32, #tpu.memory_space<vmem>>, vector<1x16xf32>,
        %parallel_loop3A_977 = arith.constant 0 : i32
        %parallel_loop3A_978 = arith.index_cast %parallel_loop3A_977 : i32 to index
        %parallel_loop3A_979 = arith.index_cast %parallel_loop3A_218 : i32 to index
        %parallel_loop3A_980 = arith.constant 128 : index
        %parallel_loop3A_981 = tpu.vector_load %arg11[%parallel_loop3A_978, %parallel_loop3A_979, %parallel_loop3A_980] {strides = array<i32>} : memref<2x16x768xf32, #tpu.memory_space<vmem>>, vector<1x1x16xf32>,
        %parallel_loop3A_982 = vector.shape_cast %parallel_loop3A_981 : vector<1x1x16xf32> to vector<16xf32>
        %parallel_loop3A_983 = arith.constant 0 : i32
        %parallel_loop3A_984 = arith.index_cast %parallel_loop3A_983 : i32 to index
        %parallel_loop3A_985 = arith.index_cast %parallel_loop3A_218 : i32 to index
        %parallel_loop3A_986 = arith.constant 144 : index
        %parallel_loop3A_987 = tpu.vector_load %arg11[%parallel_loop3A_984, %parallel_loop3A_985, %parallel_loop3A_986] {strides = array<i32>} : memref<2x16x768xf32, #tpu.memory_space<vmem>>, vector<1x1x16xf32>,
        %parallel_loop3A_988 = vector.shape_cast %parallel_loop3A_987 : vector<1x1x16xf32> to vector<16xf32>
        %parallel_loop3A_989 = tpu.bitcast %parallel_loop3A_982 : vector<16xf32> -> vector<16xi32>
        %parallel_loop3A_990 = tpu.bitcast %parallel_loop3A_988 : vector<16xf32> -> vector<16xi32>
        %parallel_loop3A_991 = arith.constant -65536 : i32
        %parallel_loop3A_992 = vector.broadcast %parallel_loop3A_991 : i32 to vector<16xi32>
        %parallel_loop3A_993 = arith.andi %parallel_loop3A_990, %parallel_loop3A_992 : vector<16xi32>
        %parallel_loop3A_994 = arith.constant 16 : i32
        %parallel_loop3A_995 = vector.broadcast %parallel_loop3A_994 : i32 to vector<16xi32>
        %parallel_loop3A_996 = arith.shrui %parallel_loop3A_989, %parallel_loop3A_995 : vector<16xi32>
        %parallel_loop3A_997 = arith.ori %parallel_loop3A_993, %parallel_loop3A_996 : vector<16xi32>
        %parallel_loop3A_998 = tpu.bitcast %parallel_loop3A_997 : vector<16xi32> -> vector<16xf32>
        %parallel_loop3A_999 = arith.index_cast %parallel_loop3A_220 : i32 to index
        %parallel_loop3A_1000 = arith.constant 64 : index
        %parallel_loop3A_1001 = tpu.vector_load %arg13[%parallel_loop3A_999, %parallel_loop3A_1000] {strides = array<i32>} : memref<32x384xf32, #tpu.memory_space<vmem>>, vector<1x16xf32>,
        %parallel_loop3A_1002 = vector.shape_cast %parallel_loop3A_1001 : vector<1x16xf32> to vector<16xf32>
        %parallel_loop3A_1003 = vector.shape_cast %parallel_loop3A_998 : vector<16xf32> to vector<1x16xf32>
        tpu.vector_store %arg13[%parallel_loop3A_999, %parallel_loop3A_1000], %parallel_loop3A_1003 {strides = array<i32>} : memref<32x384xf32, #tpu.memory_space<vmem>>, vector<1x16xf32>,
        %parallel_loop3A_1004 = arith.constant 0 : i32
        %parallel_loop3A_1005 = arith.index_cast %parallel_loop3A_1004 : i32 to index
        %parallel_loop3A_1006 = arith.index_cast %parallel_loop3A_218 : i32 to index
        %parallel_loop3A_1007 = arith.constant 160 : index
        %parallel_loop3A_1008 = tpu.vector_load %arg11[%parallel_loop3A_1005, %parallel_loop3A_1006, %parallel_loop3A_1007] {strides = array<i32>} : memref<2x16x768xf32, #tpu.memory_space<vmem>>, vector<1x1x16xf32>,
        %parallel_loop3A_1009 = vector.shape_cast %parallel_loop3A_1008 : vector<1x1x16xf32> to vector<16xf32>
        %parallel_loop3A_1010 = arith.constant 0 : i32
        %parallel_loop3A_1011 = arith.index_cast %parallel_loop3A_1010 : i32 to index
        %parallel_loop3A_1012 = arith.index_cast %parallel_loop3A_218 : i32 to index
        %parallel_loop3A_1013 = arith.constant 176 : index
        %parallel_loop3A_1014 = tpu.vector_load %arg11[%parallel_loop3A_1011, %parallel_loop3A_1012, %parallel_loop3A_1013] {strides = array<i32>} : memref<2x16x768xf32, #tpu.memory_space<vmem>>, vector<1x1x16xf32>,
        %parallel_loop3A_1015 = vector.shape_cast %parallel_loop3A_1014 : vector<1x1x16xf32> to vector<16xf32>
        %parallel_loop3A_1016 = tpu.bitcast %parallel_loop3A_1009 : vector<16xf32> -> vector<16xi32>
        %parallel_loop3A_1017 = tpu.bitcast %parallel_loop3A_1015 : vector<16xf32> -> vector<16xi32>
        %parallel_loop3A_1018 = arith.constant -65536 : i32
        %parallel_loop3A_1019 = vector.broadcast %parallel_loop3A_1018 : i32 to vector<16xi32>
        %parallel_loop3A_1020 = arith.andi %parallel_loop3A_1017, %parallel_loop3A_1019 : vector<16xi32>
        %parallel_loop3A_1021 = arith.constant 16 : i32
        %parallel_loop3A_1022 = vector.broadcast %parallel_loop3A_1021 : i32 to vector<16xi32>
        %parallel_loop3A_1023 = arith.shrui %parallel_loop3A_1016, %parallel_loop3A_1022 : vector<16xi32>
        %parallel_loop3A_1024 = arith.ori %parallel_loop3A_1020, %parallel_loop3A_1023 : vector<16xi32>
        %parallel_loop3A_1025 = tpu.bitcast %parallel_loop3A_1024 : vector<16xi32> -> vector<16xf32>
        %parallel_loop3A_1026 = arith.index_cast %parallel_loop3A_220 : i32 to index
        %parallel_loop3A_1027 = arith.constant 80 : index
        %parallel_loop3A_1028 = tpu.vector_load %arg13[%parallel_loop3A_1026, %parallel_loop3A_1027] {strides = array<i32>} : memref<32x384xf32, #tpu.memory_space<vmem>>, vector<1x16xf32>,
        %parallel_loop3A_1029 = vector.shape_cast %parallel_loop3A_1028 : vector<1x16xf32> to vector<16xf32>
        %parallel_loop3A_1030 = vector.shape_cast %parallel_loop3A_1025 : vector<16xf32> to vector<1x16xf32>
        tpu.vector_store %arg13[%parallel_loop3A_1026, %parallel_loop3A_1027], %parallel_loop3A_1030 {strides = array<i32>} : memref<32x384xf32, #tpu.memory_space<vmem>>, vector<1x16xf32>,
        %parallel_loop3A_1031 = arith.constant 0 : i32
        %parallel_loop3A_1032 = arith.index_cast %parallel_loop3A_1031 : i32 to index
        %parallel_loop3A_1033 = arith.index_cast %parallel_loop3A_218 : i32 to index
        %parallel_loop3A_1034 = arith.constant 192 : index
        %parallel_loop3A_1035 = tpu.vector_load %arg11[%parallel_loop3A_1032, %parallel_loop3A_1033, %parallel_loop3A_1034] {strides = array<i32>} : memref<2x16x768xf32, #tpu.memory_space<vmem>>, vector<1x1x16xf32>,
        %parallel_loop3A_1036 = vector.shape_cast %parallel_loop3A_1035 : vector<1x1x16xf32> to vector<16xf32>
        %parallel_loop3A_1037 = arith.constant 0 : i32
        %parallel_loop3A_1038 = arith.index_cast %parallel_loop3A_1037 : i32 to index
        %parallel_loop3A_1039 = arith.index_cast %parallel_loop3A_218 : i32 to index
        %parallel_loop3A_1040 = arith.constant 208 : index
        %parallel_loop3A_1041 = tpu.vector_load %arg11[%parallel_loop3A_1038, %parallel_loop3A_1039, %parallel_loop3A_1040] {strides = array<i32>} : memref<2x16x768xf32, #tpu.memory_space<vmem>>, vector<1x1x16xf32>,
        %parallel_loop3A_1042 = vector.shape_cast %parallel_loop3A_1041 : vector<1x1x16xf32> to vector<16xf32>
        %parallel_loop3A_1043 = tpu.bitcast %parallel_loop3A_1036 : vector<16xf32> -> vector<16xi32>
        %parallel_loop3A_1044 = tpu.bitcast %parallel_loop3A_1042 : vector<16xf32> -> vector<16xi32>
        %parallel_loop3A_1045 = arith.constant -65536 : i32
        %parallel_loop3A_1046 = vector.broadcast %parallel_loop3A_1045 : i32 to vector<16xi32>
        %parallel_loop3A_1047 = arith.andi %parallel_loop3A_1044, %parallel_loop3A_1046 : vector<16xi32>
        %parallel_loop3A_1048 = arith.constant 16 : i32
        %parallel_loop3A_1049 = vector.broadcast %parallel_loop3A_1048 : i32 to vector<16xi32>
        %parallel_loop3A_1050 = arith.shrui %parallel_loop3A_1043, %parallel_loop3A_1049 : vector<16xi32>
        %parallel_loop3A_1051 = arith.ori %parallel_loop3A_1047, %parallel_loop3A_1050 : vector<16xi32>
        %parallel_loop3A_1052 = tpu.bitcast %parallel_loop3A_1051 : vector<16xi32> -> vector<16xf32>
        %parallel_loop3A_1053 = arith.index_cast %parallel_loop3A_220 : i32 to index
        %parallel_loop3A_1054 = arith.constant 96 : index
        %parallel_loop3A_1055 = tpu.vector_load %arg13[%parallel_loop3A_1053, %parallel_loop3A_1054] {strides = array<i32>} : memref<32x384xf32, #tpu.memory_space<vmem>>, vector<1x16xf32>,
        %parallel_loop3A_1056 = vector.shape_cast %parallel_loop3A_1055 : vector<1x16xf32> to vector<16xf32>
        %parallel_loop3A_1057 = vector.shape_cast %parallel_loop3A_1052 : vector<16xf32> to vector<1x16xf32>
        tpu.vector_store %arg13[%parallel_loop3A_1053, %parallel_loop3A_1054], %parallel_loop3A_1057 {strides = array<i32>} : memref<32x384xf32, #tpu.memory_space<vmem>>, vector<1x16xf32>,
        %parallel_loop3A_1058 = arith.constant 0 : i32
        %parallel_loop3A_1059 = arith.index_cast %parallel_loop3A_1058 : i32 to index
        %parallel_loop3A_1060 = arith.index_cast %parallel_loop3A_218 : i32 to index
        %parallel_loop3A_1061 = arith.constant 224 : index
        %parallel_loop3A_1062 = tpu.vector_load %arg11[%parallel_loop3A_1059, %parallel_loop3A_1060, %parallel_loop3A_1061] {strides = array<i32>} : memref<2x16x768xf32, #tpu.memory_space<vmem>>, vector<1x1x16xf32>,
        %parallel_loop3A_1063 = vector.shape_cast %parallel_loop3A_1062 : vector<1x1x16xf32> to vector<16xf32>
        %parallel_loop3A_1064 = arith.constant 0 : i32
        %parallel_loop3A_1065 = arith.index_cast %parallel_loop3A_1064 : i32 to index
        %parallel_loop3A_1066 = arith.index_cast %parallel_loop3A_218 : i32 to index
        %parallel_loop3A_1067 = arith.constant 240 : index
        %parallel_loop3A_1068 = tpu.vector_load %arg11[%parallel_loop3A_1065, %parallel_loop3A_1066, %parallel_loop3A_1067] {strides = array<i32>} : memref<2x16x768xf32, #tpu.memory_space<vmem>>, vector<1x1x16xf32>,
        %parallel_loop3A_1069 = vector.shape_cast %parallel_loop3A_1068 : vector<1x1x16xf32> to vector<16xf32>
        %parallel_loop3A_1070 = tpu.bitcast %parallel_loop3A_1063 : vector<16xf32> -> vector<16xi32>
        %parallel_loop3A_1071 = tpu.bitcast %parallel_loop3A_1069 : vector<16xf32> -> vector<16xi32>
        %parallel_loop3A_1072 = arith.constant -65536 : i32
        %parallel_loop3A_1073 = vector.broadcast %parallel_loop3A_1072 : i32 to vector<16xi32>
        %parallel_loop3A_1074 = arith.andi %parallel_loop3A_1071, %parallel_loop3A_1073 : vector<16xi32>
        %parallel_loop3A_1075 = arith.constant 16 : i32
        %parallel_loop3A_1076 = vector.broadcast %parallel_loop3A_1075 : i32 to vector<16xi32>
        %parallel_loop3A_1077 = arith.shrui %parallel_loop3A_1070, %parallel_loop3A_1076 : vector<16xi32>
        %parallel_loop3A_1078 = arith.ori %parallel_loop3A_1074, %parallel_loop3A_1077 : vector<16xi32>
        %parallel_loop3A_1079 = tpu.bitcast %parallel_loop3A_1078 : vector<16xi32> -> vector<16xf32>
        %parallel_loop3A_1080 = arith.index_cast %parallel_loop3A_220 : i32 to index
        %parallel_loop3A_1081 = arith.constant 112 : index
        %parallel_loop3A_1082 = tpu.vector_load %arg13[%parallel_loop3A_1080, %parallel_loop3A_1081] {strides = array<i32>} : memref<32x384xf32, #tpu.memory_space<vmem>>, vector<1x16xf32>,
        %parallel_loop3A_1083 = vector.shape_cast %parallel_loop3A_1082 : vector<1x16xf32> to vector<16xf32>
        %parallel_loop3A_1084 = vector.shape_cast %parallel_loop3A_1079 : vector<16xf32> to vector<1x16xf32>
        tpu.vector_store %arg13[%parallel_loop3A_1080, %parallel_loop3A_1081], %parallel_loop3A_1084 {strides = array<i32>} : memref<32x384xf32, #tpu.memory_space<vmem>>, vector<1x16xf32>,
        %parallel_loop3A_1085 = arith.constant 0 : i32
        %parallel_loop3A_1086 = arith.index_cast %parallel_loop3A_1085 : i32 to index
        %parallel_loop3A_1087 = arith.index_cast %parallel_loop3A_218 : i32 to index
        %parallel_loop3A_1088 = arith.constant 256 : index
        %parallel_loop3A_1089 = tpu.vector_load %arg11[%parallel_loop3A_1086, %parallel_loop3A_1087, %parallel_loop3A_1088] {strides = array<i32>} : memref<2x16x768xf32, #tpu.memory_space<vmem>>, vector<1x1x16xf32>,
        %parallel_loop3A_1090 = vector.shape_cast %parallel_loop3A_1089 : vector<1x1x16xf32> to vector<16xf32>
        %parallel_loop3A_1091 = arith.constant 0 : i32
        %parallel_loop3A_1092 = arith.index_cast %parallel_loop3A_1091 : i32 to index
        %parallel_loop3A_1093 = arith.index_cast %parallel_loop3A_218 : i32 to index
        %parallel_loop3A_1094 = arith.constant 272 : index
        %parallel_loop3A_1095 = tpu.vector_load %arg11[%parallel_loop3A_1092, %parallel_loop3A_1093, %parallel_loop3A_1094] {strides = array<i32>} : memref<2x16x768xf32, #tpu.memory_space<vmem>>, vector<1x1x16xf32>,
        %parallel_loop3A_1096 = vector.shape_cast %parallel_loop3A_1095 : vector<1x1x16xf32> to vector<16xf32>
        %parallel_loop3A_1097 = tpu.bitcast %parallel_loop3A_1090 : vector<16xf32> -> vector<16xi32>
        %parallel_loop3A_1098 = tpu.bitcast %parallel_loop3A_1096 : vector<16xf32> -> vector<16xi32>
        %parallel_loop3A_1099 = arith.constant -65536 : i32
        %parallel_loop3A_1100 = vector.broadcast %parallel_loop3A_1099 : i32 to vector<16xi32>
        %parallel_loop3A_1101 = arith.andi %parallel_loop3A_1098, %parallel_loop3A_1100 : vector<16xi32>
        %parallel_loop3A_1102 = arith.constant 16 : i32
        %parallel_loop3A_1103 = vector.broadcast %parallel_loop3A_1102 : i32 to vector<16xi32>
        %parallel_loop3A_1104 = arith.shrui %parallel_loop3A_1097, %parallel_loop3A_1103 : vector<16xi32>
        %parallel_loop3A_1105 = arith.ori %parallel_loop3A_1101, %parallel_loop3A_1104 : vector<16xi32>
        %parallel_loop3A_1106 = tpu.bitcast %parallel_loop3A_1105 : vector<16xi32> -> vector<16xf32>
        %parallel_loop3A_1107 = arith.index_cast %parallel_loop3A_220 : i32 to index
        %parallel_loop3A_1108 = arith.constant 128 : index
        %parallel_loop3A_1109 = tpu.vector_load %arg13[%parallel_loop3A_1107, %parallel_loop3A_1108] {strides = array<i32>} : memref<32x384xf32, #tpu.memory_space<vmem>>, vector<1x16xf32>,
        %parallel_loop3A_1110 = vector.shape_cast %parallel_loop3A_1109 : vector<1x16xf32> to vector<16xf32>
        %parallel_loop3A_1111 = vector.shape_cast %parallel_loop3A_1106 : vector<16xf32> to vector<1x16xf32>
        tpu.vector_store %arg13[%parallel_loop3A_1107, %parallel_loop3A_1108], %parallel_loop3A_1111 {strides = array<i32>} : memref<32x384xf32, #tpu.memory_space<vmem>>, vector<1x16xf32>,
        %parallel_loop3A_1112 = arith.constant 0 : i32
        %parallel_loop3A_1113 = arith.index_cast %parallel_loop3A_1112 : i32 to index
        %parallel_loop3A_1114 = arith.index_cast %parallel_loop3A_218 : i32 to index
        %parallel_loop3A_1115 = arith.constant 288 : index
        %parallel_loop3A_1116 = tpu.vector_load %arg11[%parallel_loop3A_1113, %parallel_loop3A_1114, %parallel_loop3A_1115] {strides = array<i32>} : memref<2x16x768xf32, #tpu.memory_space<vmem>>, vector<1x1x16xf32>,
        %parallel_loop3A_1117 = vector.shape_cast %parallel_loop3A_1116 : vector<1x1x16xf32> to vector<16xf32>
        %parallel_loop3A_1118 = arith.constant 0 : i32
        %parallel_loop3A_1119 = arith.index_cast %parallel_loop3A_1118 : i32 to index
        %parallel_loop3A_1120 = arith.index_cast %parallel_loop3A_218 : i32 to index
        %parallel_loop3A_1121 = arith.constant 304 : index
        %parallel_loop3A_1122 = tpu.vector_load %arg11[%parallel_loop3A_1119, %parallel_loop3A_1120, %parallel_loop3A_1121] {strides = array<i32>} : memref<2x16x768xf32, #tpu.memory_space<vmem>>, vector<1x1x16xf32>,
        %parallel_loop3A_1123 = vector.shape_cast %parallel_loop3A_1122 : vector<1x1x16xf32> to vector<16xf32>
        %parallel_loop3A_1124 = tpu.bitcast %parallel_loop3A_1117 : vector<16xf32> -> vector<16xi32>
        %parallel_loop3A_1125 = tpu.bitcast %parallel_loop3A_1123 : vector<16xf32> -> vector<16xi32>
        %parallel_loop3A_1126 = arith.constant -65536 : i32
        %parallel_loop3A_1127 = vector.broadcast %parallel_loop3A_1126 : i32 to vector<16xi32>
        %parallel_loop3A_1128 = arith.andi %parallel_loop3A_1125, %parallel_loop3A_1127 : vector<16xi32>
        %parallel_loop3A_1129 = arith.constant 16 : i32
        %parallel_loop3A_1130 = vector.broadcast %parallel_loop3A_1129 : i32 to vector<16xi32>
        %parallel_loop3A_1131 = arith.shrui %parallel_loop3A_1124, %parallel_loop3A_1130 : vector<16xi32>
        %parallel_loop3A_1132 = arith.ori %parallel_loop3A_1128, %parallel_loop3A_1131 : vector<16xi32>
        %parallel_loop3A_1133 = tpu.bitcast %parallel_loop3A_1132 : vector<16xi32> -> vector<16xf32>
        %parallel_loop3A_1134 = arith.index_cast %parallel_loop3A_220 : i32 to index
        %parallel_loop3A_1135 = arith.constant 144 : index
        %parallel_loop3A_1136 = tpu.vector_load %arg13[%parallel_loop3A_1134, %parallel_loop3A_1135] {strides = array<i32>} : memref<32x384xf32, #tpu.memory_space<vmem>>, vector<1x16xf32>,
        %parallel_loop3A_1137 = vector.shape_cast %parallel_loop3A_1136 : vector<1x16xf32> to vector<16xf32>
        %parallel_loop3A_1138 = vector.shape_cast %parallel_loop3A_1133 : vector<16xf32> to vector<1x16xf32>
        tpu.vector_store %arg13[%parallel_loop3A_1134, %parallel_loop3A_1135], %parallel_loop3A_1138 {strides = array<i32>} : memref<32x384xf32, #tpu.memory_space<vmem>>, vector<1x16xf32>,
        %parallel_loop3A_1139 = arith.constant 0 : i32
        %parallel_loop3A_1140 = arith.index_cast %parallel_loop3A_1139 : i32 to index
        %parallel_loop3A_1141 = arith.index_cast %parallel_loop3A_218 : i32 to index
        %parallel_loop3A_1142 = arith.constant 320 : index
        %parallel_loop3A_1143 = tpu.vector_load %arg11[%parallel_loop3A_1140, %parallel_loop3A_1141, %parallel_loop3A_1142] {strides = array<i32>} : memref<2x16x768xf32, #tpu.memory_space<vmem>>, vector<1x1x16xf32>,
        %parallel_loop3A_1144 = vector.shape_cast %parallel_loop3A_1143 : vector<1x1x16xf32> to vector<16xf32>
        %parallel_loop3A_1145 = arith.constant 0 : i32
        %parallel_loop3A_1146 = arith.index_cast %parallel_loop3A_1145 : i32 to index
        %parallel_loop3A_1147 = arith.index_cast %parallel_loop3A_218 : i32 to index
        %parallel_loop3A_1148 = arith.constant 336 : index
        %parallel_loop3A_1149 = tpu.vector_load %arg11[%parallel_loop3A_1146, %parallel_loop3A_1147, %parallel_loop3A_1148] {strides = array<i32>} : memref<2x16x768xf32, #tpu.memory_space<vmem>>, vector<1x1x16xf32>,
        %parallel_loop3A_1150 = vector.shape_cast %parallel_loop3A_1149 : vector<1x1x16xf32> to vector<16xf32>
        %parallel_loop3A_1151 = tpu.bitcast %parallel_loop3A_1144 : vector<16xf32> -> vector<16xi32>
        %parallel_loop3A_1152 = tpu.bitcast %parallel_loop3A_1150 : vector<16xf32> -> vector<16xi32>
        %parallel_loop3A_1153 = arith.constant -65536 : i32
        %parallel_loop3A_1154 = vector.broadcast %parallel_loop3A_1153 : i32 to vector<16xi32>
        %parallel_loop3A_1155 = arith.andi %parallel_loop3A_1152, %parallel_loop3A_1154 : vector<16xi32>
        %parallel_loop3A_1156 = arith.constant 16 : i32
        %parallel_loop3A_1157 = vector.broadcast %parallel_loop3A_1156 : i32 to vector<16xi32>
        %parallel_loop3A_1158 = arith.shrui %parallel_loop3A_1151, %parallel_loop3A_1157 : vector<16xi32>
        %parallel_loop3A_1159 = arith.ori %parallel_loop3A_1155, %parallel_loop3A_1158 : vector<16xi32>
        %parallel_loop3A_1160 = tpu.bitcast %parallel_loop3A_1159 : vector<16xi32> -> vector<16xf32>
        %parallel_loop3A_1161 = arith.index_cast %parallel_loop3A_220 : i32 to index
        %parallel_loop3A_1162 = arith.constant 160 : index
        %parallel_loop3A_1163 = tpu.vector_load %arg13[%parallel_loop3A_1161, %parallel_loop3A_1162] {strides = array<i32>} : memref<32x384xf32, #tpu.memory_space<vmem>>, vector<1x16xf32>,
        %parallel_loop3A_1164 = vector.shape_cast %parallel_loop3A_1163 : vector<1x16xf32> to vector<16xf32>
        %parallel_loop3A_1165 = vector.shape_cast %parallel_loop3A_1160 : vector<16xf32> to vector<1x16xf32>
        tpu.vector_store %arg13[%parallel_loop3A_1161, %parallel_loop3A_1162], %parallel_loop3A_1165 {strides = array<i32>} : memref<32x384xf32, #tpu.memory_space<vmem>>, vector<1x16xf32>,
        %parallel_loop3A_1166 = arith.constant 0 : i32
        %parallel_loop3A_1167 = arith.index_cast %parallel_loop3A_1166 : i32 to index
        %parallel_loop3A_1168 = arith.index_cast %parallel_loop3A_218 : i32 to index
        %parallel_loop3A_1169 = arith.constant 352 : index
        %parallel_loop3A_1170 = tpu.vector_load %arg11[%parallel_loop3A_1167, %parallel_loop3A_1168, %parallel_loop3A_1169] {strides = array<i32>} : memref<2x16x768xf32, #tpu.memory_space<vmem>>, vector<1x1x16xf32>,
        %parallel_loop3A_1171 = vector.shape_cast %parallel_loop3A_1170 : vector<1x1x16xf32> to vector<16xf32>
        %parallel_loop3A_1172 = arith.constant 0 : i32
        %parallel_loop3A_1173 = arith.index_cast %parallel_loop3A_1172 : i32 to index
        %parallel_loop3A_1174 = arith.index_cast %parallel_loop3A_218 : i32 to index
        %parallel_loop3A_1175 = arith.constant 368 : index
        %parallel_loop3A_1176 = tpu.vector_load %arg11[%parallel_loop3A_1173, %parallel_loop3A_1174, %parallel_loop3A_1175] {strides = array<i32>} : memref<2x16x768xf32, #tpu.memory_space<vmem>>, vector<1x1x16xf32>,
        %parallel_loop3A_1177 = vector.shape_cast %parallel_loop3A_1176 : vector<1x1x16xf32> to vector<16xf32>
        %parallel_loop3A_1178 = tpu.bitcast %parallel_loop3A_1171 : vector<16xf32> -> vector<16xi32>
        %parallel_loop3A_1179 = tpu.bitcast %parallel_loop3A_1177 : vector<16xf32> -> vector<16xi32>
        %parallel_loop3A_1180 = arith.constant -65536 : i32
        %parallel_loop3A_1181 = vector.broadcast %parallel_loop3A_1180 : i32 to vector<16xi32>
        %parallel_loop3A_1182 = arith.andi %parallel_loop3A_1179, %parallel_loop3A_1181 : vector<16xi32>
        %parallel_loop3A_1183 = arith.constant 16 : i32
        %parallel_loop3A_1184 = vector.broadcast %parallel_loop3A_1183 : i32 to vector<16xi32>
        %parallel_loop3A_1185 = arith.shrui %parallel_loop3A_1178, %parallel_loop3A_1184 : vector<16xi32>
        %parallel_loop3A_1186 = arith.ori %parallel_loop3A_1182, %parallel_loop3A_1185 : vector<16xi32>
        %parallel_loop3A_1187 = tpu.bitcast %parallel_loop3A_1186 : vector<16xi32> -> vector<16xf32>
        %parallel_loop3A_1188 = arith.index_cast %parallel_loop3A_220 : i32 to index
        %parallel_loop3A_1189 = arith.constant 176 : index
        %parallel_loop3A_1190 = tpu.vector_load %arg13[%parallel_loop3A_1188, %parallel_loop3A_1189] {strides = array<i32>} : memref<32x384xf32, #tpu.memory_space<vmem>>, vector<1x16xf32>,
        %parallel_loop3A_1191 = vector.shape_cast %parallel_loop3A_1190 : vector<1x16xf32> to vector<16xf32>
        %parallel_loop3A_1192 = vector.shape_cast %parallel_loop3A_1187 : vector<16xf32> to vector<1x16xf32>
        tpu.vector_store %arg13[%parallel_loop3A_1188, %parallel_loop3A_1189], %parallel_loop3A_1192 {strides = array<i32>} : memref<32x384xf32, #tpu.memory_space<vmem>>, vector<1x16xf32>,
        %parallel_loop3A_1193 = arith.constant 0 : i32
        %parallel_loop3A_1194 = arith.index_cast %parallel_loop3A_1193 : i32 to index
        %parallel_loop3A_1195 = arith.index_cast %parallel_loop3A_218 : i32 to index
        %parallel_loop3A_1196 = arith.constant 384 : index
        %parallel_loop3A_1197 = tpu.vector_load %arg11[%parallel_loop3A_1194, %parallel_loop3A_1195, %parallel_loop3A_1196] {strides = array<i32>} : memref<2x16x768xf32, #tpu.memory_space<vmem>>, vector<1x1x16xf32>,
        %parallel_loop3A_1198 = vector.shape_cast %parallel_loop3A_1197 : vector<1x1x16xf32> to vector<16xf32>
        %parallel_loop3A_1199 = arith.constant 0 : i32
        %parallel_loop3A_1200 = arith.index_cast %parallel_loop3A_1199 : i32 to index
        %parallel_loop3A_1201 = arith.index_cast %parallel_loop3A_218 : i32 to index
        %parallel_loop3A_1202 = arith.constant 400 : index
        %parallel_loop3A_1203 = tpu.vector_load %arg11[%parallel_loop3A_1200, %parallel_loop3A_1201, %parallel_loop3A_1202] {strides = array<i32>} : memref<2x16x768xf32, #tpu.memory_space<vmem>>, vector<1x1x16xf32>,
        %parallel_loop3A_1204 = vector.shape_cast %parallel_loop3A_1203 : vector<1x1x16xf32> to vector<16xf32>
        %parallel_loop3A_1205 = tpu.bitcast %parallel_loop3A_1198 : vector<16xf32> -> vector<16xi32>
        %parallel_loop3A_1206 = tpu.bitcast %parallel_loop3A_1204 : vector<16xf32> -> vector<16xi32>
        %parallel_loop3A_1207 = arith.constant -65536 : i32
        %parallel_loop3A_1208 = vector.broadcast %parallel_loop3A_1207 : i32 to vector<16xi32>
        %parallel_loop3A_1209 = arith.andi %parallel_loop3A_1206, %parallel_loop3A_1208 : vector<16xi32>
        %parallel_loop3A_1210 = arith.constant 16 : i32
        %parallel_loop3A_1211 = vector.broadcast %parallel_loop3A_1210 : i32 to vector<16xi32>
        %parallel_loop3A_1212 = arith.shrui %parallel_loop3A_1205, %parallel_loop3A_1211 : vector<16xi32>
        %parallel_loop3A_1213 = arith.ori %parallel_loop3A_1209, %parallel_loop3A_1212 : vector<16xi32>
        %parallel_loop3A_1214 = tpu.bitcast %parallel_loop3A_1213 : vector<16xi32> -> vector<16xf32>
        %parallel_loop3A_1215 = arith.index_cast %parallel_loop3A_220 : i32 to index
        %parallel_loop3A_1216 = arith.constant 192 : index
        %parallel_loop3A_1217 = tpu.vector_load %arg13[%parallel_loop3A_1215, %parallel_loop3A_1216] {strides = array<i32>} : memref<32x384xf32, #tpu.memory_space<vmem>>, vector<1x16xf32>,
        %parallel_loop3A_1218 = vector.shape_cast %parallel_loop3A_1217 : vector<1x16xf32> to vector<16xf32>
        %parallel_loop3A_1219 = vector.shape_cast %parallel_loop3A_1214 : vector<16xf32> to vector<1x16xf32>
        tpu.vector_store %arg13[%parallel_loop3A_1215, %parallel_loop3A_1216], %parallel_loop3A_1219 {strides = array<i32>} : memref<32x384xf32, #tpu.memory_space<vmem>>, vector<1x16xf32>,
        %parallel_loop3A_1220 = arith.constant 0 : i32
        %parallel_loop3A_1221 = arith.index_cast %parallel_loop3A_1220 : i32 to index
        %parallel_loop3A_1222 = arith.index_cast %parallel_loop3A_218 : i32 to index
        %parallel_loop3A_1223 = arith.constant 416 : index
        %parallel_loop3A_1224 = tpu.vector_load %arg11[%parallel_loop3A_1221, %parallel_loop3A_1222, %parallel_loop3A_1223] {strides = array<i32>} : memref<2x16x768xf32, #tpu.memory_space<vmem>>, vector<1x1x16xf32>,
        %parallel_loop3A_1225 = vector.shape_cast %parallel_loop3A_1224 : vector<1x1x16xf32> to vector<16xf32>
        %parallel_loop3A_1226 = arith.constant 0 : i32
        %parallel_loop3A_1227 = arith.index_cast %parallel_loop3A_1226 : i32 to index
        %parallel_loop3A_1228 = arith.index_cast %parallel_loop3A_218 : i32 to index
        %parallel_loop3A_1229 = arith.constant 432 : index
        %parallel_loop3A_1230 = tpu.vector_load %arg11[%parallel_loop3A_1227, %parallel_loop3A_1228, %parallel_loop3A_1229] {strides = array<i32>} : memref<2x16x768xf32, #tpu.memory_space<vmem>>, vector<1x1x16xf32>,
        %parallel_loop3A_1231 = vector.shape_cast %parallel_loop3A_1230 : vector<1x1x16xf32> to vector<16xf32>
        %parallel_loop3A_1232 = tpu.bitcast %parallel_loop3A_1225 : vector<16xf32> -> vector<16xi32>
        %parallel_loop3A_1233 = tpu.bitcast %parallel_loop3A_1231 : vector<16xf32> -> vector<16xi32>
        %parallel_loop3A_1234 = arith.constant -65536 : i32
        %parallel_loop3A_1235 = vector.broadcast %parallel_loop3A_1234 : i32 to vector<16xi32>
        %parallel_loop3A_1236 = arith.andi %parallel_loop3A_1233, %parallel_loop3A_1235 : vector<16xi32>
        %parallel_loop3A_1237 = arith.constant 16 : i32
        %parallel_loop3A_1238 = vector.broadcast %parallel_loop3A_1237 : i32 to vector<16xi32>
        %parallel_loop3A_1239 = arith.shrui %parallel_loop3A_1232, %parallel_loop3A_1238 : vector<16xi32>
        %parallel_loop3A_1240 = arith.ori %parallel_loop3A_1236, %parallel_loop3A_1239 : vector<16xi32>
        %parallel_loop3A_1241 = tpu.bitcast %parallel_loop3A_1240 : vector<16xi32> -> vector<16xf32>
        %parallel_loop3A_1242 = arith.index_cast %parallel_loop3A_220 : i32 to index
        %parallel_loop3A_1243 = arith.constant 208 : index
        %parallel_loop3A_1244 = tpu.vector_load %arg13[%parallel_loop3A_1242, %parallel_loop3A_1243] {strides = array<i32>} : memref<32x384xf32, #tpu.memory_space<vmem>>, vector<1x16xf32>,
        %parallel_loop3A_1245 = vector.shape_cast %parallel_loop3A_1244 : vector<1x16xf32> to vector<16xf32>
        %parallel_loop3A_1246 = vector.shape_cast %parallel_loop3A_1241 : vector<16xf32> to vector<1x16xf32>
        tpu.vector_store %arg13[%parallel_loop3A_1242, %parallel_loop3A_1243], %parallel_loop3A_1246 {strides = array<i32>} : memref<32x384xf32, #tpu.memory_space<vmem>>, vector<1x16xf32>,
        %parallel_loop3A_1247 = arith.constant 0 : i32
        %parallel_loop3A_1248 = arith.index_cast %parallel_loop3A_1247 : i32 to index
        %parallel_loop3A_1249 = arith.index_cast %parallel_loop3A_218 : i32 to index
        %parallel_loop3A_1250 = arith.constant 448 : index
        %parallel_loop3A_1251 = tpu.vector_load %arg11[%parallel_loop3A_1248, %parallel_loop3A_1249, %parallel_loop3A_1250] {strides = array<i32>} : memref<2x16x768xf32, #tpu.memory_space<vmem>>, vector<1x1x16xf32>,
        %parallel_loop3A_1252 = vector.shape_cast %parallel_loop3A_1251 : vector<1x1x16xf32> to vector<16xf32>
        %parallel_loop3A_1253 = arith.constant 0 : i32
        %parallel_loop3A_1254 = arith.index_cast %parallel_loop3A_1253 : i32 to index
        %parallel_loop3A_1255 = arith.index_cast %parallel_loop3A_218 : i32 to index
        %parallel_loop3A_1256 = arith.constant 464 : index
        %parallel_loop3A_1257 = tpu.vector_load %arg11[%parallel_loop3A_1254, %parallel_loop3A_1255, %parallel_loop3A_1256] {strides = array<i32>} : memref<2x16x768xf32, #tpu.memory_space<vmem>>, vector<1x1x16xf32>,
        %parallel_loop3A_1258 = vector.shape_cast %parallel_loop3A_1257 : vector<1x1x16xf32> to vector<16xf32>
        %parallel_loop3A_1259 = tpu.bitcast %parallel_loop3A_1252 : vector<16xf32> -> vector<16xi32>
        %parallel_loop3A_1260 = tpu.bitcast %parallel_loop3A_1258 : vector<16xf32> -> vector<16xi32>
        %parallel_loop3A_1261 = arith.constant -65536 : i32
        %parallel_loop3A_1262 = vector.broadcast %parallel_loop3A_1261 : i32 to vector<16xi32>
        %parallel_loop3A_1263 = arith.andi %parallel_loop3A_1260, %parallel_loop3A_1262 : vector<16xi32>
        %parallel_loop3A_1264 = arith.constant 16 : i32
        %parallel_loop3A_1265 = vector.broadcast %parallel_loop3A_1264 : i32 to vector<16xi32>
        %parallel_loop3A_1266 = arith.shrui %parallel_loop3A_1259, %parallel_loop3A_1265 : vector<16xi32>
        %parallel_loop3A_1267 = arith.ori %parallel_loop3A_1263, %parallel_loop3A_1266 : vector<16xi32>
        %parallel_loop3A_1268 = tpu.bitcast %parallel_loop3A_1267 : vector<16xi32> -> vector<16xf32>
        %parallel_loop3A_1269 = arith.index_cast %parallel_loop3A_220 : i32 to index
        %parallel_loop3A_1270 = arith.constant 224 : index
        %parallel_loop3A_1271 = tpu.vector_load %arg13[%parallel_loop3A_1269, %parallel_loop3A_1270] {strides = array<i32>} : memref<32x384xf32, #tpu.memory_space<vmem>>, vector<1x16xf32>,
        %parallel_loop3A_1272 = vector.shape_cast %parallel_loop3A_1271 : vector<1x16xf32> to vector<16xf32>
        %parallel_loop3A_1273 = vector.shape_cast %parallel_loop3A_1268 : vector<16xf32> to vector<1x16xf32>
        tpu.vector_store %arg13[%parallel_loop3A_1269, %parallel_loop3A_1270], %parallel_loop3A_1273 {strides = array<i32>} : memref<32x384xf32, #tpu.memory_space<vmem>>, vector<1x16xf32>,
        %parallel_loop3A_1274 = arith.constant 0 : i32
        %parallel_loop3A_1275 = arith.index_cast %parallel_loop3A_1274 : i32 to index
        %parallel_loop3A_1276 = arith.index_cast %parallel_loop3A_218 : i32 to index
        %parallel_loop3A_1277 = arith.constant 480 : index
        %parallel_loop3A_1278 = tpu.vector_load %arg11[%parallel_loop3A_1275, %parallel_loop3A_1276, %parallel_loop3A_1277] {strides = array<i32>} : memref<2x16x768xf32, #tpu.memory_space<vmem>>, vector<1x1x16xf32>,
        %parallel_loop3A_1279 = vector.shape_cast %parallel_loop3A_1278 : vector<1x1x16xf32> to vector<16xf32>
        %parallel_loop3A_1280 = arith.constant 0 : i32
        %parallel_loop3A_1281 = arith.index_cast %parallel_loop3A_1280 : i32 to index
        %parallel_loop3A_1282 = arith.index_cast %parallel_loop3A_218 : i32 to index
        %parallel_loop3A_1283 = arith.constant 496 : index
        %parallel_loop3A_1284 = tpu.vector_load %arg11[%parallel_loop3A_1281, %parallel_loop3A_1282, %parallel_loop3A_1283] {strides = array<i32>} : memref<2x16x768xf32, #tpu.memory_space<vmem>>, vector<1x1x16xf32>,
        %parallel_loop3A_1285 = vector.shape_cast %parallel_loop3A_1284 : vector<1x1x16xf32> to vector<16xf32>
        %parallel_loop3A_1286 = tpu.bitcast %parallel_loop3A_1279 : vector<16xf32> -> vector<16xi32>
        %parallel_loop3A_1287 = tpu.bitcast %parallel_loop3A_1285 : vector<16xf32> -> vector<16xi32>
        %parallel_loop3A_1288 = arith.constant -65536 : i32
        %parallel_loop3A_1289 = vector.broadcast %parallel_loop3A_1288 : i32 to vector<16xi32>
        %parallel_loop3A_1290 = arith.andi %parallel_loop3A_1287, %parallel_loop3A_1289 : vector<16xi32>
        %parallel_loop3A_1291 = arith.constant 16 : i32
        %parallel_loop3A_1292 = vector.broadcast %parallel_loop3A_1291 : i32 to vector<16xi32>
        %parallel_loop3A_1293 = arith.shrui %parallel_loop3A_1286, %parallel_loop3A_1292 : vector<16xi32>
        %parallel_loop3A_1294 = arith.ori %parallel_loop3A_1290, %parallel_loop3A_1293 : vector<16xi32>
        %parallel_loop3A_1295 = tpu.bitcast %parallel_loop3A_1294 : vector<16xi32> -> vector<16xf32>
        %parallel_loop3A_1296 = arith.index_cast %parallel_loop3A_220 : i32 to index
        %parallel_loop3A_1297 = arith.constant 240 : index
        %parallel_loop3A_1298 = tpu.vector_load %arg13[%parallel_loop3A_1296, %parallel_loop3A_1297] {strides = array<i32>} : memref<32x384xf32, #tpu.memory_space<vmem>>, vector<1x16xf32>,
        %parallel_loop3A_1299 = vector.shape_cast %parallel_loop3A_1298 : vector<1x16xf32> to vector<16xf32>
        %parallel_loop3A_1300 = vector.shape_cast %parallel_loop3A_1295 : vector<16xf32> to vector<1x16xf32>
        tpu.vector_store %arg13[%parallel_loop3A_1296, %parallel_loop3A_1297], %parallel_loop3A_1300 {strides = array<i32>} : memref<32x384xf32, #tpu.memory_space<vmem>>, vector<1x16xf32>,
        %parallel_loop3A_1301 = arith.constant 0 : i32
        %parallel_loop3A_1302 = arith.index_cast %parallel_loop3A_1301 : i32 to index
        %parallel_loop3A_1303 = arith.index_cast %parallel_loop3A_218 : i32 to index
        %parallel_loop3A_1304 = arith.constant 512 : index
        %parallel_loop3A_1305 = tpu.vector_load %arg11[%parallel_loop3A_1302, %parallel_loop3A_1303, %parallel_loop3A_1304] {strides = array<i32>} : memref<2x16x768xf32, #tpu.memory_space<vmem>>, vector<1x1x16xf32>,
        %parallel_loop3A_1306 = vector.shape_cast %parallel_loop3A_1305 : vector<1x1x16xf32> to vector<16xf32>
        %parallel_loop3A_1307 = arith.constant 0 : i32
        %parallel_loop3A_1308 = arith.index_cast %parallel_loop3A_1307 : i32 to index
        %parallel_loop3A_1309 = arith.index_cast %parallel_loop3A_218 : i32 to index
        %parallel_loop3A_1310 = arith.constant 528 : index
        %parallel_loop3A_1311 = tpu.vector_load %arg11[%parallel_loop3A_1308, %parallel_loop3A_1309, %parallel_loop3A_1310] {strides = array<i32>} : memref<2x16x768xf32, #tpu.memory_space<vmem>>, vector<1x1x16xf32>,
        %parallel_loop3A_1312 = vector.shape_cast %parallel_loop3A_1311 : vector<1x1x16xf32> to vector<16xf32>
        %parallel_loop3A_1313 = tpu.bitcast %parallel_loop3A_1306 : vector<16xf32> -> vector<16xi32>
        %parallel_loop3A_1314 = tpu.bitcast %parallel_loop3A_1312 : vector<16xf32> -> vector<16xi32>
        %parallel_loop3A_1315 = arith.constant -65536 : i32
        %parallel_loop3A_1316 = vector.broadcast %parallel_loop3A_1315 : i32 to vector<16xi32>
        %parallel_loop3A_1317 = arith.andi %parallel_loop3A_1314, %parallel_loop3A_1316 : vector<16xi32>
        %parallel_loop3A_1318 = arith.constant 16 : i32
        %parallel_loop3A_1319 = vector.broadcast %parallel_loop3A_1318 : i32 to vector<16xi32>
        %parallel_loop3A_1320 = arith.shrui %parallel_loop3A_1313, %parallel_loop3A_1319 : vector<16xi32>
        %parallel_loop3A_1321 = arith.ori %parallel_loop3A_1317, %parallel_loop3A_1320 : vector<16xi32>
        %parallel_loop3A_1322 = tpu.bitcast %parallel_loop3A_1321 : vector<16xi32> -> vector<16xf32>
        %parallel_loop3A_1323 = arith.index_cast %parallel_loop3A_220 : i32 to index
        %parallel_loop3A_1324 = arith.constant 256 : index
        %parallel_loop3A_1325 = tpu.vector_load %arg13[%parallel_loop3A_1323, %parallel_loop3A_1324] {strides = array<i32>} : memref<32x384xf32, #tpu.memory_space<vmem>>, vector<1x16xf32>,
        %parallel_loop3A_1326 = vector.shape_cast %parallel_loop3A_1325 : vector<1x16xf32> to vector<16xf32>
        %parallel_loop3A_1327 = vector.shape_cast %parallel_loop3A_1322 : vector<16xf32> to vector<1x16xf32>
        tpu.vector_store %arg13[%parallel_loop3A_1323, %parallel_loop3A_1324], %parallel_loop3A_1327 {strides = array<i32>} : memref<32x384xf32, #tpu.memory_space<vmem>>, vector<1x16xf32>,
        %parallel_loop3A_1328 = arith.constant 0 : i32
        %parallel_loop3A_1329 = arith.index_cast %parallel_loop3A_1328 : i32 to index
        %parallel_loop3A_1330 = arith.index_cast %parallel_loop3A_218 : i32 to index
        %parallel_loop3A_1331 = arith.constant 544 : index
        %parallel_loop3A_1332 = tpu.vector_load %arg11[%parallel_loop3A_1329, %parallel_loop3A_1330, %parallel_loop3A_1331] {strides = array<i32>} : memref<2x16x768xf32, #tpu.memory_space<vmem>>, vector<1x1x16xf32>,
        %parallel_loop3A_1333 = vector.shape_cast %parallel_loop3A_1332 : vector<1x1x16xf32> to vector<16xf32>
        %parallel_loop3A_1334 = arith.constant 0 : i32
        %parallel_loop3A_1335 = arith.index_cast %parallel_loop3A_1334 : i32 to index
        %parallel_loop3A_1336 = arith.index_cast %parallel_loop3A_218 : i32 to index
        %parallel_loop3A_1337 = arith.constant 560 : index
        %parallel_loop3A_1338 = tpu.vector_load %arg11[%parallel_loop3A_1335, %parallel_loop3A_1336, %parallel_loop3A_1337] {strides = array<i32>} : memref<2x16x768xf32, #tpu.memory_space<vmem>>, vector<1x1x16xf32>,
        %parallel_loop3A_1339 = vector.shape_cast %parallel_loop3A_1338 : vector<1x1x16xf32> to vector<16xf32>
        %parallel_loop3A_1340 = tpu.bitcast %parallel_loop3A_1333 : vector<16xf32> -> vector<16xi32>
        %parallel_loop3A_1341 = tpu.bitcast %parallel_loop3A_1339 : vector<16xf32> -> vector<16xi32>
        %parallel_loop3A_1342 = arith.constant -65536 : i32
        %parallel_loop3A_1343 = vector.broadcast %parallel_loop3A_1342 : i32 to vector<16xi32>
        %parallel_loop3A_1344 = arith.andi %parallel_loop3A_1341, %parallel_loop3A_1343 : vector<16xi32>
        %parallel_loop3A_1345 = arith.constant 16 : i32
        %parallel_loop3A_1346 = vector.broadcast %parallel_loop3A_1345 : i32 to vector<16xi32>
        %parallel_loop3A_1347 = arith.shrui %parallel_loop3A_1340, %parallel_loop3A_1346 : vector<16xi32>
        %parallel_loop3A_1348 = arith.ori %parallel_loop3A_1344, %parallel_loop3A_1347 : vector<16xi32>
        %parallel_loop3A_1349 = tpu.bitcast %parallel_loop3A_1348 : vector<16xi32> -> vector<16xf32>
        %parallel_loop3A_1350 = arith.index_cast %parallel_loop3A_220 : i32 to index
        %parallel_loop3A_1351 = arith.constant 272 : index
        %parallel_loop3A_1352 = tpu.vector_load %arg13[%parallel_loop3A_1350, %parallel_loop3A_1351] {strides = array<i32>} : memref<32x384xf32, #tpu.memory_space<vmem>>, vector<1x16xf32>,
        %parallel_loop3A_1353 = vector.shape_cast %parallel_loop3A_1352 : vector<1x16xf32> to vector<16xf32>
        %parallel_loop3A_1354 = vector.shape_cast %parallel_loop3A_1349 : vector<16xf32> to vector<1x16xf32>
        tpu.vector_store %arg13[%parallel_loop3A_1350, %parallel_loop3A_1351], %parallel_loop3A_1354 {strides = array<i32>} : memref<32x384xf32, #tpu.memory_space<vmem>>, vector<1x16xf32>,
        %parallel_loop3A_1355 = arith.constant 0 : i32
        %parallel_loop3A_1356 = arith.index_cast %parallel_loop3A_1355 : i32 to index
        %parallel_loop3A_1357 = arith.index_cast %parallel_loop3A_218 : i32 to index
        %parallel_loop3A_1358 = arith.constant 576 : index
        %parallel_loop3A_1359 = tpu.vector_load %arg11[%parallel_loop3A_1356, %parallel_loop3A_1357, %parallel_loop3A_1358] {strides = array<i32>} : memref<2x16x768xf32, #tpu.memory_space<vmem>>, vector<1x1x16xf32>,
        %parallel_loop3A_1360 = vector.shape_cast %parallel_loop3A_1359 : vector<1x1x16xf32> to vector<16xf32>
        %parallel_loop3A_1361 = arith.constant 0 : i32
        %parallel_loop3A_1362 = arith.index_cast %parallel_loop3A_1361 : i32 to index
        %parallel_loop3A_1363 = arith.index_cast %parallel_loop3A_218 : i32 to index
        %parallel_loop3A_1364 = arith.constant 592 : index
        %parallel_loop3A_1365 = tpu.vector_load %arg11[%parallel_loop3A_1362, %parallel_loop3A_1363, %parallel_loop3A_1364] {strides = array<i32>} : memref<2x16x768xf32, #tpu.memory_space<vmem>>, vector<1x1x16xf32>,
        %parallel_loop3A_1366 = vector.shape_cast %parallel_loop3A_1365 : vector<1x1x16xf32> to vector<16xf32>
        %parallel_loop3A_1367 = tpu.bitcast %parallel_loop3A_1360 : vector<16xf32> -> vector<16xi32>
        %parallel_loop3A_1368 = tpu.bitcast %parallel_loop3A_1366 : vector<16xf32> -> vector<16xi32>
        %parallel_loop3A_1369 = arith.constant -65536 : i32
        %parallel_loop3A_1370 = vector.broadcast %parallel_loop3A_1369 : i32 to vector<16xi32>
        %parallel_loop3A_1371 = arith.andi %parallel_loop3A_1368, %parallel_loop3A_1370 : vector<16xi32>
        %parallel_loop3A_1372 = arith.constant 16 : i32
        %parallel_loop3A_1373 = vector.broadcast %parallel_loop3A_1372 : i32 to vector<16xi32>
        %parallel_loop3A_1374 = arith.shrui %parallel_loop3A_1367, %parallel_loop3A_1373 : vector<16xi32>
        %parallel_loop3A_1375 = arith.ori %parallel_loop3A_1371, %parallel_loop3A_1374 : vector<16xi32>
        %parallel_loop3A_1376 = tpu.bitcast %parallel_loop3A_1375 : vector<16xi32> -> vector<16xf32>
        %parallel_loop3A_1377 = arith.index_cast %parallel_loop3A_220 : i32 to index
        %parallel_loop3A_1378 = arith.constant 288 : index
        %parallel_loop3A_1379 = tpu.vector_load %arg13[%parallel_loop3A_1377, %parallel_loop3A_1378] {strides = array<i32>} : memref<32x384xf32, #tpu.memory_space<vmem>>, vector<1x16xf32>,
        %parallel_loop3A_1380 = vector.shape_cast %parallel_loop3A_1379 : vector<1x16xf32> to vector<16xf32>
        %parallel_loop3A_1381 = vector.shape_cast %parallel_loop3A_1376 : vector<16xf32> to vector<1x16xf32>
        tpu.vector_store %arg13[%parallel_loop3A_1377, %parallel_loop3A_1378], %parallel_loop3A_1381 {strides = array<i32>} : memref<32x384xf32, #tpu.memory_space<vmem>>, vector<1x16xf32>,
        %parallel_loop3A_1382 = arith.constant 0 : i32
        %parallel_loop3A_1383 = arith.index_cast %parallel_loop3A_1382 : i32 to index
        %parallel_loop3A_1384 = arith.index_cast %parallel_loop3A_218 : i32 to index
        %parallel_loop3A_1385 = arith.constant 608 : index
        %parallel_loop3A_1386 = tpu.vector_load %arg11[%parallel_loop3A_1383, %parallel_loop3A_1384, %parallel_loop3A_1385] {strides = array<i32>} : memref<2x16x768xf32, #tpu.memory_space<vmem>>, vector<1x1x16xf32>,
        %parallel_loop3A_1387 = vector.shape_cast %parallel_loop3A_1386 : vector<1x1x16xf32> to vector<16xf32>
        %parallel_loop3A_1388 = arith.constant 0 : i32
        %parallel_loop3A_1389 = arith.index_cast %parallel_loop3A_1388 : i32 to index
        %parallel_loop3A_1390 = arith.index_cast %parallel_loop3A_218 : i32 to index
        %parallel_loop3A_1391 = arith.constant 624 : index
        %parallel_loop3A_1392 = tpu.vector_load %arg11[%parallel_loop3A_1389, %parallel_loop3A_1390, %parallel_loop3A_1391] {strides = array<i32>} : memref<2x16x768xf32, #tpu.memory_space<vmem>>, vector<1x1x16xf32>,
        %parallel_loop3A_1393 = vector.shape_cast %parallel_loop3A_1392 : vector<1x1x16xf32> to vector<16xf32>
        %parallel_loop3A_1394 = tpu.bitcast %parallel_loop3A_1387 : vector<16xf32> -> vector<16xi32>
        %parallel_loop3A_1395 = tpu.bitcast %parallel_loop3A_1393 : vector<16xf32> -> vector<16xi32>
        %parallel_loop3A_1396 = arith.constant -65536 : i32
        %parallel_loop3A_1397 = vector.broadcast %parallel_loop3A_1396 : i32 to vector<16xi32>
        %parallel_loop3A_1398 = arith.andi %parallel_loop3A_1395, %parallel_loop3A_1397 : vector<16xi32>
        %parallel_loop3A_1399 = arith.constant 16 : i32
        %parallel_loop3A_1400 = vector.broadcast %parallel_loop3A_1399 : i32 to vector<16xi32>
        %parallel_loop3A_1401 = arith.shrui %parallel_loop3A_1394, %parallel_loop3A_1400 : vector<16xi32>
        %parallel_loop3A_1402 = arith.ori %parallel_loop3A_1398, %parallel_loop3A_1401 : vector<16xi32>
        %parallel_loop3A_1403 = tpu.bitcast %parallel_loop3A_1402 : vector<16xi32> -> vector<16xf32>
        %parallel_loop3A_1404 = arith.index_cast %parallel_loop3A_220 : i32 to index
        %parallel_loop3A_1405 = arith.constant 304 : index
        %parallel_loop3A_1406 = tpu.vector_load %arg13[%parallel_loop3A_1404, %parallel_loop3A_1405] {strides = array<i32>} : memref<32x384xf32, #tpu.memory_space<vmem>>, vector<1x16xf32>,
        %parallel_loop3A_1407 = vector.shape_cast %parallel_loop3A_1406 : vector<1x16xf32> to vector<16xf32>
        %parallel_loop3A_1408 = vector.shape_cast %parallel_loop3A_1403 : vector<16xf32> to vector<1x16xf32>
        tpu.vector_store %arg13[%parallel_loop3A_1404, %parallel_loop3A_1405], %parallel_loop3A_1408 {strides = array<i32>} : memref<32x384xf32, #tpu.memory_space<vmem>>, vector<1x16xf32>,
        %parallel_loop3A_1409 = arith.constant 0 : i32
        %parallel_loop3A_1410 = arith.index_cast %parallel_loop3A_1409 : i32 to index
        %parallel_loop3A_1411 = arith.index_cast %parallel_loop3A_218 : i32 to index
        %parallel_loop3A_1412 = arith.constant 640 : index
        %parallel_loop3A_1413 = tpu.vector_load %arg11[%parallel_loop3A_1410, %parallel_loop3A_1411, %parallel_loop3A_1412] {strides = array<i32>} : memref<2x16x768xf32, #tpu.memory_space<vmem>>, vector<1x1x16xf32>,
        %parallel_loop3A_1414 = vector.shape_cast %parallel_loop3A_1413 : vector<1x1x16xf32> to vector<16xf32>
        %parallel_loop3A_1415 = arith.constant 0 : i32
        %parallel_loop3A_1416 = arith.index_cast %parallel_loop3A_1415 : i32 to index
        %parallel_loop3A_1417 = arith.index_cast %parallel_loop3A_218 : i32 to index
        %parallel_loop3A_1418 = arith.constant 656 : index
        %parallel_loop3A_1419 = tpu.vector_load %arg11[%parallel_loop3A_1416, %parallel_loop3A_1417, %parallel_loop3A_1418] {strides = array<i32>} : memref<2x16x768xf32, #tpu.memory_space<vmem>>, vector<1x1x16xf32>,
        %parallel_loop3A_1420 = vector.shape_cast %parallel_loop3A_1419 : vector<1x1x16xf32> to vector<16xf32>
        %parallel_loop3A_1421 = tpu.bitcast %parallel_loop3A_1414 : vector<16xf32> -> vector<16xi32>
        %parallel_loop3A_1422 = tpu.bitcast %parallel_loop3A_1420 : vector<16xf32> -> vector<16xi32>
        %parallel_loop3A_1423 = arith.constant -65536 : i32
        %parallel_loop3A_1424 = vector.broadcast %parallel_loop3A_1423 : i32 to vector<16xi32>
        %parallel_loop3A_1425 = arith.andi %parallel_loop3A_1422, %parallel_loop3A_1424 : vector<16xi32>
        %parallel_loop3A_1426 = arith.constant 16 : i32
        %parallel_loop3A_1427 = vector.broadcast %parallel_loop3A_1426 : i32 to vector<16xi32>
        %parallel_loop3A_1428 = arith.shrui %parallel_loop3A_1421, %parallel_loop3A_1427 : vector<16xi32>
        %parallel_loop3A_1429 = arith.ori %parallel_loop3A_1425, %parallel_loop3A_1428 : vector<16xi32>
        %parallel_loop3A_1430 = tpu.bitcast %parallel_loop3A_1429 : vector<16xi32> -> vector<16xf32>
        %parallel_loop3A_1431 = arith.index_cast %parallel_loop3A_220 : i32 to index
        %parallel_loop3A_1432 = arith.constant 320 : index
        %parallel_loop3A_1433 = tpu.vector_load %arg13[%parallel_loop3A_1431, %parallel_loop3A_1432] {strides = array<i32>} : memref<32x384xf32, #tpu.memory_space<vmem>>, vector<1x16xf32>,
        %parallel_loop3A_1434 = vector.shape_cast %parallel_loop3A_1433 : vector<1x16xf32> to vector<16xf32>
        %parallel_loop3A_1435 = vector.shape_cast %parallel_loop3A_1430 : vector<16xf32> to vector<1x16xf32>
        tpu.vector_store %arg13[%parallel_loop3A_1431, %parallel_loop3A_1432], %parallel_loop3A_1435 {strides = array<i32>} : memref<32x384xf32, #tpu.memory_space<vmem>>, vector<1x16xf32>,
        %parallel_loop3A_1436 = arith.constant 0 : i32
        %parallel_loop3A_1437 = arith.index_cast %parallel_loop3A_1436 : i32 to index
        %parallel_loop3A_1438 = arith.index_cast %parallel_loop3A_218 : i32 to index
        %parallel_loop3A_1439 = arith.constant 672 : index
        %parallel_loop3A_1440 = tpu.vector_load %arg11[%parallel_loop3A_1437, %parallel_loop3A_1438, %parallel_loop3A_1439] {strides = array<i32>} : memref<2x16x768xf32, #tpu.memory_space<vmem>>, vector<1x1x16xf32>,
        %parallel_loop3A_1441 = vector.shape_cast %parallel_loop3A_1440 : vector<1x1x16xf32> to vector<16xf32>
        %parallel_loop3A_1442 = arith.constant 0 : i32
        %parallel_loop3A_1443 = arith.index_cast %parallel_loop3A_1442 : i32 to index
        %parallel_loop3A_1444 = arith.index_cast %parallel_loop3A_218 : i32 to index
        %parallel_loop3A_1445 = arith.constant 688 : index
        %parallel_loop3A_1446 = tpu.vector_load %arg11[%parallel_loop3A_1443, %parallel_loop3A_1444, %parallel_loop3A_1445] {strides = array<i32>} : memref<2x16x768xf32, #tpu.memory_space<vmem>>, vector<1x1x16xf32>,
        %parallel_loop3A_1447 = vector.shape_cast %parallel_loop3A_1446 : vector<1x1x16xf32> to vector<16xf32>
        %parallel_loop3A_1448 = tpu.bitcast %parallel_loop3A_1441 : vector<16xf32> -> vector<16xi32>
        %parallel_loop3A_1449 = tpu.bitcast %parallel_loop3A_1447 : vector<16xf32> -> vector<16xi32>
        %parallel_loop3A_1450 = arith.constant -65536 : i32
        %parallel_loop3A_1451 = vector.broadcast %parallel_loop3A_1450 : i32 to vector<16xi32>
        %parallel_loop3A_1452 = arith.andi %parallel_loop3A_1449, %parallel_loop3A_1451 : vector<16xi32>
        %parallel_loop3A_1453 = arith.constant 16 : i32
        %parallel_loop3A_1454 = vector.broadcast %parallel_loop3A_1453 : i32 to vector<16xi32>
        %parallel_loop3A_1455 = arith.shrui %parallel_loop3A_1448, %parallel_loop3A_1454 : vector<16xi32>
        %parallel_loop3A_1456 = arith.ori %parallel_loop3A_1452, %parallel_loop3A_1455 : vector<16xi32>
        %parallel_loop3A_1457 = tpu.bitcast %parallel_loop3A_1456 : vector<16xi32> -> vector<16xf32>
        %parallel_loop3A_1458 = arith.index_cast %parallel_loop3A_220 : i32 to index
        %parallel_loop3A_1459 = arith.constant 336 : index
        %parallel_loop3A_1460 = tpu.vector_load %arg13[%parallel_loop3A_1458, %parallel_loop3A_1459] {strides = array<i32>} : memref<32x384xf32, #tpu.memory_space<vmem>>, vector<1x16xf32>,
        %parallel_loop3A_1461 = vector.shape_cast %parallel_loop3A_1460 : vector<1x16xf32> to vector<16xf32>
        %parallel_loop3A_1462 = vector.shape_cast %parallel_loop3A_1457 : vector<16xf32> to vector<1x16xf32>
        tpu.vector_store %arg13[%parallel_loop3A_1458, %parallel_loop3A_1459], %parallel_loop3A_1462 {strides = array<i32>} : memref<32x384xf32, #tpu.memory_space<vmem>>, vector<1x16xf32>,
        %parallel_loop3A_1463 = arith.constant 0 : i32
        %parallel_loop3A_1464 = arith.index_cast %parallel_loop3A_1463 : i32 to index
        %parallel_loop3A_1465 = arith.index_cast %parallel_loop3A_218 : i32 to index
        %parallel_loop3A_1466 = arith.constant 704 : index
        %parallel_loop3A_1467 = tpu.vector_load %arg11[%parallel_loop3A_1464, %parallel_loop3A_1465, %parallel_loop3A_1466] {strides = array<i32>} : memref<2x16x768xf32, #tpu.memory_space<vmem>>, vector<1x1x16xf32>,
        %parallel_loop3A_1468 = vector.shape_cast %parallel_loop3A_1467 : vector<1x1x16xf32> to vector<16xf32>
        %parallel_loop3A_1469 = arith.constant 0 : i32
        %parallel_loop3A_1470 = arith.index_cast %parallel_loop3A_1469 : i32 to index
        %parallel_loop3A_1471 = arith.index_cast %parallel_loop3A_218 : i32 to index
        %parallel_loop3A_1472 = arith.constant 720 : index
        %parallel_loop3A_1473 = tpu.vector_load %arg11[%parallel_loop3A_1470, %parallel_loop3A_1471, %parallel_loop3A_1472] {strides = array<i32>} : memref<2x16x768xf32, #tpu.memory_space<vmem>>, vector<1x1x16xf32>,
        %parallel_loop3A_1474 = vector.shape_cast %parallel_loop3A_1473 : vector<1x1x16xf32> to vector<16xf32>
        %parallel_loop3A_1475 = tpu.bitcast %parallel_loop3A_1468 : vector<16xf32> -> vector<16xi32>
        %parallel_loop3A_1476 = tpu.bitcast %parallel_loop3A_1474 : vector<16xf32> -> vector<16xi32>
        %parallel_loop3A_1477 = arith.constant -65536 : i32
        %parallel_loop3A_1478 = vector.broadcast %parallel_loop3A_1477 : i32 to vector<16xi32>
        %parallel_loop3A_1479 = arith.andi %parallel_loop3A_1476, %parallel_loop3A_1478 : vector<16xi32>
        %parallel_loop3A_1480 = arith.constant 16 : i32
        %parallel_loop3A_1481 = vector.broadcast %parallel_loop3A_1480 : i32 to vector<16xi32>
        %parallel_loop3A_1482 = arith.shrui %parallel_loop3A_1475, %parallel_loop3A_1481 : vector<16xi32>
        %parallel_loop3A_1483 = arith.ori %parallel_loop3A_1479, %parallel_loop3A_1482 : vector<16xi32>
        %parallel_loop3A_1484 = tpu.bitcast %parallel_loop3A_1483 : vector<16xi32> -> vector<16xf32>
        %parallel_loop3A_1485 = arith.index_cast %parallel_loop3A_220 : i32 to index
        %parallel_loop3A_1486 = arith.constant 352 : index
        %parallel_loop3A_1487 = tpu.vector_load %arg13[%parallel_loop3A_1485, %parallel_loop3A_1486] {strides = array<i32>} : memref<32x384xf32, #tpu.memory_space<vmem>>, vector<1x16xf32>,
        %parallel_loop3A_1488 = vector.shape_cast %parallel_loop3A_1487 : vector<1x16xf32> to vector<16xf32>
        %parallel_loop3A_1489 = vector.shape_cast %parallel_loop3A_1484 : vector<16xf32> to vector<1x16xf32>
        tpu.vector_store %arg13[%parallel_loop3A_1485, %parallel_loop3A_1486], %parallel_loop3A_1489 {strides = array<i32>} : memref<32x384xf32, #tpu.memory_space<vmem>>, vector<1x16xf32>,
        %parallel_loop3A_1490 = arith.constant 0 : i32
        %parallel_loop3A_1491 = arith.index_cast %parallel_loop3A_1490 : i32 to index
        %parallel_loop3A_1492 = arith.index_cast %parallel_loop3A_218 : i32 to index
        %parallel_loop3A_1493 = arith.constant 736 : index
        %parallel_loop3A_1494 = tpu.vector_load %arg11[%parallel_loop3A_1491, %parallel_loop3A_1492, %parallel_loop3A_1493] {strides = array<i32>} : memref<2x16x768xf32, #tpu.memory_space<vmem>>, vector<1x1x16xf32>,
        %parallel_loop3A_1495 = vector.shape_cast %parallel_loop3A_1494 : vector<1x1x16xf32> to vector<16xf32>
        %parallel_loop3A_1496 = arith.constant 0 : i32
        %parallel_loop3A_1497 = arith.index_cast %parallel_loop3A_1496 : i32 to index
        %parallel_loop3A_1498 = arith.index_cast %parallel_loop3A_218 : i32 to index
        %parallel_loop3A_1499 = arith.constant 752 : index
        %parallel_loop3A_1500 = tpu.vector_load %arg11[%parallel_loop3A_1497, %parallel_loop3A_1498, %parallel_loop3A_1499] {strides = array<i32>} : memref<2x16x768xf32, #tpu.memory_space<vmem>>, vector<1x1x16xf32>,
        %parallel_loop3A_1501 = vector.shape_cast %parallel_loop3A_1500 : vector<1x1x16xf32> to vector<16xf32>
        %parallel_loop3A_1502 = tpu.bitcast %parallel_loop3A_1495 : vector<16xf32> -> vector<16xi32>
        %parallel_loop3A_1503 = tpu.bitcast %parallel_loop3A_1501 : vector<16xf32> -> vector<16xi32>
        %parallel_loop3A_1504 = arith.constant -65536 : i32
        %parallel_loop3A_1505 = vector.broadcast %parallel_loop3A_1504 : i32 to vector<16xi32>
        %parallel_loop3A_1506 = arith.andi %parallel_loop3A_1503, %parallel_loop3A_1505 : vector<16xi32>
        %parallel_loop3A_1507 = arith.constant 16 : i32
        %parallel_loop3A_1508 = vector.broadcast %parallel_loop3A_1507 : i32 to vector<16xi32>
        %parallel_loop3A_1509 = arith.shrui %parallel_loop3A_1502, %parallel_loop3A_1508 : vector<16xi32>
        %parallel_loop3A_1510 = arith.ori %parallel_loop3A_1506, %parallel_loop3A_1509 : vector<16xi32>
        %parallel_loop3A_1511 = tpu.bitcast %parallel_loop3A_1510 : vector<16xi32> -> vector<16xf32>
        %parallel_loop3A_1512 = arith.index_cast %parallel_loop3A_220 : i32 to index
        %parallel_loop3A_1513 = arith.constant 368 : index
        %parallel_loop3A_1514 = tpu.vector_load %arg13[%parallel_loop3A_1512, %parallel_loop3A_1513] {strides = array<i32>} : memref<32x384xf32, #tpu.memory_space<vmem>>, vector<1x16xf32>,
        %parallel_loop3A_1515 = vector.shape_cast %parallel_loop3A_1514 : vector<1x16xf32> to vector<16xf32>
        %parallel_loop3A_1516 = vector.shape_cast %parallel_loop3A_1511 : vector<16xf32> to vector<1x16xf32>
        tpu.vector_store %arg13[%parallel_loop3A_1512, %parallel_loop3A_1513], %parallel_loop3A_1516 {strides = array<i32>} : memref<32x384xf32, #tpu.memory_space<vmem>>, vector<1x16xf32>,
      } {sc.loop_unroll_factor = 4 : i64, sc.parallel_access}
      %add3A_124 = arith.constant 2 : i32
      %add3A_125 = arith.addi %add3A_99, %add3A_124 : i32
      %lt3A = arith.constant 32 : i32
      %lt3A_126 = arith.cmpi slt, %add3A_125, %lt3A : i32
      %convert_element_type3A_127 = arith.extui %lt3A_126 : i1 to i32
      %cond3A_128 = arith.constant 0 : i32
      %cond3A_129 = arith.cmpi ne, %convert_element_type3A_127, %cond3A_128 : i32
      scf.if %cond3A_129 {
        %add3A_218 = arith.constant 2 : i32
        %add3A_219 = arith.addi %add3A_99, %add3A_218 : i32
        %mul3A_220 = arith.constant 16 : i32
        %mul3A_221 = arith.muli %add3A_219, %mul3A_220 : i32
        %multiple_of3A_222 = tpu.assume_multiple %mul3A_221, 16 : i32
        %dma_start3A_223 = arith.constant 0 : i32
        %dma_start3A_224 = arith.constant 0 : i32
        %dma_start3A_225 = arith.constant 0 : i32
        %dma_start3A_226 = tpu.memref_slice %arg10[%dma_start3A_223, %dma_start3A_224, %dma_start3A_225] : memref<2x16x768xf32, #tpu.memory_space<vmem>> -> memref<1x16x768xf32, #tpu.memory_space<vmem>>
        %dma_start3A_227 = tpu.memref_squeeze %dma_start3A_226 : memref<1x16x768xf32, #tpu.memory_space<vmem>> -> memref<16x768xf32, #tpu.memory_space<vmem>>
        %dma_start3A_228 = tpu.memref_slice %arg8[%multiple_of3A_222] : memref<512xi32, #tpu.memory_space<vmem>> -> memref<16xi32, #tpu.memory_space<vmem>>
        %dma_start3A_229 = arith.constant 0 : i32
        %dma_start3A_230 = arith.constant 0 : i32
        %dma_start3A_231 = tpu.memref_slice %arg4[%dma_start3A_229, %dma_start3A_230] : memref<100000x768xf32, #tpu.memory_space<hbm>> -> memref<100000x768xf32, #tpu.memory_space<hbm>>
        tpu.enqueue_indirect_dma source(%dma_start3A_231 : memref<100000x768xf32, #tpu.memory_space<hbm>>) target(%dma_start3A_227 : memref<16x768xf32, #tpu.memory_space<vmem>>) offsets(%dma_start3A_228 : memref<16xi32, #tpu.memory_space<vmem>>) semaphore(%arg14 : memref<!tpu.dma_semaphore, #tpu.memory_space<semaphore_mem>>)
        %dma_start3A_232 = arith.constant 0 : i32
        %dma_start3A_233 = arith.constant 0 : i32
        %dma_start3A_234 = arith.constant 0 : i32
        %dma_start3A_235 = tpu.memref_slice %arg11[%dma_start3A_232, %dma_start3A_233, %dma_start3A_234] : memref<2x16x768xf32, #tpu.memory_space<vmem>> -> memref<1x16x768xf32, #tpu.memory_space<vmem>>
        %dma_start3A_236 = tpu.memref_squeeze %dma_start3A_235 : memref<1x16x768xf32, #tpu.memory_space<vmem>> -> memref<16x768xf32, #tpu.memory_space<vmem>>
        %dma_start3A_237 = tpu.memref_slice %arg9[%multiple_of3A_222] : memref<512xi32, #tpu.memory_space<vmem>> -> memref<16xi32, #tpu.memory_space<vmem>>
        %dma_start3A_238 = arith.constant 0 : i32
        %dma_start3A_239 = arith.constant 0 : i32
        %dma_start3A_240 = tpu.memref_slice %arg5[%dma_start3A_238, %dma_start3A_239] : memref<100000x768xf32, #tpu.memory_space<hbm>> -> memref<100000x768xf32, #tpu.memory_space<hbm>>
        tpu.enqueue_indirect_dma source(%dma_start3A_240 : memref<100000x768xf32, #tpu.memory_space<hbm>>) target(%dma_start3A_236 : memref<16x768xf32, #tpu.memory_space<vmem>>) offsets(%dma_start3A_237 : memref<16xi32, #tpu.memory_space<vmem>>) semaphore(%arg16 : memref<!tpu.dma_semaphore, #tpu.memory_space<semaphore_mem>>)
      } else {
      }
      %mul3A_130 = arith.constant 16 : i32
      %mul3A_131 = arith.muli %add3A_99, %mul3A_130 : i32
      %add3A_132 = arith.addi %mul3A_2, %mul3A_131 : i32
      %multiple_of3A_133 = tpu.assume_multiple %add3A_132, 16 : i32
      %dma_start3A_134 = arith.constant 0 : i32
      %dma_start3A_135 = arith.constant 0 : i32
      %dma_start3A_136 = tpu.memref_slice %arg12[%dma_start3A_134, %dma_start3A_135] : memref<32x384xf32, #tpu.memory_space<vmem>> -> memref<16x384xf32, #tpu.memory_space<vmem>>
      %dma_start3A_137 = arith.constant 0 : i32
      %dma_start3A_138 = tpu.memref_slice %arg6[%multiple_of3A_133, %dma_start3A_137] : memref<16384x384xf32, #tpu.memory_space<hbm>> -> memref<16x384xf32, #tpu.memory_space<hbm>>
      %dma_start3A_139 = arith.constant 0 : i32
      %dma_start3A_140 = tpu.memref_slice %arg6[%multiple_of3A_133, %dma_start3A_139] : memref<16384x384xf32, #tpu.memory_space<hbm>> -> memref<16x384xf32, #tpu.memory_space<hbm>>
      %dma_start3A_141 = arith.constant 0 : i32
      %dma_start3A_142 = arith.constant 0 : i32
      %dma_start3A_143 = tpu.memref_slice %arg12[%dma_start3A_141, %dma_start3A_142] : memref<32x384xf32, #tpu.memory_space<vmem>> -> memref<16x384xf32, #tpu.memory_space<vmem>>
      tpu.enqueue_dma source(%dma_start3A_143 : memref<16x384xf32, #tpu.memory_space<vmem>>) target(%dma_start3A_140 : memref<16x384xf32, #tpu.memory_space<hbm>>) target_semaphore(%arg18 : memref<!tpu.dma_semaphore, #tpu.memory_space<semaphore_mem>>)
      %dma_start3A_144 = arith.constant 0 : i32
      %dma_start3A_145 = arith.constant 0 : i32
      %dma_start3A_146 = tpu.memref_slice %arg13[%dma_start3A_144, %dma_start3A_145] : memref<32x384xf32, #tpu.memory_space<vmem>> -> memref<16x384xf32, #tpu.memory_space<vmem>>
      %dma_start3A_147 = arith.constant 0 : i32
      %dma_start3A_148 = tpu.memref_slice %arg7[%multiple_of3A_133, %dma_start3A_147] : memref<16384x384xf32, #tpu.memory_space<hbm>> -> memref<16x384xf32, #tpu.memory_space<hbm>>
      %dma_start3A_149 = arith.constant 0 : i32
      %dma_start3A_150 = tpu.memref_slice %arg7[%multiple_of3A_133, %dma_start3A_149] : memref<16384x384xf32, #tpu.memory_space<hbm>> -> memref<16x384xf32, #tpu.memory_space<hbm>>
      %dma_start3A_151 = arith.constant 0 : i32
      %dma_start3A_152 = arith.constant 0 : i32
      %dma_start3A_153 = tpu.memref_slice %arg13[%dma_start3A_151, %dma_start3A_152] : memref<32x384xf32, #tpu.memory_space<vmem>> -> memref<16x384xf32, #tpu.memory_space<vmem>>
      tpu.enqueue_dma source(%dma_start3A_153 : memref<16x384xf32, #tpu.memory_space<vmem>>) target(%dma_start3A_150 : memref<16x384xf32, #tpu.memory_space<hbm>>) target_semaphore(%arg20 : memref<!tpu.dma_semaphore, #tpu.memory_space<semaphore_mem>>)
      %mul3A_154 = arith.constant 2 : i32
      %mul3A_155 = arith.muli %scan3A_94, %mul3A_154 : i32
      %add3A_156 = arith.constant 1 : i32
      %add3A_157 = arith.addi %mul3A_155, %add3A_156 : i32
      %dma_wait3A_158 = arith.constant 1 : i32
      %dma_wait3A_159 = arith.constant 0 : i32
      %dma_wait3A_160 = arith.constant 0 : i32
      %dma_wait3A_161 = tpu.memref_slice %arg10[%dma_wait3A_158, %dma_wait3A_159, %dma_wait3A_160] : memref<2x16x768xf32, #tpu.memory_space<vmem>> -> memref<1x16x768xf32, #tpu.memory_space<vmem>>
      %dma_wait3A_162 = tpu.memref_squeeze %dma_wait3A_161 : memref<1x16x768xf32, #tpu.memory_space<vmem>> -> memref<16x768xf32, #tpu.memory_space<vmem>>
      %dma_wait3A_163 = arith.constant 0 : i32
      %dma_wait3A_164 = tpu.memref_slice %arg8[%dma_wait3A_163] : memref<512xi32, #tpu.memory_space<vmem>> -> memref<16xi32, #tpu.memory_space<vmem>>
      %dma_wait3A_165 = arith.constant 0 : i32
      %dma_wait3A_166 = arith.constant 0 : i32
      %dma_wait3A_167 = tpu.memref_slice %arg4[%dma_wait3A_165, %dma_wait3A_166] : memref<100000x768xf32, #tpu.memory_space<hbm>> -> memref<100000x768xf32, #tpu.memory_space<hbm>>
      tpu.wait_indirect_dma semaphore(%arg15 : memref<!tpu.dma_semaphore, #tpu.memory_space<semaphore_mem>>) src(%dma_wait3A_167 : memref<100000x768xf32, #tpu.memory_space<hbm>>) dst(%dma_wait3A_162 : memref<16x768xf32, #tpu.memory_space<vmem>>)
      %dma_wait3A_168 = arith.constant 1 : i32
      %dma_wait3A_169 = arith.constant 0 : i32
      %dma_wait3A_170 = arith.constant 0 : i32
      %dma_wait3A_171 = tpu.memref_slice %arg11[%dma_wait3A_168, %dma_wait3A_169, %dma_wait3A_170] : memref<2x16x768xf32, #tpu.memory_space<vmem>> -> memref<1x16x768xf32, #tpu.memory_space<vmem>>
      %dma_wait3A_172 = tpu.memref_squeeze %dma_wait3A_171 : memref<1x16x768xf32, #tpu.memory_space<vmem>> -> memref<16x768xf32, #tpu.memory_space<vmem>>
      %dma_wait3A_173 = arith.constant 0 : i32
      %dma_wait3A_174 = tpu.memref_slice %arg9[%dma_wait3A_173] : memref<512xi32, #tpu.memory_space<vmem>> -> memref<16xi32, #tpu.memory_space<vmem>>
      %dma_wait3A_175 = arith.constant 0 : i32
      %dma_wait3A_176 = arith.constant 0 : i32
      %dma_wait3A_177 = tpu.memref_slice %arg5[%dma_wait3A_175, %dma_wait3A_176] : memref<100000x768xf32, #tpu.memory_space<hbm>> -> memref<100000x768xf32, #tpu.memory_space<hbm>>
      tpu.wait_indirect_dma semaphore(%arg17 : memref<!tpu.dma_semaphore, #tpu.memory_space<semaphore_mem>>) src(%dma_wait3A_177 : memref<100000x768xf32, #tpu.memory_space<hbm>>) dst(%dma_wait3A_172 : memref<16x768xf32, #tpu.memory_space<vmem>>)
      %ge3A_178 = arith.constant 2 : i32
      %ge3A_179 = arith.cmpi sge, %add3A_157, %ge3A_178 : i32
      %convert_element_type3A_180 = arith.extui %ge3A_179 : i1 to i32
      %cond3A_181 = arith.constant 0 : i32
      %cond3A_182 = arith.cmpi ne, %convert_element_type3A_180, %cond3A_181 : i32
      scf.if %cond3A_182 {
        %dma_wait3A_218 = arith.constant 16 : i32
        %dma_wait3A_219 = arith.constant 0 : i32
        %dma_wait3A_220 = tpu.memref_slice %arg12[%dma_wait3A_218, %dma_wait3A_219] : memref<32x384xf32, #tpu.memory_space<vmem>> -> memref<16x384xf32, #tpu.memory_space<vmem>>
        %dma_wait3A_221 = arith.constant 0 : i32
        %dma_wait3A_222 = arith.constant 0 : i32
        %dma_wait3A_223 = tpu.memref_slice %arg6[%dma_wait3A_221, %dma_wait3A_222] : memref<16384x384xf32, #tpu.memory_space<hbm>> -> memref<16x384xf32, #tpu.memory_space<hbm>>
        %dma_wait3A_224 = arith.constant 0 : i32
        %dma_wait3A_225 = arith.constant 0 : i32
        %dma_wait3A_226 = tpu.memref_slice %arg6[%dma_wait3A_224, %dma_wait3A_225] : memref<16384x384xf32, #tpu.memory_space<hbm>> -> memref<16x384xf32, #tpu.memory_space<hbm>>
        %dma_wait3A_227 = arith.constant 16 : i32
        %dma_wait3A_228 = arith.constant 0 : i32
        %dma_wait3A_229 = tpu.memref_slice %arg12[%dma_wait3A_227, %dma_wait3A_228] : memref<32x384xf32, #tpu.memory_space<vmem>> -> memref<16x384xf32, #tpu.memory_space<vmem>>
        tpu.wait_dma2 semaphore(%arg19 : memref<!tpu.dma_semaphore, #tpu.memory_space<semaphore_mem>>) src(%dma_wait3A_229 : memref<16x384xf32, #tpu.memory_space<vmem>>) dst(%dma_wait3A_226 : memref<16x384xf32, #tpu.memory_space<hbm>>)
        %dma_wait3A_230 = arith.constant 16 : i32
        %dma_wait3A_231 = arith.constant 0 : i32
        %dma_wait3A_232 = tpu.memref_slice %arg13[%dma_wait3A_230, %dma_wait3A_231] : memref<32x384xf32, #tpu.memory_space<vmem>> -> memref<16x384xf32, #tpu.memory_space<vmem>>
        %dma_wait3A_233 = arith.constant 0 : i32
        %dma_wait3A_234 = arith.constant 0 : i32
        %dma_wait3A_235 = tpu.memref_slice %arg7[%dma_wait3A_233, %dma_wait3A_234] : memref<16384x384xf32, #tpu.memory_space<hbm>> -> memref<16x384xf32, #tpu.memory_space<hbm>>
        %dma_wait3A_236 = arith.constant 0 : i32
        %dma_wait3A_237 = arith.constant 0 : i32
        %dma_wait3A_238 = tpu.memref_slice %arg7[%dma_wait3A_236, %dma_wait3A_237] : memref<16384x384xf32, #tpu.memory_space<hbm>> -> memref<16x384xf32, #tpu.memory_space<hbm>>
        %dma_wait3A_239 = arith.constant 16 : i32
        %dma_wait3A_240 = arith.constant 0 : i32
        %dma_wait3A_241 = tpu.memref_slice %arg13[%dma_wait3A_239, %dma_wait3A_240] : memref<32x384xf32, #tpu.memory_space<vmem>> -> memref<16x384xf32, #tpu.memory_space<vmem>>
        tpu.wait_dma2 semaphore(%arg21 : memref<!tpu.dma_semaphore, #tpu.memory_space<semaphore_mem>>) src(%dma_wait3A_241 : memref<16x384xf32, #tpu.memory_space<vmem>>) dst(%dma_wait3A_238 : memref<16x384xf32, #tpu.memory_space<hbm>>)
      } else {
      }
      %parallel_loop3A_183 = arith.constant 0 : i32
      %parallel_loop3A_184 = arith.constant 16 : i32
      %parallel_loop3A_185 = arith.constant 1 : i32
      scf.for %parallel_loop3A_218 = %parallel_loop3A_183 to %parallel_loop3A_184 step %parallel_loop3A_185  : i32 {
        %parallel_loop3A_219 = arith.constant 16 : i32
        %parallel_loop3A_220 = arith.addi %parallel_loop3A_219, %parallel_loop3A_218 : i32
        %parallel_loop3A_221 = arith.constant 1 : i32
        %parallel_loop3A_222 = arith.index_cast %parallel_loop3A_221 : i32 to index
        %parallel_loop3A_223 = arith.index_cast %parallel_loop3A_218 : i32 to index
        %parallel_loop3A_224 = arith.constant 0 : index
        %parallel_loop3A_225 = tpu.vector_load %arg10[%parallel_loop3A_222, %parallel_loop3A_223, %parallel_loop3A_224] {strides = array<i32>} : memref<2x16x768xf32, #tpu.memory_space<vmem>>, vector<1x1x16xf32>,
        %parallel_loop3A_226 = vector.shape_cast %parallel_loop3A_225 : vector<1x1x16xf32> to vector<16xf32>
        %parallel_loop3A_227 = arith.constant 1 : i32
        %parallel_loop3A_228 = arith.index_cast %parallel_loop3A_227 : i32 to index
        %parallel_loop3A_229 = arith.index_cast %parallel_loop3A_218 : i32 to index
        %parallel_loop3A_230 = arith.constant 16 : index
        %parallel_loop3A_231 = tpu.vector_load %arg10[%parallel_loop3A_228, %parallel_loop3A_229, %parallel_loop3A_230] {strides = array<i32>} : memref<2x16x768xf32, #tpu.memory_space<vmem>>, vector<1x1x16xf32>,
        %parallel_loop3A_232 = vector.shape_cast %parallel_loop3A_231 : vector<1x1x16xf32> to vector<16xf32>
        %parallel_loop3A_233 = tpu.bitcast %parallel_loop3A_226 : vector<16xf32> -> vector<16xi32>
        %parallel_loop3A_234 = tpu.bitcast %parallel_loop3A_232 : vector<16xf32> -> vector<16xi32>
        %parallel_loop3A_235 = arith.constant -65536 : i32
        %parallel_loop3A_236 = vector.broadcast %parallel_loop3A_235 : i32 to vector<16xi32>
        %parallel_loop3A_237 = arith.andi %parallel_loop3A_234, %parallel_loop3A_236 : vector<16xi32>
        %parallel_loop3A_238 = arith.constant 16 : i32
        %parallel_loop3A_239 = vector.broadcast %parallel_loop3A_238 : i32 to vector<16xi32>
        %parallel_loop3A_240 = arith.shrui %parallel_loop3A_233, %parallel_loop3A_239 : vector<16xi32>
        %parallel_loop3A_241 = arith.ori %parallel_loop3A_237, %parallel_loop3A_240 : vector<16xi32>
        %parallel_loop3A_242 = tpu.bitcast %parallel_loop3A_241 : vector<16xi32> -> vector<16xf32>
        %parallel_loop3A_243 = arith.index_cast %parallel_loop3A_220 : i32 to index
        %parallel_loop3A_244 = arith.constant 0 : index
        %parallel_loop3A_245 = tpu.vector_load %arg12[%parallel_loop3A_243, %parallel_loop3A_244] {strides = array<i32>} : memref<32x384xf32, #tpu.memory_space<vmem>>, vector<1x16xf32>,
        %parallel_loop3A_246 = vector.shape_cast %parallel_loop3A_245 : vector<1x16xf32> to vector<16xf32>
        %parallel_loop3A_247 = vector.shape_cast %parallel_loop3A_242 : vector<16xf32> to vector<1x16xf32>
        tpu.vector_store %arg12[%parallel_loop3A_243, %parallel_loop3A_244], %parallel_loop3A_247 {strides = array<i32>} : memref<32x384xf32, #tpu.memory_space<vmem>>, vector<1x16xf32>,
        %parallel_loop3A_248 = arith.constant 1 : i32
        %parallel_loop3A_249 = arith.index_cast %parallel_loop3A_248 : i32 to index
        %parallel_loop3A_250 = arith.index_cast %parallel_loop3A_218 : i32 to index
        %parallel_loop3A_251 = arith.constant 32 : index
        %parallel_loop3A_252 = tpu.vector_load %arg10[%parallel_loop3A_249, %parallel_loop3A_250, %parallel_loop3A_251] {strides = array<i32>} : memref<2x16x768xf32, #tpu.memory_space<vmem>>, vector<1x1x16xf32>,
        %parallel_loop3A_253 = vector.shape_cast %parallel_loop3A_252 : vector<1x1x16xf32> to vector<16xf32>
        %parallel_loop3A_254 = arith.constant 1 : i32
        %parallel_loop3A_255 = arith.index_cast %parallel_loop3A_254 : i32 to index
        %parallel_loop3A_256 = arith.index_cast %parallel_loop3A_218 : i32 to index
        %parallel_loop3A_257 = arith.constant 48 : index
        %parallel_loop3A_258 = tpu.vector_load %arg10[%parallel_loop3A_255, %parallel_loop3A_256, %parallel_loop3A_257] {strides = array<i32>} : memref<2x16x768xf32, #tpu.memory_space<vmem>>, vector<1x1x16xf32>,
        %parallel_loop3A_259 = vector.shape_cast %parallel_loop3A_258 : vector<1x1x16xf32> to vector<16xf32>
        %parallel_loop3A_260 = tpu.bitcast %parallel_loop3A_253 : vector<16xf32> -> vector<16xi32>
        %parallel_loop3A_261 = tpu.bitcast %parallel_loop3A_259 : vector<16xf32> -> vector<16xi32>
        %parallel_loop3A_262 = arith.constant -65536 : i32
        %parallel_loop3A_263 = vector.broadcast %parallel_loop3A_262 : i32 to vector<16xi32>
        %parallel_loop3A_264 = arith.andi %parallel_loop3A_261, %parallel_loop3A_263 : vector<16xi32>
        %parallel_loop3A_265 = arith.constant 16 : i32
        %parallel_loop3A_266 = vector.broadcast %parallel_loop3A_265 : i32 to vector<16xi32>
        %parallel_loop3A_267 = arith.shrui %parallel_loop3A_260, %parallel_loop3A_266 : vector<16xi32>
        %parallel_loop3A_268 = arith.ori %parallel_loop3A_264, %parallel_loop3A_267 : vector<16xi32>
        %parallel_loop3A_269 = tpu.bitcast %parallel_loop3A_268 : vector<16xi32> -> vector<16xf32>
        %parallel_loop3A_270 = arith.index_cast %parallel_loop3A_220 : i32 to index
        %parallel_loop3A_271 = arith.constant 16 : index
        %parallel_loop3A_272 = tpu.vector_load %arg12[%parallel_loop3A_270, %parallel_loop3A_271] {strides = array<i32>} : memref<32x384xf32, #tpu.memory_space<vmem>>, vector<1x16xf32>,
        %parallel_loop3A_273 = vector.shape_cast %parallel_loop3A_272 : vector<1x16xf32> to vector<16xf32>
        %parallel_loop3A_274 = vector.shape_cast %parallel_loop3A_269 : vector<16xf32> to vector<1x16xf32>
        tpu.vector_store %arg12[%parallel_loop3A_270, %parallel_loop3A_271], %parallel_loop3A_274 {strides = array<i32>} : memref<32x384xf32, #tpu.memory_space<vmem>>, vector<1x16xf32>,
        %parallel_loop3A_275 = arith.constant 1 : i32
        %parallel_loop3A_276 = arith.index_cast %parallel_loop3A_275 : i32 to index
        %parallel_loop3A_277 = arith.index_cast %parallel_loop3A_218 : i32 to index
        %parallel_loop3A_278 = arith.constant 64 : index
        %parallel_loop3A_279 = tpu.vector_load %arg10[%parallel_loop3A_276, %parallel_loop3A_277, %parallel_loop3A_278] {strides = array<i32>} : memref<2x16x768xf32, #tpu.memory_space<vmem>>, vector<1x1x16xf32>,
        %parallel_loop3A_280 = vector.shape_cast %parallel_loop3A_279 : vector<1x1x16xf32> to vector<16xf32>
        %parallel_loop3A_281 = arith.constant 1 : i32
        %parallel_loop3A_282 = arith.index_cast %parallel_loop3A_281 : i32 to index
        %parallel_loop3A_283 = arith.index_cast %parallel_loop3A_218 : i32 to index
        %parallel_loop3A_284 = arith.constant 80 : index
        %parallel_loop3A_285 = tpu.vector_load %arg10[%parallel_loop3A_282, %parallel_loop3A_283, %parallel_loop3A_284] {strides = array<i32>} : memref<2x16x768xf32, #tpu.memory_space<vmem>>, vector<1x1x16xf32>,
        %parallel_loop3A_286 = vector.shape_cast %parallel_loop3A_285 : vector<1x1x16xf32> to vector<16xf32>
        %parallel_loop3A_287 = tpu.bitcast %parallel_loop3A_280 : vector<16xf32> -> vector<16xi32>
        %parallel_loop3A_288 = tpu.bitcast %parallel_loop3A_286 : vector<16xf32> -> vector<16xi32>
        %parallel_loop3A_289 = arith.constant -65536 : i32
        %parallel_loop3A_290 = vector.broadcast %parallel_loop3A_289 : i32 to vector<16xi32>
        %parallel_loop3A_291 = arith.andi %parallel_loop3A_288, %parallel_loop3A_290 : vector<16xi32>
        %parallel_loop3A_292 = arith.constant 16 : i32
        %parallel_loop3A_293 = vector.broadcast %parallel_loop3A_292 : i32 to vector<16xi32>
        %parallel_loop3A_294 = arith.shrui %parallel_loop3A_287, %parallel_loop3A_293 : vector<16xi32>
        %parallel_loop3A_295 = arith.ori %parallel_loop3A_291, %parallel_loop3A_294 : vector<16xi32>
        %parallel_loop3A_296 = tpu.bitcast %parallel_loop3A_295 : vector<16xi32> -> vector<16xf32>
        %parallel_loop3A_297 = arith.index_cast %parallel_loop3A_220 : i32 to index
        %parallel_loop3A_298 = arith.constant 32 : index
        %parallel_loop3A_299 = tpu.vector_load %arg12[%parallel_loop3A_297, %parallel_loop3A_298] {strides = array<i32>} : memref<32x384xf32, #tpu.memory_space<vmem>>, vector<1x16xf32>,
        %parallel_loop3A_300 = vector.shape_cast %parallel_loop3A_299 : vector<1x16xf32> to vector<16xf32>
        %parallel_loop3A_301 = vector.shape_cast %parallel_loop3A_296 : vector<16xf32> to vector<1x16xf32>
        tpu.vector_store %arg12[%parallel_loop3A_297, %parallel_loop3A_298], %parallel_loop3A_301 {strides = array<i32>} : memref<32x384xf32, #tpu.memory_space<vmem>>, vector<1x16xf32>,
        %parallel_loop3A_302 = arith.constant 1 : i32
        %parallel_loop3A_303 = arith.index_cast %parallel_loop3A_302 : i32 to index
        %parallel_loop3A_304 = arith.index_cast %parallel_loop3A_218 : i32 to index
        %parallel_loop3A_305 = arith.constant 96 : index
        %parallel_loop3A_306 = tpu.vector_load %arg10[%parallel_loop3A_303, %parallel_loop3A_304, %parallel_loop3A_305] {strides = array<i32>} : memref<2x16x768xf32, #tpu.memory_space<vmem>>, vector<1x1x16xf32>,
        %parallel_loop3A_307 = vector.shape_cast %parallel_loop3A_306 : vector<1x1x16xf32> to vector<16xf32>
        %parallel_loop3A_308 = arith.constant 1 : i32
        %parallel_loop3A_309 = arith.index_cast %parallel_loop3A_308 : i32 to index
        %parallel_loop3A_310 = arith.index_cast %parallel_loop3A_218 : i32 to index
        %parallel_loop3A_311 = arith.constant 112 : index
        %parallel_loop3A_312 = tpu.vector_load %arg10[%parallel_loop3A_309, %parallel_loop3A_310, %parallel_loop3A_311] {strides = array<i32>} : memref<2x16x768xf32, #tpu.memory_space<vmem>>, vector<1x1x16xf32>,
        %parallel_loop3A_313 = vector.shape_cast %parallel_loop3A_312 : vector<1x1x16xf32> to vector<16xf32>
        %parallel_loop3A_314 = tpu.bitcast %parallel_loop3A_307 : vector<16xf32> -> vector<16xi32>
        %parallel_loop3A_315 = tpu.bitcast %parallel_loop3A_313 : vector<16xf32> -> vector<16xi32>
        %parallel_loop3A_316 = arith.constant -65536 : i32
        %parallel_loop3A_317 = vector.broadcast %parallel_loop3A_316 : i32 to vector<16xi32>
        %parallel_loop3A_318 = arith.andi %parallel_loop3A_315, %parallel_loop3A_317 : vector<16xi32>
        %parallel_loop3A_319 = arith.constant 16 : i32
        %parallel_loop3A_320 = vector.broadcast %parallel_loop3A_319 : i32 to vector<16xi32>
        %parallel_loop3A_321 = arith.shrui %parallel_loop3A_314, %parallel_loop3A_320 : vector<16xi32>
        %parallel_loop3A_322 = arith.ori %parallel_loop3A_318, %parallel_loop3A_321 : vector<16xi32>
        %parallel_loop3A_323 = tpu.bitcast %parallel_loop3A_322 : vector<16xi32> -> vector<16xf32>
        %parallel_loop3A_324 = arith.index_cast %parallel_loop3A_220 : i32 to index
        %parallel_loop3A_325 = arith.constant 48 : index
        %parallel_loop3A_326 = tpu.vector_load %arg12[%parallel_loop3A_324, %parallel_loop3A_325] {strides = array<i32>} : memref<32x384xf32, #tpu.memory_space<vmem>>, vector<1x16xf32>,
        %parallel_loop3A_327 = vector.shape_cast %parallel_loop3A_326 : vector<1x16xf32> to vector<16xf32>
        %parallel_loop3A_328 = vector.shape_cast %parallel_loop3A_323 : vector<16xf32> to vector<1x16xf32>
        tpu.vector_store %arg12[%parallel_loop3A_324, %parallel_loop3A_325], %parallel_loop3A_328 {strides = array<i32>} : memref<32x384xf32, #tpu.memory_space<vmem>>, vector<1x16xf32>,
        %parallel_loop3A_329 = arith.constant 1 : i32
        %parallel_loop3A_330 = arith.index_cast %parallel_loop3A_329 : i32 to index
        %parallel_loop3A_331 = arith.index_cast %parallel_loop3A_218 : i32 to index
        %parallel_loop3A_332 = arith.constant 128 : index
        %parallel_loop3A_333 = tpu.vector_load %arg10[%parallel_loop3A_330, %parallel_loop3A_331, %parallel_loop3A_332] {strides = array<i32>} : memref<2x16x768xf32, #tpu.memory_space<vmem>>, vector<1x1x16xf32>,
        %parallel_loop3A_334 = vector.shape_cast %parallel_loop3A_333 : vector<1x1x16xf32> to vector<16xf32>
        %parallel_loop3A_335 = arith.constant 1 : i32
        %parallel_loop3A_336 = arith.index_cast %parallel_loop3A_335 : i32 to index
        %parallel_loop3A_337 = arith.index_cast %parallel_loop3A_218 : i32 to index
        %parallel_loop3A_338 = arith.constant 144 : index
        %parallel_loop3A_339 = tpu.vector_load %arg10[%parallel_loop3A_336, %parallel_loop3A_337, %parallel_loop3A_338] {strides = array<i32>} : memref<2x16x768xf32, #tpu.memory_space<vmem>>, vector<1x1x16xf32>,
        %parallel_loop3A_340 = vector.shape_cast %parallel_loop3A_339 : vector<1x1x16xf32> to vector<16xf32>
        %parallel_loop3A_341 = tpu.bitcast %parallel_loop3A_334 : vector<16xf32> -> vector<16xi32>
        %parallel_loop3A_342 = tpu.bitcast %parallel_loop3A_340 : vector<16xf32> -> vector<16xi32>
        %parallel_loop3A_343 = arith.constant -65536 : i32
        %parallel_loop3A_344 = vector.broadcast %parallel_loop3A_343 : i32 to vector<16xi32>
        %parallel_loop3A_345 = arith.andi %parallel_loop3A_342, %parallel_loop3A_344 : vector<16xi32>
        %parallel_loop3A_346 = arith.constant 16 : i32
        %parallel_loop3A_347 = vector.broadcast %parallel_loop3A_346 : i32 to vector<16xi32>
        %parallel_loop3A_348 = arith.shrui %parallel_loop3A_341, %parallel_loop3A_347 : vector<16xi32>
        %parallel_loop3A_349 = arith.ori %parallel_loop3A_345, %parallel_loop3A_348 : vector<16xi32>
        %parallel_loop3A_350 = tpu.bitcast %parallel_loop3A_349 : vector<16xi32> -> vector<16xf32>
        %parallel_loop3A_351 = arith.index_cast %parallel_loop3A_220 : i32 to index
        %parallel_loop3A_352 = arith.constant 64 : index
        %parallel_loop3A_353 = tpu.vector_load %arg12[%parallel_loop3A_351, %parallel_loop3A_352] {strides = array<i32>} : memref<32x384xf32, #tpu.memory_space<vmem>>, vector<1x16xf32>,
        %parallel_loop3A_354 = vector.shape_cast %parallel_loop3A_353 : vector<1x16xf32> to vector<16xf32>
        %parallel_loop3A_355 = vector.shape_cast %parallel_loop3A_350 : vector<16xf32> to vector<1x16xf32>
        tpu.vector_store %arg12[%parallel_loop3A_351, %parallel_loop3A_352], %parallel_loop3A_355 {strides = array<i32>} : memref<32x384xf32, #tpu.memory_space<vmem>>, vector<1x16xf32>,
        %parallel_loop3A_356 = arith.constant 1 : i32
        %parallel_loop3A_357 = arith.index_cast %parallel_loop3A_356 : i32 to index
        %parallel_loop3A_358 = arith.index_cast %parallel_loop3A_218 : i32 to index
        %parallel_loop3A_359 = arith.constant 160 : index
        %parallel_loop3A_360 = tpu.vector_load %arg10[%parallel_loop3A_357, %parallel_loop3A_358, %parallel_loop3A_359] {strides = array<i32>} : memref<2x16x768xf32, #tpu.memory_space<vmem>>, vector<1x1x16xf32>,
        %parallel_loop3A_361 = vector.shape_cast %parallel_loop3A_360 : vector<1x1x16xf32> to vector<16xf32>
        %parallel_loop3A_362 = arith.constant 1 : i32
        %parallel_loop3A_363 = arith.index_cast %parallel_loop3A_362 : i32 to index
        %parallel_loop3A_364 = arith.index_cast %parallel_loop3A_218 : i32 to index
        %parallel_loop3A_365 = arith.constant 176 : index
        %parallel_loop3A_366 = tpu.vector_load %arg10[%parallel_loop3A_363, %parallel_loop3A_364, %parallel_loop3A_365] {strides = array<i32>} : memref<2x16x768xf32, #tpu.memory_space<vmem>>, vector<1x1x16xf32>,
        %parallel_loop3A_367 = vector.shape_cast %parallel_loop3A_366 : vector<1x1x16xf32> to vector<16xf32>
        %parallel_loop3A_368 = tpu.bitcast %parallel_loop3A_361 : vector<16xf32> -> vector<16xi32>
        %parallel_loop3A_369 = tpu.bitcast %parallel_loop3A_367 : vector<16xf32> -> vector<16xi32>
        %parallel_loop3A_370 = arith.constant -65536 : i32
        %parallel_loop3A_371 = vector.broadcast %parallel_loop3A_370 : i32 to vector<16xi32>
        %parallel_loop3A_372 = arith.andi %parallel_loop3A_369, %parallel_loop3A_371 : vector<16xi32>
        %parallel_loop3A_373 = arith.constant 16 : i32
        %parallel_loop3A_374 = vector.broadcast %parallel_loop3A_373 : i32 to vector<16xi32>
        %parallel_loop3A_375 = arith.shrui %parallel_loop3A_368, %parallel_loop3A_374 : vector<16xi32>
        %parallel_loop3A_376 = arith.ori %parallel_loop3A_372, %parallel_loop3A_375 : vector<16xi32>
        %parallel_loop3A_377 = tpu.bitcast %parallel_loop3A_376 : vector<16xi32> -> vector<16xf32>
        %parallel_loop3A_378 = arith.index_cast %parallel_loop3A_220 : i32 to index
        %parallel_loop3A_379 = arith.constant 80 : index
        %parallel_loop3A_380 = tpu.vector_load %arg12[%parallel_loop3A_378, %parallel_loop3A_379] {strides = array<i32>} : memref<32x384xf32, #tpu.memory_space<vmem>>, vector<1x16xf32>,
        %parallel_loop3A_381 = vector.shape_cast %parallel_loop3A_380 : vector<1x16xf32> to vector<16xf32>
        %parallel_loop3A_382 = vector.shape_cast %parallel_loop3A_377 : vector<16xf32> to vector<1x16xf32>
        tpu.vector_store %arg12[%parallel_loop3A_378, %parallel_loop3A_379], %parallel_loop3A_382 {strides = array<i32>} : memref<32x384xf32, #tpu.memory_space<vmem>>, vector<1x16xf32>,
        %parallel_loop3A_383 = arith.constant 1 : i32
        %parallel_loop3A_384 = arith.index_cast %parallel_loop3A_383 : i32 to index
        %parallel_loop3A_385 = arith.index_cast %parallel_loop3A_218 : i32 to index
        %parallel_loop3A_386 = arith.constant 192 : index
        %parallel_loop3A_387 = tpu.vector_load %arg10[%parallel_loop3A_384, %parallel_loop3A_385, %parallel_loop3A_386] {strides = array<i32>} : memref<2x16x768xf32, #tpu.memory_space<vmem>>, vector<1x1x16xf32>,
        %parallel_loop3A_388 = vector.shape_cast %parallel_loop3A_387 : vector<1x1x16xf32> to vector<16xf32>
        %parallel_loop3A_389 = arith.constant 1 : i32
        %parallel_loop3A_390 = arith.index_cast %parallel_loop3A_389 : i32 to index
        %parallel_loop3A_391 = arith.index_cast %parallel_loop3A_218 : i32 to index
        %parallel_loop3A_392 = arith.constant 208 : index
        %parallel_loop3A_393 = tpu.vector_load %arg10[%parallel_loop3A_390, %parallel_loop3A_391, %parallel_loop3A_392] {strides = array<i32>} : memref<2x16x768xf32, #tpu.memory_space<vmem>>, vector<1x1x16xf32>,
        %parallel_loop3A_394 = vector.shape_cast %parallel_loop3A_393 : vector<1x1x16xf32> to vector<16xf32>
        %parallel_loop3A_395 = tpu.bitcast %parallel_loop3A_388 : vector<16xf32> -> vector<16xi32>
        %parallel_loop3A_396 = tpu.bitcast %parallel_loop3A_394 : vector<16xf32> -> vector<16xi32>
        %parallel_loop3A_397 = arith.constant -65536 : i32
        %parallel_loop3A_398 = vector.broadcast %parallel_loop3A_397 : i32 to vector<16xi32>
        %parallel_loop3A_399 = arith.andi %parallel_loop3A_396, %parallel_loop3A_398 : vector<16xi32>
        %parallel_loop3A_400 = arith.constant 16 : i32
        %parallel_loop3A_401 = vector.broadcast %parallel_loop3A_400 : i32 to vector<16xi32>
        %parallel_loop3A_402 = arith.shrui %parallel_loop3A_395, %parallel_loop3A_401 : vector<16xi32>
        %parallel_loop3A_403 = arith.ori %parallel_loop3A_399, %parallel_loop3A_402 : vector<16xi32>
        %parallel_loop3A_404 = tpu.bitcast %parallel_loop3A_403 : vector<16xi32> -> vector<16xf32>
        %parallel_loop3A_405 = arith.index_cast %parallel_loop3A_220 : i32 to index
        %parallel_loop3A_406 = arith.constant 96 : index
        %parallel_loop3A_407 = tpu.vector_load %arg12[%parallel_loop3A_405, %parallel_loop3A_406] {strides = array<i32>} : memref<32x384xf32, #tpu.memory_space<vmem>>, vector<1x16xf32>,
        %parallel_loop3A_408 = vector.shape_cast %parallel_loop3A_407 : vector<1x16xf32> to vector<16xf32>
        %parallel_loop3A_409 = vector.shape_cast %parallel_loop3A_404 : vector<16xf32> to vector<1x16xf32>
        tpu.vector_store %arg12[%parallel_loop3A_405, %parallel_loop3A_406], %parallel_loop3A_409 {strides = array<i32>} : memref<32x384xf32, #tpu.memory_space<vmem>>, vector<1x16xf32>,
        %parallel_loop3A_410 = arith.constant 1 : i32
        %parallel_loop3A_411 = arith.index_cast %parallel_loop3A_410 : i32 to index
        %parallel_loop3A_412 = arith.index_cast %parallel_loop3A_218 : i32 to index
        %parallel_loop3A_413 = arith.constant 224 : index
        %parallel_loop3A_414 = tpu.vector_load %arg10[%parallel_loop3A_411, %parallel_loop3A_412, %parallel_loop3A_413] {strides = array<i32>} : memref<2x16x768xf32, #tpu.memory_space<vmem>>, vector<1x1x16xf32>,
        %parallel_loop3A_415 = vector.shape_cast %parallel_loop3A_414 : vector<1x1x16xf32> to vector<16xf32>
        %parallel_loop3A_416 = arith.constant 1 : i32
        %parallel_loop3A_417 = arith.index_cast %parallel_loop3A_416 : i32 to index
        %parallel_loop3A_418 = arith.index_cast %parallel_loop3A_218 : i32 to index
        %parallel_loop3A_419 = arith.constant 240 : index
        %parallel_loop3A_420 = tpu.vector_load %arg10[%parallel_loop3A_417, %parallel_loop3A_418, %parallel_loop3A_419] {strides = array<i32>} : memref<2x16x768xf32, #tpu.memory_space<vmem>>, vector<1x1x16xf32>,
        %parallel_loop3A_421 = vector.shape_cast %parallel_loop3A_420 : vector<1x1x16xf32> to vector<16xf32>
        %parallel_loop3A_422 = tpu.bitcast %parallel_loop3A_415 : vector<16xf32> -> vector<16xi32>
        %parallel_loop3A_423 = tpu.bitcast %parallel_loop3A_421 : vector<16xf32> -> vector<16xi32>
        %parallel_loop3A_424 = arith.constant -65536 : i32
        %parallel_loop3A_425 = vector.broadcast %parallel_loop3A_424 : i32 to vector<16xi32>
        %parallel_loop3A_426 = arith.andi %parallel_loop3A_423, %parallel_loop3A_425 : vector<16xi32>
        %parallel_loop3A_427 = arith.constant 16 : i32
        %parallel_loop3A_428 = vector.broadcast %parallel_loop3A_427 : i32 to vector<16xi32>
        %parallel_loop3A_429 = arith.shrui %parallel_loop3A_422, %parallel_loop3A_428 : vector<16xi32>
        %parallel_loop3A_430 = arith.ori %parallel_loop3A_426, %parallel_loop3A_429 : vector<16xi32>
        %parallel_loop3A_431 = tpu.bitcast %parallel_loop3A_430 : vector<16xi32> -> vector<16xf32>
        %parallel_loop3A_432 = arith.index_cast %parallel_loop3A_220 : i32 to index
        %parallel_loop3A_433 = arith.constant 112 : index
        %parallel_loop3A_434 = tpu.vector_load %arg12[%parallel_loop3A_432, %parallel_loop3A_433] {strides = array<i32>} : memref<32x384xf32, #tpu.memory_space<vmem>>, vector<1x16xf32>,
        %parallel_loop3A_435 = vector.shape_cast %parallel_loop3A_434 : vector<1x16xf32> to vector<16xf32>
        %parallel_loop3A_436 = vector.shape_cast %parallel_loop3A_431 : vector<16xf32> to vector<1x16xf32>
        tpu.vector_store %arg12[%parallel_loop3A_432, %parallel_loop3A_433], %parallel_loop3A_436 {strides = array<i32>} : memref<32x384xf32, #tpu.memory_space<vmem>>, vector<1x16xf32>,
        %parallel_loop3A_437 = arith.constant 1 : i32
        %parallel_loop3A_438 = arith.index_cast %parallel_loop3A_437 : i32 to index
        %parallel_loop3A_439 = arith.index_cast %parallel_loop3A_218 : i32 to index
        %parallel_loop3A_440 = arith.constant 256 : index
        %parallel_loop3A_441 = tpu.vector_load %arg10[%parallel_loop3A_438, %parallel_loop3A_439, %parallel_loop3A_440] {strides = array<i32>} : memref<2x16x768xf32, #tpu.memory_space<vmem>>, vector<1x1x16xf32>,
        %parallel_loop3A_442 = vector.shape_cast %parallel_loop3A_441 : vector<1x1x16xf32> to vector<16xf32>
        %parallel_loop3A_443 = arith.constant 1 : i32
        %parallel_loop3A_444 = arith.index_cast %parallel_loop3A_443 : i32 to index
        %parallel_loop3A_445 = arith.index_cast %parallel_loop3A_218 : i32 to index
        %parallel_loop3A_446 = arith.constant 272 : index
        %parallel_loop3A_447 = tpu.vector_load %arg10[%parallel_loop3A_444, %parallel_loop3A_445, %parallel_loop3A_446] {strides = array<i32>} : memref<2x16x768xf32, #tpu.memory_space<vmem>>, vector<1x1x16xf32>,
        %parallel_loop3A_448 = vector.shape_cast %parallel_loop3A_447 : vector<1x1x16xf32> to vector<16xf32>
        %parallel_loop3A_449 = tpu.bitcast %parallel_loop3A_442 : vector<16xf32> -> vector<16xi32>
        %parallel_loop3A_450 = tpu.bitcast %parallel_loop3A_448 : vector<16xf32> -> vector<16xi32>
        %parallel_loop3A_451 = arith.constant -65536 : i32
        %parallel_loop3A_452 = vector.broadcast %parallel_loop3A_451 : i32 to vector<16xi32>
        %parallel_loop3A_453 = arith.andi %parallel_loop3A_450, %parallel_loop3A_452 : vector<16xi32>
        %parallel_loop3A_454 = arith.constant 16 : i32
        %parallel_loop3A_455 = vector.broadcast %parallel_loop3A_454 : i32 to vector<16xi32>
        %parallel_loop3A_456 = arith.shrui %parallel_loop3A_449, %parallel_loop3A_455 : vector<16xi32>
        %parallel_loop3A_457 = arith.ori %parallel_loop3A_453, %parallel_loop3A_456 : vector<16xi32>
        %parallel_loop3A_458 = tpu.bitcast %parallel_loop3A_457 : vector<16xi32> -> vector<16xf32>
        %parallel_loop3A_459 = arith.index_cast %parallel_loop3A_220 : i32 to index
        %parallel_loop3A_460 = arith.constant 128 : index
        %parallel_loop3A_461 = tpu.vector_load %arg12[%parallel_loop3A_459, %parallel_loop3A_460] {strides = array<i32>} : memref<32x384xf32, #tpu.memory_space<vmem>>, vector<1x16xf32>,
        %parallel_loop3A_462 = vector.shape_cast %parallel_loop3A_461 : vector<1x16xf32> to vector<16xf32>
        %parallel_loop3A_463 = vector.shape_cast %parallel_loop3A_458 : vector<16xf32> to vector<1x16xf32>
        tpu.vector_store %arg12[%parallel_loop3A_459, %parallel_loop3A_460], %parallel_loop3A_463 {strides = array<i32>} : memref<32x384xf32, #tpu.memory_space<vmem>>, vector<1x16xf32>,
        %parallel_loop3A_464 = arith.constant 1 : i32
        %parallel_loop3A_465 = arith.index_cast %parallel_loop3A_464 : i32 to index
        %parallel_loop3A_466 = arith.index_cast %parallel_loop3A_218 : i32 to index
        %parallel_loop3A_467 = arith.constant 288 : index
        %parallel_loop3A_468 = tpu.vector_load %arg10[%parallel_loop3A_465, %parallel_loop3A_466, %parallel_loop3A_467] {strides = array<i32>} : memref<2x16x768xf32, #tpu.memory_space<vmem>>, vector<1x1x16xf32>,
        %parallel_loop3A_469 = vector.shape_cast %parallel_loop3A_468 : vector<1x1x16xf32> to vector<16xf32>
        %parallel_loop3A_470 = arith.constant 1 : i32
        %parallel_loop3A_471 = arith.index_cast %parallel_loop3A_470 : i32 to index
        %parallel_loop3A_472 = arith.index_cast %parallel_loop3A_218 : i32 to index
        %parallel_loop3A_473 = arith.constant 304 : index
        %parallel_loop3A_474 = tpu.vector_load %arg10[%parallel_loop3A_471, %parallel_loop3A_472, %parallel_loop3A_473] {strides = array<i32>} : memref<2x16x768xf32, #tpu.memory_space<vmem>>, vector<1x1x16xf32>,
        %parallel_loop3A_475 = vector.shape_cast %parallel_loop3A_474 : vector<1x1x16xf32> to vector<16xf32>
        %parallel_loop3A_476 = tpu.bitcast %parallel_loop3A_469 : vector<16xf32> -> vector<16xi32>
        %parallel_loop3A_477 = tpu.bitcast %parallel_loop3A_475 : vector<16xf32> -> vector<16xi32>
        %parallel_loop3A_478 = arith.constant -65536 : i32
        %parallel_loop3A_479 = vector.broadcast %parallel_loop3A_478 : i32 to vector<16xi32>
        %parallel_loop3A_480 = arith.andi %parallel_loop3A_477, %parallel_loop3A_479 : vector<16xi32>
        %parallel_loop3A_481 = arith.constant 16 : i32
        %parallel_loop3A_482 = vector.broadcast %parallel_loop3A_481 : i32 to vector<16xi32>
        %parallel_loop3A_483 = arith.shrui %parallel_loop3A_476, %parallel_loop3A_482 : vector<16xi32>
        %parallel_loop3A_484 = arith.ori %parallel_loop3A_480, %parallel_loop3A_483 : vector<16xi32>
        %parallel_loop3A_485 = tpu.bitcast %parallel_loop3A_484 : vector<16xi32> -> vector<16xf32>
        %parallel_loop3A_486 = arith.index_cast %parallel_loop3A_220 : i32 to index
        %parallel_loop3A_487 = arith.constant 144 : index
        %parallel_loop3A_488 = tpu.vector_load %arg12[%parallel_loop3A_486, %parallel_loop3A_487] {strides = array<i32>} : memref<32x384xf32, #tpu.memory_space<vmem>>, vector<1x16xf32>,
        %parallel_loop3A_489 = vector.shape_cast %parallel_loop3A_488 : vector<1x16xf32> to vector<16xf32>
        %parallel_loop3A_490 = vector.shape_cast %parallel_loop3A_485 : vector<16xf32> to vector<1x16xf32>
        tpu.vector_store %arg12[%parallel_loop3A_486, %parallel_loop3A_487], %parallel_loop3A_490 {strides = array<i32>} : memref<32x384xf32, #tpu.memory_space<vmem>>, vector<1x16xf32>,
        %parallel_loop3A_491 = arith.constant 1 : i32
        %parallel_loop3A_492 = arith.index_cast %parallel_loop3A_491 : i32 to index
        %parallel_loop3A_493 = arith.index_cast %parallel_loop3A_218 : i32 to index
        %parallel_loop3A_494 = arith.constant 320 : index
        %parallel_loop3A_495 = tpu.vector_load %arg10[%parallel_loop3A_492, %parallel_loop3A_493, %parallel_loop3A_494] {strides = array<i32>} : memref<2x16x768xf32, #tpu.memory_space<vmem>>, vector<1x1x16xf32>,
        %parallel_loop3A_496 = vector.shape_cast %parallel_loop3A_495 : vector<1x1x16xf32> to vector<16xf32>
        %parallel_loop3A_497 = arith.constant 1 : i32
        %parallel_loop3A_498 = arith.index_cast %parallel_loop3A_497 : i32 to index
        %parallel_loop3A_499 = arith.index_cast %parallel_loop3A_218 : i32 to index
        %parallel_loop3A_500 = arith.constant 336 : index
        %parallel_loop3A_501 = tpu.vector_load %arg10[%parallel_loop3A_498, %parallel_loop3A_499, %parallel_loop3A_500] {strides = array<i32>} : memref<2x16x768xf32, #tpu.memory_space<vmem>>, vector<1x1x16xf32>,
        %parallel_loop3A_502 = vector.shape_cast %parallel_loop3A_501 : vector<1x1x16xf32> to vector<16xf32>
        %parallel_loop3A_503 = tpu.bitcast %parallel_loop3A_496 : vector<16xf32> -> vector<16xi32>
        %parallel_loop3A_504 = tpu.bitcast %parallel_loop3A_502 : vector<16xf32> -> vector<16xi32>
        %parallel_loop3A_505 = arith.constant -65536 : i32
        %parallel_loop3A_506 = vector.broadcast %parallel_loop3A_505 : i32 to vector<16xi32>
        %parallel_loop3A_507 = arith.andi %parallel_loop3A_504, %parallel_loop3A_506 : vector<16xi32>
        %parallel_loop3A_508 = arith.constant 16 : i32
        %parallel_loop3A_509 = vector.broadcast %parallel_loop3A_508 : i32 to vector<16xi32>
        %parallel_loop3A_510 = arith.shrui %parallel_loop3A_503, %parallel_loop3A_509 : vector<16xi32>
        %parallel_loop3A_511 = arith.ori %parallel_loop3A_507, %parallel_loop3A_510 : vector<16xi32>
        %parallel_loop3A_512 = tpu.bitcast %parallel_loop3A_511 : vector<16xi32> -> vector<16xf32>
        %parallel_loop3A_513 = arith.index_cast %parallel_loop3A_220 : i32 to index
        %parallel_loop3A_514 = arith.constant 160 : index
        %parallel_loop3A_515 = tpu.vector_load %arg12[%parallel_loop3A_513, %parallel_loop3A_514] {strides = array<i32>} : memref<32x384xf32, #tpu.memory_space<vmem>>, vector<1x16xf32>,
        %parallel_loop3A_516 = vector.shape_cast %parallel_loop3A_515 : vector<1x16xf32> to vector<16xf32>
        %parallel_loop3A_517 = vector.shape_cast %parallel_loop3A_512 : vector<16xf32> to vector<1x16xf32>
        tpu.vector_store %arg12[%parallel_loop3A_513, %parallel_loop3A_514], %parallel_loop3A_517 {strides = array<i32>} : memref<32x384xf32, #tpu.memory_space<vmem>>, vector<1x16xf32>,
        %parallel_loop3A_518 = arith.constant 1 : i32
        %parallel_loop3A_519 = arith.index_cast %parallel_loop3A_518 : i32 to index
        %parallel_loop3A_520 = arith.index_cast %parallel_loop3A_218 : i32 to index
        %parallel_loop3A_521 = arith.constant 352 : index
        %parallel_loop3A_522 = tpu.vector_load %arg10[%parallel_loop3A_519, %parallel_loop3A_520, %parallel_loop3A_521] {strides = array<i32>} : memref<2x16x768xf32, #tpu.memory_space<vmem>>, vector<1x1x16xf32>,
        %parallel_loop3A_523 = vector.shape_cast %parallel_loop3A_522 : vector<1x1x16xf32> to vector<16xf32>
        %parallel_loop3A_524 = arith.constant 1 : i32
        %parallel_loop3A_525 = arith.index_cast %parallel_loop3A_524 : i32 to index
        %parallel_loop3A_526 = arith.index_cast %parallel_loop3A_218 : i32 to index
        %parallel_loop3A_527 = arith.constant 368 : index
        %parallel_loop3A_528 = tpu.vector_load %arg10[%parallel_loop3A_525, %parallel_loop3A_526, %parallel_loop3A_527] {strides = array<i32>} : memref<2x16x768xf32, #tpu.memory_space<vmem>>, vector<1x1x16xf32>,
        %parallel_loop3A_529 = vector.shape_cast %parallel_loop3A_528 : vector<1x1x16xf32> to vector<16xf32>
        %parallel_loop3A_530 = tpu.bitcast %parallel_loop3A_523 : vector<16xf32> -> vector<16xi32>
        %parallel_loop3A_531 = tpu.bitcast %parallel_loop3A_529 : vector<16xf32> -> vector<16xi32>
        %parallel_loop3A_532 = arith.constant -65536 : i32
        %parallel_loop3A_533 = vector.broadcast %parallel_loop3A_532 : i32 to vector<16xi32>
        %parallel_loop3A_534 = arith.andi %parallel_loop3A_531, %parallel_loop3A_533 : vector<16xi32>
        %parallel_loop3A_535 = arith.constant 16 : i32
        %parallel_loop3A_536 = vector.broadcast %parallel_loop3A_535 : i32 to vector<16xi32>
        %parallel_loop3A_537 = arith.shrui %parallel_loop3A_530, %parallel_loop3A_536 : vector<16xi32>
        %parallel_loop3A_538 = arith.ori %parallel_loop3A_534, %parallel_loop3A_537 : vector<16xi32>
        %parallel_loop3A_539 = tpu.bitcast %parallel_loop3A_538 : vector<16xi32> -> vector<16xf32>
        %parallel_loop3A_540 = arith.index_cast %parallel_loop3A_220 : i32 to index
        %parallel_loop3A_541 = arith.constant 176 : index
        %parallel_loop3A_542 = tpu.vector_load %arg12[%parallel_loop3A_540, %parallel_loop3A_541] {strides = array<i32>} : memref<32x384xf32, #tpu.memory_space<vmem>>, vector<1x16xf32>,
        %parallel_loop3A_543 = vector.shape_cast %parallel_loop3A_542 : vector<1x16xf32> to vector<16xf32>
        %parallel_loop3A_544 = vector.shape_cast %parallel_loop3A_539 : vector<16xf32> to vector<1x16xf32>
        tpu.vector_store %arg12[%parallel_loop3A_540, %parallel_loop3A_541], %parallel_loop3A_544 {strides = array<i32>} : memref<32x384xf32, #tpu.memory_space<vmem>>, vector<1x16xf32>,
        %parallel_loop3A_545 = arith.constant 1 : i32
        %parallel_loop3A_546 = arith.index_cast %parallel_loop3A_545 : i32 to index
        %parallel_loop3A_547 = arith.index_cast %parallel_loop3A_218 : i32 to index
        %parallel_loop3A_548 = arith.constant 384 : index
        %parallel_loop3A_549 = tpu.vector_load %arg10[%parallel_loop3A_546, %parallel_loop3A_547, %parallel_loop3A_548] {strides = array<i32>} : memref<2x16x768xf32, #tpu.memory_space<vmem>>, vector<1x1x16xf32>,
        %parallel_loop3A_550 = vector.shape_cast %parallel_loop3A_549 : vector<1x1x16xf32> to vector<16xf32>
        %parallel_loop3A_551 = arith.constant 1 : i32
        %parallel_loop3A_552 = arith.index_cast %parallel_loop3A_551 : i32 to index
        %parallel_loop3A_553 = arith.index_cast %parallel_loop3A_218 : i32 to index
        %parallel_loop3A_554 = arith.constant 400 : index
        %parallel_loop3A_555 = tpu.vector_load %arg10[%parallel_loop3A_552, %parallel_loop3A_553, %parallel_loop3A_554] {strides = array<i32>} : memref<2x16x768xf32, #tpu.memory_space<vmem>>, vector<1x1x16xf32>,
        %parallel_loop3A_556 = vector.shape_cast %parallel_loop3A_555 : vector<1x1x16xf32> to vector<16xf32>
        %parallel_loop3A_557 = tpu.bitcast %parallel_loop3A_550 : vector<16xf32> -> vector<16xi32>
        %parallel_loop3A_558 = tpu.bitcast %parallel_loop3A_556 : vector<16xf32> -> vector<16xi32>
        %parallel_loop3A_559 = arith.constant -65536 : i32
        %parallel_loop3A_560 = vector.broadcast %parallel_loop3A_559 : i32 to vector<16xi32>
        %parallel_loop3A_561 = arith.andi %parallel_loop3A_558, %parallel_loop3A_560 : vector<16xi32>
        %parallel_loop3A_562 = arith.constant 16 : i32
        %parallel_loop3A_563 = vector.broadcast %parallel_loop3A_562 : i32 to vector<16xi32>
        %parallel_loop3A_564 = arith.shrui %parallel_loop3A_557, %parallel_loop3A_563 : vector<16xi32>
        %parallel_loop3A_565 = arith.ori %parallel_loop3A_561, %parallel_loop3A_564 : vector<16xi32>
        %parallel_loop3A_566 = tpu.bitcast %parallel_loop3A_565 : vector<16xi32> -> vector<16xf32>
        %parallel_loop3A_567 = arith.index_cast %parallel_loop3A_220 : i32 to index
        %parallel_loop3A_568 = arith.constant 192 : index
        %parallel_loop3A_569 = tpu.vector_load %arg12[%parallel_loop3A_567, %parallel_loop3A_568] {strides = array<i32>} : memref<32x384xf32, #tpu.memory_space<vmem>>, vector<1x16xf32>,
        %parallel_loop3A_570 = vector.shape_cast %parallel_loop3A_569 : vector<1x16xf32> to vector<16xf32>
        %parallel_loop3A_571 = vector.shape_cast %parallel_loop3A_566 : vector<16xf32> to vector<1x16xf32>
        tpu.vector_store %arg12[%parallel_loop3A_567, %parallel_loop3A_568], %parallel_loop3A_571 {strides = array<i32>} : memref<32x384xf32, #tpu.memory_space<vmem>>, vector<1x16xf32>,
        %parallel_loop3A_572 = arith.constant 1 : i32
        %parallel_loop3A_573 = arith.index_cast %parallel_loop3A_572 : i32 to index
        %parallel_loop3A_574 = arith.index_cast %parallel_loop3A_218 : i32 to index
        %parallel_loop3A_575 = arith.constant 416 : index
        %parallel_loop3A_576 = tpu.vector_load %arg10[%parallel_loop3A_573, %parallel_loop3A_574, %parallel_loop3A_575] {strides = array<i32>} : memref<2x16x768xf32, #tpu.memory_space<vmem>>, vector<1x1x16xf32>,
        %parallel_loop3A_577 = vector.shape_cast %parallel_loop3A_576 : vector<1x1x16xf32> to vector<16xf32>
        %parallel_loop3A_578 = arith.constant 1 : i32
        %parallel_loop3A_579 = arith.index_cast %parallel_loop3A_578 : i32 to index
        %parallel_loop3A_580 = arith.index_cast %parallel_loop3A_218 : i32 to index
        %parallel_loop3A_581 = arith.constant 432 : index
        %parallel_loop3A_582 = tpu.vector_load %arg10[%parallel_loop3A_579, %parallel_loop3A_580, %parallel_loop3A_581] {strides = array<i32>} : memref<2x16x768xf32, #tpu.memory_space<vmem>>, vector<1x1x16xf32>,
        %parallel_loop3A_583 = vector.shape_cast %parallel_loop3A_582 : vector<1x1x16xf32> to vector<16xf32>
        %parallel_loop3A_584 = tpu.bitcast %parallel_loop3A_577 : vector<16xf32> -> vector<16xi32>
        %parallel_loop3A_585 = tpu.bitcast %parallel_loop3A_583 : vector<16xf32> -> vector<16xi32>
        %parallel_loop3A_586 = arith.constant -65536 : i32
        %parallel_loop3A_587 = vector.broadcast %parallel_loop3A_586 : i32 to vector<16xi32>
        %parallel_loop3A_588 = arith.andi %parallel_loop3A_585, %parallel_loop3A_587 : vector<16xi32>
        %parallel_loop3A_589 = arith.constant 16 : i32
        %parallel_loop3A_590 = vector.broadcast %parallel_loop3A_589 : i32 to vector<16xi32>
        %parallel_loop3A_591 = arith.shrui %parallel_loop3A_584, %parallel_loop3A_590 : vector<16xi32>
        %parallel_loop3A_592 = arith.ori %parallel_loop3A_588, %parallel_loop3A_591 : vector<16xi32>
        %parallel_loop3A_593 = tpu.bitcast %parallel_loop3A_592 : vector<16xi32> -> vector<16xf32>
        %parallel_loop3A_594 = arith.index_cast %parallel_loop3A_220 : i32 to index
        %parallel_loop3A_595 = arith.constant 208 : index
        %parallel_loop3A_596 = tpu.vector_load %arg12[%parallel_loop3A_594, %parallel_loop3A_595] {strides = array<i32>} : memref<32x384xf32, #tpu.memory_space<vmem>>, vector<1x16xf32>,
        %parallel_loop3A_597 = vector.shape_cast %parallel_loop3A_596 : vector<1x16xf32> to vector<16xf32>
        %parallel_loop3A_598 = vector.shape_cast %parallel_loop3A_593 : vector<16xf32> to vector<1x16xf32>
        tpu.vector_store %arg12[%parallel_loop3A_594, %parallel_loop3A_595], %parallel_loop3A_598 {strides = array<i32>} : memref<32x384xf32, #tpu.memory_space<vmem>>, vector<1x16xf32>,
        %parallel_loop3A_599 = arith.constant 1 : i32
        %parallel_loop3A_600 = arith.index_cast %parallel_loop3A_599 : i32 to index
        %parallel_loop3A_601 = arith.index_cast %parallel_loop3A_218 : i32 to index
        %parallel_loop3A_602 = arith.constant 448 : index
        %parallel_loop3A_603 = tpu.vector_load %arg10[%parallel_loop3A_600, %parallel_loop3A_601, %parallel_loop3A_602] {strides = array<i32>} : memref<2x16x768xf32, #tpu.memory_space<vmem>>, vector<1x1x16xf32>,
        %parallel_loop3A_604 = vector.shape_cast %parallel_loop3A_603 : vector<1x1x16xf32> to vector<16xf32>
        %parallel_loop3A_605 = arith.constant 1 : i32
        %parallel_loop3A_606 = arith.index_cast %parallel_loop3A_605 : i32 to index
        %parallel_loop3A_607 = arith.index_cast %parallel_loop3A_218 : i32 to index
        %parallel_loop3A_608 = arith.constant 464 : index
        %parallel_loop3A_609 = tpu.vector_load %arg10[%parallel_loop3A_606, %parallel_loop3A_607, %parallel_loop3A_608] {strides = array<i32>} : memref<2x16x768xf32, #tpu.memory_space<vmem>>, vector<1x1x16xf32>,
        %parallel_loop3A_610 = vector.shape_cast %parallel_loop3A_609 : vector<1x1x16xf32> to vector<16xf32>
        %parallel_loop3A_611 = tpu.bitcast %parallel_loop3A_604 : vector<16xf32> -> vector<16xi32>
        %parallel_loop3A_612 = tpu.bitcast %parallel_loop3A_610 : vector<16xf32> -> vector<16xi32>
        %parallel_loop3A_613 = arith.constant -65536 : i32
        %parallel_loop3A_614 = vector.broadcast %parallel_loop3A_613 : i32 to vector<16xi32>
        %parallel_loop3A_615 = arith.andi %parallel_loop3A_612, %parallel_loop3A_614 : vector<16xi32>
        %parallel_loop3A_616 = arith.constant 16 : i32
        %parallel_loop3A_617 = vector.broadcast %parallel_loop3A_616 : i32 to vector<16xi32>
        %parallel_loop3A_618 = arith.shrui %parallel_loop3A_611, %parallel_loop3A_617 : vector<16xi32>
        %parallel_loop3A_619 = arith.ori %parallel_loop3A_615, %parallel_loop3A_618 : vector<16xi32>
        %parallel_loop3A_620 = tpu.bitcast %parallel_loop3A_619 : vector<16xi32> -> vector<16xf32>
        %parallel_loop3A_621 = arith.index_cast %parallel_loop3A_220 : i32 to index
        %parallel_loop3A_622 = arith.constant 224 : index
        %parallel_loop3A_623 = tpu.vector_load %arg12[%parallel_loop3A_621, %parallel_loop3A_622] {strides = array<i32>} : memref<32x384xf32, #tpu.memory_space<vmem>>, vector<1x16xf32>,
        %parallel_loop3A_624 = vector.shape_cast %parallel_loop3A_623 : vector<1x16xf32> to vector<16xf32>
        %parallel_loop3A_625 = vector.shape_cast %parallel_loop3A_620 : vector<16xf32> to vector<1x16xf32>
        tpu.vector_store %arg12[%parallel_loop3A_621, %parallel_loop3A_622], %parallel_loop3A_625 {strides = array<i32>} : memref<32x384xf32, #tpu.memory_space<vmem>>, vector<1x16xf32>,
        %parallel_loop3A_626 = arith.constant 1 : i32
        %parallel_loop3A_627 = arith.index_cast %parallel_loop3A_626 : i32 to index
        %parallel_loop3A_628 = arith.index_cast %parallel_loop3A_218 : i32 to index
        %parallel_loop3A_629 = arith.constant 480 : index
        %parallel_loop3A_630 = tpu.vector_load %arg10[%parallel_loop3A_627, %parallel_loop3A_628, %parallel_loop3A_629] {strides = array<i32>} : memref<2x16x768xf32, #tpu.memory_space<vmem>>, vector<1x1x16xf32>,
        %parallel_loop3A_631 = vector.shape_cast %parallel_loop3A_630 : vector<1x1x16xf32> to vector<16xf32>
        %parallel_loop3A_632 = arith.constant 1 : i32
        %parallel_loop3A_633 = arith.index_cast %parallel_loop3A_632 : i32 to index
        %parallel_loop3A_634 = arith.index_cast %parallel_loop3A_218 : i32 to index
        %parallel_loop3A_635 = arith.constant 496 : index
        %parallel_loop3A_636 = tpu.vector_load %arg10[%parallel_loop3A_633, %parallel_loop3A_634, %parallel_loop3A_635] {strides = array<i32>} : memref<2x16x768xf32, #tpu.memory_space<vmem>>, vector<1x1x16xf32>,
        %parallel_loop3A_637 = vector.shape_cast %parallel_loop3A_636 : vector<1x1x16xf32> to vector<16xf32>
        %parallel_loop3A_638 = tpu.bitcast %parallel_loop3A_631 : vector<16xf32> -> vector<16xi32>
        %parallel_loop3A_639 = tpu.bitcast %parallel_loop3A_637 : vector<16xf32> -> vector<16xi32>
        %parallel_loop3A_640 = arith.constant -65536 : i32
        %parallel_loop3A_641 = vector.broadcast %parallel_loop3A_640 : i32 to vector<16xi32>
        %parallel_loop3A_642 = arith.andi %parallel_loop3A_639, %parallel_loop3A_641 : vector<16xi32>
        %parallel_loop3A_643 = arith.constant 16 : i32
        %parallel_loop3A_644 = vector.broadcast %parallel_loop3A_643 : i32 to vector<16xi32>
        %parallel_loop3A_645 = arith.shrui %parallel_loop3A_638, %parallel_loop3A_644 : vector<16xi32>
        %parallel_loop3A_646 = arith.ori %parallel_loop3A_642, %parallel_loop3A_645 : vector<16xi32>
        %parallel_loop3A_647 = tpu.bitcast %parallel_loop3A_646 : vector<16xi32> -> vector<16xf32>
        %parallel_loop3A_648 = arith.index_cast %parallel_loop3A_220 : i32 to index
        %parallel_loop3A_649 = arith.constant 240 : index
        %parallel_loop3A_650 = tpu.vector_load %arg12[%parallel_loop3A_648, %parallel_loop3A_649] {strides = array<i32>} : memref<32x384xf32, #tpu.memory_space<vmem>>, vector<1x16xf32>,
        %parallel_loop3A_651 = vector.shape_cast %parallel_loop3A_650 : vector<1x16xf32> to vector<16xf32>
        %parallel_loop3A_652 = vector.shape_cast %parallel_loop3A_647 : vector<16xf32> to vector<1x16xf32>
        tpu.vector_store %arg12[%parallel_loop3A_648, %parallel_loop3A_649], %parallel_loop3A_652 {strides = array<i32>} : memref<32x384xf32, #tpu.memory_space<vmem>>, vector<1x16xf32>,
        %parallel_loop3A_653 = arith.constant 1 : i32
        %parallel_loop3A_654 = arith.index_cast %parallel_loop3A_653 : i32 to index
        %parallel_loop3A_655 = arith.index_cast %parallel_loop3A_218 : i32 to index
        %parallel_loop3A_656 = arith.constant 512 : index
        %parallel_loop3A_657 = tpu.vector_load %arg10[%parallel_loop3A_654, %parallel_loop3A_655, %parallel_loop3A_656] {strides = array<i32>} : memref<2x16x768xf32, #tpu.memory_space<vmem>>, vector<1x1x16xf32>,
        %parallel_loop3A_658 = vector.shape_cast %parallel_loop3A_657 : vector<1x1x16xf32> to vector<16xf32>
        %parallel_loop3A_659 = arith.constant 1 : i32
        %parallel_loop3A_660 = arith.index_cast %parallel_loop3A_659 : i32 to index
        %parallel_loop3A_661 = arith.index_cast %parallel_loop3A_218 : i32 to index
        %parallel_loop3A_662 = arith.constant 528 : index
        %parallel_loop3A_663 = tpu.vector_load %arg10[%parallel_loop3A_660, %parallel_loop3A_661, %parallel_loop3A_662] {strides = array<i32>} : memref<2x16x768xf32, #tpu.memory_space<vmem>>, vector<1x1x16xf32>,
        %parallel_loop3A_664 = vector.shape_cast %parallel_loop3A_663 : vector<1x1x16xf32> to vector<16xf32>
        %parallel_loop3A_665 = tpu.bitcast %parallel_loop3A_658 : vector<16xf32> -> vector<16xi32>
        %parallel_loop3A_666 = tpu.bitcast %parallel_loop3A_664 : vector<16xf32> -> vector<16xi32>
        %parallel_loop3A_667 = arith.constant -65536 : i32
        %parallel_loop3A_668 = vector.broadcast %parallel_loop3A_667 : i32 to vector<16xi32>
        %parallel_loop3A_669 = arith.andi %parallel_loop3A_666, %parallel_loop3A_668 : vector<16xi32>
        %parallel_loop3A_670 = arith.constant 16 : i32
        %parallel_loop3A_671 = vector.broadcast %parallel_loop3A_670 : i32 to vector<16xi32>
        %parallel_loop3A_672 = arith.shrui %parallel_loop3A_665, %parallel_loop3A_671 : vector<16xi32>
        %parallel_loop3A_673 = arith.ori %parallel_loop3A_669, %parallel_loop3A_672 : vector<16xi32>
        %parallel_loop3A_674 = tpu.bitcast %parallel_loop3A_673 : vector<16xi32> -> vector<16xf32>
        %parallel_loop3A_675 = arith.index_cast %parallel_loop3A_220 : i32 to index
        %parallel_loop3A_676 = arith.constant 256 : index
        %parallel_loop3A_677 = tpu.vector_load %arg12[%parallel_loop3A_675, %parallel_loop3A_676] {strides = array<i32>} : memref<32x384xf32, #tpu.memory_space<vmem>>, vector<1x16xf32>,
        %parallel_loop3A_678 = vector.shape_cast %parallel_loop3A_677 : vector<1x16xf32> to vector<16xf32>
        %parallel_loop3A_679 = vector.shape_cast %parallel_loop3A_674 : vector<16xf32> to vector<1x16xf32>
        tpu.vector_store %arg12[%parallel_loop3A_675, %parallel_loop3A_676], %parallel_loop3A_679 {strides = array<i32>} : memref<32x384xf32, #tpu.memory_space<vmem>>, vector<1x16xf32>,
        %parallel_loop3A_680 = arith.constant 1 : i32
        %parallel_loop3A_681 = arith.index_cast %parallel_loop3A_680 : i32 to index
        %parallel_loop3A_682 = arith.index_cast %parallel_loop3A_218 : i32 to index
        %parallel_loop3A_683 = arith.constant 544 : index
        %parallel_loop3A_684 = tpu.vector_load %arg10[%parallel_loop3A_681, %parallel_loop3A_682, %parallel_loop3A_683] {strides = array<i32>} : memref<2x16x768xf32, #tpu.memory_space<vmem>>, vector<1x1x16xf32>,
        %parallel_loop3A_685 = vector.shape_cast %parallel_loop3A_684 : vector<1x1x16xf32> to vector<16xf32>
        %parallel_loop3A_686 = arith.constant 1 : i32
        %parallel_loop3A_687 = arith.index_cast %parallel_loop3A_686 : i32 to index
        %parallel_loop3A_688 = arith.index_cast %parallel_loop3A_218 : i32 to index
        %parallel_loop3A_689 = arith.constant 560 : index
        %parallel_loop3A_690 = tpu.vector_load %arg10[%parallel_loop3A_687, %parallel_loop3A_688, %parallel_loop3A_689] {strides = array<i32>} : memref<2x16x768xf32, #tpu.memory_space<vmem>>, vector<1x1x16xf32>,
        %parallel_loop3A_691 = vector.shape_cast %parallel_loop3A_690 : vector<1x1x16xf32> to vector<16xf32>
        %parallel_loop3A_692 = tpu.bitcast %parallel_loop3A_685 : vector<16xf32> -> vector<16xi32>
        %parallel_loop3A_693 = tpu.bitcast %parallel_loop3A_691 : vector<16xf32> -> vector<16xi32>
        %parallel_loop3A_694 = arith.constant -65536 : i32
        %parallel_loop3A_695 = vector.broadcast %parallel_loop3A_694 : i32 to vector<16xi32>
        %parallel_loop3A_696 = arith.andi %parallel_loop3A_693, %parallel_loop3A_695 : vector<16xi32>
        %parallel_loop3A_697 = arith.constant 16 : i32
        %parallel_loop3A_698 = vector.broadcast %parallel_loop3A_697 : i32 to vector<16xi32>
        %parallel_loop3A_699 = arith.shrui %parallel_loop3A_692, %parallel_loop3A_698 : vector<16xi32>
        %parallel_loop3A_700 = arith.ori %parallel_loop3A_696, %parallel_loop3A_699 : vector<16xi32>
        %parallel_loop3A_701 = tpu.bitcast %parallel_loop3A_700 : vector<16xi32> -> vector<16xf32>
        %parallel_loop3A_702 = arith.index_cast %parallel_loop3A_220 : i32 to index
        %parallel_loop3A_703 = arith.constant 272 : index
        %parallel_loop3A_704 = tpu.vector_load %arg12[%parallel_loop3A_702, %parallel_loop3A_703] {strides = array<i32>} : memref<32x384xf32, #tpu.memory_space<vmem>>, vector<1x16xf32>,
        %parallel_loop3A_705 = vector.shape_cast %parallel_loop3A_704 : vector<1x16xf32> to vector<16xf32>
        %parallel_loop3A_706 = vector.shape_cast %parallel_loop3A_701 : vector<16xf32> to vector<1x16xf32>
        tpu.vector_store %arg12[%parallel_loop3A_702, %parallel_loop3A_703], %parallel_loop3A_706 {strides = array<i32>} : memref<32x384xf32, #tpu.memory_space<vmem>>, vector<1x16xf32>,
        %parallel_loop3A_707 = arith.constant 1 : i32
        %parallel_loop3A_708 = arith.index_cast %parallel_loop3A_707 : i32 to index
        %parallel_loop3A_709 = arith.index_cast %parallel_loop3A_218 : i32 to index
        %parallel_loop3A_710 = arith.constant 576 : index
        %parallel_loop3A_711 = tpu.vector_load %arg10[%parallel_loop3A_708, %parallel_loop3A_709, %parallel_loop3A_710] {strides = array<i32>} : memref<2x16x768xf32, #tpu.memory_space<vmem>>, vector<1x1x16xf32>,
        %parallel_loop3A_712 = vector.shape_cast %parallel_loop3A_711 : vector<1x1x16xf32> to vector<16xf32>
        %parallel_loop3A_713 = arith.constant 1 : i32
        %parallel_loop3A_714 = arith.index_cast %parallel_loop3A_713 : i32 to index
        %parallel_loop3A_715 = arith.index_cast %parallel_loop3A_218 : i32 to index
        %parallel_loop3A_716 = arith.constant 592 : index
        %parallel_loop3A_717 = tpu.vector_load %arg10[%parallel_loop3A_714, %parallel_loop3A_715, %parallel_loop3A_716] {strides = array<i32>} : memref<2x16x768xf32, #tpu.memory_space<vmem>>, vector<1x1x16xf32>,
        %parallel_loop3A_718 = vector.shape_cast %parallel_loop3A_717 : vector<1x1x16xf32> to vector<16xf32>
        %parallel_loop3A_719 = tpu.bitcast %parallel_loop3A_712 : vector<16xf32> -> vector<16xi32>
        %parallel_loop3A_720 = tpu.bitcast %parallel_loop3A_718 : vector<16xf32> -> vector<16xi32>
        %parallel_loop3A_721 = arith.constant -65536 : i32
        %parallel_loop3A_722 = vector.broadcast %parallel_loop3A_721 : i32 to vector<16xi32>
        %parallel_loop3A_723 = arith.andi %parallel_loop3A_720, %parallel_loop3A_722 : vector<16xi32>
        %parallel_loop3A_724 = arith.constant 16 : i32
        %parallel_loop3A_725 = vector.broadcast %parallel_loop3A_724 : i32 to vector<16xi32>
        %parallel_loop3A_726 = arith.shrui %parallel_loop3A_719, %parallel_loop3A_725 : vector<16xi32>
        %parallel_loop3A_727 = arith.ori %parallel_loop3A_723, %parallel_loop3A_726 : vector<16xi32>
        %parallel_loop3A_728 = tpu.bitcast %parallel_loop3A_727 : vector<16xi32> -> vector<16xf32>
        %parallel_loop3A_729 = arith.index_cast %parallel_loop3A_220 : i32 to index
        %parallel_loop3A_730 = arith.constant 288 : index
        %parallel_loop3A_731 = tpu.vector_load %arg12[%parallel_loop3A_729, %parallel_loop3A_730] {strides = array<i32>} : memref<32x384xf32, #tpu.memory_space<vmem>>, vector<1x16xf32>,
        %parallel_loop3A_732 = vector.shape_cast %parallel_loop3A_731 : vector<1x16xf32> to vector<16xf32>
        %parallel_loop3A_733 = vector.shape_cast %parallel_loop3A_728 : vector<16xf32> to vector<1x16xf32>
        tpu.vector_store %arg12[%parallel_loop3A_729, %parallel_loop3A_730], %parallel_loop3A_733 {strides = array<i32>} : memref<32x384xf32, #tpu.memory_space<vmem>>, vector<1x16xf32>,
        %parallel_loop3A_734 = arith.constant 1 : i32
        %parallel_loop3A_735 = arith.index_cast %parallel_loop3A_734 : i32 to index
        %parallel_loop3A_736 = arith.index_cast %parallel_loop3A_218 : i32 to index
        %parallel_loop3A_737 = arith.constant 608 : index
        %parallel_loop3A_738 = tpu.vector_load %arg10[%parallel_loop3A_735, %parallel_loop3A_736, %parallel_loop3A_737] {strides = array<i32>} : memref<2x16x768xf32, #tpu.memory_space<vmem>>, vector<1x1x16xf32>,
        %parallel_loop3A_739 = vector.shape_cast %parallel_loop3A_738 : vector<1x1x16xf32> to vector<16xf32>
        %parallel_loop3A_740 = arith.constant 1 : i32
        %parallel_loop3A_741 = arith.index_cast %parallel_loop3A_740 : i32 to index
        %parallel_loop3A_742 = arith.index_cast %parallel_loop3A_218 : i32 to index
        %parallel_loop3A_743 = arith.constant 624 : index
        %parallel_loop3A_744 = tpu.vector_load %arg10[%parallel_loop3A_741, %parallel_loop3A_742, %parallel_loop3A_743] {strides = array<i32>} : memref<2x16x768xf32, #tpu.memory_space<vmem>>, vector<1x1x16xf32>,
        %parallel_loop3A_745 = vector.shape_cast %parallel_loop3A_744 : vector<1x1x16xf32> to vector<16xf32>
        %parallel_loop3A_746 = tpu.bitcast %parallel_loop3A_739 : vector<16xf32> -> vector<16xi32>
        %parallel_loop3A_747 = tpu.bitcast %parallel_loop3A_745 : vector<16xf32> -> vector<16xi32>
        %parallel_loop3A_748 = arith.constant -65536 : i32
        %parallel_loop3A_749 = vector.broadcast %parallel_loop3A_748 : i32 to vector<16xi32>
        %parallel_loop3A_750 = arith.andi %parallel_loop3A_747, %parallel_loop3A_749 : vector<16xi32>
        %parallel_loop3A_751 = arith.constant 16 : i32
        %parallel_loop3A_752 = vector.broadcast %parallel_loop3A_751 : i32 to vector<16xi32>
        %parallel_loop3A_753 = arith.shrui %parallel_loop3A_746, %parallel_loop3A_752 : vector<16xi32>
        %parallel_loop3A_754 = arith.ori %parallel_loop3A_750, %parallel_loop3A_753 : vector<16xi32>
        %parallel_loop3A_755 = tpu.bitcast %parallel_loop3A_754 : vector<16xi32> -> vector<16xf32>
        %parallel_loop3A_756 = arith.index_cast %parallel_loop3A_220 : i32 to index
        %parallel_loop3A_757 = arith.constant 304 : index
        %parallel_loop3A_758 = tpu.vector_load %arg12[%parallel_loop3A_756, %parallel_loop3A_757] {strides = array<i32>} : memref<32x384xf32, #tpu.memory_space<vmem>>, vector<1x16xf32>,
        %parallel_loop3A_759 = vector.shape_cast %parallel_loop3A_758 : vector<1x16xf32> to vector<16xf32>
        %parallel_loop3A_760 = vector.shape_cast %parallel_loop3A_755 : vector<16xf32> to vector<1x16xf32>
        tpu.vector_store %arg12[%parallel_loop3A_756, %parallel_loop3A_757], %parallel_loop3A_760 {strides = array<i32>} : memref<32x384xf32, #tpu.memory_space<vmem>>, vector<1x16xf32>,
        %parallel_loop3A_761 = arith.constant 1 : i32
        %parallel_loop3A_762 = arith.index_cast %parallel_loop3A_761 : i32 to index
        %parallel_loop3A_763 = arith.index_cast %parallel_loop3A_218 : i32 to index
        %parallel_loop3A_764 = arith.constant 640 : index
        %parallel_loop3A_765 = tpu.vector_load %arg10[%parallel_loop3A_762, %parallel_loop3A_763, %parallel_loop3A_764] {strides = array<i32>} : memref<2x16x768xf32, #tpu.memory_space<vmem>>, vector<1x1x16xf32>,
        %parallel_loop3A_766 = vector.shape_cast %parallel_loop3A_765 : vector<1x1x16xf32> to vector<16xf32>
        %parallel_loop3A_767 = arith.constant 1 : i32
        %parallel_loop3A_768 = arith.index_cast %parallel_loop3A_767 : i32 to index
        %parallel_loop3A_769 = arith.index_cast %parallel_loop3A_218 : i32 to index
        %parallel_loop3A_770 = arith.constant 656 : index
        %parallel_loop3A_771 = tpu.vector_load %arg10[%parallel_loop3A_768, %parallel_loop3A_769, %parallel_loop3A_770] {strides = array<i32>} : memref<2x16x768xf32, #tpu.memory_space<vmem>>, vector<1x1x16xf32>,
        %parallel_loop3A_772 = vector.shape_cast %parallel_loop3A_771 : vector<1x1x16xf32> to vector<16xf32>
        %parallel_loop3A_773 = tpu.bitcast %parallel_loop3A_766 : vector<16xf32> -> vector<16xi32>
        %parallel_loop3A_774 = tpu.bitcast %parallel_loop3A_772 : vector<16xf32> -> vector<16xi32>
        %parallel_loop3A_775 = arith.constant -65536 : i32
        %parallel_loop3A_776 = vector.broadcast %parallel_loop3A_775 : i32 to vector<16xi32>
        %parallel_loop3A_777 = arith.andi %parallel_loop3A_774, %parallel_loop3A_776 : vector<16xi32>
        %parallel_loop3A_778 = arith.constant 16 : i32
        %parallel_loop3A_779 = vector.broadcast %parallel_loop3A_778 : i32 to vector<16xi32>
        %parallel_loop3A_780 = arith.shrui %parallel_loop3A_773, %parallel_loop3A_779 : vector<16xi32>
        %parallel_loop3A_781 = arith.ori %parallel_loop3A_777, %parallel_loop3A_780 : vector<16xi32>
        %parallel_loop3A_782 = tpu.bitcast %parallel_loop3A_781 : vector<16xi32> -> vector<16xf32>
        %parallel_loop3A_783 = arith.index_cast %parallel_loop3A_220 : i32 to index
        %parallel_loop3A_784 = arith.constant 320 : index
        %parallel_loop3A_785 = tpu.vector_load %arg12[%parallel_loop3A_783, %parallel_loop3A_784] {strides = array<i32>} : memref<32x384xf32, #tpu.memory_space<vmem>>, vector<1x16xf32>,
        %parallel_loop3A_786 = vector.shape_cast %parallel_loop3A_785 : vector<1x16xf32> to vector<16xf32>
        %parallel_loop3A_787 = vector.shape_cast %parallel_loop3A_782 : vector<16xf32> to vector<1x16xf32>
        tpu.vector_store %arg12[%parallel_loop3A_783, %parallel_loop3A_784], %parallel_loop3A_787 {strides = array<i32>} : memref<32x384xf32, #tpu.memory_space<vmem>>, vector<1x16xf32>,
        %parallel_loop3A_788 = arith.constant 1 : i32
        %parallel_loop3A_789 = arith.index_cast %parallel_loop3A_788 : i32 to index
        %parallel_loop3A_790 = arith.index_cast %parallel_loop3A_218 : i32 to index
        %parallel_loop3A_791 = arith.constant 672 : index
        %parallel_loop3A_792 = tpu.vector_load %arg10[%parallel_loop3A_789, %parallel_loop3A_790, %parallel_loop3A_791] {strides = array<i32>} : memref<2x16x768xf32, #tpu.memory_space<vmem>>, vector<1x1x16xf32>,
        %parallel_loop3A_793 = vector.shape_cast %parallel_loop3A_792 : vector<1x1x16xf32> to vector<16xf32>
        %parallel_loop3A_794 = arith.constant 1 : i32
        %parallel_loop3A_795 = arith.index_cast %parallel_loop3A_794 : i32 to index
        %parallel_loop3A_796 = arith.index_cast %parallel_loop3A_218 : i32 to index
        %parallel_loop3A_797 = arith.constant 688 : index
        %parallel_loop3A_798 = tpu.vector_load %arg10[%parallel_loop3A_795, %parallel_loop3A_796, %parallel_loop3A_797] {strides = array<i32>} : memref<2x16x768xf32, #tpu.memory_space<vmem>>, vector<1x1x16xf32>,
        %parallel_loop3A_799 = vector.shape_cast %parallel_loop3A_798 : vector<1x1x16xf32> to vector<16xf32>
        %parallel_loop3A_800 = tpu.bitcast %parallel_loop3A_793 : vector<16xf32> -> vector<16xi32>
        %parallel_loop3A_801 = tpu.bitcast %parallel_loop3A_799 : vector<16xf32> -> vector<16xi32>
        %parallel_loop3A_802 = arith.constant -65536 : i32
        %parallel_loop3A_803 = vector.broadcast %parallel_loop3A_802 : i32 to vector<16xi32>
        %parallel_loop3A_804 = arith.andi %parallel_loop3A_801, %parallel_loop3A_803 : vector<16xi32>
        %parallel_loop3A_805 = arith.constant 16 : i32
        %parallel_loop3A_806 = vector.broadcast %parallel_loop3A_805 : i32 to vector<16xi32>
        %parallel_loop3A_807 = arith.shrui %parallel_loop3A_800, %parallel_loop3A_806 : vector<16xi32>
        %parallel_loop3A_808 = arith.ori %parallel_loop3A_804, %parallel_loop3A_807 : vector<16xi32>
        %parallel_loop3A_809 = tpu.bitcast %parallel_loop3A_808 : vector<16xi32> -> vector<16xf32>
        %parallel_loop3A_810 = arith.index_cast %parallel_loop3A_220 : i32 to index
        %parallel_loop3A_811 = arith.constant 336 : index
        %parallel_loop3A_812 = tpu.vector_load %arg12[%parallel_loop3A_810, %parallel_loop3A_811] {strides = array<i32>} : memref<32x384xf32, #tpu.memory_space<vmem>>, vector<1x16xf32>,
        %parallel_loop3A_813 = vector.shape_cast %parallel_loop3A_812 : vector<1x16xf32> to vector<16xf32>
        %parallel_loop3A_814 = vector.shape_cast %parallel_loop3A_809 : vector<16xf32> to vector<1x16xf32>
        tpu.vector_store %arg12[%parallel_loop3A_810, %parallel_loop3A_811], %parallel_loop3A_814 {strides = array<i32>} : memref<32x384xf32, #tpu.memory_space<vmem>>, vector<1x16xf32>,
        %parallel_loop3A_815 = arith.constant 1 : i32
        %parallel_loop3A_816 = arith.index_cast %parallel_loop3A_815 : i32 to index
        %parallel_loop3A_817 = arith.index_cast %parallel_loop3A_218 : i32 to index
        %parallel_loop3A_818 = arith.constant 704 : index
        %parallel_loop3A_819 = tpu.vector_load %arg10[%parallel_loop3A_816, %parallel_loop3A_817, %parallel_loop3A_818] {strides = array<i32>} : memref<2x16x768xf32, #tpu.memory_space<vmem>>, vector<1x1x16xf32>,
        %parallel_loop3A_820 = vector.shape_cast %parallel_loop3A_819 : vector<1x1x16xf32> to vector<16xf32>
        %parallel_loop3A_821 = arith.constant 1 : i32
        %parallel_loop3A_822 = arith.index_cast %parallel_loop3A_821 : i32 to index
        %parallel_loop3A_823 = arith.index_cast %parallel_loop3A_218 : i32 to index
        %parallel_loop3A_824 = arith.constant 720 : index
        %parallel_loop3A_825 = tpu.vector_load %arg10[%parallel_loop3A_822, %parallel_loop3A_823, %parallel_loop3A_824] {strides = array<i32>} : memref<2x16x768xf32, #tpu.memory_space<vmem>>, vector<1x1x16xf32>,
        %parallel_loop3A_826 = vector.shape_cast %parallel_loop3A_825 : vector<1x1x16xf32> to vector<16xf32>
        %parallel_loop3A_827 = tpu.bitcast %parallel_loop3A_820 : vector<16xf32> -> vector<16xi32>
        %parallel_loop3A_828 = tpu.bitcast %parallel_loop3A_826 : vector<16xf32> -> vector<16xi32>
        %parallel_loop3A_829 = arith.constant -65536 : i32
        %parallel_loop3A_830 = vector.broadcast %parallel_loop3A_829 : i32 to vector<16xi32>
        %parallel_loop3A_831 = arith.andi %parallel_loop3A_828, %parallel_loop3A_830 : vector<16xi32>
        %parallel_loop3A_832 = arith.constant 16 : i32
        %parallel_loop3A_833 = vector.broadcast %parallel_loop3A_832 : i32 to vector<16xi32>
        %parallel_loop3A_834 = arith.shrui %parallel_loop3A_827, %parallel_loop3A_833 : vector<16xi32>
        %parallel_loop3A_835 = arith.ori %parallel_loop3A_831, %parallel_loop3A_834 : vector<16xi32>
        %parallel_loop3A_836 = tpu.bitcast %parallel_loop3A_835 : vector<16xi32> -> vector<16xf32>
        %parallel_loop3A_837 = arith.index_cast %parallel_loop3A_220 : i32 to index
        %parallel_loop3A_838 = arith.constant 352 : index
        %parallel_loop3A_839 = tpu.vector_load %arg12[%parallel_loop3A_837, %parallel_loop3A_838] {strides = array<i32>} : memref<32x384xf32, #tpu.memory_space<vmem>>, vector<1x16xf32>,
        %parallel_loop3A_840 = vector.shape_cast %parallel_loop3A_839 : vector<1x16xf32> to vector<16xf32>
        %parallel_loop3A_841 = vector.shape_cast %parallel_loop3A_836 : vector<16xf32> to vector<1x16xf32>
        tpu.vector_store %arg12[%parallel_loop3A_837, %parallel_loop3A_838], %parallel_loop3A_841 {strides = array<i32>} : memref<32x384xf32, #tpu.memory_space<vmem>>, vector<1x16xf32>,
        %parallel_loop3A_842 = arith.constant 1 : i32
        %parallel_loop3A_843 = arith.index_cast %parallel_loop3A_842 : i32 to index
        %parallel_loop3A_844 = arith.index_cast %parallel_loop3A_218 : i32 to index
        %parallel_loop3A_845 = arith.constant 736 : index
        %parallel_loop3A_846 = tpu.vector_load %arg10[%parallel_loop3A_843, %parallel_loop3A_844, %parallel_loop3A_845] {strides = array<i32>} : memref<2x16x768xf32, #tpu.memory_space<vmem>>, vector<1x1x16xf32>,
        %parallel_loop3A_847 = vector.shape_cast %parallel_loop3A_846 : vector<1x1x16xf32> to vector<16xf32>
        %parallel_loop3A_848 = arith.constant 1 : i32
        %parallel_loop3A_849 = arith.index_cast %parallel_loop3A_848 : i32 to index
        %parallel_loop3A_850 = arith.index_cast %parallel_loop3A_218 : i32 to index
        %parallel_loop3A_851 = arith.constant 752 : index
        %parallel_loop3A_852 = tpu.vector_load %arg10[%parallel_loop3A_849, %parallel_loop3A_850, %parallel_loop3A_851] {strides = array<i32>} : memref<2x16x768xf32, #tpu.memory_space<vmem>>, vector<1x1x16xf32>,
        %parallel_loop3A_853 = vector.shape_cast %parallel_loop3A_852 : vector<1x1x16xf32> to vector<16xf32>
        %parallel_loop3A_854 = tpu.bitcast %parallel_loop3A_847 : vector<16xf32> -> vector<16xi32>
        %parallel_loop3A_855 = tpu.bitcast %parallel_loop3A_853 : vector<16xf32> -> vector<16xi32>
        %parallel_loop3A_856 = arith.constant -65536 : i32
        %parallel_loop3A_857 = vector.broadcast %parallel_loop3A_856 : i32 to vector<16xi32>
        %parallel_loop3A_858 = arith.andi %parallel_loop3A_855, %parallel_loop3A_857 : vector<16xi32>
        %parallel_loop3A_859 = arith.constant 16 : i32
        %parallel_loop3A_860 = vector.broadcast %parallel_loop3A_859 : i32 to vector<16xi32>
        %parallel_loop3A_861 = arith.shrui %parallel_loop3A_854, %parallel_loop3A_860 : vector<16xi32>
        %parallel_loop3A_862 = arith.ori %parallel_loop3A_858, %parallel_loop3A_861 : vector<16xi32>
        %parallel_loop3A_863 = tpu.bitcast %parallel_loop3A_862 : vector<16xi32> -> vector<16xf32>
        %parallel_loop3A_864 = arith.index_cast %parallel_loop3A_220 : i32 to index
        %parallel_loop3A_865 = arith.constant 368 : index
        %parallel_loop3A_866 = tpu.vector_load %arg12[%parallel_loop3A_864, %parallel_loop3A_865] {strides = array<i32>} : memref<32x384xf32, #tpu.memory_space<vmem>>, vector<1x16xf32>,
        %parallel_loop3A_867 = vector.shape_cast %parallel_loop3A_866 : vector<1x16xf32> to vector<16xf32>
        %parallel_loop3A_868 = vector.shape_cast %parallel_loop3A_863 : vector<16xf32> to vector<1x16xf32>
        tpu.vector_store %arg12[%parallel_loop3A_864, %parallel_loop3A_865], %parallel_loop3A_868 {strides = array<i32>} : memref<32x384xf32, #tpu.memory_space<vmem>>, vector<1x16xf32>,
        %parallel_loop3A_869 = arith.constant 1 : i32
        %parallel_loop3A_870 = arith.index_cast %parallel_loop3A_869 : i32 to index
        %parallel_loop3A_871 = arith.index_cast %parallel_loop3A_218 : i32 to index
        %parallel_loop3A_872 = arith.constant 0 : index
        %parallel_loop3A_873 = tpu.vector_load %arg11[%parallel_loop3A_870, %parallel_loop3A_871, %parallel_loop3A_872] {strides = array<i32>} : memref<2x16x768xf32, #tpu.memory_space<vmem>>, vector<1x1x16xf32>,
        %parallel_loop3A_874 = vector.shape_cast %parallel_loop3A_873 : vector<1x1x16xf32> to vector<16xf32>
        %parallel_loop3A_875 = arith.constant 1 : i32
        %parallel_loop3A_876 = arith.index_cast %parallel_loop3A_875 : i32 to index
        %parallel_loop3A_877 = arith.index_cast %parallel_loop3A_218 : i32 to index
        %parallel_loop3A_878 = arith.constant 16 : index
        %parallel_loop3A_879 = tpu.vector_load %arg11[%parallel_loop3A_876, %parallel_loop3A_877, %parallel_loop3A_878] {strides = array<i32>} : memref<2x16x768xf32, #tpu.memory_space<vmem>>, vector<1x1x16xf32>,
        %parallel_loop3A_880 = vector.shape_cast %parallel_loop3A_879 : vector<1x1x16xf32> to vector<16xf32>
        %parallel_loop3A_881 = tpu.bitcast %parallel_loop3A_874 : vector<16xf32> -> vector<16xi32>
        %parallel_loop3A_882 = tpu.bitcast %parallel_loop3A_880 : vector<16xf32> -> vector<16xi32>
        %parallel_loop3A_883 = arith.constant -65536 : i32
        %parallel_loop3A_884 = vector.broadcast %parallel_loop3A_883 : i32 to vector<16xi32>
        %parallel_loop3A_885 = arith.andi %parallel_loop3A_882, %parallel_loop3A_884 : vector<16xi32>
        %parallel_loop3A_886 = arith.constant 16 : i32
        %parallel_loop3A_887 = vector.broadcast %parallel_loop3A_886 : i32 to vector<16xi32>
        %parallel_loop3A_888 = arith.shrui %parallel_loop3A_881, %parallel_loop3A_887 : vector<16xi32>
        %parallel_loop3A_889 = arith.ori %parallel_loop3A_885, %parallel_loop3A_888 : vector<16xi32>
        %parallel_loop3A_890 = tpu.bitcast %parallel_loop3A_889 : vector<16xi32> -> vector<16xf32>
        %parallel_loop3A_891 = arith.index_cast %parallel_loop3A_220 : i32 to index
        %parallel_loop3A_892 = arith.constant 0 : index
        %parallel_loop3A_893 = tpu.vector_load %arg13[%parallel_loop3A_891, %parallel_loop3A_892] {strides = array<i32>} : memref<32x384xf32, #tpu.memory_space<vmem>>, vector<1x16xf32>,
        %parallel_loop3A_894 = vector.shape_cast %parallel_loop3A_893 : vector<1x16xf32> to vector<16xf32>
        %parallel_loop3A_895 = vector.shape_cast %parallel_loop3A_890 : vector<16xf32> to vector<1x16xf32>
        tpu.vector_store %arg13[%parallel_loop3A_891, %parallel_loop3A_892], %parallel_loop3A_895 {strides = array<i32>} : memref<32x384xf32, #tpu.memory_space<vmem>>, vector<1x16xf32>,
        %parallel_loop3A_896 = arith.constant 1 : i32
        %parallel_loop3A_897 = arith.index_cast %parallel_loop3A_896 : i32 to index
        %parallel_loop3A_898 = arith.index_cast %parallel_loop3A_218 : i32 to index
        %parallel_loop3A_899 = arith.constant 32 : index
        %parallel_loop3A_900 = tpu.vector_load %arg11[%parallel_loop3A_897, %parallel_loop3A_898, %parallel_loop3A_899] {strides = array<i32>} : memref<2x16x768xf32, #tpu.memory_space<vmem>>, vector<1x1x16xf32>,
        %parallel_loop3A_901 = vector.shape_cast %parallel_loop3A_900 : vector<1x1x16xf32> to vector<16xf32>
        %parallel_loop3A_902 = arith.constant 1 : i32
        %parallel_loop3A_903 = arith.index_cast %parallel_loop3A_902 : i32 to index
        %parallel_loop3A_904 = arith.index_cast %parallel_loop3A_218 : i32 to index
        %parallel_loop3A_905 = arith.constant 48 : index
        %parallel_loop3A_906 = tpu.vector_load %arg11[%parallel_loop3A_903, %parallel_loop3A_904, %parallel_loop3A_905] {strides = array<i32>} : memref<2x16x768xf32, #tpu.memory_space<vmem>>, vector<1x1x16xf32>,
        %parallel_loop3A_907 = vector.shape_cast %parallel_loop3A_906 : vector<1x1x16xf32> to vector<16xf32>
        %parallel_loop3A_908 = tpu.bitcast %parallel_loop3A_901 : vector<16xf32> -> vector<16xi32>
        %parallel_loop3A_909 = tpu.bitcast %parallel_loop3A_907 : vector<16xf32> -> vector<16xi32>
        %parallel_loop3A_910 = arith.constant -65536 : i32
        %parallel_loop3A_911 = vector.broadcast %parallel_loop3A_910 : i32 to vector<16xi32>
        %parallel_loop3A_912 = arith.andi %parallel_loop3A_909, %parallel_loop3A_911 : vector<16xi32>
        %parallel_loop3A_913 = arith.constant 16 : i32
        %parallel_loop3A_914 = vector.broadcast %parallel_loop3A_913 : i32 to vector<16xi32>
        %parallel_loop3A_915 = arith.shrui %parallel_loop3A_908, %parallel_loop3A_914 : vector<16xi32>
        %parallel_loop3A_916 = arith.ori %parallel_loop3A_912, %parallel_loop3A_915 : vector<16xi32>
        %parallel_loop3A_917 = tpu.bitcast %parallel_loop3A_916 : vector<16xi32> -> vector<16xf32>
        %parallel_loop3A_918 = arith.index_cast %parallel_loop3A_220 : i32 to index
        %parallel_loop3A_919 = arith.constant 16 : index
        %parallel_loop3A_920 = tpu.vector_load %arg13[%parallel_loop3A_918, %parallel_loop3A_919] {strides = array<i32>} : memref<32x384xf32, #tpu.memory_space<vmem>>, vector<1x16xf32>,
        %parallel_loop3A_921 = vector.shape_cast %parallel_loop3A_920 : vector<1x16xf32> to vector<16xf32>
        %parallel_loop3A_922 = vector.shape_cast %parallel_loop3A_917 : vector<16xf32> to vector<1x16xf32>
        tpu.vector_store %arg13[%parallel_loop3A_918, %parallel_loop3A_919], %parallel_loop3A_922 {strides = array<i32>} : memref<32x384xf32, #tpu.memory_space<vmem>>, vector<1x16xf32>,
        %parallel_loop3A_923 = arith.constant 1 : i32
        %parallel_loop3A_924 = arith.index_cast %parallel_loop3A_923 : i32 to index
        %parallel_loop3A_925 = arith.index_cast %parallel_loop3A_218 : i32 to index
        %parallel_loop3A_926 = arith.constant 64 : index
        %parallel_loop3A_927 = tpu.vector_load %arg11[%parallel_loop3A_924, %parallel_loop3A_925, %parallel_loop3A_926] {strides = array<i32>} : memref<2x16x768xf32, #tpu.memory_space<vmem>>, vector<1x1x16xf32>,
        %parallel_loop3A_928 = vector.shape_cast %parallel_loop3A_927 : vector<1x1x16xf32> to vector<16xf32>
        %parallel_loop3A_929 = arith.constant 1 : i32
        %parallel_loop3A_930 = arith.index_cast %parallel_loop3A_929 : i32 to index
        %parallel_loop3A_931 = arith.index_cast %parallel_loop3A_218 : i32 to index
        %parallel_loop3A_932 = arith.constant 80 : index
        %parallel_loop3A_933 = tpu.vector_load %arg11[%parallel_loop3A_930, %parallel_loop3A_931, %parallel_loop3A_932] {strides = array<i32>} : memref<2x16x768xf32, #tpu.memory_space<vmem>>, vector<1x1x16xf32>,
        %parallel_loop3A_934 = vector.shape_cast %parallel_loop3A_933 : vector<1x1x16xf32> to vector<16xf32>
        %parallel_loop3A_935 = tpu.bitcast %parallel_loop3A_928 : vector<16xf32> -> vector<16xi32>
        %parallel_loop3A_936 = tpu.bitcast %parallel_loop3A_934 : vector<16xf32> -> vector<16xi32>
        %parallel_loop3A_937 = arith.constant -65536 : i32
        %parallel_loop3A_938 = vector.broadcast %parallel_loop3A_937 : i32 to vector<16xi32>
        %parallel_loop3A_939 = arith.andi %parallel_loop3A_936, %parallel_loop3A_938 : vector<16xi32>
        %parallel_loop3A_940 = arith.constant 16 : i32
        %parallel_loop3A_941 = vector.broadcast %parallel_loop3A_940 : i32 to vector<16xi32>
        %parallel_loop3A_942 = arith.shrui %parallel_loop3A_935, %parallel_loop3A_941 : vector<16xi32>
        %parallel_loop3A_943 = arith.ori %parallel_loop3A_939, %parallel_loop3A_942 : vector<16xi32>
        %parallel_loop3A_944 = tpu.bitcast %parallel_loop3A_943 : vector<16xi32> -> vector<16xf32>
        %parallel_loop3A_945 = arith.index_cast %parallel_loop3A_220 : i32 to index
        %parallel_loop3A_946 = arith.constant 32 : index
        %parallel_loop3A_947 = tpu.vector_load %arg13[%parallel_loop3A_945, %parallel_loop3A_946] {strides = array<i32>} : memref<32x384xf32, #tpu.memory_space<vmem>>, vector<1x16xf32>,
        %parallel_loop3A_948 = vector.shape_cast %parallel_loop3A_947 : vector<1x16xf32> to vector<16xf32>
        %parallel_loop3A_949 = vector.shape_cast %parallel_loop3A_944 : vector<16xf32> to vector<1x16xf32>
        tpu.vector_store %arg13[%parallel_loop3A_945, %parallel_loop3A_946], %parallel_loop3A_949 {strides = array<i32>} : memref<32x384xf32, #tpu.memory_space<vmem>>, vector<1x16xf32>,
        %parallel_loop3A_950 = arith.constant 1 : i32
        %parallel_loop3A_951 = arith.index_cast %parallel_loop3A_950 : i32 to index
        %parallel_loop3A_952 = arith.index_cast %parallel_loop3A_218 : i32 to index
        %parallel_loop3A_953 = arith.constant 96 : index
        %parallel_loop3A_954 = tpu.vector_load %arg11[%parallel_loop3A_951, %parallel_loop3A_952, %parallel_loop3A_953] {strides = array<i32>} : memref<2x16x768xf32, #tpu.memory_space<vmem>>, vector<1x1x16xf32>,
        %parallel_loop3A_955 = vector.shape_cast %parallel_loop3A_954 : vector<1x1x16xf32> to vector<16xf32>
        %parallel_loop3A_956 = arith.constant 1 : i32
        %parallel_loop3A_957 = arith.index_cast %parallel_loop3A_956 : i32 to index
        %parallel_loop3A_958 = arith.index_cast %parallel_loop3A_218 : i32 to index
        %parallel_loop3A_959 = arith.constant 112 : index
        %parallel_loop3A_960 = tpu.vector_load %arg11[%parallel_loop3A_957, %parallel_loop3A_958, %parallel_loop3A_959] {strides = array<i32>} : memref<2x16x768xf32, #tpu.memory_space<vmem>>, vector<1x1x16xf32>,
        %parallel_loop3A_961 = vector.shape_cast %parallel_loop3A_960 : vector<1x1x16xf32> to vector<16xf32>
        %parallel_loop3A_962 = tpu.bitcast %parallel_loop3A_955 : vector<16xf32> -> vector<16xi32>
        %parallel_loop3A_963 = tpu.bitcast %parallel_loop3A_961 : vector<16xf32> -> vector<16xi32>
        %parallel_loop3A_964 = arith.constant -65536 : i32
        %parallel_loop3A_965 = vector.broadcast %parallel_loop3A_964 : i32 to vector<16xi32>
        %parallel_loop3A_966 = arith.andi %parallel_loop3A_963, %parallel_loop3A_965 : vector<16xi32>
        %parallel_loop3A_967 = arith.constant 16 : i32
        %parallel_loop3A_968 = vector.broadcast %parallel_loop3A_967 : i32 to vector<16xi32>
        %parallel_loop3A_969 = arith.shrui %parallel_loop3A_962, %parallel_loop3A_968 : vector<16xi32>
        %parallel_loop3A_970 = arith.ori %parallel_loop3A_966, %parallel_loop3A_969 : vector<16xi32>
        %parallel_loop3A_971 = tpu.bitcast %parallel_loop3A_970 : vector<16xi32> -> vector<16xf32>
        %parallel_loop3A_972 = arith.index_cast %parallel_loop3A_220 : i32 to index
        %parallel_loop3A_973 = arith.constant 48 : index
        %parallel_loop3A_974 = tpu.vector_load %arg13[%parallel_loop3A_972, %parallel_loop3A_973] {strides = array<i32>} : memref<32x384xf32, #tpu.memory_space<vmem>>, vector<1x16xf32>,
        %parallel_loop3A_975 = vector.shape_cast %parallel_loop3A_974 : vector<1x16xf32> to vector<16xf32>
        %parallel_loop3A_976 = vector.shape_cast %parallel_loop3A_971 : vector<16xf32> to vector<1x16xf32>
        tpu.vector_store %arg13[%parallel_loop3A_972, %parallel_loop3A_973], %parallel_loop3A_976 {strides = array<i32>} : memref<32x384xf32, #tpu.memory_space<vmem>>, vector<1x16xf32>,
        %parallel_loop3A_977 = arith.constant 1 : i32
        %parallel_loop3A_978 = arith.index_cast %parallel_loop3A_977 : i32 to index
        %parallel_loop3A_979 = arith.index_cast %parallel_loop3A_218 : i32 to index
        %parallel_loop3A_980 = arith.constant 128 : index
        %parallel_loop3A_981 = tpu.vector_load %arg11[%parallel_loop3A_978, %parallel_loop3A_979, %parallel_loop3A_980] {strides = array<i32>} : memref<2x16x768xf32, #tpu.memory_space<vmem>>, vector<1x1x16xf32>,
        %parallel_loop3A_982 = vector.shape_cast %parallel_loop3A_981 : vector<1x1x16xf32> to vector<16xf32>
        %parallel_loop3A_983 = arith.constant 1 : i32
        %parallel_loop3A_984 = arith.index_cast %parallel_loop3A_983 : i32 to index
        %parallel_loop3A_985 = arith.index_cast %parallel_loop3A_218 : i32 to index
        %parallel_loop3A_986 = arith.constant 144 : index
        %parallel_loop3A_987 = tpu.vector_load %arg11[%parallel_loop3A_984, %parallel_loop3A_985, %parallel_loop3A_986] {strides = array<i32>} : memref<2x16x768xf32, #tpu.memory_space<vmem>>, vector<1x1x16xf32>,
        %parallel_loop3A_988 = vector.shape_cast %parallel_loop3A_987 : vector<1x1x16xf32> to vector<16xf32>
        %parallel_loop3A_989 = tpu.bitcast %parallel_loop3A_982 : vector<16xf32> -> vector<16xi32>
        %parallel_loop3A_990 = tpu.bitcast %parallel_loop3A_988 : vector<16xf32> -> vector<16xi32>
        %parallel_loop3A_991 = arith.constant -65536 : i32
        %parallel_loop3A_992 = vector.broadcast %parallel_loop3A_991 : i32 to vector<16xi32>
        %parallel_loop3A_993 = arith.andi %parallel_loop3A_990, %parallel_loop3A_992 : vector<16xi32>
        %parallel_loop3A_994 = arith.constant 16 : i32
        %parallel_loop3A_995 = vector.broadcast %parallel_loop3A_994 : i32 to vector<16xi32>
        %parallel_loop3A_996 = arith.shrui %parallel_loop3A_989, %parallel_loop3A_995 : vector<16xi32>
        %parallel_loop3A_997 = arith.ori %parallel_loop3A_993, %parallel_loop3A_996 : vector<16xi32>
        %parallel_loop3A_998 = tpu.bitcast %parallel_loop3A_997 : vector<16xi32> -> vector<16xf32>
        %parallel_loop3A_999 = arith.index_cast %parallel_loop3A_220 : i32 to index
        %parallel_loop3A_1000 = arith.constant 64 : index
        %parallel_loop3A_1001 = tpu.vector_load %arg13[%parallel_loop3A_999, %parallel_loop3A_1000] {strides = array<i32>} : memref<32x384xf32, #tpu.memory_space<vmem>>, vector<1x16xf32>,
        %parallel_loop3A_1002 = vector.shape_cast %parallel_loop3A_1001 : vector<1x16xf32> to vector<16xf32>
        %parallel_loop3A_1003 = vector.shape_cast %parallel_loop3A_998 : vector<16xf32> to vector<1x16xf32>
        tpu.vector_store %arg13[%parallel_loop3A_999, %parallel_loop3A_1000], %parallel_loop3A_1003 {strides = array<i32>} : memref<32x384xf32, #tpu.memory_space<vmem>>, vector<1x16xf32>,
        %parallel_loop3A_1004 = arith.constant 1 : i32
        %parallel_loop3A_1005 = arith.index_cast %parallel_loop3A_1004 : i32 to index
        %parallel_loop3A_1006 = arith.index_cast %parallel_loop3A_218 : i32 to index
        %parallel_loop3A_1007 = arith.constant 160 : index
        %parallel_loop3A_1008 = tpu.vector_load %arg11[%parallel_loop3A_1005, %parallel_loop3A_1006, %parallel_loop3A_1007] {strides = array<i32>} : memref<2x16x768xf32, #tpu.memory_space<vmem>>, vector<1x1x16xf32>,
        %parallel_loop3A_1009 = vector.shape_cast %parallel_loop3A_1008 : vector<1x1x16xf32> to vector<16xf32>
        %parallel_loop3A_1010 = arith.constant 1 : i32
        %parallel_loop3A_1011 = arith.index_cast %parallel_loop3A_1010 : i32 to index
        %parallel_loop3A_1012 = arith.index_cast %parallel_loop3A_218 : i32 to index
        %parallel_loop3A_1013 = arith.constant 176 : index
        %parallel_loop3A_1014 = tpu.vector_load %arg11[%parallel_loop3A_1011, %parallel_loop3A_1012, %parallel_loop3A_1013] {strides = array<i32>} : memref<2x16x768xf32, #tpu.memory_space<vmem>>, vector<1x1x16xf32>,
        %parallel_loop3A_1015 = vector.shape_cast %parallel_loop3A_1014 : vector<1x1x16xf32> to vector<16xf32>
        %parallel_loop3A_1016 = tpu.bitcast %parallel_loop3A_1009 : vector<16xf32> -> vector<16xi32>
        %parallel_loop3A_1017 = tpu.bitcast %parallel_loop3A_1015 : vector<16xf32> -> vector<16xi32>
        %parallel_loop3A_1018 = arith.constant -65536 : i32
        %parallel_loop3A_1019 = vector.broadcast %parallel_loop3A_1018 : i32 to vector<16xi32>
        %parallel_loop3A_1020 = arith.andi %parallel_loop3A_1017, %parallel_loop3A_1019 : vector<16xi32>
        %parallel_loop3A_1021 = arith.constant 16 : i32
        %parallel_loop3A_1022 = vector.broadcast %parallel_loop3A_1021 : i32 to vector<16xi32>
        %parallel_loop3A_1023 = arith.shrui %parallel_loop3A_1016, %parallel_loop3A_1022 : vector<16xi32>
        %parallel_loop3A_1024 = arith.ori %parallel_loop3A_1020, %parallel_loop3A_1023 : vector<16xi32>
        %parallel_loop3A_1025 = tpu.bitcast %parallel_loop3A_1024 : vector<16xi32> -> vector<16xf32>
        %parallel_loop3A_1026 = arith.index_cast %parallel_loop3A_220 : i32 to index
        %parallel_loop3A_1027 = arith.constant 80 : index
        %parallel_loop3A_1028 = tpu.vector_load %arg13[%parallel_loop3A_1026, %parallel_loop3A_1027] {strides = array<i32>} : memref<32x384xf32, #tpu.memory_space<vmem>>, vector<1x16xf32>,
        %parallel_loop3A_1029 = vector.shape_cast %parallel_loop3A_1028 : vector<1x16xf32> to vector<16xf32>
        %parallel_loop3A_1030 = vector.shape_cast %parallel_loop3A_1025 : vector<16xf32> to vector<1x16xf32>
        tpu.vector_store %arg13[%parallel_loop3A_1026, %parallel_loop3A_1027], %parallel_loop3A_1030 {strides = array<i32>} : memref<32x384xf32, #tpu.memory_space<vmem>>, vector<1x16xf32>,
        %parallel_loop3A_1031 = arith.constant 1 : i32
        %parallel_loop3A_1032 = arith.index_cast %parallel_loop3A_1031 : i32 to index
        %parallel_loop3A_1033 = arith.index_cast %parallel_loop3A_218 : i32 to index
        %parallel_loop3A_1034 = arith.constant 192 : index
        %parallel_loop3A_1035 = tpu.vector_load %arg11[%parallel_loop3A_1032, %parallel_loop3A_1033, %parallel_loop3A_1034] {strides = array<i32>} : memref<2x16x768xf32, #tpu.memory_space<vmem>>, vector<1x1x16xf32>,
        %parallel_loop3A_1036 = vector.shape_cast %parallel_loop3A_1035 : vector<1x1x16xf32> to vector<16xf32>
        %parallel_loop3A_1037 = arith.constant 1 : i32
        %parallel_loop3A_1038 = arith.index_cast %parallel_loop3A_1037 : i32 to index
        %parallel_loop3A_1039 = arith.index_cast %parallel_loop3A_218 : i32 to index
        %parallel_loop3A_1040 = arith.constant 208 : index
        %parallel_loop3A_1041 = tpu.vector_load %arg11[%parallel_loop3A_1038, %parallel_loop3A_1039, %parallel_loop3A_1040] {strides = array<i32>} : memref<2x16x768xf32, #tpu.memory_space<vmem>>, vector<1x1x16xf32>,
        %parallel_loop3A_1042 = vector.shape_cast %parallel_loop3A_1041 : vector<1x1x16xf32> to vector<16xf32>
        %parallel_loop3A_1043 = tpu.bitcast %parallel_loop3A_1036 : vector<16xf32> -> vector<16xi32>
        %parallel_loop3A_1044 = tpu.bitcast %parallel_loop3A_1042 : vector<16xf32> -> vector<16xi32>
        %parallel_loop3A_1045 = arith.constant -65536 : i32
        %parallel_loop3A_1046 = vector.broadcast %parallel_loop3A_1045 : i32 to vector<16xi32>
        %parallel_loop3A_1047 = arith.andi %parallel_loop3A_1044, %parallel_loop3A_1046 : vector<16xi32>
        %parallel_loop3A_1048 = arith.constant 16 : i32
        %parallel_loop3A_1049 = vector.broadcast %parallel_loop3A_1048 : i32 to vector<16xi32>
        %parallel_loop3A_1050 = arith.shrui %parallel_loop3A_1043, %parallel_loop3A_1049 : vector<16xi32>
        %parallel_loop3A_1051 = arith.ori %parallel_loop3A_1047, %parallel_loop3A_1050 : vector<16xi32>
        %parallel_loop3A_1052 = tpu.bitcast %parallel_loop3A_1051 : vector<16xi32> -> vector<16xf32>
        %parallel_loop3A_1053 = arith.index_cast %parallel_loop3A_220 : i32 to index
        %parallel_loop3A_1054 = arith.constant 96 : index
        %parallel_loop3A_1055 = tpu.vector_load %arg13[%parallel_loop3A_1053, %parallel_loop3A_1054] {strides = array<i32>} : memref<32x384xf32, #tpu.memory_space<vmem>>, vector<1x16xf32>,
        %parallel_loop3A_1056 = vector.shape_cast %parallel_loop3A_1055 : vector<1x16xf32> to vector<16xf32>
        %parallel_loop3A_1057 = vector.shape_cast %parallel_loop3A_1052 : vector<16xf32> to vector<1x16xf32>
        tpu.vector_store %arg13[%parallel_loop3A_1053, %parallel_loop3A_1054], %parallel_loop3A_1057 {strides = array<i32>} : memref<32x384xf32, #tpu.memory_space<vmem>>, vector<1x16xf32>,
        %parallel_loop3A_1058 = arith.constant 1 : i32
        %parallel_loop3A_1059 = arith.index_cast %parallel_loop3A_1058 : i32 to index
        %parallel_loop3A_1060 = arith.index_cast %parallel_loop3A_218 : i32 to index
        %parallel_loop3A_1061 = arith.constant 224 : index
        %parallel_loop3A_1062 = tpu.vector_load %arg11[%parallel_loop3A_1059, %parallel_loop3A_1060, %parallel_loop3A_1061] {strides = array<i32>} : memref<2x16x768xf32, #tpu.memory_space<vmem>>, vector<1x1x16xf32>,
        %parallel_loop3A_1063 = vector.shape_cast %parallel_loop3A_1062 : vector<1x1x16xf32> to vector<16xf32>
        %parallel_loop3A_1064 = arith.constant 1 : i32
        %parallel_loop3A_1065 = arith.index_cast %parallel_loop3A_1064 : i32 to index
        %parallel_loop3A_1066 = arith.index_cast %parallel_loop3A_218 : i32 to index
        %parallel_loop3A_1067 = arith.constant 240 : index
        %parallel_loop3A_1068 = tpu.vector_load %arg11[%parallel_loop3A_1065, %parallel_loop3A_1066, %parallel_loop3A_1067] {strides = array<i32>} : memref<2x16x768xf32, #tpu.memory_space<vmem>>, vector<1x1x16xf32>,
        %parallel_loop3A_1069 = vector.shape_cast %parallel_loop3A_1068 : vector<1x1x16xf32> to vector<16xf32>
        %parallel_loop3A_1070 = tpu.bitcast %parallel_loop3A_1063 : vector<16xf32> -> vector<16xi32>
        %parallel_loop3A_1071 = tpu.bitcast %parallel_loop3A_1069 : vector<16xf32> -> vector<16xi32>
        %parallel_loop3A_1072 = arith.constant -65536 : i32
        %parallel_loop3A_1073 = vector.broadcast %parallel_loop3A_1072 : i32 to vector<16xi32>
        %parallel_loop3A_1074 = arith.andi %parallel_loop3A_1071, %parallel_loop3A_1073 : vector<16xi32>
        %parallel_loop3A_1075 = arith.constant 16 : i32
        %parallel_loop3A_1076 = vector.broadcast %parallel_loop3A_1075 : i32 to vector<16xi32>
        %parallel_loop3A_1077 = arith.shrui %parallel_loop3A_1070, %parallel_loop3A_1076 : vector<16xi32>
        %parallel_loop3A_1078 = arith.ori %parallel_loop3A_1074, %parallel_loop3A_1077 : vector<16xi32>
        %parallel_loop3A_1079 = tpu.bitcast %parallel_loop3A_1078 : vector<16xi32> -> vector<16xf32>
        %parallel_loop3A_1080 = arith.index_cast %parallel_loop3A_220 : i32 to index
        %parallel_loop3A_1081 = arith.constant 112 : index
        %parallel_loop3A_1082 = tpu.vector_load %arg13[%parallel_loop3A_1080, %parallel_loop3A_1081] {strides = array<i32>} : memref<32x384xf32, #tpu.memory_space<vmem>>, vector<1x16xf32>,
        %parallel_loop3A_1083 = vector.shape_cast %parallel_loop3A_1082 : vector<1x16xf32> to vector<16xf32>
        %parallel_loop3A_1084 = vector.shape_cast %parallel_loop3A_1079 : vector<16xf32> to vector<1x16xf32>
        tpu.vector_store %arg13[%parallel_loop3A_1080, %parallel_loop3A_1081], %parallel_loop3A_1084 {strides = array<i32>} : memref<32x384xf32, #tpu.memory_space<vmem>>, vector<1x16xf32>,
        %parallel_loop3A_1085 = arith.constant 1 : i32
        %parallel_loop3A_1086 = arith.index_cast %parallel_loop3A_1085 : i32 to index
        %parallel_loop3A_1087 = arith.index_cast %parallel_loop3A_218 : i32 to index
        %parallel_loop3A_1088 = arith.constant 256 : index
        %parallel_loop3A_1089 = tpu.vector_load %arg11[%parallel_loop3A_1086, %parallel_loop3A_1087, %parallel_loop3A_1088] {strides = array<i32>} : memref<2x16x768xf32, #tpu.memory_space<vmem>>, vector<1x1x16xf32>,
        %parallel_loop3A_1090 = vector.shape_cast %parallel_loop3A_1089 : vector<1x1x16xf32> to vector<16xf32>
        %parallel_loop3A_1091 = arith.constant 1 : i32
        %parallel_loop3A_1092 = arith.index_cast %parallel_loop3A_1091 : i32 to index
        %parallel_loop3A_1093 = arith.index_cast %parallel_loop3A_218 : i32 to index
        %parallel_loop3A_1094 = arith.constant 272 : index
        %parallel_loop3A_1095 = tpu.vector_load %arg11[%parallel_loop3A_1092, %parallel_loop3A_1093, %parallel_loop3A_1094] {strides = array<i32>} : memref<2x16x768xf32, #tpu.memory_space<vmem>>, vector<1x1x16xf32>,
        %parallel_loop3A_1096 = vector.shape_cast %parallel_loop3A_1095 : vector<1x1x16xf32> to vector<16xf32>
        %parallel_loop3A_1097 = tpu.bitcast %parallel_loop3A_1090 : vector<16xf32> -> vector<16xi32>
        %parallel_loop3A_1098 = tpu.bitcast %parallel_loop3A_1096 : vector<16xf32> -> vector<16xi32>
        %parallel_loop3A_1099 = arith.constant -65536 : i32
        %parallel_loop3A_1100 = vector.broadcast %parallel_loop3A_1099 : i32 to vector<16xi32>
        %parallel_loop3A_1101 = arith.andi %parallel_loop3A_1098, %parallel_loop3A_1100 : vector<16xi32>
        %parallel_loop3A_1102 = arith.constant 16 : i32
        %parallel_loop3A_1103 = vector.broadcast %parallel_loop3A_1102 : i32 to vector<16xi32>
        %parallel_loop3A_1104 = arith.shrui %parallel_loop3A_1097, %parallel_loop3A_1103 : vector<16xi32>
        %parallel_loop3A_1105 = arith.ori %parallel_loop3A_1101, %parallel_loop3A_1104 : vector<16xi32>
        %parallel_loop3A_1106 = tpu.bitcast %parallel_loop3A_1105 : vector<16xi32> -> vector<16xf32>
        %parallel_loop3A_1107 = arith.index_cast %parallel_loop3A_220 : i32 to index
        %parallel_loop3A_1108 = arith.constant 128 : index
        %parallel_loop3A_1109 = tpu.vector_load %arg13[%parallel_loop3A_1107, %parallel_loop3A_1108] {strides = array<i32>} : memref<32x384xf32, #tpu.memory_space<vmem>>, vector<1x16xf32>,
        %parallel_loop3A_1110 = vector.shape_cast %parallel_loop3A_1109 : vector<1x16xf32> to vector<16xf32>
        %parallel_loop3A_1111 = vector.shape_cast %parallel_loop3A_1106 : vector<16xf32> to vector<1x16xf32>
        tpu.vector_store %arg13[%parallel_loop3A_1107, %parallel_loop3A_1108], %parallel_loop3A_1111 {strides = array<i32>} : memref<32x384xf32, #tpu.memory_space<vmem>>, vector<1x16xf32>,
        %parallel_loop3A_1112 = arith.constant 1 : i32
        %parallel_loop3A_1113 = arith.index_cast %parallel_loop3A_1112 : i32 to index
        %parallel_loop3A_1114 = arith.index_cast %parallel_loop3A_218 : i32 to index
        %parallel_loop3A_1115 = arith.constant 288 : index
        %parallel_loop3A_1116 = tpu.vector_load %arg11[%parallel_loop3A_1113, %parallel_loop3A_1114, %parallel_loop3A_1115] {strides = array<i32>} : memref<2x16x768xf32, #tpu.memory_space<vmem>>, vector<1x1x16xf32>,
        %parallel_loop3A_1117 = vector.shape_cast %parallel_loop3A_1116 : vector<1x1x16xf32> to vector<16xf32>
        %parallel_loop3A_1118 = arith.constant 1 : i32
        %parallel_loop3A_1119 = arith.index_cast %parallel_loop3A_1118 : i32 to index
        %parallel_loop3A_1120 = arith.index_cast %parallel_loop3A_218 : i32 to index
        %parallel_loop3A_1121 = arith.constant 304 : index
        %parallel_loop3A_1122 = tpu.vector_load %arg11[%parallel_loop3A_1119, %parallel_loop3A_1120, %parallel_loop3A_1121] {strides = array<i32>} : memref<2x16x768xf32, #tpu.memory_space<vmem>>, vector<1x1x16xf32>,
        %parallel_loop3A_1123 = vector.shape_cast %parallel_loop3A_1122 : vector<1x1x16xf32> to vector<16xf32>
        %parallel_loop3A_1124 = tpu.bitcast %parallel_loop3A_1117 : vector<16xf32> -> vector<16xi32>
        %parallel_loop3A_1125 = tpu.bitcast %parallel_loop3A_1123 : vector<16xf32> -> vector<16xi32>
        %parallel_loop3A_1126 = arith.constant -65536 : i32
        %parallel_loop3A_1127 = vector.broadcast %parallel_loop3A_1126 : i32 to vector<16xi32>
        %parallel_loop3A_1128 = arith.andi %parallel_loop3A_1125, %parallel_loop3A_1127 : vector<16xi32>
        %parallel_loop3A_1129 = arith.constant 16 : i32
        %parallel_loop3A_1130 = vector.broadcast %parallel_loop3A_1129 : i32 to vector<16xi32>
        %parallel_loop3A_1131 = arith.shrui %parallel_loop3A_1124, %parallel_loop3A_1130 : vector<16xi32>
        %parallel_loop3A_1132 = arith.ori %parallel_loop3A_1128, %parallel_loop3A_1131 : vector<16xi32>
        %parallel_loop3A_1133 = tpu.bitcast %parallel_loop3A_1132 : vector<16xi32> -> vector<16xf32>
        %parallel_loop3A_1134 = arith.index_cast %parallel_loop3A_220 : i32 to index
        %parallel_loop3A_1135 = arith.constant 144 : index
        %parallel_loop3A_1136 = tpu.vector_load %arg13[%parallel_loop3A_1134, %parallel_loop3A_1135] {strides = array<i32>} : memref<32x384xf32, #tpu.memory_space<vmem>>, vector<1x16xf32>,
        %parallel_loop3A_1137 = vector.shape_cast %parallel_loop3A_1136 : vector<1x16xf32> to vector<16xf32>
        %parallel_loop3A_1138 = vector.shape_cast %parallel_loop3A_1133 : vector<16xf32> to vector<1x16xf32>
        tpu.vector_store %arg13[%parallel_loop3A_1134, %parallel_loop3A_1135], %parallel_loop3A_1138 {strides = array<i32>} : memref<32x384xf32, #tpu.memory_space<vmem>>, vector<1x16xf32>,
        %parallel_loop3A_1139 = arith.constant 1 : i32
        %parallel_loop3A_1140 = arith.index_cast %parallel_loop3A_1139 : i32 to index
        %parallel_loop3A_1141 = arith.index_cast %parallel_loop3A_218 : i32 to index
        %parallel_loop3A_1142 = arith.constant 320 : index
        %parallel_loop3A_1143 = tpu.vector_load %arg11[%parallel_loop3A_1140, %parallel_loop3A_1141, %parallel_loop3A_1142] {strides = array<i32>} : memref<2x16x768xf32, #tpu.memory_space<vmem>>, vector<1x1x16xf32>,
        %parallel_loop3A_1144 = vector.shape_cast %parallel_loop3A_1143 : vector<1x1x16xf32> to vector<16xf32>
        %parallel_loop3A_1145 = arith.constant 1 : i32
        %parallel_loop3A_1146 = arith.index_cast %parallel_loop3A_1145 : i32 to index
        %parallel_loop3A_1147 = arith.index_cast %parallel_loop3A_218 : i32 to index
        %parallel_loop3A_1148 = arith.constant 336 : index
        %parallel_loop3A_1149 = tpu.vector_load %arg11[%parallel_loop3A_1146, %parallel_loop3A_1147, %parallel_loop3A_1148] {strides = array<i32>} : memref<2x16x768xf32, #tpu.memory_space<vmem>>, vector<1x1x16xf32>,
        %parallel_loop3A_1150 = vector.shape_cast %parallel_loop3A_1149 : vector<1x1x16xf32> to vector<16xf32>
        %parallel_loop3A_1151 = tpu.bitcast %parallel_loop3A_1144 : vector<16xf32> -> vector<16xi32>
        %parallel_loop3A_1152 = tpu.bitcast %parallel_loop3A_1150 : vector<16xf32> -> vector<16xi32>
        %parallel_loop3A_1153 = arith.constant -65536 : i32
        %parallel_loop3A_1154 = vector.broadcast %parallel_loop3A_1153 : i32 to vector<16xi32>
        %parallel_loop3A_1155 = arith.andi %parallel_loop3A_1152, %parallel_loop3A_1154 : vector<16xi32>
        %parallel_loop3A_1156 = arith.constant 16 : i32
        %parallel_loop3A_1157 = vector.broadcast %parallel_loop3A_1156 : i32 to vector<16xi32>
        %parallel_loop3A_1158 = arith.shrui %parallel_loop3A_1151, %parallel_loop3A_1157 : vector<16xi32>
        %parallel_loop3A_1159 = arith.ori %parallel_loop3A_1155, %parallel_loop3A_1158 : vector<16xi32>
        %parallel_loop3A_1160 = tpu.bitcast %parallel_loop3A_1159 : vector<16xi32> -> vector<16xf32>
        %parallel_loop3A_1161 = arith.index_cast %parallel_loop3A_220 : i32 to index
        %parallel_loop3A_1162 = arith.constant 160 : index
        %parallel_loop3A_1163 = tpu.vector_load %arg13[%parallel_loop3A_1161, %parallel_loop3A_1162] {strides = array<i32>} : memref<32x384xf32, #tpu.memory_space<vmem>>, vector<1x16xf32>,
        %parallel_loop3A_1164 = vector.shape_cast %parallel_loop3A_1163 : vector<1x16xf32> to vector<16xf32>
        %parallel_loop3A_1165 = vector.shape_cast %parallel_loop3A_1160 : vector<16xf32> to vector<1x16xf32>
        tpu.vector_store %arg13[%parallel_loop3A_1161, %parallel_loop3A_1162], %parallel_loop3A_1165 {strides = array<i32>} : memref<32x384xf32, #tpu.memory_space<vmem>>, vector<1x16xf32>,
        %parallel_loop3A_1166 = arith.constant 1 : i32
        %parallel_loop3A_1167 = arith.index_cast %parallel_loop3A_1166 : i32 to index
        %parallel_loop3A_1168 = arith.index_cast %parallel_loop3A_218 : i32 to index
        %parallel_loop3A_1169 = arith.constant 352 : index
        %parallel_loop3A_1170 = tpu.vector_load %arg11[%parallel_loop3A_1167, %parallel_loop3A_1168, %parallel_loop3A_1169] {strides = array<i32>} : memref<2x16x768xf32, #tpu.memory_space<vmem>>, vector<1x1x16xf32>,
        %parallel_loop3A_1171 = vector.shape_cast %parallel_loop3A_1170 : vector<1x1x16xf32> to vector<16xf32>
        %parallel_loop3A_1172 = arith.constant 1 : i32
        %parallel_loop3A_1173 = arith.index_cast %parallel_loop3A_1172 : i32 to index
        %parallel_loop3A_1174 = arith.index_cast %parallel_loop3A_218 : i32 to index
        %parallel_loop3A_1175 = arith.constant 368 : index
        %parallel_loop3A_1176 = tpu.vector_load %arg11[%parallel_loop3A_1173, %parallel_loop3A_1174, %parallel_loop3A_1175] {strides = array<i32>} : memref<2x16x768xf32, #tpu.memory_space<vmem>>, vector<1x1x16xf32>,
        %parallel_loop3A_1177 = vector.shape_cast %parallel_loop3A_1176 : vector<1x1x16xf32> to vector<16xf32>
        %parallel_loop3A_1178 = tpu.bitcast %parallel_loop3A_1171 : vector<16xf32> -> vector<16xi32>
        %parallel_loop3A_1179 = tpu.bitcast %parallel_loop3A_1177 : vector<16xf32> -> vector<16xi32>
        %parallel_loop3A_1180 = arith.constant -65536 : i32
        %parallel_loop3A_1181 = vector.broadcast %parallel_loop3A_1180 : i32 to vector<16xi32>
        %parallel_loop3A_1182 = arith.andi %parallel_loop3A_1179, %parallel_loop3A_1181 : vector<16xi32>
        %parallel_loop3A_1183 = arith.constant 16 : i32
        %parallel_loop3A_1184 = vector.broadcast %parallel_loop3A_1183 : i32 to vector<16xi32>
        %parallel_loop3A_1185 = arith.shrui %parallel_loop3A_1178, %parallel_loop3A_1184 : vector<16xi32>
        %parallel_loop3A_1186 = arith.ori %parallel_loop3A_1182, %parallel_loop3A_1185 : vector<16xi32>
        %parallel_loop3A_1187 = tpu.bitcast %parallel_loop3A_1186 : vector<16xi32> -> vector<16xf32>
        %parallel_loop3A_1188 = arith.index_cast %parallel_loop3A_220 : i32 to index
        %parallel_loop3A_1189 = arith.constant 176 : index
        %parallel_loop3A_1190 = tpu.vector_load %arg13[%parallel_loop3A_1188, %parallel_loop3A_1189] {strides = array<i32>} : memref<32x384xf32, #tpu.memory_space<vmem>>, vector<1x16xf32>,
        %parallel_loop3A_1191 = vector.shape_cast %parallel_loop3A_1190 : vector<1x16xf32> to vector<16xf32>
        %parallel_loop3A_1192 = vector.shape_cast %parallel_loop3A_1187 : vector<16xf32> to vector<1x16xf32>
        tpu.vector_store %arg13[%parallel_loop3A_1188, %parallel_loop3A_1189], %parallel_loop3A_1192 {strides = array<i32>} : memref<32x384xf32, #tpu.memory_space<vmem>>, vector<1x16xf32>,
        %parallel_loop3A_1193 = arith.constant 1 : i32
        %parallel_loop3A_1194 = arith.index_cast %parallel_loop3A_1193 : i32 to index
        %parallel_loop3A_1195 = arith.index_cast %parallel_loop3A_218 : i32 to index
        %parallel_loop3A_1196 = arith.constant 384 : index
        %parallel_loop3A_1197 = tpu.vector_load %arg11[%parallel_loop3A_1194, %parallel_loop3A_1195, %parallel_loop3A_1196] {strides = array<i32>} : memref<2x16x768xf32, #tpu.memory_space<vmem>>, vector<1x1x16xf32>,
        %parallel_loop3A_1198 = vector.shape_cast %parallel_loop3A_1197 : vector<1x1x16xf32> to vector<16xf32>
        %parallel_loop3A_1199 = arith.constant 1 : i32
        %parallel_loop3A_1200 = arith.index_cast %parallel_loop3A_1199 : i32 to index
        %parallel_loop3A_1201 = arith.index_cast %parallel_loop3A_218 : i32 to index
        %parallel_loop3A_1202 = arith.constant 400 : index
        %parallel_loop3A_1203 = tpu.vector_load %arg11[%parallel_loop3A_1200, %parallel_loop3A_1201, %parallel_loop3A_1202] {strides = array<i32>} : memref<2x16x768xf32, #tpu.memory_space<vmem>>, vector<1x1x16xf32>,
        %parallel_loop3A_1204 = vector.shape_cast %parallel_loop3A_1203 : vector<1x1x16xf32> to vector<16xf32>
        %parallel_loop3A_1205 = tpu.bitcast %parallel_loop3A_1198 : vector<16xf32> -> vector<16xi32>
        %parallel_loop3A_1206 = tpu.bitcast %parallel_loop3A_1204 : vector<16xf32> -> vector<16xi32>
        %parallel_loop3A_1207 = arith.constant -65536 : i32
        %parallel_loop3A_1208 = vector.broadcast %parallel_loop3A_1207 : i32 to vector<16xi32>
        %parallel_loop3A_1209 = arith.andi %parallel_loop3A_1206, %parallel_loop3A_1208 : vector<16xi32>
        %parallel_loop3A_1210 = arith.constant 16 : i32
        %parallel_loop3A_1211 = vector.broadcast %parallel_loop3A_1210 : i32 to vector<16xi32>
        %parallel_loop3A_1212 = arith.shrui %parallel_loop3A_1205, %parallel_loop3A_1211 : vector<16xi32>
        %parallel_loop3A_1213 = arith.ori %parallel_loop3A_1209, %parallel_loop3A_1212 : vector<16xi32>
        %parallel_loop3A_1214 = tpu.bitcast %parallel_loop3A_1213 : vector<16xi32> -> vector<16xf32>
        %parallel_loop3A_1215 = arith.index_cast %parallel_loop3A_220 : i32 to index
        %parallel_loop3A_1216 = arith.constant 192 : index
        %parallel_loop3A_1217 = tpu.vector_load %arg13[%parallel_loop3A_1215, %parallel_loop3A_1216] {strides = array<i32>} : memref<32x384xf32, #tpu.memory_space<vmem>>, vector<1x16xf32>,
        %parallel_loop3A_1218 = vector.shape_cast %parallel_loop3A_1217 : vector<1x16xf32> to vector<16xf32>
        %parallel_loop3A_1219 = vector.shape_cast %parallel_loop3A_1214 : vector<16xf32> to vector<1x16xf32>
        tpu.vector_store %arg13[%parallel_loop3A_1215, %parallel_loop3A_1216], %parallel_loop3A_1219 {strides = array<i32>} : memref<32x384xf32, #tpu.memory_space<vmem>>, vector<1x16xf32>,
        %parallel_loop3A_1220 = arith.constant 1 : i32
        %parallel_loop3A_1221 = arith.index_cast %parallel_loop3A_1220 : i32 to index
        %parallel_loop3A_1222 = arith.index_cast %parallel_loop3A_218 : i32 to index
        %parallel_loop3A_1223 = arith.constant 416 : index
        %parallel_loop3A_1224 = tpu.vector_load %arg11[%parallel_loop3A_1221, %parallel_loop3A_1222, %parallel_loop3A_1223] {strides = array<i32>} : memref<2x16x768xf32, #tpu.memory_space<vmem>>, vector<1x1x16xf32>,
        %parallel_loop3A_1225 = vector.shape_cast %parallel_loop3A_1224 : vector<1x1x16xf32> to vector<16xf32>
        %parallel_loop3A_1226 = arith.constant 1 : i32
        %parallel_loop3A_1227 = arith.index_cast %parallel_loop3A_1226 : i32 to index
        %parallel_loop3A_1228 = arith.index_cast %parallel_loop3A_218 : i32 to index
        %parallel_loop3A_1229 = arith.constant 432 : index
        %parallel_loop3A_1230 = tpu.vector_load %arg11[%parallel_loop3A_1227, %parallel_loop3A_1228, %parallel_loop3A_1229] {strides = array<i32>} : memref<2x16x768xf32, #tpu.memory_space<vmem>>, vector<1x1x16xf32>,
        %parallel_loop3A_1231 = vector.shape_cast %parallel_loop3A_1230 : vector<1x1x16xf32> to vector<16xf32>
        %parallel_loop3A_1232 = tpu.bitcast %parallel_loop3A_1225 : vector<16xf32> -> vector<16xi32>
        %parallel_loop3A_1233 = tpu.bitcast %parallel_loop3A_1231 : vector<16xf32> -> vector<16xi32>
        %parallel_loop3A_1234 = arith.constant -65536 : i32
        %parallel_loop3A_1235 = vector.broadcast %parallel_loop3A_1234 : i32 to vector<16xi32>
        %parallel_loop3A_1236 = arith.andi %parallel_loop3A_1233, %parallel_loop3A_1235 : vector<16xi32>
        %parallel_loop3A_1237 = arith.constant 16 : i32
        %parallel_loop3A_1238 = vector.broadcast %parallel_loop3A_1237 : i32 to vector<16xi32>
        %parallel_loop3A_1239 = arith.shrui %parallel_loop3A_1232, %parallel_loop3A_1238 : vector<16xi32>
        %parallel_loop3A_1240 = arith.ori %parallel_loop3A_1236, %parallel_loop3A_1239 : vector<16xi32>
        %parallel_loop3A_1241 = tpu.bitcast %parallel_loop3A_1240 : vector<16xi32> -> vector<16xf32>
        %parallel_loop3A_1242 = arith.index_cast %parallel_loop3A_220 : i32 to index
        %parallel_loop3A_1243 = arith.constant 208 : index
        %parallel_loop3A_1244 = tpu.vector_load %arg13[%parallel_loop3A_1242, %parallel_loop3A_1243] {strides = array<i32>} : memref<32x384xf32, #tpu.memory_space<vmem>>, vector<1x16xf32>,
        %parallel_loop3A_1245 = vector.shape_cast %parallel_loop3A_1244 : vector<1x16xf32> to vector<16xf32>
        %parallel_loop3A_1246 = vector.shape_cast %parallel_loop3A_1241 : vector<16xf32> to vector<1x16xf32>
        tpu.vector_store %arg13[%parallel_loop3A_1242, %parallel_loop3A_1243], %parallel_loop3A_1246 {strides = array<i32>} : memref<32x384xf32, #tpu.memory_space<vmem>>, vector<1x16xf32>,
        %parallel_loop3A_1247 = arith.constant 1 : i32
        %parallel_loop3A_1248 = arith.index_cast %parallel_loop3A_1247 : i32 to index
        %parallel_loop3A_1249 = arith.index_cast %parallel_loop3A_218 : i32 to index
        %parallel_loop3A_1250 = arith.constant 448 : index
        %parallel_loop3A_1251 = tpu.vector_load %arg11[%parallel_loop3A_1248, %parallel_loop3A_1249, %parallel_loop3A_1250] {strides = array<i32>} : memref<2x16x768xf32, #tpu.memory_space<vmem>>, vector<1x1x16xf32>,
        %parallel_loop3A_1252 = vector.shape_cast %parallel_loop3A_1251 : vector<1x1x16xf32> to vector<16xf32>
        %parallel_loop3A_1253 = arith.constant 1 : i32
        %parallel_loop3A_1254 = arith.index_cast %parallel_loop3A_1253 : i32 to index
        %parallel_loop3A_1255 = arith.index_cast %parallel_loop3A_218 : i32 to index
        %parallel_loop3A_1256 = arith.constant 464 : index
        %parallel_loop3A_1257 = tpu.vector_load %arg11[%parallel_loop3A_1254, %parallel_loop3A_1255, %parallel_loop3A_1256] {strides = array<i32>} : memref<2x16x768xf32, #tpu.memory_space<vmem>>, vector<1x1x16xf32>,
        %parallel_loop3A_1258 = vector.shape_cast %parallel_loop3A_1257 : vector<1x1x16xf32> to vector<16xf32>
        %parallel_loop3A_1259 = tpu.bitcast %parallel_loop3A_1252 : vector<16xf32> -> vector<16xi32>
        %parallel_loop3A_1260 = tpu.bitcast %parallel_loop3A_1258 : vector<16xf32> -> vector<16xi32>
        %parallel_loop3A_1261 = arith.constant -65536 : i32
        %parallel_loop3A_1262 = vector.broadcast %parallel_loop3A_1261 : i32 to vector<16xi32>
        %parallel_loop3A_1263 = arith.andi %parallel_loop3A_1260, %parallel_loop3A_1262 : vector<16xi32>
        %parallel_loop3A_1264 = arith.constant 16 : i32
        %parallel_loop3A_1265 = vector.broadcast %parallel_loop3A_1264 : i32 to vector<16xi32>
        %parallel_loop3A_1266 = arith.shrui %parallel_loop3A_1259, %parallel_loop3A_1265 : vector<16xi32>
        %parallel_loop3A_1267 = arith.ori %parallel_loop3A_1263, %parallel_loop3A_1266 : vector<16xi32>
        %parallel_loop3A_1268 = tpu.bitcast %parallel_loop3A_1267 : vector<16xi32> -> vector<16xf32>
        %parallel_loop3A_1269 = arith.index_cast %parallel_loop3A_220 : i32 to index
        %parallel_loop3A_1270 = arith.constant 224 : index
        %parallel_loop3A_1271 = tpu.vector_load %arg13[%parallel_loop3A_1269, %parallel_loop3A_1270] {strides = array<i32>} : memref<32x384xf32, #tpu.memory_space<vmem>>, vector<1x16xf32>,
        %parallel_loop3A_1272 = vector.shape_cast %parallel_loop3A_1271 : vector<1x16xf32> to vector<16xf32>
        %parallel_loop3A_1273 = vector.shape_cast %parallel_loop3A_1268 : vector<16xf32> to vector<1x16xf32>
        tpu.vector_store %arg13[%parallel_loop3A_1269, %parallel_loop3A_1270], %parallel_loop3A_1273 {strides = array<i32>} : memref<32x384xf32, #tpu.memory_space<vmem>>, vector<1x16xf32>,
        %parallel_loop3A_1274 = arith.constant 1 : i32
        %parallel_loop3A_1275 = arith.index_cast %parallel_loop3A_1274 : i32 to index
        %parallel_loop3A_1276 = arith.index_cast %parallel_loop3A_218 : i32 to index
        %parallel_loop3A_1277 = arith.constant 480 : index
        %parallel_loop3A_1278 = tpu.vector_load %arg11[%parallel_loop3A_1275, %parallel_loop3A_1276, %parallel_loop3A_1277] {strides = array<i32>} : memref<2x16x768xf32, #tpu.memory_space<vmem>>, vector<1x1x16xf32>,
        %parallel_loop3A_1279 = vector.shape_cast %parallel_loop3A_1278 : vector<1x1x16xf32> to vector<16xf32>
        %parallel_loop3A_1280 = arith.constant 1 : i32
        %parallel_loop3A_1281 = arith.index_cast %parallel_loop3A_1280 : i32 to index
        %parallel_loop3A_1282 = arith.index_cast %parallel_loop3A_218 : i32 to index
        %parallel_loop3A_1283 = arith.constant 496 : index
        %parallel_loop3A_1284 = tpu.vector_load %arg11[%parallel_loop3A_1281, %parallel_loop3A_1282, %parallel_loop3A_1283] {strides = array<i32>} : memref<2x16x768xf32, #tpu.memory_space<vmem>>, vector<1x1x16xf32>,
        %parallel_loop3A_1285 = vector.shape_cast %parallel_loop3A_1284 : vector<1x1x16xf32> to vector<16xf32>
        %parallel_loop3A_1286 = tpu.bitcast %parallel_loop3A_1279 : vector<16xf32> -> vector<16xi32>
        %parallel_loop3A_1287 = tpu.bitcast %parallel_loop3A_1285 : vector<16xf32> -> vector<16xi32>
        %parallel_loop3A_1288 = arith.constant -65536 : i32
        %parallel_loop3A_1289 = vector.broadcast %parallel_loop3A_1288 : i32 to vector<16xi32>
        %parallel_loop3A_1290 = arith.andi %parallel_loop3A_1287, %parallel_loop3A_1289 : vector<16xi32>
        %parallel_loop3A_1291 = arith.constant 16 : i32
        %parallel_loop3A_1292 = vector.broadcast %parallel_loop3A_1291 : i32 to vector<16xi32>
        %parallel_loop3A_1293 = arith.shrui %parallel_loop3A_1286, %parallel_loop3A_1292 : vector<16xi32>
        %parallel_loop3A_1294 = arith.ori %parallel_loop3A_1290, %parallel_loop3A_1293 : vector<16xi32>
        %parallel_loop3A_1295 = tpu.bitcast %parallel_loop3A_1294 : vector<16xi32> -> vector<16xf32>
        %parallel_loop3A_1296 = arith.index_cast %parallel_loop3A_220 : i32 to index
        %parallel_loop3A_1297 = arith.constant 240 : index
        %parallel_loop3A_1298 = tpu.vector_load %arg13[%parallel_loop3A_1296, %parallel_loop3A_1297] {strides = array<i32>} : memref<32x384xf32, #tpu.memory_space<vmem>>, vector<1x16xf32>,
        %parallel_loop3A_1299 = vector.shape_cast %parallel_loop3A_1298 : vector<1x16xf32> to vector<16xf32>
        %parallel_loop3A_1300 = vector.shape_cast %parallel_loop3A_1295 : vector<16xf32> to vector<1x16xf32>
        tpu.vector_store %arg13[%parallel_loop3A_1296, %parallel_loop3A_1297], %parallel_loop3A_1300 {strides = array<i32>} : memref<32x384xf32, #tpu.memory_space<vmem>>, vector<1x16xf32>,
        %parallel_loop3A_1301 = arith.constant 1 : i32
        %parallel_loop3A_1302 = arith.index_cast %parallel_loop3A_1301 : i32 to index
        %parallel_loop3A_1303 = arith.index_cast %parallel_loop3A_218 : i32 to index
        %parallel_loop3A_1304 = arith.constant 512 : index
        %parallel_loop3A_1305 = tpu.vector_load %arg11[%parallel_loop3A_1302, %parallel_loop3A_1303, %parallel_loop3A_1304] {strides = array<i32>} : memref<2x16x768xf32, #tpu.memory_space<vmem>>, vector<1x1x16xf32>,
        %parallel_loop3A_1306 = vector.shape_cast %parallel_loop3A_1305 : vector<1x1x16xf32> to vector<16xf32>
        %parallel_loop3A_1307 = arith.constant 1 : i32
        %parallel_loop3A_1308 = arith.index_cast %parallel_loop3A_1307 : i32 to index
        %parallel_loop3A_1309 = arith.index_cast %parallel_loop3A_218 : i32 to index
        %parallel_loop3A_1310 = arith.constant 528 : index
        %parallel_loop3A_1311 = tpu.vector_load %arg11[%parallel_loop3A_1308, %parallel_loop3A_1309, %parallel_loop3A_1310] {strides = array<i32>} : memref<2x16x768xf32, #tpu.memory_space<vmem>>, vector<1x1x16xf32>,
        %parallel_loop3A_1312 = vector.shape_cast %parallel_loop3A_1311 : vector<1x1x16xf32> to vector<16xf32>
        %parallel_loop3A_1313 = tpu.bitcast %parallel_loop3A_1306 : vector<16xf32> -> vector<16xi32>
        %parallel_loop3A_1314 = tpu.bitcast %parallel_loop3A_1312 : vector<16xf32> -> vector<16xi32>
        %parallel_loop3A_1315 = arith.constant -65536 : i32
        %parallel_loop3A_1316 = vector.broadcast %parallel_loop3A_1315 : i32 to vector<16xi32>
        %parallel_loop3A_1317 = arith.andi %parallel_loop3A_1314, %parallel_loop3A_1316 : vector<16xi32>
        %parallel_loop3A_1318 = arith.constant 16 : i32
        %parallel_loop3A_1319 = vector.broadcast %parallel_loop3A_1318 : i32 to vector<16xi32>
        %parallel_loop3A_1320 = arith.shrui %parallel_loop3A_1313, %parallel_loop3A_1319 : vector<16xi32>
        %parallel_loop3A_1321 = arith.ori %parallel_loop3A_1317, %parallel_loop3A_1320 : vector<16xi32>
        %parallel_loop3A_1322 = tpu.bitcast %parallel_loop3A_1321 : vector<16xi32> -> vector<16xf32>
        %parallel_loop3A_1323 = arith.index_cast %parallel_loop3A_220 : i32 to index
        %parallel_loop3A_1324 = arith.constant 256 : index
        %parallel_loop3A_1325 = tpu.vector_load %arg13[%parallel_loop3A_1323, %parallel_loop3A_1324] {strides = array<i32>} : memref<32x384xf32, #tpu.memory_space<vmem>>, vector<1x16xf32>,
        %parallel_loop3A_1326 = vector.shape_cast %parallel_loop3A_1325 : vector<1x16xf32> to vector<16xf32>
        %parallel_loop3A_1327 = vector.shape_cast %parallel_loop3A_1322 : vector<16xf32> to vector<1x16xf32>
        tpu.vector_store %arg13[%parallel_loop3A_1323, %parallel_loop3A_1324], %parallel_loop3A_1327 {strides = array<i32>} : memref<32x384xf32, #tpu.memory_space<vmem>>, vector<1x16xf32>,
        %parallel_loop3A_1328 = arith.constant 1 : i32
        %parallel_loop3A_1329 = arith.index_cast %parallel_loop3A_1328 : i32 to index
        %parallel_loop3A_1330 = arith.index_cast %parallel_loop3A_218 : i32 to index
        %parallel_loop3A_1331 = arith.constant 544 : index
        %parallel_loop3A_1332 = tpu.vector_load %arg11[%parallel_loop3A_1329, %parallel_loop3A_1330, %parallel_loop3A_1331] {strides = array<i32>} : memref<2x16x768xf32, #tpu.memory_space<vmem>>, vector<1x1x16xf32>,
        %parallel_loop3A_1333 = vector.shape_cast %parallel_loop3A_1332 : vector<1x1x16xf32> to vector<16xf32>
        %parallel_loop3A_1334 = arith.constant 1 : i32
        %parallel_loop3A_1335 = arith.index_cast %parallel_loop3A_1334 : i32 to index
        %parallel_loop3A_1336 = arith.index_cast %parallel_loop3A_218 : i32 to index
        %parallel_loop3A_1337 = arith.constant 560 : index
        %parallel_loop3A_1338 = tpu.vector_load %arg11[%parallel_loop3A_1335, %parallel_loop3A_1336, %parallel_loop3A_1337] {strides = array<i32>} : memref<2x16x768xf32, #tpu.memory_space<vmem>>, vector<1x1x16xf32>,
        %parallel_loop3A_1339 = vector.shape_cast %parallel_loop3A_1338 : vector<1x1x16xf32> to vector<16xf32>
        %parallel_loop3A_1340 = tpu.bitcast %parallel_loop3A_1333 : vector<16xf32> -> vector<16xi32>
        %parallel_loop3A_1341 = tpu.bitcast %parallel_loop3A_1339 : vector<16xf32> -> vector<16xi32>
        %parallel_loop3A_1342 = arith.constant -65536 : i32
        %parallel_loop3A_1343 = vector.broadcast %parallel_loop3A_1342 : i32 to vector<16xi32>
        %parallel_loop3A_1344 = arith.andi %parallel_loop3A_1341, %parallel_loop3A_1343 : vector<16xi32>
        %parallel_loop3A_1345 = arith.constant 16 : i32
        %parallel_loop3A_1346 = vector.broadcast %parallel_loop3A_1345 : i32 to vector<16xi32>
        %parallel_loop3A_1347 = arith.shrui %parallel_loop3A_1340, %parallel_loop3A_1346 : vector<16xi32>
        %parallel_loop3A_1348 = arith.ori %parallel_loop3A_1344, %parallel_loop3A_1347 : vector<16xi32>
        %parallel_loop3A_1349 = tpu.bitcast %parallel_loop3A_1348 : vector<16xi32> -> vector<16xf32>
        %parallel_loop3A_1350 = arith.index_cast %parallel_loop3A_220 : i32 to index
        %parallel_loop3A_1351 = arith.constant 272 : index
        %parallel_loop3A_1352 = tpu.vector_load %arg13[%parallel_loop3A_1350, %parallel_loop3A_1351] {strides = array<i32>} : memref<32x384xf32, #tpu.memory_space<vmem>>, vector<1x16xf32>,
        %parallel_loop3A_1353 = vector.shape_cast %parallel_loop3A_1352 : vector<1x16xf32> to vector<16xf32>
        %parallel_loop3A_1354 = vector.shape_cast %parallel_loop3A_1349 : vector<16xf32> to vector<1x16xf32>
        tpu.vector_store %arg13[%parallel_loop3A_1350, %parallel_loop3A_1351], %parallel_loop3A_1354 {strides = array<i32>} : memref<32x384xf32, #tpu.memory_space<vmem>>, vector<1x16xf32>,
        %parallel_loop3A_1355 = arith.constant 1 : i32
        %parallel_loop3A_1356 = arith.index_cast %parallel_loop3A_1355 : i32 to index
        %parallel_loop3A_1357 = arith.index_cast %parallel_loop3A_218 : i32 to index
        %parallel_loop3A_1358 = arith.constant 576 : index
        %parallel_loop3A_1359 = tpu.vector_load %arg11[%parallel_loop3A_1356, %parallel_loop3A_1357, %parallel_loop3A_1358] {strides = array<i32>} : memref<2x16x768xf32, #tpu.memory_space<vmem>>, vector<1x1x16xf32>,
        %parallel_loop3A_1360 = vector.shape_cast %parallel_loop3A_1359 : vector<1x1x16xf32> to vector<16xf32>
        %parallel_loop3A_1361 = arith.constant 1 : i32
        %parallel_loop3A_1362 = arith.index_cast %parallel_loop3A_1361 : i32 to index
        %parallel_loop3A_1363 = arith.index_cast %parallel_loop3A_218 : i32 to index
        %parallel_loop3A_1364 = arith.constant 592 : index
        %parallel_loop3A_1365 = tpu.vector_load %arg11[%parallel_loop3A_1362, %parallel_loop3A_1363, %parallel_loop3A_1364] {strides = array<i32>} : memref<2x16x768xf32, #tpu.memory_space<vmem>>, vector<1x1x16xf32>,
        %parallel_loop3A_1366 = vector.shape_cast %parallel_loop3A_1365 : vector<1x1x16xf32> to vector<16xf32>
        %parallel_loop3A_1367 = tpu.bitcast %parallel_loop3A_1360 : vector<16xf32> -> vector<16xi32>
        %parallel_loop3A_1368 = tpu.bitcast %parallel_loop3A_1366 : vector<16xf32> -> vector<16xi32>
        %parallel_loop3A_1369 = arith.constant -65536 : i32
        %parallel_loop3A_1370 = vector.broadcast %parallel_loop3A_1369 : i32 to vector<16xi32>
        %parallel_loop3A_1371 = arith.andi %parallel_loop3A_1368, %parallel_loop3A_1370 : vector<16xi32>
        %parallel_loop3A_1372 = arith.constant 16 : i32
        %parallel_loop3A_1373 = vector.broadcast %parallel_loop3A_1372 : i32 to vector<16xi32>
        %parallel_loop3A_1374 = arith.shrui %parallel_loop3A_1367, %parallel_loop3A_1373 : vector<16xi32>
        %parallel_loop3A_1375 = arith.ori %parallel_loop3A_1371, %parallel_loop3A_1374 : vector<16xi32>
        %parallel_loop3A_1376 = tpu.bitcast %parallel_loop3A_1375 : vector<16xi32> -> vector<16xf32>
        %parallel_loop3A_1377 = arith.index_cast %parallel_loop3A_220 : i32 to index
        %parallel_loop3A_1378 = arith.constant 288 : index
        %parallel_loop3A_1379 = tpu.vector_load %arg13[%parallel_loop3A_1377, %parallel_loop3A_1378] {strides = array<i32>} : memref<32x384xf32, #tpu.memory_space<vmem>>, vector<1x16xf32>,
        %parallel_loop3A_1380 = vector.shape_cast %parallel_loop3A_1379 : vector<1x16xf32> to vector<16xf32>
        %parallel_loop3A_1381 = vector.shape_cast %parallel_loop3A_1376 : vector<16xf32> to vector<1x16xf32>
        tpu.vector_store %arg13[%parallel_loop3A_1377, %parallel_loop3A_1378], %parallel_loop3A_1381 {strides = array<i32>} : memref<32x384xf32, #tpu.memory_space<vmem>>, vector<1x16xf32>,
        %parallel_loop3A_1382 = arith.constant 1 : i32
        %parallel_loop3A_1383 = arith.index_cast %parallel_loop3A_1382 : i32 to index
        %parallel_loop3A_1384 = arith.index_cast %parallel_loop3A_218 : i32 to index
        %parallel_loop3A_1385 = arith.constant 608 : index
        %parallel_loop3A_1386 = tpu.vector_load %arg11[%parallel_loop3A_1383, %parallel_loop3A_1384, %parallel_loop3A_1385] {strides = array<i32>} : memref<2x16x768xf32, #tpu.memory_space<vmem>>, vector<1x1x16xf32>,
        %parallel_loop3A_1387 = vector.shape_cast %parallel_loop3A_1386 : vector<1x1x16xf32> to vector<16xf32>
        %parallel_loop3A_1388 = arith.constant 1 : i32
        %parallel_loop3A_1389 = arith.index_cast %parallel_loop3A_1388 : i32 to index
        %parallel_loop3A_1390 = arith.index_cast %parallel_loop3A_218 : i32 to index
        %parallel_loop3A_1391 = arith.constant 624 : index
        %parallel_loop3A_1392 = tpu.vector_load %arg11[%parallel_loop3A_1389, %parallel_loop3A_1390, %parallel_loop3A_1391] {strides = array<i32>} : memref<2x16x768xf32, #tpu.memory_space<vmem>>, vector<1x1x16xf32>,
        %parallel_loop3A_1393 = vector.shape_cast %parallel_loop3A_1392 : vector<1x1x16xf32> to vector<16xf32>
        %parallel_loop3A_1394 = tpu.bitcast %parallel_loop3A_1387 : vector<16xf32> -> vector<16xi32>
        %parallel_loop3A_1395 = tpu.bitcast %parallel_loop3A_1393 : vector<16xf32> -> vector<16xi32>
        %parallel_loop3A_1396 = arith.constant -65536 : i32
        %parallel_loop3A_1397 = vector.broadcast %parallel_loop3A_1396 : i32 to vector<16xi32>
        %parallel_loop3A_1398 = arith.andi %parallel_loop3A_1395, %parallel_loop3A_1397 : vector<16xi32>
        %parallel_loop3A_1399 = arith.constant 16 : i32
        %parallel_loop3A_1400 = vector.broadcast %parallel_loop3A_1399 : i32 to vector<16xi32>
        %parallel_loop3A_1401 = arith.shrui %parallel_loop3A_1394, %parallel_loop3A_1400 : vector<16xi32>
        %parallel_loop3A_1402 = arith.ori %parallel_loop3A_1398, %parallel_loop3A_1401 : vector<16xi32>
        %parallel_loop3A_1403 = tpu.bitcast %parallel_loop3A_1402 : vector<16xi32> -> vector<16xf32>
        %parallel_loop3A_1404 = arith.index_cast %parallel_loop3A_220 : i32 to index
        %parallel_loop3A_1405 = arith.constant 304 : index
        %parallel_loop3A_1406 = tpu.vector_load %arg13[%parallel_loop3A_1404, %parallel_loop3A_1405] {strides = array<i32>} : memref<32x384xf32, #tpu.memory_space<vmem>>, vector<1x16xf32>,
        %parallel_loop3A_1407 = vector.shape_cast %parallel_loop3A_1406 : vector<1x16xf32> to vector<16xf32>
        %parallel_loop3A_1408 = vector.shape_cast %parallel_loop3A_1403 : vector<16xf32> to vector<1x16xf32>
        tpu.vector_store %arg13[%parallel_loop3A_1404, %parallel_loop3A_1405], %parallel_loop3A_1408 {strides = array<i32>} : memref<32x384xf32, #tpu.memory_space<vmem>>, vector<1x16xf32>,
        %parallel_loop3A_1409 = arith.constant 1 : i32
        %parallel_loop3A_1410 = arith.index_cast %parallel_loop3A_1409 : i32 to index
        %parallel_loop3A_1411 = arith.index_cast %parallel_loop3A_218 : i32 to index
        %parallel_loop3A_1412 = arith.constant 640 : index
        %parallel_loop3A_1413 = tpu.vector_load %arg11[%parallel_loop3A_1410, %parallel_loop3A_1411, %parallel_loop3A_1412] {strides = array<i32>} : memref<2x16x768xf32, #tpu.memory_space<vmem>>, vector<1x1x16xf32>,
        %parallel_loop3A_1414 = vector.shape_cast %parallel_loop3A_1413 : vector<1x1x16xf32> to vector<16xf32>
        %parallel_loop3A_1415 = arith.constant 1 : i32
        %parallel_loop3A_1416 = arith.index_cast %parallel_loop3A_1415 : i32 to index
        %parallel_loop3A_1417 = arith.index_cast %parallel_loop3A_218 : i32 to index
        %parallel_loop3A_1418 = arith.constant 656 : index
        %parallel_loop3A_1419 = tpu.vector_load %arg11[%parallel_loop3A_1416, %parallel_loop3A_1417, %parallel_loop3A_1418] {strides = array<i32>} : memref<2x16x768xf32, #tpu.memory_space<vmem>>, vector<1x1x16xf32>,
        %parallel_loop3A_1420 = vector.shape_cast %parallel_loop3A_1419 : vector<1x1x16xf32> to vector<16xf32>
        %parallel_loop3A_1421 = tpu.bitcast %parallel_loop3A_1414 : vector<16xf32> -> vector<16xi32>
        %parallel_loop3A_1422 = tpu.bitcast %parallel_loop3A_1420 : vector<16xf32> -> vector<16xi32>
        %parallel_loop3A_1423 = arith.constant -65536 : i32
        %parallel_loop3A_1424 = vector.broadcast %parallel_loop3A_1423 : i32 to vector<16xi32>
        %parallel_loop3A_1425 = arith.andi %parallel_loop3A_1422, %parallel_loop3A_1424 : vector<16xi32>
        %parallel_loop3A_1426 = arith.constant 16 : i32
        %parallel_loop3A_1427 = vector.broadcast %parallel_loop3A_1426 : i32 to vector<16xi32>
        %parallel_loop3A_1428 = arith.shrui %parallel_loop3A_1421, %parallel_loop3A_1427 : vector<16xi32>
        %parallel_loop3A_1429 = arith.ori %parallel_loop3A_1425, %parallel_loop3A_1428 : vector<16xi32>
        %parallel_loop3A_1430 = tpu.bitcast %parallel_loop3A_1429 : vector<16xi32> -> vector<16xf32>
        %parallel_loop3A_1431 = arith.index_cast %parallel_loop3A_220 : i32 to index
        %parallel_loop3A_1432 = arith.constant 320 : index
        %parallel_loop3A_1433 = tpu.vector_load %arg13[%parallel_loop3A_1431, %parallel_loop3A_1432] {strides = array<i32>} : memref<32x384xf32, #tpu.memory_space<vmem>>, vector<1x16xf32>,
        %parallel_loop3A_1434 = vector.shape_cast %parallel_loop3A_1433 : vector<1x16xf32> to vector<16xf32>
        %parallel_loop3A_1435 = vector.shape_cast %parallel_loop3A_1430 : vector<16xf32> to vector<1x16xf32>
        tpu.vector_store %arg13[%parallel_loop3A_1431, %parallel_loop3A_1432], %parallel_loop3A_1435 {strides = array<i32>} : memref<32x384xf32, #tpu.memory_space<vmem>>, vector<1x16xf32>,
        %parallel_loop3A_1436 = arith.constant 1 : i32
        %parallel_loop3A_1437 = arith.index_cast %parallel_loop3A_1436 : i32 to index
        %parallel_loop3A_1438 = arith.index_cast %parallel_loop3A_218 : i32 to index
        %parallel_loop3A_1439 = arith.constant 672 : index
        %parallel_loop3A_1440 = tpu.vector_load %arg11[%parallel_loop3A_1437, %parallel_loop3A_1438, %parallel_loop3A_1439] {strides = array<i32>} : memref<2x16x768xf32, #tpu.memory_space<vmem>>, vector<1x1x16xf32>,
        %parallel_loop3A_1441 = vector.shape_cast %parallel_loop3A_1440 : vector<1x1x16xf32> to vector<16xf32>
        %parallel_loop3A_1442 = arith.constant 1 : i32
        %parallel_loop3A_1443 = arith.index_cast %parallel_loop3A_1442 : i32 to index
        %parallel_loop3A_1444 = arith.index_cast %parallel_loop3A_218 : i32 to index
        %parallel_loop3A_1445 = arith.constant 688 : index
        %parallel_loop3A_1446 = tpu.vector_load %arg11[%parallel_loop3A_1443, %parallel_loop3A_1444, %parallel_loop3A_1445] {strides = array<i32>} : memref<2x16x768xf32, #tpu.memory_space<vmem>>, vector<1x1x16xf32>,
        %parallel_loop3A_1447 = vector.shape_cast %parallel_loop3A_1446 : vector<1x1x16xf32> to vector<16xf32>
        %parallel_loop3A_1448 = tpu.bitcast %parallel_loop3A_1441 : vector<16xf32> -> vector<16xi32>
        %parallel_loop3A_1449 = tpu.bitcast %parallel_loop3A_1447 : vector<16xf32> -> vector<16xi32>
        %parallel_loop3A_1450 = arith.constant -65536 : i32
        %parallel_loop3A_1451 = vector.broadcast %parallel_loop3A_1450 : i32 to vector<16xi32>
        %parallel_loop3A_1452 = arith.andi %parallel_loop3A_1449, %parallel_loop3A_1451 : vector<16xi32>
        %parallel_loop3A_1453 = arith.constant 16 : i32
        %parallel_loop3A_1454 = vector.broadcast %parallel_loop3A_1453 : i32 to vector<16xi32>
        %parallel_loop3A_1455 = arith.shrui %parallel_loop3A_1448, %parallel_loop3A_1454 : vector<16xi32>
        %parallel_loop3A_1456 = arith.ori %parallel_loop3A_1452, %parallel_loop3A_1455 : vector<16xi32>
        %parallel_loop3A_1457 = tpu.bitcast %parallel_loop3A_1456 : vector<16xi32> -> vector<16xf32>
        %parallel_loop3A_1458 = arith.index_cast %parallel_loop3A_220 : i32 to index
        %parallel_loop3A_1459 = arith.constant 336 : index
        %parallel_loop3A_1460 = tpu.vector_load %arg13[%parallel_loop3A_1458, %parallel_loop3A_1459] {strides = array<i32>} : memref<32x384xf32, #tpu.memory_space<vmem>>, vector<1x16xf32>,
        %parallel_loop3A_1461 = vector.shape_cast %parallel_loop3A_1460 : vector<1x16xf32> to vector<16xf32>
        %parallel_loop3A_1462 = vector.shape_cast %parallel_loop3A_1457 : vector<16xf32> to vector<1x16xf32>
        tpu.vector_store %arg13[%parallel_loop3A_1458, %parallel_loop3A_1459], %parallel_loop3A_1462 {strides = array<i32>} : memref<32x384xf32, #tpu.memory_space<vmem>>, vector<1x16xf32>,
        %parallel_loop3A_1463 = arith.constant 1 : i32
        %parallel_loop3A_1464 = arith.index_cast %parallel_loop3A_1463 : i32 to index
        %parallel_loop3A_1465 = arith.index_cast %parallel_loop3A_218 : i32 to index
        %parallel_loop3A_1466 = arith.constant 704 : index
        %parallel_loop3A_1467 = tpu.vector_load %arg11[%parallel_loop3A_1464, %parallel_loop3A_1465, %parallel_loop3A_1466] {strides = array<i32>} : memref<2x16x768xf32, #tpu.memory_space<vmem>>, vector<1x1x16xf32>,
        %parallel_loop3A_1468 = vector.shape_cast %parallel_loop3A_1467 : vector<1x1x16xf32> to vector<16xf32>
        %parallel_loop3A_1469 = arith.constant 1 : i32
        %parallel_loop3A_1470 = arith.index_cast %parallel_loop3A_1469 : i32 to index
        %parallel_loop3A_1471 = arith.index_cast %parallel_loop3A_218 : i32 to index
        %parallel_loop3A_1472 = arith.constant 720 : index
        %parallel_loop3A_1473 = tpu.vector_load %arg11[%parallel_loop3A_1470, %parallel_loop3A_1471, %parallel_loop3A_1472] {strides = array<i32>} : memref<2x16x768xf32, #tpu.memory_space<vmem>>, vector<1x1x16xf32>,
        %parallel_loop3A_1474 = vector.shape_cast %parallel_loop3A_1473 : vector<1x1x16xf32> to vector<16xf32>
        %parallel_loop3A_1475 = tpu.bitcast %parallel_loop3A_1468 : vector<16xf32> -> vector<16xi32>
        %parallel_loop3A_1476 = tpu.bitcast %parallel_loop3A_1474 : vector<16xf32> -> vector<16xi32>
        %parallel_loop3A_1477 = arith.constant -65536 : i32
        %parallel_loop3A_1478 = vector.broadcast %parallel_loop3A_1477 : i32 to vector<16xi32>
        %parallel_loop3A_1479 = arith.andi %parallel_loop3A_1476, %parallel_loop3A_1478 : vector<16xi32>
        %parallel_loop3A_1480 = arith.constant 16 : i32
        %parallel_loop3A_1481 = vector.broadcast %parallel_loop3A_1480 : i32 to vector<16xi32>
        %parallel_loop3A_1482 = arith.shrui %parallel_loop3A_1475, %parallel_loop3A_1481 : vector<16xi32>
        %parallel_loop3A_1483 = arith.ori %parallel_loop3A_1479, %parallel_loop3A_1482 : vector<16xi32>
        %parallel_loop3A_1484 = tpu.bitcast %parallel_loop3A_1483 : vector<16xi32> -> vector<16xf32>
        %parallel_loop3A_1485 = arith.index_cast %parallel_loop3A_220 : i32 to index
        %parallel_loop3A_1486 = arith.constant 352 : index
        %parallel_loop3A_1487 = tpu.vector_load %arg13[%parallel_loop3A_1485, %parallel_loop3A_1486] {strides = array<i32>} : memref<32x384xf32, #tpu.memory_space<vmem>>, vector<1x16xf32>,
        %parallel_loop3A_1488 = vector.shape_cast %parallel_loop3A_1487 : vector<1x16xf32> to vector<16xf32>
        %parallel_loop3A_1489 = vector.shape_cast %parallel_loop3A_1484 : vector<16xf32> to vector<1x16xf32>
        tpu.vector_store %arg13[%parallel_loop3A_1485, %parallel_loop3A_1486], %parallel_loop3A_1489 {strides = array<i32>} : memref<32x384xf32, #tpu.memory_space<vmem>>, vector<1x16xf32>,
        %parallel_loop3A_1490 = arith.constant 1 : i32
        %parallel_loop3A_1491 = arith.index_cast %parallel_loop3A_1490 : i32 to index
        %parallel_loop3A_1492 = arith.index_cast %parallel_loop3A_218 : i32 to index
        %parallel_loop3A_1493 = arith.constant 736 : index
        %parallel_loop3A_1494 = tpu.vector_load %arg11[%parallel_loop3A_1491, %parallel_loop3A_1492, %parallel_loop3A_1493] {strides = array<i32>} : memref<2x16x768xf32, #tpu.memory_space<vmem>>, vector<1x1x16xf32>,
        %parallel_loop3A_1495 = vector.shape_cast %parallel_loop3A_1494 : vector<1x1x16xf32> to vector<16xf32>
        %parallel_loop3A_1496 = arith.constant 1 : i32
        %parallel_loop3A_1497 = arith.index_cast %parallel_loop3A_1496 : i32 to index
        %parallel_loop3A_1498 = arith.index_cast %parallel_loop3A_218 : i32 to index
        %parallel_loop3A_1499 = arith.constant 752 : index
        %parallel_loop3A_1500 = tpu.vector_load %arg11[%parallel_loop3A_1497, %parallel_loop3A_1498, %parallel_loop3A_1499] {strides = array<i32>} : memref<2x16x768xf32, #tpu.memory_space<vmem>>, vector<1x1x16xf32>,
        %parallel_loop3A_1501 = vector.shape_cast %parallel_loop3A_1500 : vector<1x1x16xf32> to vector<16xf32>
        %parallel_loop3A_1502 = tpu.bitcast %parallel_loop3A_1495 : vector<16xf32> -> vector<16xi32>
        %parallel_loop3A_1503 = tpu.bitcast %parallel_loop3A_1501 : vector<16xf32> -> vector<16xi32>
        %parallel_loop3A_1504 = arith.constant -65536 : i32
        %parallel_loop3A_1505 = vector.broadcast %parallel_loop3A_1504 : i32 to vector<16xi32>
        %parallel_loop3A_1506 = arith.andi %parallel_loop3A_1503, %parallel_loop3A_1505 : vector<16xi32>
        %parallel_loop3A_1507 = arith.constant 16 : i32
        %parallel_loop3A_1508 = vector.broadcast %parallel_loop3A_1507 : i32 to vector<16xi32>
        %parallel_loop3A_1509 = arith.shrui %parallel_loop3A_1502, %parallel_loop3A_1508 : vector<16xi32>
        %parallel_loop3A_1510 = arith.ori %parallel_loop3A_1506, %parallel_loop3A_1509 : vector<16xi32>
        %parallel_loop3A_1511 = tpu.bitcast %parallel_loop3A_1510 : vector<16xi32> -> vector<16xf32>
        %parallel_loop3A_1512 = arith.index_cast %parallel_loop3A_220 : i32 to index
        %parallel_loop3A_1513 = arith.constant 368 : index
        %parallel_loop3A_1514 = tpu.vector_load %arg13[%parallel_loop3A_1512, %parallel_loop3A_1513] {strides = array<i32>} : memref<32x384xf32, #tpu.memory_space<vmem>>, vector<1x16xf32>,
        %parallel_loop3A_1515 = vector.shape_cast %parallel_loop3A_1514 : vector<1x16xf32> to vector<16xf32>
        %parallel_loop3A_1516 = vector.shape_cast %parallel_loop3A_1511 : vector<16xf32> to vector<1x16xf32>
        tpu.vector_store %arg13[%parallel_loop3A_1512, %parallel_loop3A_1513], %parallel_loop3A_1516 {strides = array<i32>} : memref<32x384xf32, #tpu.memory_space<vmem>>, vector<1x16xf32>,
      } {sc.loop_unroll_factor = 4 : i64, sc.parallel_access}
      %add3A_186 = arith.constant 2 : i32
      %add3A_187 = arith.addi %add3A_157, %add3A_186 : i32
      %lt3A_188 = arith.constant 32 : i32
      %lt3A_189 = arith.cmpi slt, %add3A_187, %lt3A_188 : i32
      %convert_element_type3A_190 = arith.extui %lt3A_189 : i1 to i32
      %cond3A_191 = arith.constant 0 : i32
      %cond3A_192 = arith.cmpi ne, %convert_element_type3A_190, %cond3A_191 : i32
      scf.if %cond3A_192 {
        %add3A_218 = arith.constant 2 : i32
        %add3A_219 = arith.addi %add3A_157, %add3A_218 : i32
        %mul3A_220 = arith.constant 16 : i32
        %mul3A_221 = arith.muli %add3A_219, %mul3A_220 : i32
        %multiple_of3A_222 = tpu.assume_multiple %mul3A_221, 16 : i32
        %dma_start3A_223 = arith.constant 1 : i32
        %dma_start3A_224 = arith.constant 0 : i32
        %dma_start3A_225 = arith.constant 0 : i32
        %dma_start3A_226 = tpu.memref_slice %arg10[%dma_start3A_223, %dma_start3A_224, %dma_start3A_225] : memref<2x16x768xf32, #tpu.memory_space<vmem>> -> memref<1x16x768xf32, #tpu.memory_space<vmem>>
        %dma_start3A_227 = tpu.memref_squeeze %dma_start3A_226 : memref<1x16x768xf32, #tpu.memory_space<vmem>> -> memref<16x768xf32, #tpu.memory_space<vmem>>
        %dma_start3A_228 = tpu.memref_slice %arg8[%multiple_of3A_222] : memref<512xi32, #tpu.memory_space<vmem>> -> memref<16xi32, #tpu.memory_space<vmem>>
        %dma_start3A_229 = arith.constant 0 : i32
        %dma_start3A_230 = arith.constant 0 : i32
        %dma_start3A_231 = tpu.memref_slice %arg4[%dma_start3A_229, %dma_start3A_230] : memref<100000x768xf32, #tpu.memory_space<hbm>> -> memref<100000x768xf32, #tpu.memory_space<hbm>>
        tpu.enqueue_indirect_dma source(%dma_start3A_231 : memref<100000x768xf32, #tpu.memory_space<hbm>>) target(%dma_start3A_227 : memref<16x768xf32, #tpu.memory_space<vmem>>) offsets(%dma_start3A_228 : memref<16xi32, #tpu.memory_space<vmem>>) semaphore(%arg15 : memref<!tpu.dma_semaphore, #tpu.memory_space<semaphore_mem>>)
        %dma_start3A_232 = arith.constant 1 : i32
        %dma_start3A_233 = arith.constant 0 : i32
        %dma_start3A_234 = arith.constant 0 : i32
        %dma_start3A_235 = tpu.memref_slice %arg11[%dma_start3A_232, %dma_start3A_233, %dma_start3A_234] : memref<2x16x768xf32, #tpu.memory_space<vmem>> -> memref<1x16x768xf32, #tpu.memory_space<vmem>>
        %dma_start3A_236 = tpu.memref_squeeze %dma_start3A_235 : memref<1x16x768xf32, #tpu.memory_space<vmem>> -> memref<16x768xf32, #tpu.memory_space<vmem>>
        %dma_start3A_237 = tpu.memref_slice %arg9[%multiple_of3A_222] : memref<512xi32, #tpu.memory_space<vmem>> -> memref<16xi32, #tpu.memory_space<vmem>>
        %dma_start3A_238 = arith.constant 0 : i32
        %dma_start3A_239 = arith.constant 0 : i32
        %dma_start3A_240 = tpu.memref_slice %arg5[%dma_start3A_238, %dma_start3A_239] : memref<100000x768xf32, #tpu.memory_space<hbm>> -> memref<100000x768xf32, #tpu.memory_space<hbm>>
        tpu.enqueue_indirect_dma source(%dma_start3A_240 : memref<100000x768xf32, #tpu.memory_space<hbm>>) target(%dma_start3A_236 : memref<16x768xf32, #tpu.memory_space<vmem>>) offsets(%dma_start3A_237 : memref<16xi32, #tpu.memory_space<vmem>>) semaphore(%arg17 : memref<!tpu.dma_semaphore, #tpu.memory_space<semaphore_mem>>)
      } else {
      }
      %mul3A_193 = arith.constant 16 : i32
      %mul3A_194 = arith.muli %add3A_157, %mul3A_193 : i32
      %add3A_195 = arith.addi %mul3A_2, %mul3A_194 : i32
      %multiple_of3A_196 = tpu.assume_multiple %add3A_195, 16 : i32
      %dma_start3A_197 = arith.constant 16 : i32
      %dma_start3A_198 = arith.constant 0 : i32
      %dma_start3A_199 = tpu.memref_slice %arg12[%dma_start3A_197, %dma_start3A_198] : memref<32x384xf32, #tpu.memory_space<vmem>> -> memref<16x384xf32, #tpu.memory_space<vmem>>
      %dma_start3A_200 = arith.constant 0 : i32
      %dma_start3A_201 = tpu.memref_slice %arg6[%multiple_of3A_196, %dma_start3A_200] : memref<16384x384xf32, #tpu.memory_space<hbm>> -> memref<16x384xf32, #tpu.memory_space<hbm>>
      %dma_start3A_202 = arith.constant 0 : i32
      %dma_start3A_203 = tpu.memref_slice %arg6[%multiple_of3A_196, %dma_start3A_202] : memref<16384x384xf32, #tpu.memory_space<hbm>> -> memref<16x384xf32, #tpu.memory_space<hbm>>
      %dma_start3A_204 = arith.constant 16 : i32
      %dma_start3A_205 = arith.constant 0 : i32
      %dma_start3A_206 = tpu.memref_slice %arg12[%dma_start3A_204, %dma_start3A_205] : memref<32x384xf32, #tpu.memory_space<vmem>> -> memref<16x384xf32, #tpu.memory_space<vmem>>
      tpu.enqueue_dma source(%dma_start3A_206 : memref<16x384xf32, #tpu.memory_space<vmem>>) target(%dma_start3A_203 : memref<16x384xf32, #tpu.memory_space<hbm>>) target_semaphore(%arg19 : memref<!tpu.dma_semaphore, #tpu.memory_space<semaphore_mem>>)
      %dma_start3A_207 = arith.constant 16 : i32
      %dma_start3A_208 = arith.constant 0 : i32
      %dma_start3A_209 = tpu.memref_slice %arg13[%dma_start3A_207, %dma_start3A_208] : memref<32x384xf32, #tpu.memory_space<vmem>> -> memref<16x384xf32, #tpu.memory_space<vmem>>
      %dma_start3A_210 = arith.constant 0 : i32
      %dma_start3A_211 = tpu.memref_slice %arg7[%multiple_of3A_196, %dma_start3A_210] : memref<16384x384xf32, #tpu.memory_space<hbm>> -> memref<16x384xf32, #tpu.memory_space<hbm>>
      %dma_start3A_212 = arith.constant 0 : i32
      %dma_start3A_213 = tpu.memref_slice %arg7[%multiple_of3A_196, %dma_start3A_212] : memref<16384x384xf32, #tpu.memory_space<hbm>> -> memref<16x384xf32, #tpu.memory_space<hbm>>
      %dma_start3A_214 = arith.constant 16 : i32
      %dma_start3A_215 = arith.constant 0 : i32
      %dma_start3A_216 = tpu.memref_slice %arg13[%dma_start3A_214, %dma_start3A_215] : memref<32x384xf32, #tpu.memory_space<vmem>> -> memref<16x384xf32, #tpu.memory_space<vmem>>
      tpu.enqueue_dma source(%dma_start3A_216 : memref<16x384xf32, #tpu.memory_space<vmem>>) target(%dma_start3A_213 : memref<16x384xf32, #tpu.memory_space<hbm>>) target_semaphore(%arg21 : memref<!tpu.dma_semaphore, #tpu.memory_space<semaphore_mem>>)
      %scan3A_217 = arith.constant 0 : i32
      scf.yield %scan3A_217 : i32
    }
    %scan3A_46 = arith.constant 16 : i32
    %dma_wait3A = arith.constant 0 : i32
    %dma_wait3A_47 = arith.constant 0 : i32
    %dma_wait3A_48 = tpu.memref_slice %arg12[%dma_wait3A, %dma_wait3A_47] : memref<32x384xf32, #tpu.memory_space<vmem>> -> memref<16x384xf32, #tpu.memory_space<vmem>>
    %dma_wait3A_49 = arith.constant 0 : i32
    %dma_wait3A_50 = arith.constant 0 : i32
    %dma_wait3A_51 = tpu.memref_slice %arg6[%dma_wait3A_49, %dma_wait3A_50] : memref<16384x384xf32, #tpu.memory_space<hbm>> -> memref<16x384xf32, #tpu.memory_space<hbm>>
    %dma_wait3A_52 = arith.constant 0 : i32
    %dma_wait3A_53 = arith.constant 0 : i32
    %dma_wait3A_54 = tpu.memref_slice %arg6[%dma_wait3A_52, %dma_wait3A_53] : memref<16384x384xf32, #tpu.memory_space<hbm>> -> memref<16x384xf32, #tpu.memory_space<hbm>>
    %dma_wait3A_55 = arith.constant 0 : i32
    %dma_wait3A_56 = arith.constant 0 : i32
    %dma_wait3A_57 = tpu.memref_slice %arg12[%dma_wait3A_55, %dma_wait3A_56] : memref<32x384xf32, #tpu.memory_space<vmem>> -> memref<16x384xf32, #tpu.memory_space<vmem>>
    tpu.wait_dma2 semaphore(%arg18 : memref<!tpu.dma_semaphore, #tpu.memory_space<semaphore_mem>>) src(%dma_wait3A_57 : memref<16x384xf32, #tpu.memory_space<vmem>>) dst(%dma_wait3A_54 : memref<16x384xf32, #tpu.memory_space<hbm>>)
    %dma_wait3A_58 = arith.constant 0 : i32
    %dma_wait3A_59 = arith.constant 0 : i32
    %dma_wait3A_60 = tpu.memref_slice %arg13[%dma_wait3A_58, %dma_wait3A_59] : memref<32x384xf32, #tpu.memory_space<vmem>> -> memref<16x384xf32, #tpu.memory_space<vmem>>
    %dma_wait3A_61 = arith.constant 0 : i32
    %dma_wait3A_62 = arith.constant 0 : i32
    %dma_wait3A_63 = tpu.memref_slice %arg7[%dma_wait3A_61, %dma_wait3A_62] : memref<16384x384xf32, #tpu.memory_space<hbm>> -> memref<16x384xf32, #tpu.memory_space<hbm>>
    %dma_wait3A_64 = arith.constant 0 : i32
    %dma_wait3A_65 = arith.constant 0 : i32
    %dma_wait3A_66 = tpu.memref_slice %arg7[%dma_wait3A_64, %dma_wait3A_65] : memref<16384x384xf32, #tpu.memory_space<hbm>> -> memref<16x384xf32, #tpu.memory_space<hbm>>
    %dma_wait3A_67 = arith.constant 0 : i32
    %dma_wait3A_68 = arith.constant 0 : i32
    %dma_wait3A_69 = tpu.memref_slice %arg13[%dma_wait3A_67, %dma_wait3A_68] : memref<32x384xf32, #tpu.memory_space<vmem>> -> memref<16x384xf32, #tpu.memory_space<vmem>>
    tpu.wait_dma2 semaphore(%arg20 : memref<!tpu.dma_semaphore, #tpu.memory_space<semaphore_mem>>) src(%dma_wait3A_69 : memref<16x384xf32, #tpu.memory_space<vmem>>) dst(%dma_wait3A_66 : memref<16x384xf32, #tpu.memory_space<hbm>>)
    %dma_wait3A_70 = arith.constant 16 : i32
    %dma_wait3A_71 = arith.constant 0 : i32
    %dma_wait3A_72 = tpu.memref_slice %arg12[%dma_wait3A_70, %dma_wait3A_71] : memref<32x384xf32, #tpu.memory_space<vmem>> -> memref<16x384xf32, #tpu.memory_space<vmem>>
    %dma_wait3A_73 = arith.constant 0 : i32
    %dma_wait3A_74 = arith.constant 0 : i32
    %dma_wait3A_75 = tpu.memref_slice %arg6[%dma_wait3A_73, %dma_wait3A_74] : memref<16384x384xf32, #tpu.memory_space<hbm>> -> memref<16x384xf32, #tpu.memory_space<hbm>>
    %dma_wait3A_76 = arith.constant 0 : i32
    %dma_wait3A_77 = arith.constant 0 : i32
    %dma_wait3A_78 = tpu.memref_slice %arg6[%dma_wait3A_76, %dma_wait3A_77] : memref<16384x384xf32, #tpu.memory_space<hbm>> -> memref<16x384xf32, #tpu.memory_space<hbm>>
    %dma_wait3A_79 = arith.constant 16 : i32
    %dma_wait3A_80 = arith.constant 0 : i32
    %dma_wait3A_81 = tpu.memref_slice %arg12[%dma_wait3A_79, %dma_wait3A_80] : memref<32x384xf32, #tpu.memory_space<vmem>> -> memref<16x384xf32, #tpu.memory_space<vmem>>
    tpu.wait_dma2 semaphore(%arg19 : memref<!tpu.dma_semaphore, #tpu.memory_space<semaphore_mem>>) src(%dma_wait3A_81 : memref<16x384xf32, #tpu.memory_space<vmem>>) dst(%dma_wait3A_78 : memref<16x384xf32, #tpu.memory_space<hbm>>)
    %dma_wait3A_82 = arith.constant 16 : i32
    %dma_wait3A_83 = arith.constant 0 : i32
    %dma_wait3A_84 = tpu.memref_slice %arg13[%dma_wait3A_82, %dma_wait3A_83] : memref<32x384xf32, #tpu.memory_space<vmem>> -> memref<16x384xf32, #tpu.memory_space<vmem>>
    %dma_wait3A_85 = arith.constant 0 : i32
    %dma_wait3A_86 = arith.constant 0 : i32
    %dma_wait3A_87 = tpu.memref_slice %arg7[%dma_wait3A_85, %dma_wait3A_86] : memref<16384x384xf32, #tpu.memory_space<hbm>> -> memref<16x384xf32, #tpu.memory_space<hbm>>
    %dma_wait3A_88 = arith.constant 0 : i32
    %dma_wait3A_89 = arith.constant 0 : i32
    %dma_wait3A_90 = tpu.memref_slice %arg7[%dma_wait3A_88, %dma_wait3A_89] : memref<16384x384xf32, #tpu.memory_space<hbm>> -> memref<16x384xf32, #tpu.memory_space<hbm>>
    %dma_wait3A_91 = arith.constant 16 : i32
    %dma_wait3A_92 = arith.constant 0 : i32
    %dma_wait3A_93 = tpu.memref_slice %arg13[%dma_wait3A_91, %dma_wait3A_92] : memref<32x384xf32, #tpu.memory_space<vmem>> -> memref<16x384xf32, #tpu.memory_space<vmem>>
    tpu.wait_dma2 semaphore(%arg21 : memref<!tpu.dma_semaphore, #tpu.memory_space<semaphore_mem>>) src(%dma_wait3A_93 : memref<16x384xf32, #tpu.memory_space<vmem>>) dst(%dma_wait3A_90 : memref<16x384xf32, #tpu.memory_space<hbm>>)
    return
  }
}

module attributes {stable_mosaic.version = 14 : i64} {
  func.func @_mm_body(%arg0: i32, %arg1: memref<2048x384xf32, #tpu.memory_space<vmem>>, %arg2: memref<2048x384xf32, #tpu.memory_space<vmem>>, %arg3: memref<384x5xf32, #tpu.memory_space<vmem>>, %arg4: memref<384x5xf32, #tpu.memory_space<vmem>>, %arg5: memref<384x5xf32, #tpu.memory_space<vmem>>, %arg6: memref<384x5xf32, #tpu.memory_space<vmem>>, %arg7: memref<1x5xf32, #tpu.memory_space<vmem>>, %arg8: memref<2048x5xf32, #tpu.memory_space<vmem>>) attributes {dimension_semantics = [#tpu.dimension_semantics<arbitrary>], iteration_bounds = array<i64: 8>, scalar_prefetch = 0 : i64, scratch_operands = 0 : i64, tpu.core_type = #tpu.core_type<tc>, window_params = [{transform_indices = @transform_0, window_bounds = array<i64: 2048, 384>}, {transform_indices = @transform_1, window_bounds = array<i64: 2048, 384>}, {pipeline_mode = #tpu.pipeline_mode<synchronous>, transform_indices = @transform_2, window_bounds = array<i64: 384, 5>}, {pipeline_mode = #tpu.pipeline_mode<synchronous>, transform_indices = @transform_3, window_bounds = array<i64: 384, 5>}, {pipeline_mode = #tpu.pipeline_mode<synchronous>, transform_indices = @transform_4, window_bounds = array<i64: 384, 5>}, {pipeline_mode = #tpu.pipeline_mode<synchronous>, transform_indices = @transform_5, window_bounds = array<i64: 384, 5>}, {pipeline_mode = #tpu.pipeline_mode<synchronous>, transform_indices = @transform_6, window_bounds = array<i64: 1, 5>}, {transform_indices = @transform_7, window_bounds = array<i64: 2048, 5>}]} {
    %get3A = arith.constant 0 : index
    %get3A_0 = arith.constant 0 : index
    %get3A_1 = vector.load %arg1[%get3A, %get3A_0] : memref<2048x384xf32, #tpu.memory_space<vmem>>, vector<2048x384xf32>
    %bitcast_convert_type3A = tpu.bitcast %get3A_1 : vector<2048x384xf32> -> vector<2048x384xi32>
    %shift_left3A = arith.constant 16 : i32
    %shift_left3A_2 = vector.broadcast %shift_left3A : i32 to vector<2048x384xi32>
    %shift_left3A_3 = arith.shli %bitcast_convert_type3A, %shift_left3A_2 : vector<2048x384xi32>
    %bitcast_convert_type3A_4 = tpu.bitcast %shift_left3A_3 : vector<2048x384xi32> -> vector<2048x384xf32>
    %and3A = arith.constant -65536 : i32
    %and3A_5 = vector.broadcast %and3A : i32 to vector<2048x384xi32>
    %and3A_6 = arith.andi %bitcast_convert_type3A, %and3A_5 : vector<2048x384xi32>
    %bitcast_convert_type3A_7 = tpu.bitcast %and3A_6 : vector<2048x384xi32> -> vector<2048x384xf32>
    %get3A_8 = arith.constant 0 : index
    %get3A_9 = arith.constant 0 : index
    %get3A_10 = vector.load %arg2[%get3A_8, %get3A_9] : memref<2048x384xf32, #tpu.memory_space<vmem>>, vector<2048x384xf32>
    %bitcast_convert_type3A_11 = tpu.bitcast %get3A_10 : vector<2048x384xf32> -> vector<2048x384xi32>
    %shift_left3A_12 = arith.constant 16 : i32
    %shift_left3A_13 = vector.broadcast %shift_left3A_12 : i32 to vector<2048x384xi32>
    %shift_left3A_14 = arith.shli %bitcast_convert_type3A_11, %shift_left3A_13 : vector<2048x384xi32>
    %bitcast_convert_type3A_15 = tpu.bitcast %shift_left3A_14 : vector<2048x384xi32> -> vector<2048x384xf32>
    %and3A_16 = arith.constant -65536 : i32
    %and3A_17 = vector.broadcast %and3A_16 : i32 to vector<2048x384xi32>
    %and3A_18 = arith.andi %bitcast_convert_type3A_11, %and3A_17 : vector<2048x384xi32>
    %bitcast_convert_type3A_19 = tpu.bitcast %and3A_18 : vector<2048x384xi32> -> vector<2048x384xf32>
    %get3A_20 = arith.constant 0 : index
    %get3A_21 = arith.constant 0 : index
    %get3A_22 = vector.load %arg3[%get3A_20, %get3A_21] : memref<384x5xf32, #tpu.memory_space<vmem>>, vector<384x5xf32>
    %dot_general3A = arith.constant dense<0.000000e+00> : vector<2048x5xf32>
    %dot_general3A_23 = tpu.matmul %bitcast_convert_type3A_4, %get3A_22, %dot_general3A {dimension_numbers = #tpu.dot_dimension_numbers<[1], [0], [0], [1], [0, 0, 1, 1], [], []>, transpose_lhs_hint = false} : vector<2048x384xf32>, vector<384x5xf32>, vector<2048x5xf32> -> vector<2048x5xf32>
    %get3A_24 = arith.constant 0 : index
    %get3A_25 = arith.constant 0 : index
    %get3A_26 = vector.load %arg4[%get3A_24, %get3A_25] : memref<384x5xf32, #tpu.memory_space<vmem>>, vector<384x5xf32>
    %dot_general3A_27 = arith.constant dense<0.000000e+00> : vector<2048x5xf32>
    %dot_general3A_28 = tpu.matmul %bitcast_convert_type3A_7, %get3A_26, %dot_general3A_27 {dimension_numbers = #tpu.dot_dimension_numbers<[1], [0], [0], [1], [0, 0, 1, 1], [], []>, transpose_lhs_hint = false} : vector<2048x384xf32>, vector<384x5xf32>, vector<2048x5xf32> -> vector<2048x5xf32>
    %add3A = arith.addf %dot_general3A_23, %dot_general3A_28 : vector<2048x5xf32>
    %get3A_29 = arith.constant 0 : index
    %get3A_30 = arith.constant 0 : index
    %get3A_31 = vector.load %arg5[%get3A_29, %get3A_30] : memref<384x5xf32, #tpu.memory_space<vmem>>, vector<384x5xf32>
    %dot_general3A_32 = arith.constant dense<0.000000e+00> : vector<2048x5xf32>
    %dot_general3A_33 = tpu.matmul %bitcast_convert_type3A_15, %get3A_31, %dot_general3A_32 {dimension_numbers = #tpu.dot_dimension_numbers<[1], [0], [0], [1], [0, 0, 1, 1], [], []>, transpose_lhs_hint = false} : vector<2048x384xf32>, vector<384x5xf32>, vector<2048x5xf32> -> vector<2048x5xf32>
    %add3A_34 = arith.addf %add3A, %dot_general3A_33 : vector<2048x5xf32>
    %get3A_35 = arith.constant 0 : index
    %get3A_36 = arith.constant 0 : index
    %get3A_37 = vector.load %arg6[%get3A_35, %get3A_36] : memref<384x5xf32, #tpu.memory_space<vmem>>, vector<384x5xf32>
    %dot_general3A_38 = arith.constant dense<0.000000e+00> : vector<2048x5xf32>
    %dot_general3A_39 = tpu.matmul %bitcast_convert_type3A_19, %get3A_37, %dot_general3A_38 {dimension_numbers = #tpu.dot_dimension_numbers<[1], [0], [0], [1], [0, 0, 1, 1], [], []>, transpose_lhs_hint = false} : vector<2048x384xf32>, vector<384x5xf32>, vector<2048x5xf32> -> vector<2048x5xf32>
    %add3A_40 = arith.addf %add3A_34, %dot_general3A_39 : vector<2048x5xf32>
    %get3A_41 = arith.constant 0 : index
    %get3A_42 = arith.constant 0 : index
    %get3A_43 = vector.load %arg7[%get3A_41, %get3A_42] : memref<1x5xf32, #tpu.memory_space<vmem>>, vector<1x5xf32>
    %add3A_44 = vector.broadcast %get3A_43 : vector<1x5xf32> to vector<2048x5xf32>
    %add3A_45 = arith.addf %add3A_40, %add3A_44 : vector<2048x5xf32>
    %swap3A = arith.constant 0 : index
    %swap3A_46 = arith.constant 0 : index
    %swap3A_47 = vector.load %arg8[%swap3A, %swap3A_46] : memref<2048x5xf32, #tpu.memory_space<vmem>>, vector<2048x5xf32>
    tpu.vector_store %arg8[%swap3A, %swap3A_46], %add3A_45 {strides = array<i32>} : memref<2048x5xf32, #tpu.memory_space<vmem>>, vector<2048x5xf32>,
    return
  }
  func.func @transform_0(%arg0: i32) -> (i32, i32) {
    %c0_i32 = arith.constant 0 : i32
    %c0_i32_0 = arith.constant 0 : i32
    return %arg0, %c0_i32 : i32, i32
  }
  func.func @transform_1(%arg0: i32) -> (i32, i32) {
    %c0_i32 = arith.constant 0 : i32
    %c0_i32_0 = arith.constant 0 : i32
    return %arg0, %c0_i32 : i32, i32
  }
  func.func @transform_2(%arg0: i32) -> (i32, i32) {
    %c0_i32 = arith.constant 0 : i32
    %c0_i32_0 = arith.constant 0 : i32
    %c0_i32_1 = arith.constant 0 : i32
    return %c0_i32, %c0_i32_0 : i32, i32
  }
  func.func @transform_3(%arg0: i32) -> (i32, i32) {
    %c0_i32 = arith.constant 0 : i32
    %c0_i32_0 = arith.constant 0 : i32
    %c0_i32_1 = arith.constant 0 : i32
    return %c0_i32, %c0_i32_0 : i32, i32
  }
  func.func @transform_4(%arg0: i32) -> (i32, i32) {
    %c0_i32 = arith.constant 0 : i32
    %c0_i32_0 = arith.constant 0 : i32
    %c0_i32_1 = arith.constant 0 : i32
    return %c0_i32, %c0_i32_0 : i32, i32
  }
  func.func @transform_5(%arg0: i32) -> (i32, i32) {
    %c0_i32 = arith.constant 0 : i32
    %c0_i32_0 = arith.constant 0 : i32
    %c0_i32_1 = arith.constant 0 : i32
    return %c0_i32, %c0_i32_0 : i32, i32
  }
  func.func @transform_6(%arg0: i32) -> (i32, i32) {
    %c0_i32 = arith.constant 0 : i32
    %c0_i32_0 = arith.constant 0 : i32
    %c0_i32_1 = arith.constant 0 : i32
    return %c0_i32, %c0_i32_0 : i32, i32
  }
  func.func @transform_7(%arg0: i32) -> (i32, i32) {
    %c0_i32 = arith.constant 0 : i32
    %c0_i32_0 = arith.constant 0 : i32
    return %arg0, %c0_i32 : i32, i32
  }
}

</mosaic_0001>

<sc_bundles>
// kernel: kernel.4.cloned.1.call-start
scs
__scs_entry_jumppad:
0x0: {  	(pc) =	sbr.rel $0x88, $3  }
0x1: {  	(tag) =	ssettag $0x0;
	lr =	simm.s32 $0x1  }
0x2: {  	[smem:$0x3F9B] =	sst lr;
	_ =	strace $0xD0000000  }
0x3: {  	_ = 	snop  }
0x4: {  	_ = 	snop  }
0x5: {  	_ = 	snop  }
0x6: {  	_ = 	snop  }
0x7: {  	_ = 	snop  }
__scs_overlays_trampoline_lowered:
0x8: {  	[smem:$0x3FAA] =	sst s0  }
0x9: {  	[smem:$0x3FAB] =	sst s1  }
0xa: {  	[smem:$0x3FAC] =	sst s2  }
0xb: {  	[smem:$0x3FAD] =	sst s3  }
0xc: {  	[smem:$0x3FAE] =	sst s4  }
0xd: {  	[smem:$0x3FAF] =	sst s5  }
0xe: {  	[smem:$0x3FB0] =	sst s6  }
0xf: {  	[smem:$0x3FB1] =	sst s7  }
0x10: {  	[smem:$0x3FB2] =	sst s8  }
0x11: {  	[smem:$0x3FB3] =	sst s9;
	s0 =	simm.s32 @!p0 $0x0  }
0x12: {  	s1 =	sld [smem:$0x3F99];
	s0 =	simm.s32 @p0 $0x1  }
0x13: {  	[smem:$0x3FB4] =	sst s0;
	s0 =	simm.s32 @!p1 $0x0  }
0x14: {  	s2 =	sld [smem:$0x3F98];
	s0 =	simm.s32 @p1 $0x1  }
0x15: {  	[smem:$0x3FB5] =	sst s0;
	s0 =	simm.s32 @!p2 $0x0  }
0x16: {  	s3 =	sld [smem:$0x3FDB];
	s0 =	simm.s32 @p2 $0x1  }
0x17: {  	s4 =	simm.s32 $0x1BF5;
	[smem:$0x3FB7] =	sst s0  }
0x18: {  	s0 =	sld [smem:$0x3F9A];
	_ =	swait.ge [sflag:s4], $0x0  }
0x19: {  	s7 =	sld [smem:$0x3F9B]  }
0x1a: {  	s8 =	sadd.s32 $0xFFFFE003, lr  }
0x1b: {  	s9 =	sadd.s32 $0xFFFFFEF7, lr;
	s5 =	simm.s32 $0xFFFFFFFF;
	p2 =	slt.u32 s8, $0xFFFFF086  }
0x1c: {  	p1 =	slt.u32 s9, $0xF7A;
	s5 =	simm.s32 @!p2 $0x0  }
0x1d: {  	s5 =	simm.s32 @p1 $0x1;
	p0 =	seq.s32 s7, s2  }
0x1e: {  	s7 =	smul.u32 @!p0 $0xF7A, s2;
	p2 =	seq.s32 @!p0 s5, $0x0  }
0x1f: {  	s9 =	smul.u32 $0xF7A, s1;
	s8 =	simm.s32 @!p0 $0x1BF5;
	p2 =	por !p2, p0  }
0x20: {  	[sflag:s8] =	ssyncset.s32 @!p0 $0xFFFFF086;
	s6 =	sadd.s32 @!p0 s3, s7;
	s7 =	simm.s32 @!p0 $0x108  }
0x21: {  	s3 =	sadd.s32 s3, s9;
	s6 =	sadd.s32 @!p0 $0x88, s6;
	s7 =	simm.s32 @p2 $0x1082  }
0x22: {  	[simem:s7], [sflag:s8] =	dma.local @!p0 [hbm:s6], $0xF7A  }
0x23: {  	s9 =	sor.u32 $0xD0000000, s2;
	s6 =	simm.s32 $0x108;
	_ =	swait.ge @!p0 [sflag:s8], $0x0  }
0x24: {  	s3 =	sadd.s32 $0x88, s3;
	s6 =	simm.s32 @!p1 $0x1082;
	[sflag:s4] =	ssyncset.s32 $0xFFFFF086  }
0x25: {  	[simem:s6], [sflag:s4] =	dma.local [hbm:s3], $0xF7A  }
0x26: {  	[smem:$0x3F9B] =	sst s1;
	(tag) =	ssettag s2;
	_ =	strace s9  }
0x27: {  	s1 =	sld [smem:$0x3FAB]  }
0x28: {  	s2 =	sld [smem:$0x3FAC]  }
0x29: {  	s4 =	sld [smem:$0x3FAE]  }
0x2a: {  	p0 =	seq.s32 s5, $0x0;
	s5 =	sld [smem:$0x3FAF]  }
0x2b: {  	s6 =	sld [smem:$0x3FB0]  }
0x2c: {  	s7 =	sld [smem:$0x3FB1]  }
0x2d: {  	s3 =	simm.s32 $0x108;
	s8 =	sld [smem:$0x3FB2]  }
0x2e: {  	s3 =	simm.s32 @!p0 $0x1082;
	s9 =	sld [smem:$0x3FB3]  }
0x2f: {  	lr =	sadd.s32 s0, s3;
	s0 =	sld [smem:$0x3FAA]  }
0x30: {  	s3 =	sld [smem:$0x3FAD]  }
0x31: {  	[smem:$0x3FB6] =	sst s10  }
0x32: {  	s10 =	sld [smem:$0x3FB4];
	_ =	sdelay $0x3  }
0x33: {  	p0 =	seq.s32 s10, $0x1;
	s10 =	sld [smem:$0x3FB6];
	_ =	sdelay $0x3  }
0x34: {  	[smem:$0x3FB6] =	sst s10  }
0x35: {  	s10 =	sld [smem:$0x3FB5];
	_ =	sdelay $0x3  }
0x36: {  	p1 =	seq.s32 s10, $0x1;
	s10 =	sld [smem:$0x3FB6];
	_ =	sdelay $0x3  }
0x37: {  	[smem:$0x3FB6] =	sst s10  }
0x38: {  	s10 =	sld [smem:$0x3FB7]  }
0x39: {  	_ = 	snop;
	(pc) =	sbr.ind lr, $3  }
0x3a: {  	_ = 	snop  }
0x3b: {  	_ = 	snop  }
0x3c: {  	p2 =	seq.s32 s10, $0x1;
	s10 =	sld [smem:$0x3FB6]  }
0x3d: {  	_ =	shalt  }
0x3e: {  	_ =	shalt  }
0x3f: {  	_ =	shalt  }
0x40: {  	_ =	shalt  }
0x41: {  	_ =	shalt  }
0x42: {  	_ =	shalt  }
0x43: {  	_ =	shalt  }
0x44: {  	_ =	shalt  }
0x45: {  	_ =	shalt  }
0x46: {  	_ =	shalt  }
0x47: {  	_ =	shalt  }
0x48: {  	_ =	shalt  }
0x49: {  	_ =	shalt  }
0x4a: {  	_ =	shalt  }
0x4b: {  	_ =	shalt  }
0x4c: {  	_ =	shalt  }
0x4d: {  	_ =	shalt  }
0x4e: {  	_ =	shalt  }
0x4f: {  	_ =	shalt  }
0x50: {  	_ =	shalt  }
0x51: {  	_ =	shalt  }
0x52: {  	_ =	shalt  }
0x53: {  	_ =	shalt  }
0x54: {  	_ =	shalt  }
0x55: {  	_ =	shalt  }
0x56: {  	_ =	shalt  }
0x57: {  	_ =	shalt  }
0x58: {  	_ =	shalt  }
0x59: {  	_ =	shalt  }
0x5a: {  	_ =	shalt  }
0x5b: {  	_ =	shalt  }
0x5c: {  	_ =	shalt  }
0x5d: {  	_ =	shalt  }
0x5e: {  	_ =	shalt  }
0x5f: {  	_ =	shalt  }
0x60: {  	_ =	shalt  }
0x61: {  	_ =	shalt  }
0x62: {  	_ =	shalt  }
0x63: {  	_ =	shalt  }
0x64: {  	_ =	shalt  }
0x65: {  	_ =	shalt  }
0x66: {  	_ =	shalt  }
0x67: {  	_ =	shalt  }
0x68: {  	_ =	shalt  }
0x69: {  	_ =	shalt  }
0x6a: {  	_ =	shalt  }
0x6b: {  	_ =	shalt  }
0x6c: {  	_ =	shalt  }
0x6d: {  	_ =	shalt  }
0x6e: {  	_ =	shalt  }
0x6f: {  	_ =	shalt  }
0x70: {  	_ =	shalt  }
0x71: {  	_ =	shalt  }
0x72: {  	_ =	shalt  }
0x73: {  	_ =	shalt  }
0x74: {  	_ =	shalt  }
0x75: {  	_ =	shalt  }
0x76: {  	_ =	shalt  }
0x77: {  	_ =	shalt  }
0x78: {  	_ =	shalt  }
0x79: {  	_ =	shalt  }
0x7a: {  	_ =	shalt  }
0x7b: {  	_ =	shalt  }
0x7c: {  	_ =	shalt  }
0x7d: {  	_ =	shalt  }
0x7e: {  	_ =	shalt  }
0x7f: {  	_ =	shalt  }
0x80: {  	_ =	shalt  }
0x81: {  	_ =	shalt  }
0x82: {  	_ =	shalt  }
0x83: {  	_ =	shalt  }
0x84: {  	_ =	shalt  }
0x85: {  	_ =	shalt  }
0x86: {  	_ =	shalt  }
0x87: {  	_ =	shalt  }
.Lfunc_end0:
.L_simem_size_0:
called_computation_lowered:
.L_overlay_start_0:
0x88: {  	s2 =	sld [smem:$0x3FD9]  }
0x89: {  	s3 =	sld [smem:$0x3FFE];
	_ =	sdelay $0x1  }
0x8a: {  	s1 =	srdreg.scid  }
0x8b: {  	s0 =	sand.u32 $0x1, s1  }
0x8c: {  	s17 =	sshll.u32 s0, $0xA;
	s2 =	sadd.s32 s3, s2  }
0x8d: {  	s2 =	sadd.s32 s2, s17  }
0x8e: {  	[smem:$0x3FC2] =	sst s2  }
0x8f: {  	_ = 	snop  }
0x90: {  	s2 =	sld [smem:$0x3FC9]  }
0x91: {  	s18 =	sld [smem:$0x3FC8]  }
0x92: {  	s4 =	sld [smem:$0x3FC7]  }
0x93: {  	s5 =	sld [smem:$0x3FC6];
	(tm) =	ssettm $0x1  }
0x94: {  	s6 =	sld [smem:$0x3FFB];
	_ =	sdelay $0x3  }
0x95: {  	_ =	strace s6  }
0x96: {  	s6 =	sld [smem:$0x3FFC];
	_ =	sdelay $0x3  }
0x97: {  	_ =	strace s6  }
0x98: {  	s6 =	sld [smem:$0x3FFD];
	_ =	sdelay $0x3  }
0x99: {  	_ =	strace s6  }
0x9a: {  	_ =	strace $0x8FFFFFFF  }
0x9b: {  	s19 =	sld [smem:$0x3FDB];
	_ =	sdelay $0x1  }
0x9c: {  	s7 =	simm.s32 $_scs_section_size  }
0x9d: {  	s8 =	simm.s32 $_size__tile_overlayer_lowered;
	s9 =	simm.s32 $_tile_overlayer_lowered  }
0x9e: {  	s22 =	simm.s32 $0x1BFF;
	s21 =	sshll.u32 s9, $0x1;
	s6 =	sadd.s32 s7, s19  }
0x9f: {  	s10 =	simm.s32 $0x0;
	s20 =	sshll.u32 s8, $0x1;
	s8 =	sadd.s32 s21, s6  }
0xa0: {  	[timem:s10], [sflag:s22] =	dma.local [hbm:s8], s20  }
0xa1: {  	_ =	swait.ge [sflag:s22], s20  }
0xa2: {  	s7 =	ssub.s32 $0x0, s20;
	[sflag:s22] =	ssyncset.done $0x0  }
0xa3: {  	[sflag:s22] =	ssyncadd.s32 s7;
	_ =	sdelay $0x1  }
0xa4: {  	s23 =	simm.s32 $0x1B8B  }
0xa5: {  	_ =	swait.ge [sflag:s23], $0x1  }
0xa6: {  	[sflag:s23] =	ssyncset.done $0x0  }
0xa7: {  	s25 =	simm.s32 $0x1B8E;
	s24 =	sld [smem:$0x3FFE];
	[sflag:s23] =	ssyncadd.s32 $0xFFFFFFFF  }
0xa8: {  	s26 =	simm.s32 $execute0_lowered;
	[smem:$0x3FD2] =	sst s25  }
0xa9: {  	s8 =	sshll.u32 s26, $0x1;
	_ =	strace $0x80000046;
	[dreg:$0x1] =	wrdreg $0xFFFFFFFF  }
0xaa: {  	s28 =	simm.s32 $_size_execute0_lowered;
	s6 =	sadd.s32 s6, s8;
	[dreg:$0x0] =	wrdreg $0x0  }
0xab: {  	s8 =	sshll.u32 s28, $0x1;
	[dreg:$0x2] =	wrdreg s6  }
0xac: {  	[dreg:$0x3] =	wrdreg s8  }
0xad: {  	[dreg:$0x4] =	wrdreg $0xC0  }
0xae: {  	_ =	task [dreg:s10], $0x5FFFF  }
0xaf: {  	[dreg:$0x1] =	wrdreg $0xFFFFFFFF  }
0xb0: {  	[dreg:$0x0] =	wrdreg $0x60  }
0xb1: {  	[dreg:$0x2] =	wrdreg s2  }
0xb2: {  	[dreg:$0x3] =	wrdreg s18  }
0xb3: {  	[dreg:$0x4] =	wrdreg s4  }
0xb4: {  	[dreg:$0x5] =	wrdreg s5  }
0xb5: {  	[dreg:$0x6] =	wrdreg s24  }
0xb6: {  	[dreg:$0x7] =	wrdreg $0x9  }
0xb7: {  	_ =	task.clear_ibuf [dreg:s10], $0x8FFFF;
	_ =	strace $0x90000046  }
0xb8: {  	s29 =	simm.s32 $0x9;
	_ =	strace $0x80000048  }
0xb9: {  	_ =	swait.ge [sflag:s29], $0x1  }
0xba: {  	[sflag:s29] =	ssyncadd.s32 $0xFFFFFFFF  }
0xbb: {  	_ =	strace $0x90000048  }
0xbc: {  	_ =	sfence  }
0xbd: {  	s30 =	sld [smem:$0x0];
	_ =	sdelay $0x2  }
0xbe: {  	s31 =	sshll.u32 s1, $0xD;
	s1 =	sshrl.u32 s1, $0x2  }
0xbf: {  	s3 =	sand.u32 $0x4000, s31;
	s1 =	sadd.s32 s1, s30  }
0xc0: {  	s0 =	sor.u32 s3, s0;
	s1 =	sshll.u32 s1, $0x11  }
0xc1: {  	s0 =	sor.u32 s1, s0  }
0xc2: {  	s0 =	sadd.s32 $0x8F2B, s0  }
0xc3: {  	[sflag:s0] =	ssyncadd.remote.s32 $0x1  }
0xc4: {  	_ =	sfence.sel $0xFFFF  }
0xc5: {  	[dreg:$0x0] =	wrdreg $0xFFFFFFFF;
	(pc) =	sbr.abs _section_cstart, $3  }
0xc6: {  	[dreg:$0x1] =	wrdreg $0xFFFFFFFF  }
0xc7: {  	_ =	task.clear_ibuf [dreg:s10], $0x2FFFF;
	_ =	strace $0x9FFFFFFF  }
0xc8: {  	(tm) =	ssettm $0x7FFFFFFF  }
0xc9: {  	_ =	shalt  }
tec
execute0_lowered:
.L_overlay_start_1:
0x0: {  	(tag) =	ssettag $0x1  }
0x1: {  	s0 =	rddreg [dreg:$0x0]  }
0x2: {  	s1 =	rddreg [dreg:$0x1]  }
0x3: {  	s6 =	rddreg [dreg:$0x2]  }
0x4: {  	s7 =	rddreg [dreg:$0x3]  }
0x5: {  	s2 =	rddreg [dreg:$0x4];
	s3 =	srdreg.scid;
	s5 =	simm.s32 $0x0  }
0x6: {  	s4 =	stileid.u32;
	[smem:$0x7FF] =	sst s5;
	s22 =	sadd.s32 $0x1200, s2  }
0x7: {  	s2 =	sadd.s32 $0xC1200, s2;
	_ =	strace $0x80000047;
	[dreg:$0x7] =	wrdreg s22  }
0x8: {  	s3 =	sand.u32 $0x1, s3;
	s26 =	sadd.s32 $0x100, s6;
	[dreg:$0x8] =	wrdreg s2  }
0x9: {  	s4 =	sshll.u32 s4, $0xA;
	s28 =	sadd.s32 $0x200, s6;
	[dreg:$0xb] =	wrdreg s26  }
0xa: {  	s29 =	sadd.s32 $0x100, s7;
	s21 =	sshll.u32 s3, $0x9;
	[dreg:$0xc] =	wrdreg s28  }
0xb: {  	s30 =	sadd.s32 $0x200, s7;
	[dreg:$0xd] =	wrdreg s29;
	s5 =	sor.u32 s21, s4  }
0xc: {  	s3 =	ssub.s32 $0x2, s3;
	[dreg:$0x6] =	wrdreg s5;
	s5 =	sshrl.u32 s5, $0x3  }
0xd: {  	[dreg:$0xe] =	wrdreg s30;
	s23 =	sshrl.u32 s3, $0x1;
	s0 =	sadd.s32 s0, s5  }
0xe: {  	v2 =	vlaneseq.u32;
	s24 =	ssub.s32 s3, s23;
	s25 =	sadd.s32 s1, s5;
	[dreg:$0x9] =	wrdreg s0  }
0xf: {  	vm0 =	vmmov $0xffff;
	v1 =	vshrl.u32 v2, $0x3;
	s31 =	smax.u32 s24, $0x1;
	[dreg:$0xa] =	wrdreg s25  }
0x10: {  	v0 =	vand.u32 $0x7, v2;
	v2 =	vor.u32 $0x8, v2;
	v1 =	vmul.u32 $0x8, v1;
	s2 =	simm.s32 $0x0;
	[dreg:$0xf] =	wrdreg s31  }
.LBB2_1:
0x11: {  	[dreg:$0x10] =	wrdreg s2  }
0x12: {  	s2 =	simm.s32 $0x0;
	s0 =	rddreg [dreg:$0x9];
	s1 =	simm.s32 $0x9  }
0x13: {  	[tilespmem:s2], [sflag:$0x9] =	stream.linear.gather [hbm4b:s0+s2], $0x200, $0x38;
	[tilespmem:$0x12400] =	vst v63  }
0x14: {  	_ =	swait.ge [sflag:s1], $0x200  }
0x15: {  	[sflag:s1] =	ssyncset.done $0x0  }
0x16: {  	s3 =	simm.s32 $0x200;
	s28 =	rddreg [dreg:$0xa];
	[sflag:s1] =	ssyncadd.s32 $0xFFFFFE00  }
0x17: {  	[tilespmem:s3], [sflag:$0x9] =	stream.linear.gather [hbm4b:s28+s2], $0x200, $0x38;
	[tilespmem:$0x12400] =	vst v63  }
0x18: {  	_ =	swait.ge [sflag:s1], $0x200  }
0x19: {  	[sflag:s1] =	ssyncset.done $0x0  }
0x1a: {  	[sflag:s1] =	ssyncadd.s32 $0xFFFFFE00  }
0x1b: {  	v3 =	vld [tilespmem:$0x0];
	_ =	sdelay $0x4  }
0x1c: {  	v4 =	vshrl.u32 v3, $0x3  }
0x1d: {  	v4 =	vmul.u32 $0x30, v4  }
0x1e: {  	v3 =	vand.u32 $0x7, v3  }
0x1f: {  	v3 =	vor.u32 v3, v4  }
0x20: {  	v4 =	vperm.xlane v3, v0;
	_ =	sdelay $0x1  }
0x21: {  	v4 =	vadd.s32 v1, v4;
	_ =	sdelay $0x3  }
0x22: {  	s30 =	simm.s32 $0x400;
	s29 =	rddreg [dreg:$0x2];
	v3 =	vperm.xlane v3, v2  }
0x23: {  	[tilespmem:s30], [sflag:$0x1] =	stream.indirect_vreg.gather [hbm4b:s29+s2], $0x80, v4, vm0, $0xb8;
	[tilespmem:$0x12400] =	vst v63  }
0x24: {  	s8 =	simm.s32 $0xC00;
	s31 =	rddreg [dreg:$0xb];
	v3 =	vadd.s32 v1, v3  }
0x25: {  	[tilespmem:s8], [sflag:$0x1] =	stream.indirect_vreg.gather [hbm4b:s31+s2], $0x80, v4, vm0, $0xb8;
	[tilespmem:$0x12400] =	vst v63  }
0x26: {  	s9 =	simm.s32 $0x1400;
	s4 =	rddreg [dreg:$0xc]  }
0x27: {  	[tilespmem:s9], [sflag:$0x1] =	stream.indirect_vreg.gather [hbm4b:s4+s2], $0x80, v4, vm0, $0xb8;
	[tilespmem:$0x12400] =	vst v63  }
0x28: {  	s10 =	simm.s32 $0x1C00  }
0x29: {  	[tilespmem:s10], [sflag:$0x1] =	stream.indirect_vreg.gather [hbm4b:s29+s2], $0x80, v3, vm0, $0xb8;
	[tilespmem:$0x12400] =	vst v63  }
0x2a: {  	s11 =	simm.s32 $0x2400  }
0x2b: {  	[tilespmem:s11], [sflag:$0x1] =	stream.indirect_vreg.gather [hbm4b:s31+s2], $0x80, v3, vm0, $0xb8;
	[tilespmem:$0x12400] =	vst v63  }
0x2c: {  	s12 =	simm.s32 $0x2C00  }
0x2d: {  	[tilespmem:s12], [sflag:$0x1] =	stream.indirect_vreg.gather [hbm4b:s4+s2], $0x80, v3, vm0, $0xb8;
	[tilespmem:$0x12400] =	vst v63  }
0x2e: {  	v3 =	vld [tilespmem:$0x200];
	_ =	sdelay $0x4  }
0x2f: {  	v61 =	vshrl.u32 v3, $0x3  }
0x30: {  	v4 =	vmul.u32 $0x30, v61  }
0x31: {  	v3 =	vand.u32 $0x7, v3  }
0x32: {  	v3 =	vor.u32 v3, v4  }
0x33: {  	v4 =	vperm.xlane v3, v0;
	_ =	sdelay $0x1  }
0x34: {  	v4 =	vadd.s32 v1, v4;
	_ =	sdelay $0x3  }
0x35: {  	s5 =	simm.s32 $0x6400;
	s13 =	rddreg [dreg:$0x3];
	v3 =	vperm.xlane v3, v2  }
0x36: {  	[tilespmem:s5], [sflag:$0x3] =	stream.indirect_vreg.gather [hbm4b:s13+s2], $0x80, v4, vm0, $0xb8;
	[tilespmem:$0x12400] =	vst v63  }
0x37: {  	s6 =	simm.s32 $0x6C00;
	s14 =	rddreg [dreg:$0xd];
	v3 =	vadd.s32 v1, v3  }
0x38: {  	[tilespmem:s6], [sflag:$0x3] =	stream.indirect_vreg.gather [hbm4b:s14+s2], $0x80, v4, vm0, $0xb8;
	[tilespmem:$0x12400] =	vst v63  }
0x39: {  	s7 =	simm.s32 $0x7400;
	s15 =	rddreg [dreg:$0xe]  }
0x3a: {  	[tilespmem:s7], [sflag:$0x3] =	stream.indirect_vreg.gather [hbm4b:s15+s2], $0x80, v4, vm0, $0xb8;
	[tilespmem:$0x12400] =	vst v63  }
0x3b: {  	s16 =	simm.s32 $0x7C00  }
0x3c: {  	[tilespmem:s16], [sflag:$0x3] =	stream.indirect_vreg.gather [hbm4b:s13+s2], $0x80, v3, vm0, $0xb8;
	[tilespmem:$0x12400] =	vst v63  }
0x3d: {  	s17 =	simm.s32 $0x8400  }
0x3e: {  	[tilespmem:s17], [sflag:$0x3] =	stream.indirect_vreg.gather [hbm4b:s14+s2], $0x80, v3, vm0, $0xb8;
	[tilespmem:$0x12400] =	vst v63  }
0x3f: {  	s18 =	simm.s32 $0x8C00  }
0x40: {  	[tilespmem:s18], [sflag:$0x3] =	stream.indirect_vreg.gather [hbm4b:s15+s2], $0x80, v3, vm0, $0xb8;
	[tilespmem:$0x12400] =	vst v63  }
0x41: {  	v3 =	vld [tilespmem:$0x10];
	_ =	sdelay $0x4  }
0x42: {  	v62 =	vshrl.u32 v3, $0x3  }
0x43: {  	v4 =	vmul.u32 $0x30, v62  }
0x44: {  	v3 =	vand.u32 $0x7, v3  }
0x45: {  	v3 =	vor.u32 v3, v4  }
0x46: {  	v4 =	vperm.xlane v3, v0;
	_ =	sdelay $0x1  }
0x47: {  	v4 =	vadd.s32 v1, v4;
	_ =	sdelay $0x3  }
0x48: {  	s19 =	simm.s32 $0x3400;
	v3 =	vperm.xlane v3, v2  }
0x49: {  	[tilespmem:s19], [sflag:$0x2] =	stream.indirect_vreg.gather [hbm4b:s29+s2], $0x80, v4, vm0, $0xb8;
	[tilespmem:$0x12400] =	vst v63  }
0x4a: {  	s20 =	simm.s32 $0x3C00;
	v3 =	vadd.s32 v1, v3  }
0x4b: {  	[tilespmem:s20], [sflag:$0x2] =	stream.indirect_vreg.gather [hbm4b:s31+s2], $0x80, v4, vm0, $0xb8;
	[tilespmem:$0x12400] =	vst v63  }
0x4c: {  	s21 =	simm.s32 $0x4400  }
0x4d: {  	[tilespmem:s21], [sflag:$0x2] =	stream.indirect_vreg.gather [hbm4b:s4+s2], $0x80, v4, vm0, $0xb8;
	[tilespmem:$0x12400] =	vst v63  }
0x4e: {  	s22 =	simm.s32 $0x4C00  }
0x4f: {  	[tilespmem:s22], [sflag:$0x2] =	stream.indirect_vreg.gather [hbm4b:s29+s2], $0x80, v3, vm0, $0xb8;
	[tilespmem:$0x12400] =	vst v63  }
0x50: {  	s23 =	simm.s32 $0x5400  }
0x51: {  	[tilespmem:s23], [sflag:$0x2] =	stream.indirect_vreg.gather [hbm4b:s31+s2], $0x80, v3, vm0, $0xb8;
	[tilespmem:$0x12400] =	vst v63  }
0x52: {  	s24 =	simm.s32 $0x5C00  }
0x53: {  	[tilespmem:s24], [sflag:$0x2] =	stream.indirect_vreg.gather [hbm4b:s4+s2], $0x80, v3, vm0, $0xb8;
	[tilespmem:$0x12400] =	vst v63  }
0x54: {  	v3 =	vld [tilespmem:$0x210];
	_ =	sdelay $0x4  }
0x55: {  	v63 =	vshrl.u32 v3, $0x3  }
0x56: {  	v4 =	vmul.u32 $0x30, v63  }
0x57: {  	v3 =	vand.u32 $0x7, v3  }
0x58: {  	v3 =	vor.u32 v3, v4  }
0x59: {  	v4 =	vperm.xlane v3, v0;
	_ =	sdelay $0x1  }
0x5a: {  	v4 =	vadd.s32 v1, v4;
	_ =	sdelay $0x3  }
0x5b: {  	s25 =	simm.s32 $0x9400;
	v3 =	vperm.xlane v3, v2  }
0x5c: {  	[tilespmem:s25], [sflag:$0x4] =	stream.indirect_vreg.gather [hbm4b:s13+s2], $0x80, v4, vm0, $0xb8;
	[tilespmem:$0x12400] =	vst v63  }
0x5d: {  	s26 =	simm.s32 $0x9C00;
	v3 =	vadd.s32 v1, v3  }
0x5e: {  	[tilespmem:s26], [sflag:$0x4] =	stream.indirect_vreg.gather [hbm4b:s14+s2], $0x80, v4, vm0, $0xb8;
	[tilespmem:$0x12400] =	vst v63  }
0x5f: {  	s28 =	simm.s32 $0xA400  }
0x60: {  	[tilespmem:s28], [sflag:$0x4] =	stream.indirect_vreg.gather [hbm4b:s15+s2], $0x80, v4, vm0, $0xb8;
	[tilespmem:$0x12400] =	vst v63  }
0x61: {  	s29 =	simm.s32 $0xAC00  }
0x62: {  	[tilespmem:s29], [sflag:$0x4] =	stream.indirect_vreg.gather [hbm4b:s13+s2], $0x80, v3, vm0, $0xb8;
	[tilespmem:$0x12400] =	vst v63  }
0x63: {  	s30 =	simm.s32 $0xB400  }
0x64: {  	[tilespmem:s30], [sflag:$0x4] =	stream.indirect_vreg.gather [hbm4b:s14+s2], $0x80, v3, vm0, $0xb8;
	[tilespmem:$0x12400] =	vst v63  }
0x65: {  	s1 =	simm.s32 $0x0;
	s31 =	simm.s32 $0xBC00  }
0x66: {  	[tilespmem:s31], [sflag:$0x4] =	stream.indirect_vreg.gather [hbm4b:s15+s2], $0x80, v3, vm0, $0xb8;
	[tilespmem:$0x12400] =	vst v63  }
.LBB2_2:
0x67: {  	s0 =	simm.s32 $0x1  }
0x68: {  	_ =	swait.ge [sflag:s0], $0x3000  }
0x69: {  	[sflag:s0] =	ssyncset.done $0x0  }
0x6a: {  	s30 =	simm.s32 $0x3;
	[sflag:s0] =	ssyncadd.s32 $0xFFFFD000  }
0x6b: {  	_ =	swait.ge [sflag:s30], $0x3000  }
0x6c: {  	p1 =	seq.s32 s1, $0x0;
	[sflag:s30] =	ssyncset.done $0x0  }
0x6d: {  	s0 =	simm.s32 @!p1 $0x5;
	[sflag:s30] =	ssyncadd.s32 $0xFFFFD000  }
0x6e: {  	_ =	swait.ge @!p1 [sflag:s0], $0x1800  }
0x6f: {  	[sflag:s0] =	ssyncset.done @!p1 $0x0  }
0x70: {  	[sflag:s0] =	ssyncadd.s32 @!p1 $0xFFFFE800;
	s0 =	simm.s32 @!p1 $0x7  }
0x71: {  	s31 =	sshll.u32 s1, $0x5;
	_ =	swait.ge @!p1 [sflag:s0], $0x1800;
	[dreg:$0x11] =	wrdreg s1  }
0x72: {  	[dreg:$0x12] =	wrdreg s31;
	[sflag:s0] =	ssyncset.done @!p1 $0x0  }
0x73: {  	s1 =	simm.s32 $0x0;
	[sflag:s0] =	ssyncadd.s32 @!p1 $0xFFFFE800;
	s0 =	simm.s32 $0xFFFFFFFC  }
.LBB2_3:
0x74: {  	s0 =	sadd.s32 $0x4, s0  }
0x75: {  	[dreg:$0x14] =	wrdreg s0  }
0x76: {  	s0 =	rddreg [dreg:$0x14]  }
0x77: {  	s0 =	sshrl.u32 s0, $0x3  }
0x78: {  	s6 =	smul.u32 $0x1800, s0  }
0x79: {  	s3 =	sand.u32 $0x200, s1  }
0x7a: {  	s17 =	sor.u32 s3, s6  }
0x7b: {  	v3 =	vld [tilespmem:s17+$0x400]  }
0x7c: {  	v4 =	vld [tilespmem:s17+$0x410];
	_ =	sdelay $0x3  }
0x7d: {  	s2 =	smul.u32 $0xC00, s0  }
0x7e: {  	v4 =	vand.u32 $0xFFFF0000, v4;
	v3 =	vshrl.u32 v3, $0x10  }
0x7f: {  	s16 =	sor.u32 s3, s2;
	v3 =	vor.u32 v3, v4  }
0x80: {  	[tilespmem:s16+$0xC400] =	vst v3  }
0x81: {  	v3 =	vld [tilespmem:s17+$0x420]  }
0x82: {  	v14 =	vld [tilespmem:s17+$0x430];
	_ =	sdelay $0x4  }
0x83: {  	v4 =	vand.u32 $0xFFFF0000, v14;
	v3 =	vshrl.u32 v3, $0x10  }
0x84: {  	v3 =	vor.u32 v3, v4  }
0x85: {  	[tilespmem:s16+$0xC410] =	vst v3  }
0x86: {  	v3 =	vld [tilespmem:s17+$0x440]  }
0x87: {  	v15 =	vld [tilespmem:s17+$0x450];
	_ =	sdelay $0x4  }
0x88: {  	v4 =	vand.u32 $0xFFFF0000, v15;
	v3 =	vshrl.u32 v3, $0x10  }
0x89: {  	v3 =	vor.u32 v3, v4  }
0x8a: {  	[tilespmem:s16+$0xC420] =	vst v3  }
0x8b: {  	v3 =	vld [tilespmem:s17+$0x460]  }
0x8c: {  	v16 =	vld [tilespmem:s17+$0x470];
	_ =	sdelay $0x4  }
0x8d: {  	v4 =	vand.u32 $0xFFFF0000, v16;
	v3 =	vshrl.u32 v3, $0x10  }
0x8e: {  	v3 =	vor.u32 v3, v4  }
0x8f: {  	[tilespmem:s16+$0xC430] =	vst v3  }
0x90: {  	v3 =	vld [tilespmem:s17+$0x800]  }
0x91: {  	v17 =	vld [tilespmem:s17+$0x810];
	_ =	sdelay $0x4  }
0x92: {  	v4 =	vand.u32 $0xFFFF0000, v17;
	v3 =	vshrl.u32 v3, $0x10  }
0x93: {  	v3 =	vor.u32 v3, v4  }
0x94: {  	[tilespmem:s16+$0xC440] =	vst v3  }
0x95: {  	v3 =	vld [tilespmem:s17+$0x820]  }
0x96: {  	v18 =	vld [tilespmem:s17+$0x830];
	_ =	sdelay $0x4  }
0x97: {  	v4 =	vand.u32 $0xFFFF0000, v18;
	v3 =	vshrl.u32 v3, $0x10  }
0x98: {  	v3 =	vor.u32 v3, v4  }
0x99: {  	[tilespmem:s16+$0xC450] =	vst v3  }
0x9a: {  	v3 =	vld [tilespmem:s17+$0x840]  }
0x9b: {  	v19 =	vld [tilespmem:s17+$0x850];
	_ =	sdelay $0x4  }
0x9c: {  	v4 =	vand.u32 $0xFFFF0000, v19;
	v3 =	vshrl.u32 v3, $0x10  }
0x9d: {  	v3 =	vor.u32 v3, v4  }
0x9e: {  	[tilespmem:s16+$0xC460] =	vst v3  }
0x9f: {  	v3 =	vld [tilespmem:s17+$0x860]  }
0xa0: {  	v20 =	vld [tilespmem:s17+$0x870];
	_ =	sdelay $0x4  }
0xa1: {  	v4 =	vand.u32 $0xFFFF0000, v20;
	v3 =	vshrl.u32 v3, $0x10  }
0xa2: {  	s21 =	sadd.s32 $0x800, s6;
	v3 =	vor.u32 v3, v4  }
0xa3: {  	s15 =	sor.u32 s3, s21;
	[tilespmem:s16+$0xC470] =	vst v3  }
0xa4: {  	v3 =	vld [tilespmem:s15+$0x400]  }
0xa5: {  	v21 =	vld [tilespmem:s15+$0x410];
	_ =	sdelay $0x4  }
0xa6: {  	s7 =	sadd.s32 $0x400, s2;
	v4 =	vand.u32 $0xFFFF0000, v21;
	v3 =	vshrl.u32 v3, $0x10  }
0xa7: {  	s14 =	sor.u32 s3, s7;
	v3 =	vor.u32 v3, v4  }
0xa8: {  	[tilespmem:s14+$0xC400] =	vst v3  }
0xa9: {  	v3 =	vld [tilespmem:s15+$0x420]  }
0xaa: {  	v22 =	vld [tilespmem:s15+$0x430];
	_ =	sdelay $0x4  }
0xab: {  	v4 =	vand.u32 $0xFFFF0000, v22;
	v3 =	vshrl.u32 v3, $0x10  }
0xac: {  	v3 =	vor.u32 v3, v4  }
0xad: {  	[tilespmem:s14+$0xC410] =	vst v3  }
0xae: {  	v3 =	vld [tilespmem:s15+$0x440]  }
0xaf: {  	v23 =	vld [tilespmem:s15+$0x450];
	_ =	sdelay $0x4  }
0xb0: {  	v4 =	vand.u32 $0xFFFF0000, v23;
	v3 =	vshrl.u32 v3, $0x10  }
0xb1: {  	v3 =	vor.u32 v3, v4  }
0xb2: {  	[tilespmem:s14+$0xC420] =	vst v3  }
0xb3: {  	v3 =	vld [tilespmem:s15+$0x460]  }
0xb4: {  	v24 =	vld [tilespmem:s15+$0x470];
	_ =	sdelay $0x4  }
0xb5: {  	v4 =	vand.u32 $0xFFFF0000, v24;
	v3 =	vshrl.u32 v3, $0x10  }
0xb6: {  	s10 =	sadd.s32 $0xC00, s6;
	v3 =	vor.u32 v3, v4  }
0xb7: {  	s5 =	sor.u32 s3, s10;
	[tilespmem:s14+$0xC430] =	vst v3  }
0xb8: {  	v3 =	vld [tilespmem:s5+$0x400]  }
0xb9: {  	v25 =	vld [tilespmem:s5+$0x410];
	_ =	sdelay $0x4  }
0xba: {  	v4 =	vand.u32 $0xFFFF0000, v25;
	v3 =	vshrl.u32 v3, $0x10  }
0xbb: {  	v3 =	vor.u32 v3, v4  }
0xbc: {  	[tilespmem:s14+$0xC440] =	vst v3  }
0xbd: {  	v3 =	vld [tilespmem:s5+$0x420]  }
0xbe: {  	v26 =	vld [tilespmem:s5+$0x430];
	_ =	sdelay $0x4  }
0xbf: {  	v4 =	vand.u32 $0xFFFF0000, v26;
	v3 =	vshrl.u32 v3, $0x10  }
0xc0: {  	v3 =	vor.u32 v3, v4  }
0xc1: {  	[tilespmem:s14+$0xC450] =	vst v3  }
0xc2: {  	v3 =	vld [tilespmem:s5+$0x440]  }
0xc3: {  	v27 =	vld [tilespmem:s5+$0x450];
	_ =	sdelay $0x4  }
0xc4: {  	v4 =	vand.u32 $0xFFFF0000, v27;
	v3 =	vshrl.u32 v3, $0x10  }
0xc5: {  	v3 =	vor.u32 v3, v4  }
0xc6: {  	[tilespmem:s14+$0xC460] =	vst v3  }
0xc7: {  	v3 =	vld [tilespmem:s5+$0x460]  }
0xc8: {  	v28 =	vld [tilespmem:s5+$0x470];
	_ =	sdelay $0x4  }
0xc9: {  	v4 =	vand.u32 $0xFFFF0000, v28;
	v3 =	vshrl.u32 v3, $0x10  }
0xca: {  	s11 =	sadd.s32 $0x1000, s6;
	v3 =	vor.u32 v3, v4  }
0xcb: {  	s22 =	sor.u32 s3, s11;
	[tilespmem:s14+$0xC470] =	vst v3  }
0xcc: {  	v3 =	vld [tilespmem:s22+$0x400]  }
0xcd: {  	v29 =	vld [tilespmem:s22+$0x410];
	_ =	sdelay $0x4  }
0xce: {  	[dreg:$0x15] =	wrdreg s1;
	s1 =	sadd.s32 $0x800, s2;
	v4 =	vand.u32 $0xFFFF0000, v29;
	v3 =	vshrl.u32 v3, $0x10  }
0xcf: {  	s4 =	sor.u32 s3, s1;
	v3 =	vor.u32 v3, v4  }
0xd0: {  	[tilespmem:s4+$0xC400] =	vst v3  }
0xd1: {  	v3 =	vld [tilespmem:s22+$0x420]  }
0xd2: {  	v30 =	vld [tilespmem:s22+$0x430];
	_ =	sdelay $0x4  }
0xd3: {  	v4 =	vand.u32 $0xFFFF0000, v30;
	v3 =	vshrl.u32 v3, $0x10  }
0xd4: {  	v3 =	vor.u32 v3, v4  }
0xd5: {  	[tilespmem:s4+$0xC410] =	vst v3  }
0xd6: {  	v3 =	vld [tilespmem:s22+$0x440]  }
0xd7: {  	v31 =	vld [tilespmem:s22+$0x450];
	_ =	sdelay $0x4  }
0xd8: {  	v4 =	vand.u32 $0xFFFF0000, v31;
	v3 =	vshrl.u32 v3, $0x10  }
0xd9: {  	v3 =	vor.u32 v3, v4  }
0xda: {  	[tilespmem:s4+$0xC420] =	vst v3  }
0xdb: {  	v3 =	vld [tilespmem:s22+$0x460]  }
0xdc: {  	v32 =	vld [tilespmem:s22+$0x470];
	_ =	sdelay $0x4  }
0xdd: {  	v4 =	vand.u32 $0xFFFF0000, v32;
	v3 =	vshrl.u32 v3, $0x10  }
0xde: {  	s24 =	sadd.s32 $0x1400, s6;
	v3 =	vor.u32 v3, v4  }
0xdf: {  	s8 =	sor.u32 s3, s24;
	[tilespmem:s4+$0xC430] =	vst v3  }
0xe0: {  	v3 =	vld [tilespmem:s8+$0x400]  }
0xe1: {  	v33 =	vld [tilespmem:s8+$0x410];
	_ =	sdelay $0x4  }
0xe2: {  	v4 =	vand.u32 $0xFFFF0000, v33;
	v3 =	vshrl.u32 v3, $0x10  }
0xe3: {  	v3 =	vor.u32 v3, v4  }
0xe4: {  	[tilespmem:s4+$0xC440] =	vst v3  }
0xe5: {  	v3 =	vld [tilespmem:s8+$0x420]  }
0xe6: {  	v34 =	vld [tilespmem:s8+$0x430];
	_ =	sdelay $0x4  }
0xe7: {  	v4 =	vand.u32 $0xFFFF0000, v34;
	v3 =	vshrl.u32 v3, $0x10  }
0xe8: {  	v3 =	vor.u32 v3, v4  }
0xe9: {  	[tilespmem:s4+$0xC450] =	vst v3  }
0xea: {  	v3 =	vld [tilespmem:s8+$0x440]  }
0xeb: {  	v35 =	vld [tilespmem:s8+$0x450];
	_ =	sdelay $0x4  }
0xec: {  	v4 =	vand.u32 $0xFFFF0000, v35;
	v3 =	vshrl.u32 v3, $0x10  }
0xed: {  	v3 =	vor.u32 v3, v4  }
0xee: {  	[tilespmem:s4+$0xC460] =	vst v3  }
0xef: {  	v3 =	vld [tilespmem:s8+$0x460]  }
0xf0: {  	v36 =	vld [tilespmem:s8+$0x470];
	_ =	sdelay $0x4  }
0xf1: {  	v4 =	vand.u32 $0xFFFF0000, v36;
	v3 =	vshrl.u32 v3, $0x10  }
0xf2: {  	v3 =	vor.u32 v3, v4  }
0xf3: {  	[tilespmem:s4+$0xC470] =	vst v3  }
0xf4: {  	v3 =	vld [tilespmem:s17+$0x6400]  }
0xf5: {  	v37 =	vld [tilespmem:s17+$0x6410];
	_ =	sdelay $0x2  }
0xf6: {  	s23 =	sor.u32 $0x100, s3  }
0xf7: {  	s30 =	sor.u32 s6, s23;
	[dreg:$0x1e] =	wrdreg s4;
	s4 =	sor.u32 $0x80, s3  }
0xf8: {  	v7 =	vld [tilespmem:s30+$0x400];
	s31 =	sor.u32 s6, s4;
	v4 =	vand.u32 $0xFFFF0000, v37;
	v3 =	vshrl.u32 v3, $0x10  }
0xf9: {  	v5 =	vld [tilespmem:s31+$0x400];
	v3 =	vor.u32 v3, v4  }
0xfa: {  	v6 =	vld [tilespmem:s31+$0x410];
	[tilespmem:s16+$0xF400] =	vst v3  }
0xfb: {  	v3 =	vld [tilespmem:s17+$0x6420]  }
0xfc: {  	[dreg:$0x1d] =	wrdreg s8;
	s3 =	sor.u32 $0x180, s3;
	v4 =	vld [tilespmem:s17+$0x6430]  }
0xfd: {  	s28 =	sor.u32 s6, s3;
	v8 =	vld [tilespmem:s30+$0x410]  }
0xfe: {  	v9 =	vld [tilespmem:s28+$0x400]  }
0xff: {  	v10 =	vld [tilespmem:s28+$0x410]  }
0x100: {  	v6 =	vand.u32 $0xFFFF0000, v6;
	v5 =	vshrl.u32 v5, $0x10  }
0x101: {  	s25 =	sor.u32 s2, s4;
	v5 =	vor.u32 v5, v6  }
0x102: {  	v39 =	vshrl.u32 v7, $0x10;
	[tilespmem:s25+$0xC400] =	vst v5;
	v38 =	vand.u32 $0xFFFF0000, v8  }
0x103: {  	s26 =	sor.u32 s2, s23;
	v40 =	vld [tilespmem:s31+$0x420];
	v5 =	vor.u32 v39, v38  }
0x104: {  	v41 =	vld [tilespmem:s31+$0x430];
	v42 =	vand.u32 $0xFFFF0000, v10;
	v43 =	vshrl.u32 v9, $0x10;
	[tilespmem:s26+$0xC400] =	vst v5  }
0x105: {  	s29 =	sor.u32 s2, s3;
	v5 =	vor.u32 v43, v42;
	v44 =	vld [tilespmem:s30+$0x420]  }
0x106: {  	v45 =	vld [tilespmem:s30+$0x430];
	[tilespmem:s29+$0xC400] =	vst v5  }
0x107: {  	v5 =	vld [tilespmem:s28+$0x420]  }
0x108: {  	v46 =	vld [tilespmem:s28+$0x430]  }
0x109: {  	v6 =	vand.u32 $0xFFFF0000, v41;
	v7 =	vshrl.u32 v40, $0x10  }
0x10a: {  	v6 =	vor.u32 v7, v6  }
0x10b: {  	[tilespmem:s25+$0xC410] =	vst v6;
	v47 =	vand.u32 $0xFFFF0000, v45;
	v48 =	vshrl.u32 v44, $0x10  }
0x10c: {  	v49 =	vld [tilespmem:s31+$0x440];
	v6 =	vor.u32 v48, v47  }
0x10d: {  	v50 =	vld [tilespmem:s31+$0x450];
	v51 =	vand.u32 $0xFFFF0000, v46;
	v5 =	vshrl.u32 v5, $0x10;
	[tilespmem:s26+$0xC410] =	vst v6  }
0x10e: {  	v5 =	vor.u32 v5, v51;
	v52 =	vld [tilespmem:s30+$0x440]  }
0x10f: {  	v53 =	vld [tilespmem:s30+$0x450];
	[tilespmem:s29+$0xC410] =	vst v5  }
0x110: {  	v5 =	vld [tilespmem:s28+$0x440]  }
0x111: {  	v54 =	vld [tilespmem:s28+$0x450]  }
0x112: {  	v7 =	vand.u32 $0xFFFF0000, v50;
	v8 =	vshrl.u32 v49, $0x10  }
0x113: {  	v7 =	vor.u32 v8, v7  }
0x114: {  	[tilespmem:s25+$0xC420] =	vst v7;
	v6 =	vand.u32 $0xFFFF0000, v53;
	v55 =	vshrl.u32 v52, $0x10  }
0x115: {  	v56 =	vld [tilespmem:s31+$0x460];
	v6 =	vor.u32 v55, v6  }
0x116: {  	v57 =	vld [tilespmem:s31+$0x470];
	v58 =	vand.u32 $0xFFFF0000, v54;
	v5 =	vshrl.u32 v5, $0x10;
	[tilespmem:s26+$0xC420] =	vst v6  }
0x117: {  	v5 =	vor.u32 v5, v58;
	v59 =	vld [tilespmem:s30+$0x460]  }
0x118: {  	v60 =	vld [tilespmem:s30+$0x470];
	[tilespmem:s29+$0xC420] =	vst v5  }
0x119: {  	v5 =	vld [tilespmem:s28+$0x460]  }
0x11a: {  	v61 =	vld [tilespmem:s28+$0x470]  }
0x11b: {  	v7 =	vand.u32 $0xFFFF0000, v57;
	v8 =	vshrl.u32 v56, $0x10  }
0x11c: {  	v7 =	vor.u32 v8, v7  }
0x11d: {  	[tilespmem:s25+$0xC430] =	vst v7;
	v6 =	vand.u32 $0xFFFF0000, v60;
	v62 =	vshrl.u32 v59, $0x10  }
0x11e: {  	v63 =	vld [tilespmem:s31+$0x800];
	v6 =	vor.u32 v62, v6  }
0x11f: {  	v12 =	vld [tilespmem:s31+$0x810];
	v13 =	vand.u32 $0xFFFF0000, v61;
	v5 =	vshrl.u32 v5, $0x10;
	[tilespmem:s26+$0xC430] =	vst v6  }
0x120: {  	v5 =	vor.u32 v5, v13;
	v14 =	vld [tilespmem:s30+$0x800]  }
0x121: {  	v15 =	vld [tilespmem:s30+$0x810];
	[tilespmem:s29+$0xC430] =	vst v5  }
0x122: {  	v5 =	vld [tilespmem:s28+$0x800]  }
0x123: {  	v16 =	vld [tilespmem:s28+$0x810]  }
0x124: {  	v7 =	vand.u32 $0xFFFF0000, v12;
	v8 =	vshrl.u32 v63, $0x10  }
0x125: {  	v7 =	vor.u32 v8, v7  }
0x126: {  	[tilespmem:s25+$0xC440] =	vst v7;
	v6 =	vand.u32 $0xFFFF0000, v15;
	v17 =	vshrl.u32 v14, $0x10  }
0x127: {  	v18 =	vld [tilespmem:s31+$0x820];
	v6 =	vor.u32 v17, v6  }
0x128: {  	v19 =	vld [tilespmem:s31+$0x830];
	v20 =	vand.u32 $0xFFFF0000, v16;
	v5 =	vshrl.u32 v5, $0x10;
	[tilespmem:s26+$0xC440] =	vst v6  }
0x129: {  	v5 =	vor.u32 v5, v20;
	v21 =	vld [tilespmem:s30+$0x820]  }
0x12a: {  	v22 =	vld [tilespmem:s30+$0x830];
	[tilespmem:s29+$0xC440] =	vst v5  }
0x12b: {  	v5 =	vld [tilespmem:s28+$0x820]  }
0x12c: {  	v23 =	vld [tilespmem:s28+$0x830]  }
0x12d: {  	v7 =	vand.u32 $0xFFFF0000, v19;
	v8 =	vshrl.u32 v18, $0x10  }
0x12e: {  	v7 =	vor.u32 v8, v7  }
0x12f: {  	[tilespmem:s25+$0xC450] =	vst v7;
	v6 =	vand.u32 $0xFFFF0000, v22;
	v24 =	vshrl.u32 v21, $0x10  }
0x130: {  	v25 =	vld [tilespmem:s31+$0x840];
	v6 =	vor.u32 v24, v6  }
0x131: {  	v26 =	vld [tilespmem:s31+$0x850];
	v27 =	vand.u32 $0xFFFF0000, v23;
	v5 =	vshrl.u32 v5, $0x10;
	[tilespmem:s26+$0xC450] =	vst v6  }
0x132: {  	v5 =	vor.u32 v5, v27;
	v28 =	vld [tilespmem:s30+$0x840]  }
0x133: {  	v29 =	vld [tilespmem:s30+$0x850];
	[tilespmem:s29+$0xC450] =	vst v5  }
0x134: {  	v5 =	vld [tilespmem:s28+$0x840]  }
0x135: {  	v30 =	vld [tilespmem:s28+$0x850]  }
0x136: {  	v7 =	vand.u32 $0xFFFF0000, v26;
	v8 =	vshrl.u32 v25, $0x10  }
0x137: {  	v7 =	vor.u32 v8, v7  }
0x138: {  	[tilespmem:s25+$0xC460] =	vst v7;
	v6 =	vand.u32 $0xFFFF0000, v29;
	v31 =	vshrl.u32 v28, $0x10  }
0x139: {  	v32 =	vld [tilespmem:s31+$0x860];
	v6 =	vor.u32 v31, v6  }
0x13a: {  	v33 =	vld [tilespmem:s31+$0x870];
	v34 =	vand.u32 $0xFFFF0000, v30;
	v5 =	vshrl.u32 v5, $0x10;
	[tilespmem:s26+$0xC460] =	vst v6  }
0x13b: {  	v5 =	vor.u32 v5, v34;
	v35 =	vld [tilespmem:s30+$0x860]  }
0x13c: {  	v36 =	vld [tilespmem:s30+$0x870];
	[tilespmem:s29+$0xC460] =	vst v5  }
0x13d: {  	v5 =	vld [tilespmem:s28+$0x860]  }
0x13e: {  	v37 =	vld [tilespmem:s28+$0x870]  }
0x13f: {  	v7 =	vand.u32 $0xFFFF0000, v33;
	v8 =	vshrl.u32 v32, $0x10  }
0x140: {  	v7 =	vor.u32 v8, v7  }
0x141: {  	s9 =	sor.u32 s4, s21;
	[tilespmem:s25+$0xC470] =	vst v7;
	v6 =	vand.u32 $0xFFFF0000, v36;
	v38 =	vshrl.u32 v35, $0x10  }
0x142: {  	v39 =	vld [tilespmem:s9+$0x400];
	v6 =	vor.u32 v38, v6  }
0x143: {  	s8 =	sor.u32 s23, s21;
	v40 =	vld [tilespmem:s9+$0x410];
	v41 =	vand.u32 $0xFFFF0000, v37;
	v5 =	vshrl.u32 v5, $0x10;
	[tilespmem:s26+$0xC470] =	vst v6  }
0x144: {  	v5 =	vor.u32 v5, v41;
	v42 =	vld [tilespmem:s8+$0x400]  }
0x145: {  	s0 =	sor.u32 s3, s21;
	v43 =	vld [tilespmem:s8+$0x410];
	[tilespmem:s29+$0xC470] =	vst v5  }
0x146: {  	v5 =	vld [tilespmem:s0+$0x400]  }
0x147: {  	v44 =	vld [tilespmem:s0+$0x410]  }
0x148: {  	v7 =	vand.u32 $0xFFFF0000, v40;
	v8 =	vshrl.u32 v39, $0x10  }
0x149: {  	s2 =	sor.u32 s4, s7;
	v7 =	vor.u32 v8, v7  }
0x14a: {  	[tilespmem:s2+$0xC400] =	vst v7;
	v6 =	vand.u32 $0xFFFF0000, v43;
	v45 =	vshrl.u32 v42, $0x10  }
0x14b: {  	s6 =	sor.u32 s23, s7;
	v46 =	vld [tilespmem:s9+$0x420];
	v6 =	vor.u32 v45, v6  }
0x14c: {  	v47 =	vld [tilespmem:s9+$0x430];
	v48 =	vand.u32 $0xFFFF0000, v44;
	v5 =	vshrl.u32 v5, $0x10;
	[tilespmem:s6+$0xC400] =	vst v6  }
0x14d: {  	s7 =	sor.u32 s3, s7;
	v5 =	vor.u32 v5, v48;
	v49 =	vld [tilespmem:s8+$0x420]  }
0x14e: {  	v50 =	vld [tilespmem:s8+$0x430];
	[tilespmem:s7+$0xC400] =	vst v5  }
0x14f: {  	v5 =	vld [tilespmem:s0+$0x420]  }
0x150: {  	v51 =	vld [tilespmem:s0+$0x430]  }
0x151: {  	v7 =	vand.u32 $0xFFFF0000, v47;
	v8 =	vshrl.u32 v46, $0x10  }
0x152: {  	v7 =	vor.u32 v8, v7  }
0x153: {  	[tilespmem:s2+$0xC410] =	vst v7;
	v6 =	vand.u32 $0xFFFF0000, v50;
	v52 =	vshrl.u32 v49, $0x10  }
0x154: {  	v53 =	vld [tilespmem:s9+$0x440];
	v6 =	vor.u32 v52, v6  }
0x155: {  	v54 =	vld [tilespmem:s9+$0x450];
	v55 =	vand.u32 $0xFFFF0000, v51;
	v5 =	vshrl.u32 v5, $0x10;
	[tilespmem:s6+$0xC410] =	vst v6  }
0x156: {  	v5 =	vor.u32 v5, v55;
	v56 =	vld [tilespmem:s8+$0x440]  }
0x157: {  	v57 =	vld [tilespmem:s8+$0x450];
	[tilespmem:s7+$0xC410] =	vst v5  }
0x158: {  	v5 =	vld [tilespmem:s0+$0x440]  }
0x159: {  	v58 =	vld [tilespmem:s0+$0x450]  }
0x15a: {  	v7 =	vand.u32 $0xFFFF0000, v54;
	v8 =	vshrl.u32 v53, $0x10  }
0x15b: {  	v7 =	vor.u32 v8, v7  }
0x15c: {  	[tilespmem:s2+$0xC420] =	vst v7;
	v6 =	vand.u32 $0xFFFF0000, v57;
	v59 =	vshrl.u32 v56, $0x10  }
0x15d: {  	v60 =	vld [tilespmem:s9+$0x460];
	v6 =	vor.u32 v59, v6  }
0x15e: {  	v61 =	vld [tilespmem:s9+$0x470];
	v62 =	vand.u32 $0xFFFF0000, v58;
	v5 =	vshrl.u32 v5, $0x10;
	[tilespmem:s6+$0xC420] =	vst v6  }
0x15f: {  	v5 =	vor.u32 v5, v62;
	v63 =	vld [tilespmem:s8+$0x460]  }
0x160: {  	v12 =	vld [tilespmem:s8+$0x470];
	[tilespmem:s7+$0xC420] =	vst v5  }
0x161: {  	v5 =	vld [tilespmem:s0+$0x460]  }
0x162: {  	v13 =	vld [tilespmem:s0+$0x470]  }
0x163: {  	v7 =	vand.u32 $0xFFFF0000, v61;
	v8 =	vshrl.u32 v60, $0x10  }
0x164: {  	v7 =	vor.u32 v8, v7  }
0x165: {  	s13 =	sor.u32 s4, s10;
	[tilespmem:s2+$0xC430] =	vst v7;
	v6 =	vand.u32 $0xFFFF0000, v12;
	v14 =	vshrl.u32 v63, $0x10  }
0x166: {  	v15 =	vld [tilespmem:s13+$0x400];
	v6 =	vor.u32 v14, v6  }
0x167: {  	s20 =	sor.u32 s23, s10;
	v16 =	vld [tilespmem:s13+$0x410];
	v17 =	vand.u32 $0xFFFF0000, v13;
	v5 =	vshrl.u32 v5, $0x10;
	[tilespmem:s6+$0xC430] =	vst v6  }
0x168: {  	v5 =	vor.u32 v5, v17;
	v18 =	vld [tilespmem:s20+$0x400]  }
0x169: {  	s21 =	sor.u32 s3, s10;
	v19 =	vld [tilespmem:s20+$0x410];
	[tilespmem:s7+$0xC430] =	vst v5  }
0x16a: {  	v5 =	vld [tilespmem:s21+$0x400]  }
0x16b: {  	v20 =	vld [tilespmem:s21+$0x410]  }
0x16c: {  	v7 =	vand.u32 $0xFFFF0000, v16;
	v8 =	vshrl.u32 v15, $0x10  }
0x16d: {  	v7 =	vor.u32 v8, v7  }
0x16e: {  	[tilespmem:s2+$0xC440] =	vst v7;
	v6 =	vand.u32 $0xFFFF0000, v19;
	v21 =	vshrl.u32 v18, $0x10  }
0x16f: {  	v22 =	vld [tilespmem:s13+$0x420];
	v6 =	vor.u32 v21, v6  }
0x170: {  	v23 =	vld [tilespmem:s13+$0x430];
	v24 =	vand.u32 $0xFFFF0000, v20;
	v5 =	vshrl.u32 v5, $0x10;
	[tilespmem:s6+$0xC440] =	vst v6  }
0x171: {  	v5 =	vor.u32 v5, v24;
	v25 =	vld [tilespmem:s20+$0x420]  }
0x172: {  	v26 =	vld [tilespmem:s20+$0x430];
	[tilespmem:s7+$0xC440] =	vst v5  }
0x173: {  	v5 =	vld [tilespmem:s21+$0x420]  }
0x174: {  	v27 =	vld [tilespmem:s21+$0x430]  }
0x175: {  	v7 =	vand.u32 $0xFFFF0000, v23;
	v8 =	vshrl.u32 v22, $0x10  }
0x176: {  	v7 =	vor.u32 v8, v7  }
0x177: {  	[tilespmem:s2+$0xC450] =	vst v7;
	v6 =	vand.u32 $0xFFFF0000, v26;
	v28 =	vshrl.u32 v25, $0x10  }
0x178: {  	v29 =	vld [tilespmem:s13+$0x440];
	v6 =	vor.u32 v28, v6  }
0x179: {  	v30 =	vld [tilespmem:s13+$0x450];
	v31 =	vand.u32 $0xFFFF0000, v27;
	v5 =	vshrl.u32 v5, $0x10;
	[tilespmem:s6+$0xC450] =	vst v6  }
0x17a: {  	v5 =	vor.u32 v5, v31;
	v32 =	vld [tilespmem:s20+$0x440]  }
0x17b: {  	v33 =	vld [tilespmem:s20+$0x450];
	[tilespmem:s7+$0xC450] =	vst v5  }
0x17c: {  	v5 =	vld [tilespmem:s21+$0x440]  }
0x17d: {  	v34 =	vld [tilespmem:s21+$0x450]  }
0x17e: {  	v7 =	vand.u32 $0xFFFF0000, v30;
	v8 =	vshrl.u32 v29, $0x10  }
0x17f: {  	v7 =	vor.u32 v8, v7  }
0x180: {  	[tilespmem:s2+$0xC460] =	vst v7;
	v6 =	vand.u32 $0xFFFF0000, v33;
	v35 =	vshrl.u32 v32, $0x10  }
0x181: {  	v36 =	vld [tilespmem:s13+$0x460];
	v6 =	vor.u32 v35, v6  }
0x182: {  	v37 =	vld [tilespmem:s13+$0x470];
	v38 =	vand.u32 $0xFFFF0000, v34;
	v5 =	vshrl.u32 v5, $0x10;
	[tilespmem:s6+$0xC460] =	vst v6  }
0x183: {  	v5 =	vor.u32 v5, v38;
	v39 =	vld [tilespmem:s20+$0x460]  }
0x184: {  	v40 =	vld [tilespmem:s20+$0x470];
	[tilespmem:s7+$0xC460] =	vst v5  }
0x185: {  	v5 =	vld [tilespmem:s21+$0x460]  }
0x186: {  	v41 =	vld [tilespmem:s21+$0x470]  }
0x187: {  	v7 =	vand.u32 $0xFFFF0000, v37;
	v8 =	vshrl.u32 v36, $0x10  }
0x188: {  	v7 =	vor.u32 v8, v7  }
0x189: {  	s10 =	sor.u32 s4, s11;
	[tilespmem:s2+$0xC470] =	vst v7;
	v6 =	vand.u32 $0xFFFF0000, v40;
	v42 =	vshrl.u32 v39, $0x10  }
0x18a: {  	v43 =	vld [tilespmem:s10+$0x400];
	v6 =	vor.u32 v42, v6  }
0x18b: {  	s12 =	sor.u32 s23, s11;
	v44 =	vld [tilespmem:s10+$0x410];
	v45 =	vand.u32 $0xFFFF0000, v41;
	v5 =	vshrl.u32 v5, $0x10;
	[tilespmem:s6+$0xC470] =	vst v6  }
0x18c: {  	v5 =	vor.u32 v5, v45;
	v46 =	vld [tilespmem:s12+$0x400]  }
0x18d: {  	s11 =	sor.u32 s3, s11;
	v47 =	vld [tilespmem:s12+$0x410];
	[tilespmem:s7+$0xC470] =	vst v5  }
0x18e: {  	v5 =	vld [tilespmem:s11+$0x400]  }
0x18f: {  	v48 =	vld [tilespmem:s11+$0x410]  }
0x190: {  	v7 =	vand.u32 $0xFFFF0000, v44;
	v8 =	vshrl.u32 v43, $0x10  }
0x191: {  	s18 =	sor.u32 s4, s1;
	v7 =	vor.u32 v8, v7  }
0x192: {  	[tilespmem:s18+$0xC400] =	vst v7;
	v6 =	vand.u32 $0xFFFF0000, v47;
	v49 =	vshrl.u32 v46, $0x10  }
0x193: {  	s19 =	sor.u32 s23, s1;
	v50 =	vld [tilespmem:s10+$0x420];
	v6 =	vor.u32 v49, v6  }
0x194: {  	v51 =	vld [tilespmem:s10+$0x430];
	v52 =	vand.u32 $0xFFFF0000, v48;
	v5 =	vshrl.u32 v5, $0x10;
	[tilespmem:s19+$0xC400] =	vst v6  }
0x195: {  	s1 =	sor.u32 s3, s1;
	v5 =	vor.u32 v5, v52;
	v53 =	vld [tilespmem:s12+$0x420]  }
0x196: {  	v54 =	vld [tilespmem:s12+$0x430];
	[tilespmem:s1+$0xC400] =	vst v5  }
0x197: {  	v5 =	vld [tilespmem:s11+$0x420]  }
0x198: {  	v55 =	vld [tilespmem:s11+$0x430]  }
0x199: {  	v7 =	vand.u32 $0xFFFF0000, v51;
	v8 =	vshrl.u32 v50, $0x10  }
0x19a: {  	v7 =	vor.u32 v8, v7  }
0x19b: {  	[tilespmem:s18+$0xC410] =	vst v7;
	v6 =	vand.u32 $0xFFFF0000, v54;
	v56 =	vshrl.u32 v53, $0x10  }
0x19c: {  	v57 =	vld [tilespmem:s10+$0x440];
	v6 =	vor.u32 v56, v6  }
0x19d: {  	v58 =	vld [tilespmem:s10+$0x450];
	v59 =	vand.u32 $0xFFFF0000, v55;
	v5 =	vshrl.u32 v5, $0x10;
	[tilespmem:s19+$0xC410] =	vst v6  }
0x19e: {  	v5 =	vor.u32 v5, v59;
	v60 =	vld [tilespmem:s12+$0x440]  }
0x19f: {  	v61 =	vld [tilespmem:s12+$0x450];
	[tilespmem:s1+$0xC410] =	vst v5  }
0x1a0: {  	v5 =	vld [tilespmem:s11+$0x440]  }
0x1a1: {  	v62 =	vld [tilespmem:s11+$0x450]  }
0x1a2: {  	v7 =	vand.u32 $0xFFFF0000, v58;
	v8 =	vshrl.u32 v57, $0x10  }
0x1a3: {  	v7 =	vor.u32 v8, v7  }
0x1a4: {  	[tilespmem:s18+$0xC420] =	vst v7;
	v6 =	vand.u32 $0xFFFF0000, v61;
	v63 =	vshrl.u32 v60, $0x10  }
0x1a5: {  	v12 =	vld [tilespmem:s10+$0x460];
	v6 =	vor.u32 v63, v6  }
0x1a6: {  	v13 =	vld [tilespmem:s10+$0x470];
	v14 =	vand.u32 $0xFFFF0000, v62;
	v5 =	vshrl.u32 v5, $0x10;
	[tilespmem:s19+$0xC420] =	vst v6  }
0x1a7: {  	v5 =	vor.u32 v5, v14;
	v15 =	vld [tilespmem:s12+$0x460]  }
0x1a8: {  	v16 =	vld [tilespmem:s12+$0x470];
	[tilespmem:s1+$0xC420] =	vst v5  }
0x1a9: {  	v5 =	vld [tilespmem:s11+$0x460]  }
0x1aa: {  	v17 =	vld [tilespmem:s11+$0x470]  }
0x1ab: {  	v7 =	vand.u32 $0xFFFF0000, v13;
	v8 =	vshrl.u32 v12, $0x10  }
0x1ac: {  	v7 =	vor.u32 v8, v7  }
0x1ad: {  	s4 =	sor.u32 s4, s24;
	[tilespmem:s18+$0xC430] =	vst v7;
	v6 =	vand.u32 $0xFFFF0000, v16;
	v18 =	vshrl.u32 v15, $0x10  }
0x1ae: {  	v19 =	vld [tilespmem:s4+$0x400];
	v6 =	vor.u32 v18, v6  }
0x1af: {  	s23 =	sor.u32 s23, s24;
	v20 =	vld [tilespmem:s4+$0x410];
	v21 =	vand.u32 $0xFFFF0000, v17;
	v5 =	vshrl.u32 v5, $0x10;
	[tilespmem:s19+$0xC430] =	vst v6  }
0x1b0: {  	v5 =	vor.u32 v5, v21;
	v22 =	vld [tilespmem:s23+$0x400]  }
0x1b1: {  	s24 =	sor.u32 s3, s24;
	v23 =	vld [tilespmem:s23+$0x410];
	[tilespmem:s1+$0xC430] =	vst v5  }
0x1b2: {  	v5 =	vld [tilespmem:s24+$0x400]  }
0x1b3: {  	v24 =	vld [tilespmem:s24+$0x410]  }
0x1b4: {  	v7 =	vand.u32 $0xFFFF0000, v20;
	v8 =	vshrl.u32 v19, $0x10  }
0x1b5: {  	v7 =	vor.u32 v8, v7  }
0x1b6: {  	[tilespmem:s18+$0xC440] =	vst v7;
	v6 =	vand.u32 $0xFFFF0000, v23;
	v25 =	vshrl.u32 v22, $0x10  }
0x1b7: {  	v26 =	vld [tilespmem:s4+$0x420];
	v6 =	vor.u32 v25, v6  }
0x1b8: {  	v27 =	vld [tilespmem:s4+$0x430];
	v28 =	vand.u32 $0xFFFF0000, v24;
	v5 =	vshrl.u32 v5, $0x10;
	[tilespmem:s19+$0xC440] =	vst v6  }
0x1b9: {  	v5 =	vor.u32 v5, v28;
	v29 =	vld [tilespmem:s23+$0x420]  }
0x1ba: {  	v30 =	vld [tilespmem:s23+$0x430];
	[tilespmem:s1+$0xC440] =	vst v5  }
0x1bb: {  	v5 =	vld [tilespmem:s24+$0x420]  }
0x1bc: {  	v31 =	vld [tilespmem:s24+$0x430]  }
0x1bd: {  	v7 =	vand.u32 $0xFFFF0000, v27;
	v8 =	vshrl.u32 v26, $0x10  }
0x1be: {  	v7 =	vor.u32 v8, v7  }
0x1bf: {  	[tilespmem:s18+$0xC450] =	vst v7;
	v6 =	vand.u32 $0xFFFF0000, v30;
	v32 =	vshrl.u32 v29, $0x10  }
0x1c0: {  	v33 =	vld [tilespmem:s4+$0x440];
	v6 =	vor.u32 v32, v6  }
0x1c1: {  	v34 =	vld [tilespmem:s4+$0x450];
	v35 =	vand.u32 $0xFFFF0000, v31;
	v5 =	vshrl.u32 v5, $0x10;
	[tilespmem:s19+$0xC450] =	vst v6  }
0x1c2: {  	v5 =	vor.u32 v5, v35;
	v36 =	vld [tilespmem:s23+$0x440]  }
0x1c3: {  	v37 =	vld [tilespmem:s23+$0x450];
	[tilespmem:s1+$0xC450] =	vst v5  }
0x1c4: {  	v5 =	vld [tilespmem:s24+$0x440]  }
0x1c5: {  	v38 =	vld [tilespmem:s24+$0x450]  }
0x1c6: {  	v7 =	vand.u32 $0xFFFF0000, v34;
	v8 =	vshrl.u32 v33, $0x10  }
0x1c7: {  	v7 =	vor.u32 v8, v7  }
0x1c8: {  	[tilespmem:s18+$0xC460] =	vst v7;
	v6 =	vand.u32 $0xFFFF0000, v37;
	v39 =	vshrl.u32 v36, $0x10  }
0x1c9: {  	v40 =	vld [tilespmem:s4+$0x460];
	v6 =	vor.u32 v39, v6  }
0x1ca: {  	v41 =	vld [tilespmem:s4+$0x470];
	v42 =	vand.u32 $0xFFFF0000, v38;
	v5 =	vshrl.u32 v5, $0x10;
	[tilespmem:s19+$0xC460] =	vst v6  }
0x1cb: {  	v5 =	vor.u32 v5, v42;
	v43 =	vld [tilespmem:s23+$0x460]  }
0x1cc: {  	v44 =	vld [tilespmem:s23+$0x470];
	[tilespmem:s1+$0xC460] =	vst v5  }
0x1cd: {  	v5 =	vld [tilespmem:s24+$0x460]  }
0x1ce: {  	v45 =	vld [tilespmem:s24+$0x470]  }
0x1cf: {  	v7 =	vand.u32 $0xFFFF0000, v41;
	v8 =	vshrl.u32 v40, $0x10  }
0x1d0: {  	v7 =	vor.u32 v8, v7  }
0x1d1: {  	[tilespmem:s18+$0xC470] =	vst v7;
	v6 =	vand.u32 $0xFFFF0000, v44;
	v46 =	vshrl.u32 v43, $0x10  }
0x1d2: {  	v47 =	vld [tilespmem:s31+$0x6400];
	v6 =	vor.u32 v46, v6  }
0x1d3: {  	v48 =	vld [tilespmem:s31+$0x6410];
	v49 =	vand.u32 $0xFFFF0000, v45;
	v5 =	vshrl.u32 v5, $0x10;
	[tilespmem:s19+$0xC470] =	vst v6  }
0x1d4: {  	v5 =	vor.u32 v5, v49;
	v50 =	vld [tilespmem:s30+$0x6400]  }
0x1d5: {  	v51 =	vld [tilespmem:s30+$0x6410];
	[tilespmem:s1+$0xC470] =	vst v5  }
0x1d6: {  	v5 =	vld [tilespmem:s28+$0x6400]  }
0x1d7: {  	v52 =	vld [tilespmem:s28+$0x6410]  }
0x1d8: {  	v7 =	vand.u32 $0xFFFF0000, v48;
	v8 =	vshrl.u32 v47, $0x10  }
0x1d9: {  	v7 =	vor.u32 v8, v7  }
0x1da: {  	[tilespmem:s25+$0xF400] =	vst v7;
	v6 =	vand.u32 $0xFFFF0000, v51;
	v53 =	vshrl.u32 v50, $0x10  }
0x1db: {  	v54 =	vld [tilespmem:s31+$0x6420];
	v6 =	vor.u32 v53, v6  }
0x1dc: {  	v55 =	vld [tilespmem:s31+$0x6430];
	v56 =	vand.u32 $0xFFFF0000, v52;
	v5 =	vshrl.u32 v5, $0x10;
	[tilespmem:s26+$0xF400] =	vst v6  }
0x1dd: {  	v5 =	vor.u32 v5, v56;
	v57 =	vld [tilespmem:s30+$0x6420]  }
0x1de: {  	v58 =	vld [tilespmem:s30+$0x6430];
	[tilespmem:s29+$0xF400] =	vst v5  }
0x1df: {  	v4 =	vand.u32 $0xFFFF0000, v4;
	v3 =	vshrl.u32 v3, $0x10;
	v5 =	vld [tilespmem:s28+$0x6420]  }
0x1e0: {  	v3 =	vor.u32 v3, v4;
	v59 =	vld [tilespmem:s28+$0x6430]  }
0x1e1: {  	[tilespmem:s16+$0xF410] =	vst v3;
	v3 =	vand.u32 $0xFFFF0000, v55;
	v60 =	vshrl.u32 v54, $0x10  }
0x1e2: {  	v61 =	vld [tilespmem:s17+$0x6440];
	v3 =	vor.u32 v60, v3  }
0x1e3: {  	v62 =	vld [tilespmem:s17+$0x6450];
	[tilespmem:s25+$0xF410] =	vst v3;
	v3 =	vand.u32 $0xFFFF0000, v58;
	v63 =	vshrl.u32 v57, $0x10  }
0x1e4: {  	v12 =	vld [tilespmem:s31+$0x6440];
	v3 =	vor.u32 v63, v3  }
0x1e5: {  	v13 =	vld [tilespmem:s31+$0x6450];
	v14 =	vshrl.u32 v5, $0x10;
	[tilespmem:s26+$0xF410] =	vst v3;
	v3 =	vand.u32 $0xFFFF0000, v59  }
0x1e6: {  	v15 =	vld [tilespmem:s30+$0x6440];
	v3 =	vor.u32 v14, v3  }
0x1e7: {  	v16 =	vld [tilespmem:s30+$0x6450];
	[tilespmem:s29+$0xF410] =	vst v3  }
0x1e8: {  	v17 =	vshrl.u32 v61, $0x10;
	v3 =	vand.u32 $0xFFFF0000, v62;
	v18 =	vld [tilespmem:s28+$0x6440]  }
0x1e9: {  	v3 =	vor.u32 v17, v3;
	v19 =	vld [tilespmem:s28+$0x6450]  }
0x1ea: {  	v20 =	vshrl.u32 v12, $0x10;
	[tilespmem:s16+$0xF420] =	vst v3;
	v3 =	vand.u32 $0xFFFF0000, v13  }
0x1eb: {  	v21 =	vld [tilespmem:s17+$0x6460];
	v3 =	vor.u32 v20, v3  }
0x1ec: {  	v22 =	vld [tilespmem:s17+$0x6470];
	[tilespmem:s25+$0xF420] =	vst v3;
	v3 =	vand.u32 $0xFFFF0000, v16;
	v23 =	vshrl.u32 v15, $0x10  }
0x1ed: {  	v24 =	vld [tilespmem:s31+$0x6460];
	v3 =	vor.u32 v23, v3  }
0x1ee: {  	v25 =	vld [tilespmem:s31+$0x6470];
	[tilespmem:s26+$0xF420] =	vst v3;
	v3 =	vand.u32 $0xFFFF0000, v19;
	v26 =	vshrl.u32 v18, $0x10  }
0x1ef: {  	v27 =	vld [tilespmem:s30+$0x6460];
	v3 =	vor.u32 v26, v3  }
0x1f0: {  	v28 =	vld [tilespmem:s30+$0x6470];
	[tilespmem:s29+$0xF420] =	vst v3  }
0x1f1: {  	v3 =	vand.u32 $0xFFFF0000, v22;
	v29 =	vshrl.u32 v21, $0x10;
	v30 =	vld [tilespmem:s28+$0x6460]  }
0x1f2: {  	v3 =	vor.u32 v29, v3;
	v31 =	vld [tilespmem:s28+$0x6470]  }
0x1f3: {  	[tilespmem:s16+$0xF430] =	vst v3;
	v3 =	vand.u32 $0xFFFF0000, v25;
	v32 =	vshrl.u32 v24, $0x10  }
0x1f4: {  	v33 =	vld [tilespmem:s17+$0x6800];
	v3 =	vor.u32 v32, v3  }
0x1f5: {  	v34 =	vld [tilespmem:s17+$0x6810];
	[tilespmem:s25+$0xF430] =	vst v3;
	v3 =	vand.u32 $0xFFFF0000, v28;
	v35 =	vshrl.u32 v27, $0x10  }
0x1f6: {  	v36 =	vld [tilespmem:s31+$0x6800];
	v3 =	vor.u32 v35, v3  }
0x1f7: {  	v37 =	vld [tilespmem:s31+$0x6810];
	[tilespmem:s26+$0xF430] =	vst v3;
	v3 =	vand.u32 $0xFFFF0000, v31;
	v38 =	vshrl.u32 v30, $0x10  }
0x1f8: {  	v39 =	vld [tilespmem:s30+$0x6800];
	v3 =	vor.u32 v38, v3  }
0x1f9: {  	v40 =	vld [tilespmem:s30+$0x6810];
	[tilespmem:s29+$0xF430] =	vst v3  }
0x1fa: {  	v3 =	vand.u32 $0xFFFF0000, v34;
	v41 =	vshrl.u32 v33, $0x10;
	v42 =	vld [tilespmem:s28+$0x6800]  }
0x1fb: {  	v3 =	vor.u32 v41, v3;
	v43 =	vld [tilespmem:s28+$0x6810]  }
0x1fc: {  	[tilespmem:s16+$0xF440] =	vst v3;
	v3 =	vand.u32 $0xFFFF0000, v37;
	v44 =	vshrl.u32 v36, $0x10  }
0x1fd: {  	v45 =	vld [tilespmem:s17+$0x6820];
	v3 =	vor.u32 v44, v3  }
0x1fe: {  	v46 =	vld [tilespmem:s17+$0x6830];
	[tilespmem:s25+$0xF440] =	vst v3;
	v3 =	vand.u32 $0xFFFF0000, v40;
	v47 =	vshrl.u32 v39, $0x10  }
0x1ff: {  	v48 =	vld [tilespmem:s31+$0x6820];
	v3 =	vor.u32 v47, v3  }
0x200: {  	v49 =	vld [tilespmem:s31+$0x6830];
	[tilespmem:s26+$0xF440] =	vst v3;
	v3 =	vand.u32 $0xFFFF0000, v43;
	v50 =	vshrl.u32 v42, $0x10  }
0x201: {  	v51 =	vld [tilespmem:s30+$0x6820];
	v3 =	vor.u32 v50, v3  }
0x202: {  	v52 =	vld [tilespmem:s30+$0x6830];
	[tilespmem:s29+$0xF440] =	vst v3  }
0x203: {  	v3 =	vand.u32 $0xFFFF0000, v46;
	v53 =	vshrl.u32 v45, $0x10;
	v54 =	vld [tilespmem:s28+$0x6820]  }
0x204: {  	v3 =	vor.u32 v53, v3;
	v55 =	vld [tilespmem:s28+$0x6830]  }
0x205: {  	[tilespmem:s16+$0xF450] =	vst v3;
	v3 =	vand.u32 $0xFFFF0000, v49;
	v56 =	vshrl.u32 v48, $0x10  }
0x206: {  	v57 =	vld [tilespmem:s17+$0x6840];
	v3 =	vor.u32 v56, v3  }
0x207: {  	v58 =	vld [tilespmem:s17+$0x6850];
	[tilespmem:s25+$0xF450] =	vst v3;
	v3 =	vand.u32 $0xFFFF0000, v52;
	v59 =	vshrl.u32 v51, $0x10  }
0x208: {  	v60 =	vld [tilespmem:s31+$0x6840];
	v3 =	vor.u32 v59, v3  }
0x209: {  	v61 =	vld [tilespmem:s31+$0x6850];
	[tilespmem:s26+$0xF450] =	vst v3;
	v3 =	vand.u32 $0xFFFF0000, v55;
	v62 =	vshrl.u32 v54, $0x10  }
0x20a: {  	v63 =	vld [tilespmem:s30+$0x6840];
	v3 =	vor.u32 v62, v3  }
0x20b: {  	v12 =	vld [tilespmem:s30+$0x6850];
	[tilespmem:s29+$0xF450] =	vst v3  }
0x20c: {  	v3 =	vand.u32 $0xFFFF0000, v58;
	v13 =	vshrl.u32 v57, $0x10;
	v14 =	vld [tilespmem:s28+$0x6840]  }
0x20d: {  	v3 =	vor.u32 v13, v3;
	v15 =	vld [tilespmem:s28+$0x6850]  }
0x20e: {  	[tilespmem:s16+$0xF460] =	vst v3;
	v3 =	vand.u32 $0xFFFF0000, v61;
	v16 =	vshrl.u32 v60, $0x10  }
0x20f: {  	v17 =	vld [tilespmem:s17+$0x6860];
	v3 =	vor.u32 v16, v3  }
0x210: {  	v18 =	vld [tilespmem:s17+$0x6870];
	[tilespmem:s25+$0xF460] =	vst v3;
	v3 =	vand.u32 $0xFFFF0000, v12;
	v19 =	vshrl.u32 v63, $0x10  }
0x211: {  	v20 =	vld [tilespmem:s31+$0x6860];
	v3 =	vor.u32 v19, v3  }
0x212: {  	v21 =	vld [tilespmem:s31+$0x6870];
	[tilespmem:s26+$0xF460] =	vst v3;
	v3 =	vand.u32 $0xFFFF0000, v15;
	v22 =	vshrl.u32 v14, $0x10  }
0x213: {  	v23 =	vld [tilespmem:s30+$0x6860];
	v3 =	vor.u32 v22, v3  }
0x214: {  	v24 =	vld [tilespmem:s30+$0x6870];
	[tilespmem:s29+$0xF460] =	vst v3  }
0x215: {  	v3 =	vand.u32 $0xFFFF0000, v18;
	v25 =	vshrl.u32 v17, $0x10;
	v26 =	vld [tilespmem:s28+$0x6860]  }
0x216: {  	v27 =	vld [tilespmem:s28+$0x6870];
	v3 =	vor.u32 v25, v3  }
0x217: {  	[tilespmem:s16+$0xF470] =	vst v3;
	v3 =	vand.u32 $0xFFFF0000, v21;
	v28 =	vshrl.u32 v20, $0x10  }
0x218: {  	v29 =	vld [tilespmem:s15+$0x6400];
	v3 =	vor.u32 v28, v3  }
0x219: {  	[tilespmem:s25+$0xF470] =	vst v3;
	v3 =	vld [tilespmem:s15+$0x6410];
	v30 =	vand.u32 $0xFFFF0000, v24;
	v31 =	vshrl.u32 v23, $0x10  }
0x21a: {  	v32 =	vld [tilespmem:s9+$0x6400];
	v4 =	vor.u32 v31, v30  }
0x21b: {  	v33 =	vld [tilespmem:s9+$0x6410];
	[tilespmem:s26+$0xF470] =	vst v4;
	v34 =	vand.u32 $0xFFFF0000, v27;
	v5 =	vshrl.u32 v26, $0x10  }
0x21c: {  	v35 =	vld [tilespmem:s8+$0x6400];
	v5 =	vor.u32 v5, v34  }
0x21d: {  	v36 =	vld [tilespmem:s8+$0x6410];
	[tilespmem:s29+$0xF470] =	vst v5  }
0x21e: {  	v37 =	vshrl.u32 v29, $0x10;
	v3 =	vand.u32 $0xFFFF0000, v3;
	v38 =	vld [tilespmem:s0+$0x6400]  }
0x21f: {  	v39 =	vld [tilespmem:s0+$0x6410];
	v3 =	vor.u32 v37, v3  }
0x220: {  	v40 =	vshrl.u32 v32, $0x10;
	[tilespmem:s14+$0xF400] =	vst v3;
	v3 =	vand.u32 $0xFFFF0000, v33  }
0x221: {  	v41 =	vld [tilespmem:s15+$0x6420];
	v3 =	vor.u32 v40, v3  }
0x222: {  	v42 =	vld [tilespmem:s15+$0x6430];
	v43 =	vshrl.u32 v35, $0x10;
	[tilespmem:s2+$0xF400] =	vst v3;
	v3 =	vand.u32 $0xFFFF0000, v36  }
0x223: {  	v44 =	vld [tilespmem:s9+$0x6420];
	v3 =	vor.u32 v43, v3  }
0x224: {  	v45 =	vld [tilespmem:s9+$0x6430];
	v46 =	vshrl.u32 v38, $0x10;
	[tilespmem:s6+$0xF400] =	vst v3;
	v3 =	vand.u32 $0xFFFF0000, v39  }
0x225: {  	v47 =	vld [tilespmem:s8+$0x6420];
	v3 =	vor.u32 v46, v3  }
0x226: {  	v48 =	vld [tilespmem:s8+$0x6430];
	[tilespmem:s7+$0xF400] =	vst v3  }
0x227: {  	v3 =	vand.u32 $0xFFFF0000, v42;
	v49 =	vshrl.u32 v41, $0x10;
	v50 =	vld [tilespmem:s0+$0x6420]  }
0x228: {  	v3 =	vor.u32 v49, v3;
	v51 =	vld [tilespmem:s0+$0x6430]  }
0x229: {  	[tilespmem:s14+$0xF410] =	vst v3;
	v3 =	vand.u32 $0xFFFF0000, v45;
	v52 =	vshrl.u32 v44, $0x10  }
0x22a: {  	v53 =	vld [tilespmem:s15+$0x6440];
	v3 =	vor.u32 v52, v3  }
0x22b: {  	v54 =	vld [tilespmem:s15+$0x6450];
	[tilespmem:s2+$0xF410] =	vst v3;
	v3 =	vand.u32 $0xFFFF0000, v48;
	v55 =	vshrl.u32 v47, $0x10  }
0x22c: {  	v56 =	vld [tilespmem:s9+$0x6440];
	v3 =	vor.u32 v55, v3  }
0x22d: {  	v57 =	vld [tilespmem:s9+$0x6450];
	[tilespmem:s6+$0xF410] =	vst v3;
	v3 =	vand.u32 $0xFFFF0000, v51;
	v58 =	vshrl.u32 v50, $0x10  }
0x22e: {  	v59 =	vld [tilespmem:s8+$0x6440];
	v3 =	vor.u32 v58, v3  }
0x22f: {  	v60 =	vld [tilespmem:s8+$0x6450];
	[tilespmem:s7+$0xF410] =	vst v3  }
0x230: {  	v3 =	vand.u32 $0xFFFF0000, v54;
	v61 =	vshrl.u32 v53, $0x10;
	v62 =	vld [tilespmem:s0+$0x6440]  }
0x231: {  	v3 =	vor.u32 v61, v3;
	v63 =	vld [tilespmem:s0+$0x6450]  }
0x232: {  	[tilespmem:s14+$0xF420] =	vst v3;
	v3 =	vand.u32 $0xFFFF0000, v57;
	v12 =	vshrl.u32 v56, $0x10  }
0x233: {  	v13 =	vld [tilespmem:s15+$0x6460];
	v3 =	vor.u32 v12, v3  }
0x234: {  	v14 =	vld [tilespmem:s15+$0x6470];
	[tilespmem:s2+$0xF420] =	vst v3;
	v3 =	vand.u32 $0xFFFF0000, v60;
	v15 =	vshrl.u32 v59, $0x10  }
0x235: {  	v16 =	vld [tilespmem:s9+$0x6460];
	v3 =	vor.u32 v15, v3  }
0x236: {  	v17 =	vld [tilespmem:s9+$0x6470];
	[tilespmem:s6+$0xF420] =	vst v3;
	v3 =	vand.u32 $0xFFFF0000, v63;
	v18 =	vshrl.u32 v62, $0x10  }
0x237: {  	v19 =	vld [tilespmem:s8+$0x6460];
	v3 =	vor.u32 v18, v3  }
0x238: {  	v20 =	vld [tilespmem:s8+$0x6470];
	[tilespmem:s7+$0xF420] =	vst v3  }
0x239: {  	v3 =	vand.u32 $0xFFFF0000, v14;
	v21 =	vshrl.u32 v13, $0x10;
	v22 =	vld [tilespmem:s0+$0x6460]  }
0x23a: {  	v23 =	vld [tilespmem:s0+$0x6470];
	v3 =	vor.u32 v21, v3  }
0x23b: {  	[tilespmem:s14+$0xF430] =	vst v3;
	v3 =	vand.u32 $0xFFFF0000, v17;
	v24 =	vshrl.u32 v16, $0x10  }
0x23c: {  	v25 =	vld [tilespmem:s5+$0x6400];
	v3 =	vor.u32 v24, v3  }
0x23d: {  	v26 =	vld [tilespmem:s5+$0x6410];
	[tilespmem:s2+$0xF430] =	vst v3;
	v3 =	vand.u32 $0xFFFF0000, v20;
	v27 =	vshrl.u32 v19, $0x10  }
0x23e: {  	v28 =	vld [tilespmem:s13+$0x6400];
	v3 =	vor.u32 v27, v3  }
0x23f: {  	v29 =	vld [tilespmem:s13+$0x6410];
	[tilespmem:s6+$0xF430] =	vst v3;
	v3 =	vand.u32 $0xFFFF0000, v23;
	v7 =	vshrl.u32 v22, $0x10  }
0x240: {  	v30 =	vld [tilespmem:s20+$0x6400];
	v3 =	vor.u32 v7, v3  }
0x241: {  	v31 =	vld [tilespmem:s20+$0x6410];
	[tilespmem:s7+$0xF430] =	vst v3  }
0x242: {  	v3 =	vand.u32 $0xFFFF0000, v26;
	v32 =	vshrl.u32 v25, $0x10;
	v33 =	vld [tilespmem:s21+$0x6400]  }
0x243: {  	v3 =	vor.u32 v32, v3;
	v34 =	vld [tilespmem:s21+$0x6410]  }
0x244: {  	[tilespmem:s14+$0xF440] =	vst v3;
	v3 =	vand.u32 $0xFFFF0000, v29;
	v35 =	vshrl.u32 v28, $0x10  }
0x245: {  	v36 =	vld [tilespmem:s5+$0x6420];
	v3 =	vor.u32 v35, v3  }
0x246: {  	v37 =	vld [tilespmem:s5+$0x6430];
	[tilespmem:s2+$0xF440] =	vst v3;
	v3 =	vand.u32 $0xFFFF0000, v31;
	v38 =	vshrl.u32 v30, $0x10  }
0x247: {  	v39 =	vld [tilespmem:s13+$0x6420];
	v3 =	vor.u32 v38, v3  }
0x248: {  	v40 =	vld [tilespmem:s13+$0x6430];
	[tilespmem:s6+$0xF440] =	vst v3;
	v3 =	vand.u32 $0xFFFF0000, v34;
	v41 =	vshrl.u32 v33, $0x10  }
0x249: {  	v42 =	vld [tilespmem:s20+$0x6420];
	v3 =	vor.u32 v41, v3  }
0x24a: {  	v43 =	vld [tilespmem:s20+$0x6430];
	[tilespmem:s7+$0xF440] =	vst v3  }
0x24b: {  	v3 =	vand.u32 $0xFFFF0000, v37;
	v44 =	vshrl.u32 v36, $0x10;
	v45 =	vld [tilespmem:s21+$0x6420]  }
0x24c: {  	v3 =	vor.u32 v44, v3;
	v46 =	vld [tilespmem:s21+$0x6430]  }
0x24d: {  	[tilespmem:s14+$0xF450] =	vst v3;
	v3 =	vand.u32 $0xFFFF0000, v40;
	v47 =	vshrl.u32 v39, $0x10  }
0x24e: {  	v48 =	vld [tilespmem:s5+$0x6440];
	v3 =	vor.u32 v47, v3  }
0x24f: {  	v49 =	vld [tilespmem:s5+$0x6450];
	[tilespmem:s2+$0xF450] =	vst v3;
	v3 =	vand.u32 $0xFFFF0000, v43;
	v50 =	vshrl.u32 v42, $0x10  }
0x250: {  	v51 =	vld [tilespmem:s13+$0x6440];
	v3 =	vor.u32 v50, v3  }
0x251: {  	v52 =	vld [tilespmem:s13+$0x6450];
	[tilespmem:s6+$0xF450] =	vst v3;
	v3 =	vand.u32 $0xFFFF0000, v46;
	v53 =	vshrl.u32 v45, $0x10  }
0x252: {  	v54 =	vld [tilespmem:s20+$0x6440];
	v3 =	vor.u32 v53, v3  }
0x253: {  	v55 =	vld [tilespmem:s20+$0x6450];
	[tilespmem:s7+$0xF450] =	vst v3  }
0x254: {  	v3 =	vand.u32 $0xFFFF0000, v49;
	v56 =	vshrl.u32 v48, $0x10;
	v57 =	vld [tilespmem:s21+$0x6440]  }
0x255: {  	v3 =	vor.u32 v56, v3;
	v58 =	vld [tilespmem:s21+$0x6450]  }
0x256: {  	[tilespmem:s14+$0xF460] =	vst v3;
	v3 =	vand.u32 $0xFFFF0000, v52;
	v59 =	vshrl.u32 v51, $0x10  }
0x257: {  	v60 =	vld [tilespmem:s5+$0x6460];
	v3 =	vor.u32 v59, v3  }
0x258: {  	v61 =	vld [tilespmem:s5+$0x6470];
	[tilespmem:s2+$0xF460] =	vst v3;
	v3 =	vand.u32 $0xFFFF0000, v55;
	v62 =	vshrl.u32 v54, $0x10  }
0x259: {  	v63 =	vld [tilespmem:s13+$0x6460];
	v3 =	vor.u32 v62, v3  }
0x25a: {  	v12 =	vld [tilespmem:s13+$0x6470];
	[tilespmem:s6+$0xF460] =	vst v3;
	v3 =	vand.u32 $0xFFFF0000, v58;
	v13 =	vshrl.u32 v57, $0x10  }
0x25b: {  	v14 =	vld [tilespmem:s20+$0x6460];
	v3 =	vor.u32 v13, v3  }
0x25c: {  	v15 =	vld [tilespmem:s20+$0x6470];
	[tilespmem:s7+$0xF460] =	vst v3  }
0x25d: {  	v3 =	vand.u32 $0xFFFF0000, v61;
	v16 =	vshrl.u32 v60, $0x10;
	v17 =	vld [tilespmem:s21+$0x6460]  }
0x25e: {  	v3 =	vor.u32 v16, v3;
	v18 =	vld [tilespmem:s21+$0x6470]  }
0x25f: {  	[tilespmem:s14+$0xF470] =	vst v3;
	v3 =	vand.u32 $0xFFFF0000, v12;
	v19 =	vshrl.u32 v63, $0x10  }
0x260: {  	v20 =	vld [tilespmem:s22+$0x6400];
	v3 =	vor.u32 v19, v3  }
0x261: {  	v21 =	vld [tilespmem:s22+$0x6410];
	[tilespmem:s2+$0xF470] =	vst v3;
	v3 =	vand.u32 $0xFFFF0000, v15;
	v22 =	vshrl.u32 v14, $0x10  }
0x262: {  	v23 =	vld [tilespmem:s10+$0x6400];
	v3 =	vor.u32 v22, v3  }
0x263: {  	v24 =	vld [tilespmem:s10+$0x6410];
	[tilespmem:s6+$0xF470] =	vst v3;
	v3 =	vand.u32 $0xFFFF0000, v18;
	v25 =	vshrl.u32 v17, $0x10  }
0x264: {  	v26 =	vld [tilespmem:s12+$0x6400];
	v3 =	vor.u32 v25, v3  }
0x265: {  	v27 =	vld [tilespmem:s12+$0x6410];
	[tilespmem:s7+$0xF470] =	vst v3  }
0x266: {  	v3 =	vand.u32 $0xFFFF0000, v21;
	v28 =	vshrl.u32 v20, $0x10;
	v29 =	vld [tilespmem:s11+$0x6400]  }
0x267: {  	s29 =	rddreg [dreg:$0x1e];
	v3 =	vor.u32 v28, v3;
	v30 =	vld [tilespmem:s11+$0x6410]  }
0x268: {  	[tilespmem:s29+$0xF400] =	vst v3;
	v3 =	vand.u32 $0xFFFF0000, v24;
	v31 =	vshrl.u32 v23, $0x10  }
0x269: {  	v32 =	vld [tilespmem:s22+$0x6420];
	v3 =	vor.u32 v31, v3  }
0x26a: {  	v33 =	vld [tilespmem:s22+$0x6430];
	[tilespmem:s18+$0xF400] =	vst v3;
	v3 =	vand.u32 $0xFFFF0000, v27;
	v34 =	vshrl.u32 v26, $0x10  }
0x26b: {  	v35 =	vld [tilespmem:s10+$0x6420];
	v3 =	vor.u32 v34, v3  }
0x26c: {  	v36 =	vld [tilespmem:s10+$0x6430];
	[tilespmem:s19+$0xF400] =	vst v3;
	v3 =	vand.u32 $0xFFFF0000, v30;
	v37 =	vshrl.u32 v29, $0x10  }
0x26d: {  	v38 =	vld [tilespmem:s12+$0x6420];
	v3 =	vor.u32 v37, v3  }
0x26e: {  	v39 =	vld [tilespmem:s12+$0x6430];
	[tilespmem:s1+$0xF400] =	vst v3  }
0x26f: {  	v3 =	vand.u32 $0xFFFF0000, v33;
	v40 =	vshrl.u32 v32, $0x10;
	v41 =	vld [tilespmem:s11+$0x6420]  }
0x270: {  	v3 =	vor.u32 v40, v3;
	v42 =	vld [tilespmem:s11+$0x6430]  }
0x271: {  	[tilespmem:s29+$0xF410] =	vst v3;
	v3 =	vand.u32 $0xFFFF0000, v36;
	v43 =	vshrl.u32 v35, $0x10  }
0x272: {  	v44 =	vld [tilespmem:s22+$0x6440];
	v3 =	vor.u32 v43, v3  }
0x273: {  	v45 =	vld [tilespmem:s22+$0x6450];
	[tilespmem:s18+$0xF410] =	vst v3;
	v3 =	vand.u32 $0xFFFF0000, v39;
	v46 =	vshrl.u32 v38, $0x10  }
0x274: {  	v47 =	vld [tilespmem:s10+$0x6440];
	v3 =	vor.u32 v46, v3  }
0x275: {  	v48 =	vld [tilespmem:s10+$0x6450];
	[tilespmem:s19+$0xF410] =	vst v3;
	v3 =	vand.u32 $0xFFFF0000, v42;
	v49 =	vshrl.u32 v41, $0x10  }
0x276: {  	v50 =	vld [tilespmem:s12+$0x6440];
	v3 =	vor.u32 v49, v3  }
0x277: {  	v51 =	vld [tilespmem:s12+$0x6450];
	[tilespmem:s1+$0xF410] =	vst v3  }
0x278: {  	v3 =	vand.u32 $0xFFFF0000, v45;
	v52 =	vshrl.u32 v44, $0x10;
	v53 =	vld [tilespmem:s11+$0x6440]  }
0x279: {  	v3 =	vor.u32 v52, v3;
	v54 =	vld [tilespmem:s11+$0x6450]  }
0x27a: {  	[tilespmem:s29+$0xF420] =	vst v3;
	v3 =	vand.u32 $0xFFFF0000, v48;
	v55 =	vshrl.u32 v47, $0x10  }
0x27b: {  	v56 =	vld [tilespmem:s22+$0x6460];
	v3 =	vor.u32 v55, v3  }
0x27c: {  	v57 =	vld [tilespmem:s22+$0x6470];
	[tilespmem:s18+$0xF420] =	vst v3;
	v3 =	vand.u32 $0xFFFF0000, v51;
	v58 =	vshrl.u32 v50, $0x10  }
0x27d: {  	v59 =	vld [tilespmem:s10+$0x6460];
	v3 =	vor.u32 v58, v3  }
0x27e: {  	v60 =	vld [tilespmem:s10+$0x6470];
	[tilespmem:s19+$0xF420] =	vst v3;
	v3 =	vand.u32 $0xFFFF0000, v54;
	v61 =	vshrl.u32 v53, $0x10  }
0x27f: {  	v62 =	vld [tilespmem:s12+$0x6460];
	v3 =	vor.u32 v61, v3  }
0x280: {  	v63 =	vld [tilespmem:s12+$0x6470];
	[tilespmem:s1+$0xF420] =	vst v3  }
0x281: {  	v3 =	vand.u32 $0xFFFF0000, v57;
	v12 =	vshrl.u32 v56, $0x10;
	v13 =	vld [tilespmem:s11+$0x6460]  }
0x282: {  	v3 =	vor.u32 v12, v3;
	v14 =	vld [tilespmem:s11+$0x6470]  }
0x283: {  	s30 =	rddreg [dreg:$0x1d];
	[tilespmem:s29+$0xF430] =	vst v3;
	v3 =	vand.u32 $0xFFFF0000, v60;
	v15 =	vshrl.u32 v59, $0x10  }
0x284: {  	v16 =	vld [tilespmem:s30+$0x6400];
	v3 =	vor.u32 v15, v3  }
0x285: {  	v17 =	vld [tilespmem:s30+$0x6410];
	[tilespmem:s18+$0xF430] =	vst v3;
	v3 =	vand.u32 $0xFFFF0000, v63;
	v18 =	vshrl.u32 v62, $0x10  }
0x286: {  	v19 =	vld [tilespmem:s4+$0x6400];
	v3 =	vor.u32 v18, v3  }
0x287: {  	v20 =	vld [tilespmem:s4+$0x6410];
	[tilespmem:s19+$0xF430] =	vst v3;
	v3 =	vand.u32 $0xFFFF0000, v14;
	v21 =	vshrl.u32 v13, $0x10  }
0x288: {  	v22 =	vld [tilespmem:s23+$0x6400];
	v3 =	vor.u32 v21, v3  }
0x289: {  	v23 =	vld [tilespmem:s23+$0x6410];
	[tilespmem:s1+$0xF430] =	vst v3  }
0x28a: {  	v3 =	vand.u32 $0xFFFF0000, v17;
	v24 =	vshrl.u32 v16, $0x10;
	v25 =	vld [tilespmem:s24+$0x6400]  }
0x28b: {  	v3 =	vor.u32 v24, v3;
	v26 =	vld [tilespmem:s24+$0x6410]  }
0x28c: {  	[tilespmem:s29+$0xF440] =	vst v3;
	v3 =	vand.u32 $0xFFFF0000, v20;
	v27 =	vshrl.u32 v19, $0x10  }
0x28d: {  	v28 =	vld [tilespmem:s30+$0x6420];
	v3 =	vor.u32 v27, v3  }
0x28e: {  	v29 =	vld [tilespmem:s30+$0x6430];
	[tilespmem:s18+$0xF440] =	vst v3;
	v3 =	vand.u32 $0xFFFF0000, v23;
	v30 =	vshrl.u32 v22, $0x10  }
0x28f: {  	v31 =	vld [tilespmem:s4+$0x6420];
	v3 =	vor.u32 v30, v3  }
0x290: {  	v32 =	vld [tilespmem:s4+$0x6430];
	[tilespmem:s19+$0xF440] =	vst v3;
	v3 =	vand.u32 $0xFFFF0000, v26;
	v33 =	vshrl.u32 v25, $0x10  }
0x291: {  	v34 =	vld [tilespmem:s23+$0x6420];
	v3 =	vor.u32 v33, v3  }
0x292: {  	v35 =	vld [tilespmem:s23+$0x6430];
	[tilespmem:s1+$0xF440] =	vst v3  }
0x293: {  	v3 =	vand.u32 $0xFFFF0000, v29;
	v36 =	vshrl.u32 v28, $0x10;
	v37 =	vld [tilespmem:s24+$0x6420]  }
0x294: {  	v3 =	vor.u32 v36, v3;
	v38 =	vld [tilespmem:s24+$0x6430]  }
0x295: {  	[tilespmem:s29+$0xF450] =	vst v3;
	v3 =	vand.u32 $0xFFFF0000, v32;
	v39 =	vshrl.u32 v31, $0x10  }
0x296: {  	v40 =	vld [tilespmem:s30+$0x6440];
	v3 =	vor.u32 v39, v3  }
0x297: {  	v41 =	vld [tilespmem:s30+$0x6450];
	[tilespmem:s18+$0xF450] =	vst v3;
	v3 =	vand.u32 $0xFFFF0000, v35;
	v42 =	vshrl.u32 v34, $0x10  }
0x298: {  	v43 =	vld [tilespmem:s4+$0x6440];
	v3 =	vor.u32 v42, v3  }
0x299: {  	v44 =	vld [tilespmem:s4+$0x6450];
	[tilespmem:s19+$0xF450] =	vst v3;
	v3 =	vand.u32 $0xFFFF0000, v38;
	v45 =	vshrl.u32 v37, $0x10  }
0x29a: {  	v46 =	vld [tilespmem:s23+$0x6440];
	v3 =	vor.u32 v45, v3  }
0x29b: {  	v47 =	vld [tilespmem:s23+$0x6450];
	[tilespmem:s1+$0xF450] =	vst v3  }
0x29c: {  	v3 =	vand.u32 $0xFFFF0000, v41;
	v48 =	vshrl.u32 v40, $0x10;
	v49 =	vld [tilespmem:s24+$0x6440]  }
0x29d: {  	v3 =	vor.u32 v48, v3;
	v50 =	vld [tilespmem:s24+$0x6450]  }
0x29e: {  	[tilespmem:s29+$0xF460] =	vst v3;
	v3 =	vand.u32 $0xFFFF0000, v44;
	v51 =	vshrl.u32 v43, $0x10  }
0x29f: {  	v52 =	vld [tilespmem:s30+$0x6460];
	v3 =	vor.u32 v51, v3  }
0x2a0: {  	v53 =	vld [tilespmem:s30+$0x6470];
	[tilespmem:s18+$0xF460] =	vst v3;
	v3 =	vand.u32 $0xFFFF0000, v47;
	v54 =	vshrl.u32 v46, $0x10  }
0x2a1: {  	v55 =	vld [tilespmem:s4+$0x6460];
	v3 =	vor.u32 v54, v3  }
0x2a2: {  	v56 =	vld [tilespmem:s4+$0x6470];
	[tilespmem:s19+$0xF460] =	vst v3;
	v3 =	vand.u32 $0xFFFF0000, v50;
	v57 =	vshrl.u32 v49, $0x10  }
0x2a3: {  	v58 =	vld [tilespmem:s23+$0x6460];
	v3 =	vor.u32 v57, v3  }
0x2a4: {  	v59 =	vld [tilespmem:s23+$0x6470];
	[tilespmem:s1+$0xF460] =	vst v3  }
0x2a5: {  	v3 =	vld [tilespmem:s24+$0x6460]  }
0x2a6: {  	v60 =	vld [tilespmem:s24+$0x6470]  }
0x2a7: {  	s0 =	rddreg [dreg:$0x14]  }
0x2a8: {  	p0 =	slt.u32 s0, $0xC;
	v7 =	vand.u32 $0xFFFF0000, v53;
	v9 =	vshrl.u32 v52, $0x10  }
.Ltmp0:
0x2a9: {  	v7 =	vor.u32 v9, v7;
	v4 =	vand.u32 $0xFFFF0000, v56;
	v6 =	vshrl.u32 v55, $0x10;
	(pc) =	sbr.rel @p0 .LBB2_3-.Ltmp0, $4  }
0x2aa: {  	[tilespmem:s29+$0xF470] =	vst v7;
	v4 =	vor.u32 v6, v4;
	v5 =	vand.u32 $0xFFFF0000, v59;
	v61 =	vshrl.u32 v58, $0x10  }
0x2ab: {  	[tilespmem:s18+$0xF470] =	vst v4;
	v62 =	vor.u32 v61, v5;
	v63 =	vand.u32 $0xFFFF0000, v60;
	v3 =	vshrl.u32 v3, $0x10  }
0x2ac: {  	s31 =	rddreg [dreg:$0x15];
	[tilespmem:s19+$0xF470] =	vst v62;
	v3 =	vor.u32 v3, v63  }
0x2ad: {  	[tilespmem:s1+$0xF470] =	vst v3;
	s1 =	sadd.s32 $0x200, s31  }
0x2ae: {  	s0 =	rddreg [dreg:$0x11]  }
0x2af: {  	s5 =	rddreg [dreg:$0x12];
	p0 =	seq.s32 s0, $0xF  }
0x2b0: {  	v3 =	vld @!p0 [tilespmem:s5+$0x20];
	_ =	sdelay $0x4  }
0x2b1: {  	v4 =	vshrl.u32 @!p0 v3, $0x3  }
0x2b2: {  	v4 =	vmul.u32 @!p0 $0x30, v4  }
0x2b3: {  	v5 =	vlaneseq.u32 @!p0;
	v3 =	vand.u32 @!p0 $0x7, v3  }
0x2b4: {  	v6 =	vshrl.u32 @!p0 v5, $0x3;
	v3 =	vor.u32 @!p0 v3, v4;
	v4 =	vand.u32 @!p0 $0x7, v5  }
0x2b5: {  	v6 =	vmul.u32 @!p0 $0x8, v6;
	v7 =	vperm.xlane @!p0 v3, v4;
	_ =	sdelay $0x1  }
0x2b6: {  	v7 =	vadd.s32 @!p0 v6, v7;
	_ =	sdelay $0x2  }
0x2b7: {  	v5 =	vor.u32 @!p0 $0x8, v5  }
0x2b8: {  	s2 =	rddreg [dreg:$0x2];
	vm1 =	vmmov @!p0 $0xffff;
	s0 =	simm.s32 @!p0 $0x0;
	s1 =	simm.s32 @!p0 $0x400;
	v3 =	vperm.xlane @!p0 v3, v5  }
0x2b9: {  	[tilespmem:s1], [sflag:$0x1] =	stream.indirect_vreg.gather @!p0 [hbm4b:s2+s0], $0x80, v7, vm1, $0xb8;
	[tilespmem:$0x12400] =	vst v63  }
0x2ba: {  	s3 =	rddreg [dreg:$0xb];
	v3 =	vadd.s32 @!p0 v6, v3;
	s1 =	simm.s32 @!p0 $0xC00  }
0x2bb: {  	[tilespmem:s1], [sflag:$0x1] =	stream.indirect_vreg.gather @!p0 [hbm4b:s3+s0], $0x80, v7, vm1, $0xb8;
	[tilespmem:$0x12400] =	vst v63  }
0x2bc: {  	s4 =	rddreg [dreg:$0xc];
	s1 =	simm.s32 @!p0 $0x1400  }
0x2bd: {  	[tilespmem:s1], [sflag:$0x1] =	stream.indirect_vreg.gather @!p0 [hbm4b:s4+s0], $0x80, v7, vm1, $0xb8;
	[tilespmem:$0x12400] =	vst v63  }
0x2be: {  	s1 =	simm.s32 @!p0 $0x1C00  }
0x2bf: {  	[tilespmem:s1], [sflag:$0x1] =	stream.indirect_vreg.gather @!p0 [hbm4b:s2+s0], $0x80, v3, vm1, $0xb8;
	[tilespmem:$0x12400] =	vst v63  }
0x2c0: {  	s1 =	simm.s32 @!p0 $0x2400  }
0x2c1: {  	[tilespmem:s1], [sflag:$0x1] =	stream.indirect_vreg.gather @!p0 [hbm4b:s3+s0], $0x80, v3, vm1, $0xb8;
	[tilespmem:$0x12400] =	vst v63  }
0x2c2: {  	s1 =	simm.s32 @!p0 $0x2C00  }
0x2c3: {  	[tilespmem:s1], [sflag:$0x1] =	stream.indirect_vreg.gather @!p0 [hbm4b:s4+s0], $0x80, v3, vm1, $0xb8;
	[tilespmem:$0x12400] =	vst v63  }
0x2c4: {  	v3 =	vld @!p0 [tilespmem:s5+$0x220];
	_ =	sdelay $0x4  }
0x2c5: {  	v7 =	vshrl.u32 @!p0 v3, $0x3  }
0x2c6: {  	v7 =	vmul.u32 @!p0 $0x30, v7  }
0x2c7: {  	v3 =	vand.u32 @!p0 $0x7, v3  }
0x2c8: {  	v3 =	vor.u32 @!p0 v3, v7  }
0x2c9: {  	v4 =	vperm.xlane @!p0 v3, v4;
	_ =	sdelay $0x1  }
0x2ca: {  	v4 =	vadd.s32 @!p0 v6, v4;
	_ =	sdelay $0x3  }
0x2cb: {  	s2 =	rddreg [dreg:$0x3];
	s1 =	simm.s32 @!p0 $0x6400;
	v3 =	vperm.xlane @!p0 v3, v5  }
0x2cc: {  	[tilespmem:s1], [sflag:$0x3] =	stream.indirect_vreg.gather @!p0 [hbm4b:s2+s0], $0x80, v4, vm1, $0xb8;
	[tilespmem:$0x12400] =	vst v63  }
0x2cd: {  	s3 =	rddreg [dreg:$0xd];
	v3 =	vadd.s32 @!p0 v6, v3;
	s1 =	simm.s32 @!p0 $0x6C00  }
0x2ce: {  	[tilespmem:s1], [sflag:$0x3] =	stream.indirect_vreg.gather @!p0 [hbm4b:s3+s0], $0x80, v4, vm1, $0xb8;
	[tilespmem:$0x12400] =	vst v63  }
0x2cf: {  	s4 =	rddreg [dreg:$0xe];
	s1 =	simm.s32 @!p0 $0x7400  }
0x2d0: {  	[tilespmem:s1], [sflag:$0x3] =	stream.indirect_vreg.gather @!p0 [hbm4b:s4+s0], $0x80, v4, vm1, $0xb8;
	[tilespmem:$0x12400] =	vst v63  }
0x2d1: {  	s1 =	simm.s32 @!p0 $0x7C00  }
0x2d2: {  	[tilespmem:s1], [sflag:$0x3] =	stream.indirect_vreg.gather @!p0 [hbm4b:s2+s0], $0x80, v3, vm1, $0xb8;
	[tilespmem:$0x12400] =	vst v63  }
0x2d3: {  	s22 =	rddreg [dreg:$0x6];
	s1 =	simm.s32 @!p0 $0x8400  }
0x2d4: {  	[tilespmem:s1], [sflag:$0x3] =	stream.indirect_vreg.gather @!p0 [hbm4b:s3+s0], $0x80, v3, vm1, $0xb8;
	[tilespmem:$0x12400] =	vst v63  }
0x2d5: {  	s1 =	sor.u32 s22, s5  }
0x2d6: {  	s24 =	rddreg [dreg:$0x7];
	s25 =	simm.s32 $0x0;
	s1 =	sshrl.u32 s1, $0x3  }
0x2d7: {  	s26 =	simm.s32 $0xC400;
	s2 =	simm.s32 @!p0 $0x8C00;
	s23 =	smul.u32 $0x180, s1  }
0x2d8: {  	[tilespmem:s2], [sflag:$0x3] =	stream.indirect_vreg.gather @!p0 [hbm4b:s4+s0], $0x80, v3, vm1, $0xb8;
	[tilespmem:$0x12400] =	vst v63  }
0x2d9: {  	s28 =	rddreg [dreg:$0x8];
	s29 =	simm.s32 $0xF400;
	s0 =	sadd.s32 s24, s23  }
0x2da: {  	[hbm4b:s0+s25] =	stream.linear.scatter [tilespmem:s26], [sflag:$0x5], $0x1800, $0x38;
	[tilespmem:$0x12400] =	vst v63  }
0x2db: {  	s30 =	simm.s32 $0x2;
	[dreg:$0x13] =	wrdreg s23;
	s0 =	sadd.s32 s28, s23  }
0x2dc: {  	[hbm4b:s0+s25] =	stream.linear.scatter [tilespmem:s29], [sflag:$0x7], $0x1800, $0x38;
	[tilespmem:$0x12400] =	vst v63  }
0x2dd: {  	_ =	swait.ge [sflag:s30], $0x3000  }
0x2de: {  	[sflag:s30] =	ssyncset.done $0x0  }
0x2df: {  	s31 =	simm.s32 $0x4;
	[sflag:s30] =	ssyncadd.s32 $0xFFFFD000  }
0x2e0: {  	_ =	swait.ge [sflag:s31], $0x3000  }
0x2e1: {  	[sflag:s31] =	ssyncset.done $0x0  }
0x2e2: {  	s0 =	simm.s32 @!p1 $0x6;
	[sflag:s31] =	ssyncadd.s32 $0xFFFFD000  }
0x2e3: {  	_ =	swait.ge @!p1 [sflag:s0], $0x1800  }
0x2e4: {  	[sflag:s0] =	ssyncset.done @!p1 $0x0  }
0x2e5: {  	[sflag:s0] =	ssyncadd.s32 @!p1 $0xFFFFE800;
	s0 =	simm.s32 @!p1 $0x8  }
0x2e6: {  	_ =	swait.ge @!p1 [sflag:s0], $0x1800  }
0x2e7: {  	s8 =	simm.s32 $0xFFFFFFFC;
	[sflag:s0] =	ssyncset.done @!p1 $0x0  }
0x2e8: {  	s5 =	simm.s32 $0x0;
	s23 =	simm.s32 $0x0;
	[sflag:s0] =	ssyncadd.s32 @!p1 $0xFFFFE800  }
.LBB2_5:
0x2e9: {  	s9 =	sadd.s32 $0x4, s8  }
0x2ea: {  	s0 =	sshrl.u32 s9, $0x3  }
0x2eb: {  	s2 =	smul.u32 $0x1800, s0;
	_ =	sdelay $0x1  }
0x2ec: {  	s12 =	sand.u32 $0x200, s23;
	s11 =	sadd.s32 $0x3000, s2  }
0x2ed: {  	s6 =	sor.u32 s12, s11  }
0x2ee: {  	v3 =	vld [tilespmem:s6+$0x400]  }
0x2ef: {  	v4 =	vld [tilespmem:s6+$0x410];
	_ =	sdelay $0x3  }
0x2f0: {  	s0 =	smul.u32 $0xC00, s0  }
0x2f1: {  	v4 =	vand.u32 $0xFFFF0000, v4;
	v3 =	vshrl.u32 v3, $0x10  }
0x2f2: {  	s14 =	sor.u32 s12, s0;
	v3 =	vor.u32 v3, v4  }
0x2f3: {  	[tilespmem:s14+$0xDC00] =	vst v3  }
0x2f4: {  	v3 =	vld [tilespmem:s6+$0x420]  }
0x2f5: {  	v12 =	vld [tilespmem:s6+$0x430];
	_ =	sdelay $0x4  }
0x2f6: {  	v4 =	vand.u32 $0xFFFF0000, v12;
	v3 =	vshrl.u32 v3, $0x10  }
0x2f7: {  	v3 =	vor.u32 v3, v4  }
0x2f8: {  	[tilespmem:s14+$0xDC10] =	vst v3  }
0x2f9: {  	v3 =	vld [tilespmem:s6+$0x440]  }
0x2fa: {  	v13 =	vld [tilespmem:s6+$0x450];
	_ =	sdelay $0x4  }
0x2fb: {  	v4 =	vand.u32 $0xFFFF0000, v13;
	v3 =	vshrl.u32 v3, $0x10  }
0x2fc: {  	v3 =	vor.u32 v3, v4  }
0x2fd: {  	[tilespmem:s14+$0xDC20] =	vst v3  }
0x2fe: {  	v3 =	vld [tilespmem:s6+$0x460]  }
0x2ff: {  	v14 =	vld [tilespmem:s6+$0x470];
	_ =	sdelay $0x4  }
0x300: {  	v4 =	vand.u32 $0xFFFF0000, v14;
	v3 =	vshrl.u32 v3, $0x10  }
0x301: {  	s3 =	sadd.s32 $0x3400, s2;
	v3 =	vor.u32 v3, v4  }
0x302: {  	s30 =	sor.u32 s12, s3;
	[tilespmem:s14+$0xDC30] =	vst v3  }
0x303: {  	v3 =	vld [tilespmem:s30+$0x400]  }
0x304: {  	v15 =	vld [tilespmem:s30+$0x410];
	_ =	sdelay $0x4  }
0x305: {  	v4 =	vand.u32 $0xFFFF0000, v15;
	v3 =	vshrl.u32 v3, $0x10  }
0x306: {  	v3 =	vor.u32 v3, v4  }
0x307: {  	[tilespmem:s14+$0xDC40] =	vst v3  }
0x308: {  	v3 =	vld [tilespmem:s30+$0x420]  }
0x309: {  	v16 =	vld [tilespmem:s30+$0x430];
	_ =	sdelay $0x4  }
0x30a: {  	v4 =	vand.u32 $0xFFFF0000, v16;
	v3 =	vshrl.u32 v3, $0x10  }
0x30b: {  	v3 =	vor.u32 v3, v4  }
0x30c: {  	[tilespmem:s14+$0xDC50] =	vst v3  }
0x30d: {  	v3 =	vld [tilespmem:s30+$0x440]  }
0x30e: {  	v17 =	vld [tilespmem:s30+$0x450];
	_ =	sdelay $0x4  }
0x30f: {  	v4 =	vand.u32 $0xFFFF0000, v17;
	v3 =	vshrl.u32 v3, $0x10  }
0x310: {  	v3 =	vor.u32 v3, v4  }
0x311: {  	[tilespmem:s14+$0xDC60] =	vst v3  }
0x312: {  	v3 =	vld [tilespmem:s30+$0x460]  }
0x313: {  	v18 =	vld [tilespmem:s30+$0x470];
	_ =	sdelay $0x4  }
0x314: {  	v4 =	vand.u32 $0xFFFF0000, v18;
	v3 =	vshrl.u32 v3, $0x10  }
0x315: {  	s10 =	sadd.s32 $0x3800, s2;
	v3 =	vor.u32 v3, v4  }
0x316: {  	s29 =	sor.u32 s12, s10;
	[tilespmem:s14+$0xDC70] =	vst v3  }
0x317: {  	v3 =	vld [tilespmem:s29+$0x400]  }
0x318: {  	v19 =	vld [tilespmem:s29+$0x410];
	_ =	sdelay $0x4  }
0x319: {  	v4 =	vand.u32 $0xFFFF0000, v19;
	v3 =	vshrl.u32 v3, $0x10  }
0x31a: {  	v3 =	vor.u32 v3, v4  }
0x31b: {  	[tilespmem:s14+$0xE000] =	vst v3  }
0x31c: {  	v3 =	vld [tilespmem:s29+$0x420]  }
0x31d: {  	v20 =	vld [tilespmem:s29+$0x430];
	_ =	sdelay $0x4  }
0x31e: {  	v4 =	vand.u32 $0xFFFF0000, v20;
	v3 =	vshrl.u32 v3, $0x10  }
0x31f: {  	v3 =	vor.u32 v3, v4  }
0x320: {  	[tilespmem:s14+$0xE010] =	vst v3  }
0x321: {  	v3 =	vld [tilespmem:s29+$0x440]  }
0x322: {  	v21 =	vld [tilespmem:s29+$0x450];
	_ =	sdelay $0x4  }
0x323: {  	v4 =	vand.u32 $0xFFFF0000, v21;
	v3 =	vshrl.u32 v3, $0x10  }
0x324: {  	v3 =	vor.u32 v3, v4  }
0x325: {  	[tilespmem:s14+$0xE020] =	vst v3  }
0x326: {  	v3 =	vld [tilespmem:s29+$0x460]  }
0x327: {  	v22 =	vld [tilespmem:s29+$0x470];
	_ =	sdelay $0x4  }
0x328: {  	v4 =	vand.u32 $0xFFFF0000, v22;
	v3 =	vshrl.u32 v3, $0x10  }
0x329: {  	s1 =	sadd.s32 $0x3C00, s2;
	v3 =	vor.u32 v3, v4  }
0x32a: {  	s25 =	sor.u32 s12, s1;
	[tilespmem:s14+$0xE030] =	vst v3  }
0x32b: {  	v3 =	vld [tilespmem:s25+$0x400]  }
0x32c: {  	v23 =	vld [tilespmem:s25+$0x410];
	_ =	sdelay $0x4  }
0x32d: {  	v4 =	vand.u32 $0xFFFF0000, v23;
	v3 =	vshrl.u32 v3, $0x10  }
0x32e: {  	v3 =	vor.u32 v3, v4  }
0x32f: {  	[tilespmem:s14+$0xE040] =	vst v3  }
0x330: {  	v3 =	vld [tilespmem:s25+$0x420]  }
0x331: {  	v24 =	vld [tilespmem:s25+$0x430];
	_ =	sdelay $0x4  }
0x332: {  	v4 =	vand.u32 $0xFFFF0000, v24;
	v3 =	vshrl.u32 v3, $0x10  }
0x333: {  	v3 =	vor.u32 v3, v4  }
0x334: {  	[tilespmem:s14+$0xE050] =	vst v3  }
0x335: {  	v3 =	vld [tilespmem:s25+$0x440]  }
0x336: {  	v25 =	vld [tilespmem:s25+$0x450];
	_ =	sdelay $0x4  }
0x337: {  	v4 =	vand.u32 $0xFFFF0000, v25;
	v3 =	vshrl.u32 v3, $0x10  }
0x338: {  	v3 =	vor.u32 v3, v4  }
0x339: {  	[tilespmem:s14+$0xE060] =	vst v3  }
0x33a: {  	v3 =	vld [tilespmem:s25+$0x460]  }
0x33b: {  	v26 =	vld [tilespmem:s25+$0x470];
	_ =	sdelay $0x4  }
0x33c: {  	v4 =	vand.u32 $0xFFFF0000, v26;
	v3 =	vshrl.u32 v3, $0x10  }
0x33d: {  	v3 =	vor.u32 v3, v4  }
0x33e: {  	s0 =	sor.u32 s12, s2;
	[tilespmem:s14+$0xE070] =	vst v3  }
0x33f: {  	v3 =	vld [tilespmem:s0+$0x4400]  }
0x340: {  	v27 =	vld [tilespmem:s0+$0x4410];
	_ =	sdelay $0x4  }
0x341: {  	v4 =	vand.u32 $0xFFFF0000, v27;
	v3 =	vshrl.u32 v3, $0x10  }
0x342: {  	v3 =	vor.u32 v3, v4  }
0x343: {  	[tilespmem:s14+$0xE400] =	vst v3  }
0x344: {  	v3 =	vld [tilespmem:s0+$0x4420]  }
0x345: {  	v28 =	vld [tilespmem:s0+$0x4430];
	_ =	sdelay $0x4  }
0x346: {  	v4 =	vand.u32 $0xFFFF0000, v28;
	v3 =	vshrl.u32 v3, $0x10  }
0x347: {  	v3 =	vor.u32 v3, v4  }
0x348: {  	[tilespmem:s14+$0xE410] =	vst v3  }
0x349: {  	v3 =	vld [tilespmem:s0+$0x4440]  }
0x34a: {  	v29 =	vld [tilespmem:s0+$0x4450];
	_ =	sdelay $0x4  }
0x34b: {  	v4 =	vand.u32 $0xFFFF0000, v29;
	v3 =	vshrl.u32 v3, $0x10  }
0x34c: {  	v3 =	vor.u32 v3, v4  }
0x34d: {  	[tilespmem:s14+$0xE420] =	vst v3  }
0x34e: {  	v3 =	vld [tilespmem:s0+$0x4460]  }
0x34f: {  	v30 =	vld [tilespmem:s0+$0x4470];
	_ =	sdelay $0x2  }
0x350: {  	s4 =	sshrl.u32 s5, $0x3  }
0x351: {  	s4 =	smul.u32 $0x1800, s4  }
0x352: {  	v4 =	vand.u32 $0xFFFF0000, v30;
	v3 =	vshrl.u32 v3, $0x10  }
0x353: {  	s4 =	sadd.s32 s4, s23;
	v3 =	vor.u32 v3, v4  }
0x354: {  	s7 =	sor.u32 $0x4400, s4;
	[tilespmem:s14+$0xE430] =	vst v3  }
0x355: {  	s24 =	sor.u32 $0x4410, s4;
	v3 =	vld [tilespmem:s7+$0x400]  }
0x356: {  	v31 =	vld [tilespmem:s24+$0x400];
	_ =	sdelay $0x4  }
0x357: {  	v4 =	vand.u32 $0xFFFF0000, v31;
	v3 =	vshrl.u32 v3, $0x10  }
0x358: {  	v3 =	vor.u32 v3, v4  }
0x359: {  	s28 =	sor.u32 $0x4420, s4;
	[tilespmem:s14+$0xE440] =	vst v3  }
0x35a: {  	s31 =	sor.u32 $0x4430, s4;
	v3 =	vld [tilespmem:s28+$0x400]  }
0x35b: {  	v32 =	vld [tilespmem:s31+$0x400];
	_ =	sdelay $0x4  }
0x35c: {  	v4 =	vand.u32 $0xFFFF0000, v32;
	v3 =	vshrl.u32 v3, $0x10  }
0x35d: {  	v3 =	vor.u32 v3, v4  }
0x35e: {  	s13 =	sor.u32 $0x4440, s4;
	[tilespmem:s14+$0xE450] =	vst v3  }
0x35f: {  	s15 =	sor.u32 $0x4450, s4;
	v3 =	vld [tilespmem:s13+$0x400]  }
0x360: {  	v33 =	vld [tilespmem:s15+$0x400];
	_ =	sdelay $0x4  }
0x361: {  	v4 =	vand.u32 $0xFFFF0000, v33;
	v3 =	vshrl.u32 v3, $0x10  }
0x362: {  	v3 =	vor.u32 v3, v4  }
0x363: {  	s16 =	sor.u32 $0x4460, s4;
	[tilespmem:s14+$0xE460] =	vst v3  }
0x364: {  	s4 =	sor.u32 $0x4470, s4;
	v3 =	vld [tilespmem:s16+$0x400]  }
0x365: {  	v34 =	vld [tilespmem:s4+$0x400];
	_ =	sdelay $0x4  }
0x366: {  	v4 =	vand.u32 $0xFFFF0000, v34;
	v3 =	vshrl.u32 v3, $0x10  }
0x367: {  	v3 =	vor.u32 v3, v4  }
0x368: {  	[tilespmem:s14+$0xE470] =	vst v3  }
0x369: {  	[dreg:$0x1c] =	wrdreg s7;
	s7 =	sor.u32 $0x80, s12;
	v3 =	vld [tilespmem:s6+$0x6400]  }
0x36a: {  	[dreg:$0x1a] =	wrdreg s28;
	s18 =	sor.u32 s7, s11;
	v35 =	vld [tilespmem:s6+$0x6410]  }
0x36b: {  	[dreg:$0x1b] =	wrdreg s31;
	v5 =	vld [tilespmem:s18+$0x400];
	s31 =	sor.u32 $0x100, s12  }
0x36c: {  	[dreg:$0x16] =	wrdreg s16;
	v6 =	vld [tilespmem:s18+$0x410];
	s16 =	sor.u32 s31, s11  }
0x36d: {  	[dreg:$0x18] =	wrdreg s13;
	s28 =	sor.u32 $0x180, s12;
	v7 =	vld [tilespmem:s16+$0x400]  }
0x36e: {  	s17 =	sadd.s32 $0x15, s8;
	[dreg:$0x19] =	wrdreg s15;
	s15 =	sor.u32 s28, s11;
	v8 =	vld [tilespmem:s16+$0x410]  }
0x36f: {  	s20 =	sadd.s32 $0x880, s23;
	[dreg:$0x17] =	wrdreg s4;
	s12 =	sshrl.u32 s17, $0x3;
	v9 =	vld [tilespmem:s15+$0x400];
	v4 =	vand.u32 $0xFFFF0000, v35;
	v3 =	vshrl.u32 v3, $0x10  }
0x370: {  	s19 =	smul.u32 $0xC00, s12;
	s13 =	sadd.s32 $0x16, s8;
	v10 =	vld [tilespmem:s15+$0x410];
	s4 =	sadd.s32 $0x1800, s14;
	v3 =	vor.u32 v3, v4  }
0x371: {  	s22 =	sadd.s32 $0x17, s8;
	v6 =	vand.u32 $0xFFFF0000, v6;
	v5 =	vshrl.u32 v5, $0x10;
	s12 =	sand.u32 $0x280, s20;
	s21 =	sshrl.u32 s13, $0x3;
	[tilespmem:s4+$0xF400] =	vst v3  }
0x372: {  	s26 =	sadd.s32 $0x900, s23;
	v5 =	vor.u32 v5, v6;
	s17 =	sor.u32 s12, s19;
	s11 =	smul.u32 $0xC00, s21;
	v3 =	vld [tilespmem:s6+$0x6420]  }
0x373: {  	s12 =	sand.u32 $0x300, s26;
	s8 =	sshrl.u32 s22, $0x3;
	v36 =	vand.u32 $0xFFFF0000, v8;
	v37 =	vshrl.u32 v7, $0x10;
	v4 =	vld [tilespmem:s6+$0x6430];
	[tilespmem:s17+$0xC400] =	vst v5  }
0x374: {  	s8 =	smul.u32 $0xC00, s8;
	s13 =	sadd.s32 $0x980, s23;
	s19 =	sor.u32 s12, s11;
	v5 =	vor.u32 v37, v36;
	v38 =	vld [tilespmem:s18+$0x420]  }
0x375: {  	v40 =	vand.u32 $0xFFFF0000, v10;
	v41 =	vshrl.u32 v9, $0x10;
	s11 =	sand.u32 $0x380, s13;
	v39 =	vld [tilespmem:s18+$0x430];
	[tilespmem:s19+$0xC400] =	vst v5  }
0x376: {  	s26 =	sor.u32 s11, s8;
	v5 =	vor.u32 v41, v40;
	v42 =	vld [tilespmem:s16+$0x420]  }
0x377: {  	v43 =	vld [tilespmem:s16+$0x430];
	[tilespmem:s26+$0xC400] =	vst v5  }
0x378: {  	v5 =	vld [tilespmem:s15+$0x420]  }
0x379: {  	v44 =	vld [tilespmem:s15+$0x430]  }
0x37a: {  	v6 =	vand.u32 $0xFFFF0000, v39;
	v7 =	vshrl.u32 v38, $0x10  }
0x37b: {  	v6 =	vor.u32 v7, v6  }
0x37c: {  	v45 =	vand.u32 $0xFFFF0000, v43;
	v46 =	vshrl.u32 v42, $0x10;
	[tilespmem:s17+$0xC410] =	vst v6  }
0x37d: {  	v6 =	vor.u32 v46, v45;
	v47 =	vld [tilespmem:s18+$0x440]  }
0x37e: {  	v49 =	vand.u32 $0xFFFF0000, v44;
	v5 =	vshrl.u32 v5, $0x10;
	v48 =	vld [tilespmem:s18+$0x450];
	[tilespmem:s19+$0xC410] =	vst v6  }
0x37f: {  	v5 =	vor.u32 v5, v49;
	v50 =	vld [tilespmem:s16+$0x440]  }
0x380: {  	v51 =	vld [tilespmem:s16+$0x450];
	[tilespmem:s26+$0xC410] =	vst v5  }
0x381: {  	v5 =	vld [tilespmem:s15+$0x440]  }
0x382: {  	v52 =	vld [tilespmem:s15+$0x450]  }
0x383: {  	v7 =	vand.u32 $0xFFFF0000, v48;
	v8 =	vshrl.u32 v47, $0x10  }
0x384: {  	v7 =	vor.u32 v8, v7  }
0x385: {  	v6 =	vand.u32 $0xFFFF0000, v51;
	v53 =	vshrl.u32 v50, $0x10;
	[tilespmem:s17+$0xC420] =	vst v7  }
0x386: {  	v6 =	vor.u32 v53, v6;
	v54 =	vld [tilespmem:s18+$0x460]  }
0x387: {  	v56 =	vand.u32 $0xFFFF0000, v52;
	v5 =	vshrl.u32 v5, $0x10;
	v55 =	vld [tilespmem:s18+$0x470];
	[tilespmem:s19+$0xC420] =	vst v6  }
0x388: {  	v5 =	vor.u32 v5, v56;
	v57 =	vld [tilespmem:s16+$0x460]  }
0x389: {  	v58 =	vld [tilespmem:s16+$0x470];
	[tilespmem:s26+$0xC420] =	vst v5  }
0x38a: {  	v5 =	vld [tilespmem:s15+$0x460]  }
0x38b: {  	v59 =	vld [tilespmem:s15+$0x470]  }
0x38c: {  	v7 =	vand.u32 $0xFFFF0000, v55;
	v8 =	vshrl.u32 v54, $0x10  }
0x38d: {  	v7 =	vor.u32 v8, v7  }
0x38e: {  	s22 =	sor.u32 s7, s3;
	v6 =	vand.u32 $0xFFFF0000, v58;
	v60 =	vshrl.u32 v57, $0x10;
	[tilespmem:s17+$0xC430] =	vst v7  }
0x38f: {  	v6 =	vor.u32 v60, v6;
	v61 =	vld [tilespmem:s22+$0x400]  }
0x390: {  	s8 =	sor.u32 s31, s3;
	v63 =	vand.u32 $0xFFFF0000, v59;
	v5 =	vshrl.u32 v5, $0x10;
	v62 =	vld [tilespmem:s22+$0x410];
	[tilespmem:s19+$0xC430] =	vst v6  }
0x391: {  	v5 =	vor.u32 v5, v63;
	v12 =	vld [tilespmem:s8+$0x400]  }
0x392: {  	s3 =	sor.u32 s28, s3;
	v13 =	vld [tilespmem:s8+$0x410];
	[tilespmem:s26+$0xC430] =	vst v5  }
0x393: {  	v5 =	vld [tilespmem:s3+$0x400]  }
0x394: {  	v14 =	vld [tilespmem:s3+$0x410]  }
0x395: {  	v7 =	vand.u32 $0xFFFF0000, v62;
	v8 =	vshrl.u32 v61, $0x10  }
0x396: {  	v7 =	vor.u32 v8, v7  }
0x397: {  	v6 =	vand.u32 $0xFFFF0000, v13;
	v15 =	vshrl.u32 v12, $0x10;
	[tilespmem:s17+$0xC440] =	vst v7  }
0x398: {  	v6 =	vor.u32 v15, v6;
	v16 =	vld [tilespmem:s22+$0x420]  }
0x399: {  	v18 =	vand.u32 $0xFFFF0000, v14;
	v5 =	vshrl.u32 v5, $0x10;
	v17 =	vld [tilespmem:s22+$0x430];
	[tilespmem:s19+$0xC440] =	vst v6  }
0x39a: {  	v5 =	vor.u32 v5, v18;
	v19 =	vld [tilespmem:s8+$0x420]  }
0x39b: {  	v20 =	vld [tilespmem:s8+$0x430];
	[tilespmem:s26+$0xC440] =	vst v5  }
0x39c: {  	v5 =	vld [tilespmem:s3+$0x420]  }
0x39d: {  	v21 =	vld [tilespmem:s3+$0x430]  }
0x39e: {  	v7 =	vand.u32 $0xFFFF0000, v17;
	v8 =	vshrl.u32 v16, $0x10  }
0x39f: {  	v7 =	vor.u32 v8, v7  }
0x3a0: {  	v6 =	vand.u32 $0xFFFF0000, v20;
	v22 =	vshrl.u32 v19, $0x10;
	[tilespmem:s17+$0xC450] =	vst v7  }
0x3a1: {  	v6 =	vor.u32 v22, v6;
	v23 =	vld [tilespmem:s22+$0x440]  }
0x3a2: {  	v25 =	vand.u32 $0xFFFF0000, v21;
	v5 =	vshrl.u32 v5, $0x10;
	v24 =	vld [tilespmem:s22+$0x450];
	[tilespmem:s19+$0xC450] =	vst v6  }
0x3a3: {  	v5 =	vor.u32 v5, v25;
	v26 =	vld [tilespmem:s8+$0x440]  }
0x3a4: {  	v27 =	vld [tilespmem:s8+$0x450];
	[tilespmem:s26+$0xC450] =	vst v5  }
0x3a5: {  	v5 =	vld [tilespmem:s3+$0x440]  }
0x3a6: {  	v28 =	vld [tilespmem:s3+$0x450]  }
0x3a7: {  	v7 =	vand.u32 $0xFFFF0000, v24;
	v8 =	vshrl.u32 v23, $0x10  }
0x3a8: {  	v7 =	vor.u32 v8, v7  }
0x3a9: {  	v6 =	vand.u32 $0xFFFF0000, v27;
	v29 =	vshrl.u32 v26, $0x10;
	[tilespmem:s17+$0xC460] =	vst v7  }
0x3aa: {  	v6 =	vor.u32 v29, v6;
	v30 =	vld [tilespmem:s22+$0x460]  }
0x3ab: {  	v32 =	vand.u32 $0xFFFF0000, v28;
	v5 =	vshrl.u32 v5, $0x10;
	v31 =	vld [tilespmem:s22+$0x470];
	[tilespmem:s19+$0xC460] =	vst v6  }
0x3ac: {  	v5 =	vor.u32 v5, v32;
	v33 =	vld [tilespmem:s8+$0x460]  }
0x3ad: {  	v34 =	vld [tilespmem:s8+$0x470];
	[tilespmem:s26+$0xC460] =	vst v5  }
0x3ae: {  	v5 =	vld [tilespmem:s3+$0x460]  }
0x3af: {  	v35 =	vld [tilespmem:s3+$0x470]  }
0x3b0: {  	v7 =	vand.u32 $0xFFFF0000, v31;
	v8 =	vshrl.u32 v30, $0x10  }
0x3b1: {  	v7 =	vor.u32 v8, v7  }
0x3b2: {  	s13 =	sor.u32 s7, s10;
	v6 =	vand.u32 $0xFFFF0000, v34;
	v36 =	vshrl.u32 v33, $0x10;
	[tilespmem:s17+$0xC470] =	vst v7  }
0x3b3: {  	v6 =	vor.u32 v36, v6;
	v37 =	vld [tilespmem:s13+$0x400]  }
0x3b4: {  	s21 =	sor.u32 s31, s10;
	v39 =	vand.u32 $0xFFFF0000, v35;
	v5 =	vshrl.u32 v5, $0x10;
	v38 =	vld [tilespmem:s13+$0x410];
	[tilespmem:s19+$0xC470] =	vst v6  }
0x3b5: {  	v5 =	vor.u32 v5, v39;
	v40 =	vld [tilespmem:s21+$0x400]  }
0x3b6: {  	s20 =	sor.u32 s28, s10;
	v41 =	vld [tilespmem:s21+$0x410];
	[tilespmem:s26+$0xC470] =	vst v5  }
0x3b7: {  	v5 =	vld [tilespmem:s20+$0x400]  }
0x3b8: {  	v42 =	vld [tilespmem:s20+$0x410]  }
0x3b9: {  	v7 =	vand.u32 $0xFFFF0000, v38;
	v8 =	vshrl.u32 v37, $0x10  }
0x3ba: {  	v7 =	vor.u32 v8, v7  }
0x3bb: {  	v6 =	vand.u32 $0xFFFF0000, v41;
	v43 =	vshrl.u32 v40, $0x10;
	[tilespmem:s17+$0xC800] =	vst v7  }
0x3bc: {  	v6 =	vor.u32 v43, v6;
	v44 =	vld [tilespmem:s13+$0x420]  }
0x3bd: {  	v46 =	vand.u32 $0xFFFF0000, v42;
	v5 =	vshrl.u32 v5, $0x10;
	v45 =	vld [tilespmem:s13+$0x430];
	[tilespmem:s19+$0xC800] =	vst v6  }
0x3be: {  	v5 =	vor.u32 v5, v46;
	v47 =	vld [tilespmem:s21+$0x420]  }
0x3bf: {  	v48 =	vld [tilespmem:s21+$0x430];
	[tilespmem:s26+$0xC800] =	vst v5  }
0x3c0: {  	v5 =	vld [tilespmem:s20+$0x420]  }
0x3c1: {  	v49 =	vld [tilespmem:s20+$0x430]  }
0x3c2: {  	v7 =	vand.u32 $0xFFFF0000, v45;
	v8 =	vshrl.u32 v44, $0x10  }
0x3c3: {  	v7 =	vor.u32 v8, v7  }
0x3c4: {  	v6 =	vand.u32 $0xFFFF0000, v48;
	v50 =	vshrl.u32 v47, $0x10;
	[tilespmem:s17+$0xC810] =	vst v7  }
0x3c5: {  	v6 =	vor.u32 v50, v6;
	v51 =	vld [tilespmem:s13+$0x440]  }
0x3c6: {  	v53 =	vand.u32 $0xFFFF0000, v49;
	v5 =	vshrl.u32 v5, $0x10;
	v52 =	vld [tilespmem:s13+$0x450];
	[tilespmem:s19+$0xC810] =	vst v6  }
0x3c7: {  	v5 =	vor.u32 v5, v53;
	v54 =	vld [tilespmem:s21+$0x440]  }
0x3c8: {  	v55 =	vld [tilespmem:s21+$0x450];
	[tilespmem:s26+$0xC810] =	vst v5  }
0x3c9: {  	v5 =	vld [tilespmem:s20+$0x440]  }
0x3ca: {  	v56 =	vld [tilespmem:s20+$0x450]  }
0x3cb: {  	v7 =	vand.u32 $0xFFFF0000, v52;
	v8 =	vshrl.u32 v51, $0x10  }
0x3cc: {  	v7 =	vor.u32 v8, v7  }
0x3cd: {  	v6 =	vand.u32 $0xFFFF0000, v55;
	v57 =	vshrl.u32 v54, $0x10;
	[tilespmem:s17+$0xC820] =	vst v7  }
0x3ce: {  	v6 =	vor.u32 v57, v6;
	v58 =	vld [tilespmem:s13+$0x460]  }
0x3cf: {  	v60 =	vand.u32 $0xFFFF0000, v56;
	v5 =	vshrl.u32 v5, $0x10;
	v59 =	vld [tilespmem:s13+$0x470];
	[tilespmem:s19+$0xC820] =	vst v6  }
0x3d0: {  	v5 =	vor.u32 v5, v60;
	v61 =	vld [tilespmem:s21+$0x460]  }
0x3d1: {  	v62 =	vld [tilespmem:s21+$0x470];
	[tilespmem:s26+$0xC820] =	vst v5  }
0x3d2: {  	v5 =	vld [tilespmem:s20+$0x460]  }
0x3d3: {  	v63 =	vld [tilespmem:s20+$0x470]  }
0x3d4: {  	v7 =	vand.u32 $0xFFFF0000, v59;
	v8 =	vshrl.u32 v58, $0x10  }
0x3d5: {  	v7 =	vor.u32 v8, v7  }
0x3d6: {  	s10 =	sor.u32 s7, s1;
	v6 =	vand.u32 $0xFFFF0000, v62;
	v12 =	vshrl.u32 v61, $0x10;
	[tilespmem:s17+$0xC830] =	vst v7  }
0x3d7: {  	v6 =	vor.u32 v12, v6;
	v13 =	vld [tilespmem:s10+$0x400]  }
0x3d8: {  	s12 =	sor.u32 s31, s1;
	v15 =	vand.u32 $0xFFFF0000, v63;
	v5 =	vshrl.u32 v5, $0x10;
	v14 =	vld [tilespmem:s10+$0x410];
	[tilespmem:s19+$0xC830] =	vst v6  }
0x3d9: {  	v5 =	vor.u32 v5, v15;
	v16 =	vld [tilespmem:s12+$0x400]  }
0x3da: {  	s11 =	sor.u32 s28, s1;
	v17 =	vld [tilespmem:s12+$0x410];
	[tilespmem:s26+$0xC830] =	vst v5  }
0x3db: {  	v5 =	vld [tilespmem:s11+$0x400]  }
0x3dc: {  	v18 =	vld [tilespmem:s11+$0x410]  }
0x3dd: {  	v7 =	vand.u32 $0xFFFF0000, v14;
	v8 =	vshrl.u32 v13, $0x10  }
0x3de: {  	v7 =	vor.u32 v8, v7  }
0x3df: {  	v6 =	vand.u32 $0xFFFF0000, v17;
	v19 =	vshrl.u32 v16, $0x10;
	[tilespmem:s17+$0xC840] =	vst v7  }
0x3e0: {  	v6 =	vor.u32 v19, v6;
	v20 =	vld [tilespmem:s10+$0x420]  }
0x3e1: {  	v22 =	vand.u32 $0xFFFF0000, v18;
	v5 =	vshrl.u32 v5, $0x10;
	v21 =	vld [tilespmem:s10+$0x430];
	[tilespmem:s19+$0xC840] =	vst v6  }
0x3e2: {  	v5 =	vor.u32 v5, v22;
	v23 =	vld [tilespmem:s12+$0x420]  }
0x3e3: {  	v24 =	vld [tilespmem:s12+$0x430];
	[tilespmem:s26+$0xC840] =	vst v5  }
0x3e4: {  	v5 =	vld [tilespmem:s11+$0x420]  }
0x3e5: {  	v25 =	vld [tilespmem:s11+$0x430]  }
0x3e6: {  	v7 =	vand.u32 $0xFFFF0000, v21;
	v8 =	vshrl.u32 v20, $0x10  }
0x3e7: {  	v7 =	vor.u32 v8, v7  }
0x3e8: {  	v6 =	vand.u32 $0xFFFF0000, v24;
	v26 =	vshrl.u32 v23, $0x10;
	[tilespmem:s17+$0xC850] =	vst v7  }
0x3e9: {  	v6 =	vor.u32 v26, v6;
	v27 =	vld [tilespmem:s10+$0x440]  }
0x3ea: {  	v29 =	vand.u32 $0xFFFF0000, v25;
	v5 =	vshrl.u32 v5, $0x10;
	v28 =	vld [tilespmem:s10+$0x450];
	[tilespmem:s19+$0xC850] =	vst v6  }
0x3eb: {  	v5 =	vor.u32 v5, v29;
	v30 =	vld [tilespmem:s12+$0x440]  }
0x3ec: {  	v31 =	vld [tilespmem:s12+$0x450];
	[tilespmem:s26+$0xC850] =	vst v5  }
0x3ed: {  	v5 =	vld [tilespmem:s11+$0x440]  }
0x3ee: {  	v32 =	vld [tilespmem:s11+$0x450]  }
0x3ef: {  	v7 =	vand.u32 $0xFFFF0000, v28;
	v8 =	vshrl.u32 v27, $0x10  }
0x3f0: {  	v7 =	vor.u32 v8, v7  }
0x3f1: {  	v6 =	vand.u32 $0xFFFF0000, v31;
	v33 =	vshrl.u32 v30, $0x10;
	[tilespmem:s17+$0xC860] =	vst v7  }
0x3f2: {  	v6 =	vor.u32 v33, v6;
	v34 =	vld [tilespmem:s10+$0x460]  }
0x3f3: {  	v36 =	vand.u32 $0xFFFF0000, v32;
	v5 =	vshrl.u32 v5, $0x10;
	v35 =	vld [tilespmem:s10+$0x470];
	[tilespmem:s19+$0xC860] =	vst v6  }
0x3f4: {  	v5 =	vor.u32 v5, v36;
	v37 =	vld [tilespmem:s12+$0x460]  }
0x3f5: {  	v38 =	vld [tilespmem:s12+$0x470];
	[tilespmem:s26+$0xC860] =	vst v5  }
0x3f6: {  	v5 =	vld [tilespmem:s11+$0x460]  }
0x3f7: {  	v39 =	vld [tilespmem:s11+$0x470]  }
0x3f8: {  	v7 =	vand.u32 $0xFFFF0000, v35;
	v8 =	vshrl.u32 v34, $0x10  }
0x3f9: {  	v7 =	vor.u32 v8, v7  }
0x3fa: {  	s7 =	sor.u32 s2, s7;
	v6 =	vand.u32 $0xFFFF0000, v38;
	v40 =	vshrl.u32 v37, $0x10;
	[tilespmem:s17+$0xC870] =	vst v7  }
0x3fb: {  	v6 =	vor.u32 v40, v6;
	v41 =	vld [tilespmem:s7+$0x4400]  }
0x3fc: {  	s1 =	sor.u32 s2, s31;
	v43 =	vand.u32 $0xFFFF0000, v39;
	v5 =	vshrl.u32 v5, $0x10;
	v42 =	vld [tilespmem:s7+$0x4410];
	[tilespmem:s19+$0xC870] =	vst v6  }
0x3fd: {  	v5 =	vor.u32 v5, v43;
	v44 =	vld [tilespmem:s1+$0x4400]  }
0x3fe: {  	s2 =	sor.u32 s2, s28;
	v45 =	vld [tilespmem:s1+$0x4410];
	[tilespmem:s26+$0xC870] =	vst v5  }
0x3ff: {  	v5 =	vld [tilespmem:s2+$0x4400]  }
0x400: {  	v46 =	vld [tilespmem:s2+$0x4410]  }
0x401: {  	v7 =	vand.u32 $0xFFFF0000, v42;
	v8 =	vshrl.u32 v41, $0x10  }
0x402: {  	v7 =	vor.u32 v8, v7  }
0x403: {  	v6 =	vand.u32 $0xFFFF0000, v45;
	v47 =	vshrl.u32 v44, $0x10;
	[tilespmem:s17+$0xCC00] =	vst v7  }
0x404: {  	v6 =	vor.u32 v47, v6;
	v48 =	vld [tilespmem:s7+$0x4420]  }
0x405: {  	v50 =	vand.u32 $0xFFFF0000, v46;
	v5 =	vshrl.u32 v5, $0x10;
	v49 =	vld [tilespmem:s7+$0x4430];
	[tilespmem:s19+$0xCC00] =	vst v6  }
0x406: {  	v5 =	vor.u32 v5, v50;
	v51 =	vld [tilespmem:s1+$0x4420]  }
0x407: {  	v52 =	vld [tilespmem:s1+$0x4430];
	[tilespmem:s26+$0xCC00] =	vst v5  }
0x408: {  	v5 =	vld [tilespmem:s2+$0x4420]  }
0x409: {  	v53 =	vld [tilespmem:s2+$0x4430]  }
0x40a: {  	v7 =	vand.u32 $0xFFFF0000, v49;
	v8 =	vshrl.u32 v48, $0x10  }
0x40b: {  	v7 =	vor.u32 v8, v7  }
0x40c: {  	v6 =	vand.u32 $0xFFFF0000, v52;
	v54 =	vshrl.u32 v51, $0x10;
	[tilespmem:s17+$0xCC10] =	vst v7  }
0x40d: {  	v6 =	vor.u32 v54, v6;
	v55 =	vld [tilespmem:s7+$0x4440]  }
0x40e: {  	v57 =	vand.u32 $0xFFFF0000, v53;
	v5 =	vshrl.u32 v5, $0x10;
	v56 =	vld [tilespmem:s7+$0x4450];
	[tilespmem:s19+$0xCC10] =	vst v6  }
0x40f: {  	v5 =	vor.u32 v5, v57;
	v58 =	vld [tilespmem:s1+$0x4440]  }
0x410: {  	v59 =	vld [tilespmem:s1+$0x4450];
	[tilespmem:s26+$0xCC10] =	vst v5  }
0x411: {  	v5 =	vld [tilespmem:s2+$0x4440]  }
0x412: {  	v60 =	vld [tilespmem:s2+$0x4450]  }
0x413: {  	v7 =	vand.u32 $0xFFFF0000, v56;
	v8 =	vshrl.u32 v55, $0x10  }
0x414: {  	v7 =	vor.u32 v8, v7  }
0x415: {  	v6 =	vand.u32 $0xFFFF0000, v59;
	v61 =	vshrl.u32 v58, $0x10;
	[tilespmem:s17+$0xCC20] =	vst v7  }
0x416: {  	v6 =	vor.u32 v61, v6;
	v62 =	vld [tilespmem:s7+$0x4460]  }
0x417: {  	v12 =	vand.u32 $0xFFFF0000, v60;
	v5 =	vshrl.u32 v5, $0x10;
	v63 =	vld [tilespmem:s7+$0x4470];
	[tilespmem:s19+$0xCC20] =	vst v6  }
0x418: {  	v5 =	vor.u32 v5, v12;
	v13 =	vld [tilespmem:s1+$0x4460]  }
0x419: {  	v14 =	vld [tilespmem:s1+$0x4470];
	[tilespmem:s26+$0xCC20] =	vst v5  }
0x41a: {  	v5 =	vld [tilespmem:s2+$0x4460]  }
0x41b: {  	v15 =	vld [tilespmem:s2+$0x4470]  }
0x41c: {  	v7 =	vand.u32 $0xFFFF0000, v63;
	v8 =	vshrl.u32 v62, $0x10  }
0x41d: {  	v7 =	vor.u32 v8, v7  }
0x41e: {  	v6 =	vand.u32 $0xFFFF0000, v14;
	v16 =	vshrl.u32 v13, $0x10;
	[tilespmem:s17+$0xCC30] =	vst v7  }
0x41f: {  	v6 =	vor.u32 v16, v6;
	v17 =	vld [tilespmem:s7+$0x4800]  }
0x420: {  	v19 =	vand.u32 $0xFFFF0000, v15;
	v5 =	vshrl.u32 v5, $0x10;
	v18 =	vld [tilespmem:s7+$0x4810];
	[tilespmem:s19+$0xCC30] =	vst v6  }
0x421: {  	v5 =	vor.u32 v5, v19;
	v20 =	vld [tilespmem:s1+$0x4800]  }
0x422: {  	v21 =	vld [tilespmem:s1+$0x4810];
	[tilespmem:s26+$0xCC30] =	vst v5  }
0x423: {  	v5 =	vld [tilespmem:s2+$0x4800]  }
0x424: {  	v22 =	vld [tilespmem:s2+$0x4810]  }
0x425: {  	v7 =	vand.u32 $0xFFFF0000, v18;
	v8 =	vshrl.u32 v17, $0x10  }
0x426: {  	v7 =	vor.u32 v8, v7  }
0x427: {  	v6 =	vand.u32 $0xFFFF0000, v21;
	v23 =	vshrl.u32 v20, $0x10;
	[tilespmem:s17+$0xCC40] =	vst v7  }
0x428: {  	v6 =	vor.u32 v23, v6;
	v24 =	vld [tilespmem:s7+$0x4820]  }
0x429: {  	v26 =	vand.u32 $0xFFFF0000, v22;
	v5 =	vshrl.u32 v5, $0x10;
	v25 =	vld [tilespmem:s7+$0x4830];
	[tilespmem:s19+$0xCC40] =	vst v6  }
0x42a: {  	v5 =	vor.u32 v5, v26;
	v27 =	vld [tilespmem:s1+$0x4820]  }
0x42b: {  	v28 =	vld [tilespmem:s1+$0x4830];
	[tilespmem:s26+$0xCC40] =	vst v5  }
0x42c: {  	v5 =	vld [tilespmem:s2+$0x4820]  }
0x42d: {  	v29 =	vld [tilespmem:s2+$0x4830]  }
0x42e: {  	v7 =	vand.u32 $0xFFFF0000, v25;
	v8 =	vshrl.u32 v24, $0x10  }
0x42f: {  	v7 =	vor.u32 v8, v7  }
0x430: {  	v6 =	vand.u32 $0xFFFF0000, v28;
	v30 =	vshrl.u32 v27, $0x10;
	[tilespmem:s17+$0xCC50] =	vst v7  }
0x431: {  	v6 =	vor.u32 v30, v6;
	v31 =	vld [tilespmem:s7+$0x4840]  }
0x432: {  	v33 =	vand.u32 $0xFFFF0000, v29;
	v5 =	vshrl.u32 v5, $0x10;
	v32 =	vld [tilespmem:s7+$0x4850];
	[tilespmem:s19+$0xCC50] =	vst v6  }
0x433: {  	v5 =	vor.u32 v5, v33;
	v34 =	vld [tilespmem:s1+$0x4840]  }
0x434: {  	v35 =	vld [tilespmem:s1+$0x4850];
	[tilespmem:s26+$0xCC50] =	vst v5  }
0x435: {  	v5 =	vld [tilespmem:s2+$0x4840]  }
0x436: {  	v36 =	vld [tilespmem:s2+$0x4850]  }
0x437: {  	v7 =	vand.u32 $0xFFFF0000, v32;
	v8 =	vshrl.u32 v31, $0x10  }
0x438: {  	v7 =	vor.u32 v8, v7  }
0x439: {  	v6 =	vand.u32 $0xFFFF0000, v35;
	v37 =	vshrl.u32 v34, $0x10;
	[tilespmem:s17+$0xCC60] =	vst v7  }
0x43a: {  	v6 =	vor.u32 v37, v6;
	v38 =	vld [tilespmem:s7+$0x4860]  }
0x43b: {  	v40 =	vand.u32 $0xFFFF0000, v36;
	v5 =	vshrl.u32 v5, $0x10;
	v39 =	vld [tilespmem:s7+$0x4870];
	[tilespmem:s19+$0xCC60] =	vst v6  }
0x43c: {  	v5 =	vor.u32 v5, v40;
	v41 =	vld [tilespmem:s1+$0x4860]  }
0x43d: {  	v42 =	vld [tilespmem:s1+$0x4870];
	[tilespmem:s26+$0xCC60] =	vst v5  }
0x43e: {  	v5 =	vld [tilespmem:s2+$0x4860]  }
0x43f: {  	v43 =	vld [tilespmem:s2+$0x4870]  }
0x440: {  	v7 =	vand.u32 $0xFFFF0000, v39;
	v8 =	vshrl.u32 v38, $0x10  }
0x441: {  	v7 =	vor.u32 v8, v7  }
0x442: {  	v6 =	vand.u32 $0xFFFF0000, v42;
	v44 =	vshrl.u32 v41, $0x10;
	[tilespmem:s17+$0xCC70] =	vst v7  }
0x443: {  	v6 =	vor.u32 v44, v6;
	v45 =	vld [tilespmem:s18+$0x6400]  }
0x444: {  	v47 =	vand.u32 $0xFFFF0000, v43;
	v5 =	vshrl.u32 v5, $0x10;
	v46 =	vld [tilespmem:s18+$0x6410];
	[tilespmem:s19+$0xCC70] =	vst v6  }
0x445: {  	v5 =	vor.u32 v5, v47;
	v48 =	vld [tilespmem:s16+$0x6400]  }
0x446: {  	v49 =	vld [tilespmem:s16+$0x6410];
	[tilespmem:s26+$0xCC70] =	vst v5  }
0x447: {  	v5 =	vld [tilespmem:s15+$0x6400]  }
0x448: {  	v50 =	vld [tilespmem:s15+$0x6410]  }
0x449: {  	v7 =	vand.u32 $0xFFFF0000, v46;
	v8 =	vshrl.u32 v45, $0x10  }
0x44a: {  	v7 =	vor.u32 v8, v7  }
0x44b: {  	v6 =	vand.u32 $0xFFFF0000, v49;
	v51 =	vshrl.u32 v48, $0x10;
	[tilespmem:s17+$0xF400] =	vst v7  }
0x44c: {  	v6 =	vor.u32 v51, v6;
	v52 =	vld [tilespmem:s18+$0x6420]  }
0x44d: {  	v54 =	vand.u32 $0xFFFF0000, v50;
	v5 =	vshrl.u32 v5, $0x10;
	v53 =	vld [tilespmem:s18+$0x6430];
	[tilespmem:s19+$0xF400] =	vst v6  }
0x44e: {  	v5 =	vor.u32 v5, v54;
	v55 =	vld [tilespmem:s16+$0x6420]  }
0x44f: {  	v56 =	vld [tilespmem:s16+$0x6430];
	[tilespmem:s26+$0xF400] =	vst v5  }
0x450: {  	v4 =	vand.u32 $0xFFFF0000, v4;
	v3 =	vshrl.u32 v3, $0x10;
	v5 =	vld [tilespmem:s15+$0x6420]  }
0x451: {  	v3 =	vor.u32 v3, v4;
	v57 =	vld [tilespmem:s15+$0x6430]  }
0x452: {  	[tilespmem:s4+$0xF410] =	vst v3;
	v3 =	vand.u32 $0xFFFF0000, v53;
	v58 =	vshrl.u32 v52, $0x10  }
0x453: {  	v59 =	vld [tilespmem:s6+$0x6440];
	v3 =	vor.u32 v58, v3  }
0x454: {  	v60 =	vld [tilespmem:s6+$0x6450];
	v61 =	vshrl.u32 v55, $0x10;
	[tilespmem:s17+$0xF410] =	vst v3;
	v3 =	vand.u32 $0xFFFF0000, v56  }
0x455: {  	v62 =	vld [tilespmem:s18+$0x6440];
	v3 =	vor.u32 v61, v3  }
0x456: {  	v11 =	vshrl.u32 v5, $0x10;
	v63 =	vld [tilespmem:s18+$0x6450];
	[tilespmem:s19+$0xF410] =	vst v3;
	v3 =	vand.u32 $0xFFFF0000, v57  }
0x457: {  	v12 =	vld [tilespmem:s16+$0x6440];
	v3 =	vor.u32 v11, v3  }
0x458: {  	v13 =	vld [tilespmem:s16+$0x6450];
	[tilespmem:s26+$0xF410] =	vst v3  }
0x459: {  	v14 =	vshrl.u32 v59, $0x10;
	v3 =	vand.u32 $0xFFFF0000, v60;
	v15 =	vld [tilespmem:s15+$0x6440]  }
0x45a: {  	v3 =	vor.u32 v14, v3;
	v16 =	vld [tilespmem:s15+$0x6450]  }
0x45b: {  	[tilespmem:s4+$0xF420] =	vst v3;
	v3 =	vand.u32 $0xFFFF0000, v63;
	v17 =	vshrl.u32 v62, $0x10  }
0x45c: {  	v18 =	vld [tilespmem:s6+$0x6460];
	v3 =	vor.u32 v17, v3  }
0x45d: {  	v19 =	vld [tilespmem:s6+$0x6470];
	[tilespmem:s17+$0xF420] =	vst v3;
	v3 =	vand.u32 $0xFFFF0000, v13;
	v20 =	vshrl.u32 v12, $0x10  }
0x45e: {  	v21 =	vld [tilespmem:s18+$0x6460];
	v3 =	vor.u32 v20, v3  }
0x45f: {  	v22 =	vld [tilespmem:s18+$0x6470];
	[tilespmem:s19+$0xF420] =	vst v3;
	v3 =	vand.u32 $0xFFFF0000, v16;
	v23 =	vshrl.u32 v15, $0x10  }
0x460: {  	v24 =	vld [tilespmem:s16+$0x6460];
	v3 =	vor.u32 v23, v3  }
0x461: {  	v25 =	vld [tilespmem:s16+$0x6470];
	[tilespmem:s26+$0xF420] =	vst v3  }
0x462: {  	v3 =	vand.u32 $0xFFFF0000, v19;
	v26 =	vshrl.u32 v18, $0x10;
	v27 =	vld [tilespmem:s15+$0x6460]  }
0x463: {  	v28 =	vld [tilespmem:s15+$0x6470];
	v3 =	vor.u32 v26, v3  }
0x464: {  	[tilespmem:s4+$0xF430] =	vst v3;
	v3 =	vand.u32 $0xFFFF0000, v22;
	v29 =	vshrl.u32 v21, $0x10  }
0x465: {  	v30 =	vld [tilespmem:s30+$0x6400];
	v3 =	vor.u32 v29, v3  }
0x466: {  	v31 =	vld [tilespmem:s30+$0x6410];
	[tilespmem:s17+$0xF430] =	vst v3;
	v3 =	vand.u32 $0xFFFF0000, v25;
	v32 =	vshrl.u32 v24, $0x10  }
0x467: {  	v33 =	vld [tilespmem:s22+$0x6400];
	v3 =	vor.u32 v32, v3  }
0x468: {  	v34 =	vld [tilespmem:s22+$0x6410];
	[tilespmem:s19+$0xF430] =	vst v3;
	v3 =	vand.u32 $0xFFFF0000, v28;
	v35 =	vshrl.u32 v27, $0x10  }
0x469: {  	v36 =	vld [tilespmem:s8+$0x6400];
	v3 =	vor.u32 v35, v3  }
0x46a: {  	v37 =	vld [tilespmem:s8+$0x6410];
	[tilespmem:s26+$0xF430] =	vst v3  }
0x46b: {  	v3 =	vand.u32 $0xFFFF0000, v31;
	v38 =	vshrl.u32 v30, $0x10;
	v39 =	vld [tilespmem:s3+$0x6400]  }
0x46c: {  	v3 =	vor.u32 v38, v3;
	v40 =	vld [tilespmem:s3+$0x6410]  }
0x46d: {  	[tilespmem:s4+$0xF440] =	vst v3;
	v3 =	vand.u32 $0xFFFF0000, v34;
	v41 =	vshrl.u32 v33, $0x10  }
0x46e: {  	v42 =	vld [tilespmem:s30+$0x6420];
	v3 =	vor.u32 v41, v3  }
0x46f: {  	v43 =	vld [tilespmem:s30+$0x6430];
	[tilespmem:s17+$0xF440] =	vst v3;
	v3 =	vand.u32 $0xFFFF0000, v37;
	v44 =	vshrl.u32 v36, $0x10  }
0x470: {  	v45 =	vld [tilespmem:s22+$0x6420];
	v3 =	vor.u32 v44, v3  }
0x471: {  	v46 =	vld [tilespmem:s22+$0x6430];
	[tilespmem:s19+$0xF440] =	vst v3;
	v3 =	vand.u32 $0xFFFF0000, v40;
	v47 =	vshrl.u32 v39, $0x10  }
0x472: {  	v48 =	vld [tilespmem:s8+$0x6420];
	v3 =	vor.u32 v47, v3  }
0x473: {  	v49 =	vld [tilespmem:s8+$0x6430];
	[tilespmem:s26+$0xF440] =	vst v3  }
0x474: {  	v3 =	vand.u32 $0xFFFF0000, v43;
	v50 =	vshrl.u32 v42, $0x10;
	v51 =	vld [tilespmem:s3+$0x6420]  }
0x475: {  	v3 =	vor.u32 v50, v3;
	v52 =	vld [tilespmem:s3+$0x6430]  }
0x476: {  	[tilespmem:s4+$0xF450] =	vst v3;
	v3 =	vand.u32 $0xFFFF0000, v46;
	v53 =	vshrl.u32 v45, $0x10  }
0x477: {  	v54 =	vld [tilespmem:s30+$0x6440];
	v3 =	vor.u32 v53, v3  }
0x478: {  	v55 =	vld [tilespmem:s30+$0x6450];
	[tilespmem:s17+$0xF450] =	vst v3;
	v3 =	vand.u32 $0xFFFF0000, v49;
	v56 =	vshrl.u32 v48, $0x10  }
0x479: {  	v57 =	vld [tilespmem:s22+$0x6440];
	v3 =	vor.u32 v56, v3  }
0x47a: {  	v58 =	vld [tilespmem:s22+$0x6450];
	[tilespmem:s19+$0xF450] =	vst v3;
	v3 =	vand.u32 $0xFFFF0000, v52;
	v59 =	vshrl.u32 v51, $0x10  }
0x47b: {  	v60 =	vld [tilespmem:s8+$0x6440];
	v3 =	vor.u32 v59, v3  }
0x47c: {  	v61 =	vld [tilespmem:s8+$0x6450];
	[tilespmem:s26+$0xF450] =	vst v3  }
0x47d: {  	v3 =	vand.u32 $0xFFFF0000, v55;
	v62 =	vshrl.u32 v54, $0x10;
	v63 =	vld [tilespmem:s3+$0x6440]  }
0x47e: {  	v3 =	vor.u32 v62, v3;
	v12 =	vld [tilespmem:s3+$0x6450]  }
0x47f: {  	[tilespmem:s4+$0xF460] =	vst v3;
	v3 =	vand.u32 $0xFFFF0000, v58;
	v13 =	vshrl.u32 v57, $0x10  }
0x480: {  	v14 =	vld [tilespmem:s30+$0x6460];
	v3 =	vor.u32 v13, v3  }
0x481: {  	v15 =	vld [tilespmem:s30+$0x6470];
	[tilespmem:s17+$0xF460] =	vst v3;
	v3 =	vand.u32 $0xFFFF0000, v61;
	v16 =	vshrl.u32 v60, $0x10  }
0x482: {  	v17 =	vld [tilespmem:s22+$0x6460];
	v3 =	vor.u32 v16, v3  }
0x483: {  	v18 =	vld [tilespmem:s22+$0x6470];
	[tilespmem:s19+$0xF460] =	vst v3;
	v3 =	vand.u32 $0xFFFF0000, v12;
	v19 =	vshrl.u32 v63, $0x10  }
0x484: {  	v20 =	vld [tilespmem:s8+$0x6460];
	v3 =	vor.u32 v19, v3  }
0x485: {  	v21 =	vld [tilespmem:s8+$0x6470];
	[tilespmem:s26+$0xF460] =	vst v3  }
0x486: {  	v3 =	vand.u32 $0xFFFF0000, v15;
	v22 =	vshrl.u32 v14, $0x10;
	v23 =	vld [tilespmem:s3+$0x6460]  }
0x487: {  	v24 =	vld [tilespmem:s3+$0x6470];
	v3 =	vor.u32 v22, v3  }
0x488: {  	[tilespmem:s4+$0xF470] =	vst v3;
	v3 =	vand.u32 $0xFFFF0000, v18;
	v25 =	vshrl.u32 v17, $0x10  }
0x489: {  	v26 =	vld [tilespmem:s29+$0x6400];
	v3 =	vor.u32 v25, v3  }
0x48a: {  	v27 =	vld [tilespmem:s29+$0x6410];
	[tilespmem:s17+$0xF470] =	vst v3;
	v3 =	vand.u32 $0xFFFF0000, v21;
	v28 =	vshrl.u32 v20, $0x10  }
0x48b: {  	v29 =	vld [tilespmem:s13+$0x6400];
	v3 =	vor.u32 v28, v3  }
0x48c: {  	v30 =	vld [tilespmem:s13+$0x6410];
	[tilespmem:s19+$0xF470] =	vst v3;
	v3 =	vand.u32 $0xFFFF0000, v24;
	v5 =	vshrl.u32 v23, $0x10  }
0x48d: {  	v31 =	vld [tilespmem:s21+$0x6400];
	v3 =	vor.u32 v5, v3  }
0x48e: {  	v32 =	vld [tilespmem:s21+$0x6410];
	[tilespmem:s26+$0xF470] =	vst v3  }
0x48f: {  	v3 =	vand.u32 $0xFFFF0000, v27;
	v33 =	vshrl.u32 v26, $0x10;
	v34 =	vld [tilespmem:s20+$0x6400]  }
0x490: {  	s18 =	sadd.s32 $0x1C00, s14;
	v3 =	vor.u32 v33, v3;
	v35 =	vld [tilespmem:s20+$0x6410]  }
0x491: {  	[tilespmem:s18+$0xF400] =	vst v3;
	v3 =	vand.u32 $0xFFFF0000, v30;
	v36 =	vshrl.u32 v29, $0x10  }
0x492: {  	v37 =	vld [tilespmem:s29+$0x6420];
	v3 =	vor.u32 v36, v3  }
0x493: {  	v38 =	vld [tilespmem:s29+$0x6430];
	[tilespmem:s17+$0xF800] =	vst v3;
	v3 =	vand.u32 $0xFFFF0000, v32;
	v39 =	vshrl.u32 v31, $0x10  }
0x494: {  	v40 =	vld [tilespmem:s13+$0x6420];
	v3 =	vor.u32 v39, v3  }
0x495: {  	v41 =	vld [tilespmem:s13+$0x6430];
	[tilespmem:s19+$0xF800] =	vst v3;
	v3 =	vand.u32 $0xFFFF0000, v35;
	v42 =	vshrl.u32 v34, $0x10  }
0x496: {  	v43 =	vld [tilespmem:s21+$0x6420];
	v3 =	vor.u32 v42, v3  }
0x497: {  	v44 =	vld [tilespmem:s21+$0x6430];
	[tilespmem:s26+$0xF800] =	vst v3  }
0x498: {  	v3 =	vand.u32 $0xFFFF0000, v38;
	v45 =	vshrl.u32 v37, $0x10;
	v46 =	vld [tilespmem:s20+$0x6420]  }
0x499: {  	v3 =	vor.u32 v45, v3;
	v47 =	vld [tilespmem:s20+$0x6430]  }
0x49a: {  	[tilespmem:s18+$0xF410] =	vst v3;
	v3 =	vand.u32 $0xFFFF0000, v41;
	v48 =	vshrl.u32 v40, $0x10  }
0x49b: {  	v49 =	vld [tilespmem:s29+$0x6440];
	v3 =	vor.u32 v48, v3  }
0x49c: {  	v50 =	vld [tilespmem:s29+$0x6450];
	[tilespmem:s17+$0xF810] =	vst v3;
	v3 =	vand.u32 $0xFFFF0000, v44;
	v51 =	vshrl.u32 v43, $0x10  }
0x49d: {  	v52 =	vld [tilespmem:s13+$0x6440];
	v3 =	vor.u32 v51, v3  }
0x49e: {  	v53 =	vld [tilespmem:s13+$0x6450];
	[tilespmem:s19+$0xF810] =	vst v3;
	v3 =	vand.u32 $0xFFFF0000, v47;
	v54 =	vshrl.u32 v46, $0x10  }
0x49f: {  	v55 =	vld [tilespmem:s21+$0x6440];
	v3 =	vor.u32 v54, v3  }
0x4a0: {  	v56 =	vld [tilespmem:s21+$0x6450];
	[tilespmem:s26+$0xF810] =	vst v3  }
0x4a1: {  	v3 =	vand.u32 $0xFFFF0000, v50;
	v57 =	vshrl.u32 v49, $0x10;
	v58 =	vld [tilespmem:s20+$0x6440]  }
0x4a2: {  	v3 =	vor.u32 v57, v3;
	v59 =	vld [tilespmem:s20+$0x6450]  }
0x4a3: {  	[tilespmem:s18+$0xF420] =	vst v3;
	v3 =	vand.u32 $0xFFFF0000, v53;
	v60 =	vshrl.u32 v52, $0x10  }
0x4a4: {  	v61 =	vld [tilespmem:s29+$0x6460];
	v3 =	vor.u32 v60, v3  }
0x4a5: {  	v62 =	vld [tilespmem:s29+$0x6470];
	[tilespmem:s17+$0xF820] =	vst v3;
	v3 =	vand.u32 $0xFFFF0000, v56;
	v63 =	vshrl.u32 v55, $0x10  }
0x4a6: {  	v12 =	vld [tilespmem:s13+$0x6460];
	v3 =	vor.u32 v63, v3  }
0x4a7: {  	v13 =	vld [tilespmem:s13+$0x6470];
	[tilespmem:s19+$0xF820] =	vst v3;
	v3 =	vand.u32 $0xFFFF0000, v59;
	v14 =	vshrl.u32 v58, $0x10  }
0x4a8: {  	v15 =	vld [tilespmem:s21+$0x6460];
	v3 =	vor.u32 v14, v3  }
0x4a9: {  	v16 =	vld [tilespmem:s21+$0x6470];
	[tilespmem:s26+$0xF820] =	vst v3  }
0x4aa: {  	v3 =	vand.u32 $0xFFFF0000, v62;
	v17 =	vshrl.u32 v61, $0x10;
	v18 =	vld [tilespmem:s20+$0x6460]  }
0x4ab: {  	v3 =	vor.u32 v17, v3;
	v19 =	vld [tilespmem:s20+$0x6470]  }
0x4ac: {  	[tilespmem:s18+$0xF430] =	vst v3;
	v3 =	vand.u32 $0xFFFF0000, v13;
	v20 =	vshrl.u32 v12, $0x10  }
0x4ad: {  	v21 =	vld [tilespmem:s25+$0x6400];
	v3 =	vor.u32 v20, v3  }
0x4ae: {  	v22 =	vld [tilespmem:s25+$0x6410];
	[tilespmem:s17+$0xF830] =	vst v3;
	v3 =	vand.u32 $0xFFFF0000, v16;
	v23 =	vshrl.u32 v15, $0x10  }
0x4af: {  	v24 =	vld [tilespmem:s10+$0x6400];
	v3 =	vor.u32 v23, v3  }
0x4b0: {  	v25 =	vld [tilespmem:s10+$0x6410];
	[tilespmem:s19+$0xF830] =	vst v3;
	v3 =	vand.u32 $0xFFFF0000, v19;
	v26 =	vshrl.u32 v18, $0x10  }
0x4b1: {  	v27 =	vld [tilespmem:s12+$0x6400];
	v3 =	vor.u32 v26, v3  }
0x4b2: {  	v28 =	vld [tilespmem:s12+$0x6410];
	[tilespmem:s26+$0xF830] =	vst v3  }
0x4b3: {  	v3 =	vand.u32 $0xFFFF0000, v22;
	v29 =	vshrl.u32 v21, $0x10;
	v30 =	vld [tilespmem:s11+$0x6400]  }
0x4b4: {  	v3 =	vor.u32 v29, v3;
	v31 =	vld [tilespmem:s11+$0x6410]  }
0x4b5: {  	[tilespmem:s18+$0xF440] =	vst v3;
	v3 =	vand.u32 $0xFFFF0000, v25;
	v32 =	vshrl.u32 v24, $0x10  }
0x4b6: {  	v33 =	vld [tilespmem:s25+$0x6420];
	v3 =	vor.u32 v32, v3  }
0x4b7: {  	v34 =	vld [tilespmem:s25+$0x6430];
	[tilespmem:s17+$0xF840] =	vst v3;
	v3 =	vand.u32 $0xFFFF0000, v28;
	v35 =	vshrl.u32 v27, $0x10  }
0x4b8: {  	v36 =	vld [tilespmem:s10+$0x6420];
	v3 =	vor.u32 v35, v3  }
0x4b9: {  	v37 =	vld [tilespmem:s10+$0x6430];
	[tilespmem:s19+$0xF840] =	vst v3;
	v3 =	vand.u32 $0xFFFF0000, v31;
	v38 =	vshrl.u32 v30, $0x10  }
0x4ba: {  	v39 =	vld [tilespmem:s12+$0x6420];
	v3 =	vor.u32 v38, v3  }
0x4bb: {  	v40 =	vld [tilespmem:s12+$0x6430];
	[tilespmem:s26+$0xF840] =	vst v3  }
0x4bc: {  	v3 =	vand.u32 $0xFFFF0000, v34;
	v41 =	vshrl.u32 v33, $0x10;
	v42 =	vld [tilespmem:s11+$0x6420]  }
0x4bd: {  	v3 =	vor.u32 v41, v3;
	v43 =	vld [tilespmem:s11+$0x6430]  }
0x4be: {  	[tilespmem:s18+$0xF450] =	vst v3;
	v3 =	vand.u32 $0xFFFF0000, v37;
	v44 =	vshrl.u32 v36, $0x10  }
0x4bf: {  	v45 =	vld [tilespmem:s25+$0x6440];
	v3 =	vor.u32 v44, v3  }
0x4c0: {  	v46 =	vld [tilespmem:s25+$0x6450];
	[tilespmem:s17+$0xF850] =	vst v3;
	v3 =	vand.u32 $0xFFFF0000, v40;
	v47 =	vshrl.u32 v39, $0x10  }
0x4c1: {  	v48 =	vld [tilespmem:s10+$0x6440];
	v3 =	vor.u32 v47, v3  }
0x4c2: {  	v49 =	vld [tilespmem:s10+$0x6450];
	[tilespmem:s19+$0xF850] =	vst v3;
	v3 =	vand.u32 $0xFFFF0000, v43;
	v50 =	vshrl.u32 v42, $0x10  }
0x4c3: {  	v51 =	vld [tilespmem:s12+$0x6440];
	v3 =	vor.u32 v50, v3  }
0x4c4: {  	v52 =	vld [tilespmem:s12+$0x6450];
	[tilespmem:s26+$0xF850] =	vst v3  }
0x4c5: {  	v3 =	vand.u32 $0xFFFF0000, v46;
	v53 =	vshrl.u32 v45, $0x10;
	v54 =	vld [tilespmem:s11+$0x6440]  }
0x4c6: {  	v3 =	vor.u32 v53, v3;
	v55 =	vld [tilespmem:s11+$0x6450]  }
0x4c7: {  	[tilespmem:s18+$0xF460] =	vst v3;
	v3 =	vand.u32 $0xFFFF0000, v49;
	v56 =	vshrl.u32 v48, $0x10  }
0x4c8: {  	v57 =	vld [tilespmem:s25+$0x6460];
	v3 =	vor.u32 v56, v3  }
0x4c9: {  	v58 =	vld [tilespmem:s25+$0x6470];
	[tilespmem:s17+$0xF860] =	vst v3;
	v3 =	vand.u32 $0xFFFF0000, v52;
	v59 =	vshrl.u32 v51, $0x10  }
0x4ca: {  	v60 =	vld [tilespmem:s10+$0x6460];
	v3 =	vor.u32 v59, v3  }
0x4cb: {  	v61 =	vld [tilespmem:s10+$0x6470];
	[tilespmem:s19+$0xF860] =	vst v3;
	v3 =	vand.u32 $0xFFFF0000, v55;
	v62 =	vshrl.u32 v54, $0x10  }
0x4cc: {  	v63 =	vld [tilespmem:s12+$0x6460];
	v3 =	vor.u32 v62, v3  }
0x4cd: {  	v12 =	vld [tilespmem:s12+$0x6470];
	[tilespmem:s26+$0xF860] =	vst v3  }
0x4ce: {  	v3 =	vand.u32 $0xFFFF0000, v58;
	v13 =	vshrl.u32 v57, $0x10;
	v14 =	vld [tilespmem:s11+$0x6460]  }
0x4cf: {  	v3 =	vor.u32 v13, v3;
	v15 =	vld [tilespmem:s11+$0x6470]  }
0x4d0: {  	[tilespmem:s18+$0xF470] =	vst v3;
	v3 =	vand.u32 $0xFFFF0000, v61;
	v16 =	vshrl.u32 v60, $0x10  }
0x4d1: {  	v17 =	vld [tilespmem:s0+$0xA400];
	v3 =	vor.u32 v16, v3  }
0x4d2: {  	v18 =	vld [tilespmem:s0+$0xA410];
	[tilespmem:s17+$0xF870] =	vst v3;
	v3 =	vand.u32 $0xFFFF0000, v12;
	v19 =	vshrl.u32 v63, $0x10  }
0x4d3: {  	v20 =	vld [tilespmem:s7+$0xA400];
	v3 =	vor.u32 v19, v3  }
0x4d4: {  	v21 =	vld [tilespmem:s7+$0xA410];
	[tilespmem:s19+$0xF870] =	vst v3;
	v3 =	vand.u32 $0xFFFF0000, v15;
	v22 =	vshrl.u32 v14, $0x10  }
0x4d5: {  	v23 =	vld [tilespmem:s1+$0xA400];
	v3 =	vor.u32 v22, v3  }
0x4d6: {  	v24 =	vld [tilespmem:s1+$0xA410];
	[tilespmem:s26+$0xF870] =	vst v3  }
0x4d7: {  	v3 =	vand.u32 $0xFFFF0000, v18;
	v25 =	vshrl.u32 v17, $0x10;
	v26 =	vld [tilespmem:s2+$0xA400]  }
0x4d8: {  	v3 =	vor.u32 v25, v3;
	v27 =	vld [tilespmem:s2+$0xA410]  }
0x4d9: {  	[tilespmem:s14+$0x11400] =	vst v3;
	v3 =	vand.u32 $0xFFFF0000, v21;
	v28 =	vshrl.u32 v20, $0x10  }
0x4da: {  	v29 =	vld [tilespmem:s0+$0xA420];
	v3 =	vor.u32 v28, v3  }
0x4db: {  	v30 =	vld [tilespmem:s0+$0xA430];
	[tilespmem:s17+$0xFC00] =	vst v3;
	v3 =	vand.u32 $0xFFFF0000, v24;
	v31 =	vshrl.u32 v23, $0x10  }
0x4dc: {  	v32 =	vld [tilespmem:s7+$0xA420];
	v3 =	vor.u32 v31, v3  }
0x4dd: {  	v33 =	vld [tilespmem:s7+$0xA430];
	[tilespmem:s19+$0xFC00] =	vst v3;
	v3 =	vand.u32 $0xFFFF0000, v27;
	v34 =	vshrl.u32 v26, $0x10  }
0x4de: {  	v35 =	vld [tilespmem:s1+$0xA420];
	v3 =	vor.u32 v34, v3  }
0x4df: {  	v36 =	vld [tilespmem:s1+$0xA430];
	[tilespmem:s26+$0xFC00] =	vst v3  }
0x4e0: {  	v3 =	vand.u32 $0xFFFF0000, v30;
	v37 =	vshrl.u32 v29, $0x10;
	v38 =	vld [tilespmem:s2+$0xA420]  }
0x4e1: {  	v3 =	vor.u32 v37, v3;
	v39 =	vld [tilespmem:s2+$0xA430]  }
0x4e2: {  	[tilespmem:s14+$0x11410] =	vst v3;
	v3 =	vand.u32 $0xFFFF0000, v33;
	v40 =	vshrl.u32 v32, $0x10  }
0x4e3: {  	v41 =	vld [tilespmem:s0+$0xA440];
	v3 =	vor.u32 v40, v3  }
0x4e4: {  	v42 =	vld [tilespmem:s0+$0xA450];
	[tilespmem:s17+$0xFC10] =	vst v3;
	v3 =	vand.u32 $0xFFFF0000, v36;
	v43 =	vshrl.u32 v35, $0x10  }
0x4e5: {  	v44 =	vld [tilespmem:s7+$0xA440];
	v3 =	vor.u32 v43, v3  }
0x4e6: {  	v45 =	vld [tilespmem:s7+$0xA450];
	[tilespmem:s19+$0xFC10] =	vst v3;
	v3 =	vand.u32 $0xFFFF0000, v39;
	v46 =	vshrl.u32 v38, $0x10  }
0x4e7: {  	v47 =	vld [tilespmem:s1+$0xA440];
	v3 =	vor.u32 v46, v3  }
0x4e8: {  	v48 =	vld [tilespmem:s1+$0xA450];
	[tilespmem:s26+$0xFC10] =	vst v3  }
0x4e9: {  	v3 =	vand.u32 $0xFFFF0000, v42;
	v49 =	vshrl.u32 v41, $0x10;
	v50 =	vld [tilespmem:s2+$0xA440]  }
0x4ea: {  	v3 =	vor.u32 v49, v3;
	v51 =	vld [tilespmem:s2+$0xA450]  }
0x4eb: {  	[tilespmem:s14+$0x11420] =	vst v3;
	v3 =	vand.u32 $0xFFFF0000, v45;
	v52 =	vshrl.u32 v44, $0x10  }
0x4ec: {  	v53 =	vld [tilespmem:s0+$0xA460];
	v3 =	vor.u32 v52, v3  }
0x4ed: {  	v54 =	vld [tilespmem:s0+$0xA470];
	[tilespmem:s17+$0xFC20] =	vst v3;
	v3 =	vand.u32 $0xFFFF0000, v48;
	v55 =	vshrl.u32 v47, $0x10  }
0x4ee: {  	v56 =	vld [tilespmem:s7+$0xA460];
	v3 =	vor.u32 v55, v3  }
0x4ef: {  	v57 =	vld [tilespmem:s7+$0xA470];
	[tilespmem:s19+$0xFC20] =	vst v3;
	v3 =	vand.u32 $0xFFFF0000, v51;
	v58 =	vshrl.u32 v50, $0x10  }
0x4f0: {  	v59 =	vld [tilespmem:s1+$0xA460];
	v3 =	vor.u32 v58, v3  }
0x4f1: {  	v60 =	vld [tilespmem:s1+$0xA470];
	[tilespmem:s26+$0xFC20] =	vst v3  }
0x4f2: {  	v3 =	vand.u32 $0xFFFF0000, v54;
	v61 =	vshrl.u32 v53, $0x10;
	v62 =	vld [tilespmem:s2+$0xA460]  }
0x4f3: {  	v3 =	vor.u32 v61, v3;
	v63 =	vld [tilespmem:s2+$0xA470]  }
0x4f4: {  	s22 =	rddreg [dreg:$0x1c];
	[tilespmem:s14+$0x11430] =	vst v3;
	v3 =	vand.u32 $0xFFFF0000, v57;
	v12 =	vshrl.u32 v56, $0x10  }
0x4f5: {  	v13 =	vld [tilespmem:s22+$0x6400];
	v3 =	vor.u32 v12, v3  }
0x4f6: {  	v14 =	vld [tilespmem:s24+$0x6400];
	[tilespmem:s17+$0xFC30] =	vst v3;
	v3 =	vand.u32 $0xFFFF0000, v60;
	v15 =	vshrl.u32 v59, $0x10  }
0x4f7: {  	v16 =	vld [tilespmem:s7+$0xA800];
	v3 =	vor.u32 v15, v3  }
0x4f8: {  	v17 =	vld [tilespmem:s7+$0xA810];
	[tilespmem:s19+$0xFC30] =	vst v3;
	v3 =	vand.u32 $0xFFFF0000, v63;
	v18 =	vshrl.u32 v62, $0x10  }
0x4f9: {  	v19 =	vld [tilespmem:s1+$0xA800];
	v3 =	vor.u32 v18, v3  }
0x4fa: {  	v20 =	vld [tilespmem:s1+$0xA810];
	[tilespmem:s26+$0xFC30] =	vst v3  }
0x4fb: {  	v3 =	vand.u32 $0xFFFF0000, v14;
	v21 =	vshrl.u32 v13, $0x10;
	v22 =	vld [tilespmem:s2+$0xA800]  }
0x4fc: {  	v3 =	vor.u32 v21, v3;
	v23 =	vld [tilespmem:s2+$0xA810]  }
0x4fd: {  	s24 =	rddreg [dreg:$0x1a];
	[tilespmem:s14+$0x11440] =	vst v3;
	v3 =	vand.u32 $0xFFFF0000, v17;
	v24 =	vshrl.u32 v16, $0x10  }
0x4fe: {  	s25 =	rddreg [dreg:$0x1b];
	v25 =	vld [tilespmem:s24+$0x6400];
	v3 =	vor.u32 v24, v3  }
0x4ff: {  	v26 =	vld [tilespmem:s25+$0x6400];
	[tilespmem:s17+$0xFC40] =	vst v3;
	v3 =	vand.u32 $0xFFFF0000, v20;
	v27 =	vshrl.u32 v19, $0x10  }
0x500: {  	v28 =	vld [tilespmem:s7+$0xA820];
	v3 =	vor.u32 v27, v3  }
0x501: {  	v29 =	vld [tilespmem:s7+$0xA830];
	[tilespmem:s19+$0xFC40] =	vst v3;
	v3 =	vand.u32 $0xFFFF0000, v23;
	v30 =	vshrl.u32 v22, $0x10  }
0x502: {  	v31 =	vld [tilespmem:s1+$0xA820];
	v3 =	vor.u32 v30, v3  }
0x503: {  	v32 =	vld [tilespmem:s1+$0xA830];
	[tilespmem:s26+$0xFC40] =	vst v3  }
0x504: {  	v3 =	vand.u32 $0xFFFF0000, v26;
	v33 =	vshrl.u32 v25, $0x10;
	v34 =	vld [tilespmem:s2+$0xA820]  }
0x505: {  	v3 =	vor.u32 v33, v3;
	v35 =	vld [tilespmem:s2+$0xA830]  }
0x506: {  	s28 =	rddreg [dreg:$0x18];
	[tilespmem:s14+$0x11450] =	vst v3;
	v3 =	vand.u32 $0xFFFF0000, v29;
	v36 =	vshrl.u32 v28, $0x10  }
0x507: {  	s29 =	rddreg [dreg:$0x19];
	v37 =	vld [tilespmem:s28+$0x6400];
	v3 =	vor.u32 v36, v3  }
0x508: {  	v38 =	vld [tilespmem:s29+$0x6400];
	[tilespmem:s17+$0xFC50] =	vst v3;
	v3 =	vand.u32 $0xFFFF0000, v32;
	v39 =	vshrl.u32 v31, $0x10  }
0x509: {  	v40 =	vld [tilespmem:s7+$0xA840];
	v3 =	vor.u32 v39, v3  }
0x50a: {  	v41 =	vld [tilespmem:s7+$0xA850];
	[tilespmem:s19+$0xFC50] =	vst v3;
	v3 =	vand.u32 $0xFFFF0000, v35;
	v42 =	vshrl.u32 v34, $0x10  }
0x50b: {  	v43 =	vld [tilespmem:s1+$0xA840];
	v3 =	vor.u32 v42, v3  }
0x50c: {  	v44 =	vld [tilespmem:s1+$0xA850];
	[tilespmem:s26+$0xFC50] =	vst v3  }
0x50d: {  	v3 =	vand.u32 $0xFFFF0000, v38;
	v45 =	vshrl.u32 v37, $0x10;
	v46 =	vld [tilespmem:s2+$0xA840]  }
0x50e: {  	v3 =	vor.u32 v45, v3;
	v47 =	vld [tilespmem:s2+$0xA850]  }
0x50f: {  	s30 =	rddreg [dreg:$0x16];
	[tilespmem:s14+$0x11460] =	vst v3;
	v3 =	vand.u32 $0xFFFF0000, v41;
	v48 =	vshrl.u32 v40, $0x10  }
0x510: {  	s31 =	rddreg [dreg:$0x17];
	v49 =	vld [tilespmem:s30+$0x6400];
	v3 =	vor.u32 v48, v3  }
0x511: {  	v50 =	vld [tilespmem:s31+$0x6400];
	[tilespmem:s17+$0xFC60] =	vst v3;
	v3 =	vand.u32 $0xFFFF0000, v44;
	v51 =	vshrl.u32 v43, $0x10  }
0x512: {  	v52 =	vld [tilespmem:s7+$0xA860];
	v3 =	vor.u32 v51, v3  }
0x513: {  	v53 =	vld [tilespmem:s7+$0xA870];
	[tilespmem:s19+$0xFC60] =	vst v3;
	v3 =	vand.u32 $0xFFFF0000, v47;
	v54 =	vshrl.u32 v46, $0x10  }
0x514: {  	v55 =	vld [tilespmem:s1+$0xA860];
	v3 =	vor.u32 v54, v3  }
0x515: {  	v56 =	vld [tilespmem:s1+$0xA870];
	[tilespmem:s26+$0xFC60] =	vst v3  }
0x516: {  	v3 =	vld [tilespmem:s2+$0xA860]  }
0x517: {  	v57 =	vld [tilespmem:s2+$0xA870];
	_ =	sdelay $0x1  }
0x518: {  	p1 =	slt.u32 s9, $0xC;
	v4 =	vand.u32 $0xFFFF0000, v50;
	v6 =	vshrl.u32 v49, $0x10  }
.Ltmp1:
0x519: {  	v4 =	vor.u32 v6, v4;
	v58 =	vand.u32 $0xFFFF0000, v53;
	v59 =	vshrl.u32 v52, $0x10;
	(pc) =	sbr.rel @p1 .LBB2_5-.Ltmp1, $4  }
0x51a: {  	[tilespmem:s14+$0x11470] =	vst v4;
	v60 =	vor.u32 v59, v58;
	v5 =	vand.u32 $0xFFFF0000, v56;
	v61 =	vshrl.u32 v55, $0x10  }
0x51b: {  	[tilespmem:s17+$0xFC70] =	vst v60;
	v62 =	vor.u32 v61, v5;
	v63 =	vand.u32 $0xFFFF0000, v57;
	v3 =	vshrl.u32 v3, $0x10  }
0x51c: {  	[tilespmem:s19+$0xFC70] =	vst v62;
	v3 =	vor.u32 v3, v63  }
0x51d: {  	s5 =	sadd.s32 $0x4, s5;
	s23 =	sadd.s32 $0x200, s23;
	s8 =	smov.u32 s9;
	[tilespmem:s26+$0xFC70] =	vst v3  }
0x51e: {  	s5 =	rddreg [dreg:$0x12]  }
0x51f: {  	v3 =	vld @!p0 [tilespmem:s5+$0x30];
	_ =	sdelay $0x4  }
0x520: {  	v4 =	vshrl.u32 @!p0 v3, $0x3  }
0x521: {  	v4 =	vmul.u32 @!p0 $0x30, v4  }
0x522: {  	v5 =	vlaneseq.u32 @!p0;
	v3 =	vand.u32 @!p0 $0x7, v3  }
0x523: {  	v6 =	vshrl.u32 @!p0 v5, $0x3;
	v3 =	vor.u32 @!p0 v3, v4;
	v4 =	vand.u32 @!p0 $0x7, v5  }
0x524: {  	v6 =	vmul.u32 @!p0 $0x8, v6;
	v7 =	vperm.xlane @!p0 v3, v4;
	_ =	sdelay $0x1  }
0x525: {  	v7 =	vadd.s32 @!p0 v6, v7;
	_ =	sdelay $0x2  }
0x526: {  	v5 =	vor.u32 @!p0 $0x8, v5  }
0x527: {  	s0 =	simm.s32 @!p0 $0x0;
	s1 =	simm.s32 @!p0 $0x3400;
	s2 =	rddreg [dreg:$0x2];
	v3 =	vperm.xlane @!p0 v3, v5  }
0x528: {  	[tilespmem:s1], [sflag:$0x2] =	stream.indirect_vreg.gather @!p0 [hbm4b:s2+s0], $0x80, v7, vm1, $0xb8;
	[tilespmem:$0x12400] =	vst v63  }
0x529: {  	s3 =	rddreg [dreg:$0xb];
	v3 =	vadd.s32 @!p0 v6, v3;
	s1 =	simm.s32 @!p0 $0x3C00  }
0x52a: {  	[tilespmem:s1], [sflag:$0x2] =	stream.indirect_vreg.gather @!p0 [hbm4b:s3+s0], $0x80, v7, vm1, $0xb8;
	[tilespmem:$0x12400] =	vst v63  }
0x52b: {  	s4 =	rddreg [dreg:$0xc];
	s1 =	simm.s32 @!p0 $0x4400  }
0x52c: {  	[tilespmem:s1], [sflag:$0x2] =	stream.indirect_vreg.gather @!p0 [hbm4b:s4+s0], $0x80, v7, vm1, $0xb8;
	[tilespmem:$0x12400] =	vst v63  }
0x52d: {  	s1 =	simm.s32 @!p0 $0x4C00  }
0x52e: {  	[tilespmem:s1], [sflag:$0x2] =	stream.indirect_vreg.gather @!p0 [hbm4b:s2+s0], $0x80, v3, vm1, $0xb8;
	[tilespmem:$0x12400] =	vst v63  }
0x52f: {  	s1 =	simm.s32 @!p0 $0x5400  }
0x530: {  	[tilespmem:s1], [sflag:$0x2] =	stream.indirect_vreg.gather @!p0 [hbm4b:s3+s0], $0x80, v3, vm1, $0xb8;
	[tilespmem:$0x12400] =	vst v63  }
0x531: {  	s1 =	simm.s32 @!p0 $0x5C00  }
0x532: {  	[tilespmem:s1], [sflag:$0x2] =	stream.indirect_vreg.gather @!p0 [hbm4b:s4+s0], $0x80, v3, vm1, $0xb8;
	[tilespmem:$0x12400] =	vst v63  }
0x533: {  	v3 =	vld @!p0 [tilespmem:s5+$0x230];
	_ =	sdelay $0x4  }
0x534: {  	v7 =	vshrl.u32 @!p0 v3, $0x3  }
0x535: {  	v7 =	vmul.u32 @!p0 $0x30, v7  }
0x536: {  	v3 =	vand.u32 @!p0 $0x7, v3  }
0x537: {  	v3 =	vor.u32 @!p0 v3, v7  }
0x538: {  	v4 =	vperm.xlane @!p0 v3, v4;
	_ =	sdelay $0x1  }
0x539: {  	v4 =	vadd.s32 @!p0 v6, v4;
	_ =	sdelay $0x3  }
0x53a: {  	s2 =	rddreg [dreg:$0x3];
	s1 =	simm.s32 @!p0 $0x9400;
	v3 =	vperm.xlane @!p0 v3, v5  }
0x53b: {  	[tilespmem:s1], [sflag:$0x4] =	stream.indirect_vreg.gather @!p0 [hbm4b:s2+s0], $0x80, v4, vm1, $0xb8;
	[tilespmem:$0x12400] =	vst v63  }
0x53c: {  	s3 =	rddreg [dreg:$0xd];
	v3 =	vadd.s32 @!p0 v6, v3;
	s1 =	simm.s32 @!p0 $0x9C00  }
0x53d: {  	[tilespmem:s1], [sflag:$0x4] =	stream.indirect_vreg.gather @!p0 [hbm4b:s3+s0], $0x80, v4, vm1, $0xb8;
	[tilespmem:$0x12400] =	vst v63  }
0x53e: {  	s4 =	rddreg [dreg:$0xe];
	s1 =	simm.s32 @!p0 $0xA400  }
0x53f: {  	[tilespmem:s1], [sflag:$0x4] =	stream.indirect_vreg.gather @!p0 [hbm4b:s4+s0], $0x80, v4, vm1, $0xb8;
	[tilespmem:$0x12400] =	vst v63  }
0x540: {  	s1 =	simm.s32 @!p0 $0xAC00  }
0x541: {  	[tilespmem:s1], [sflag:$0x4] =	stream.indirect_vreg.gather @!p0 [hbm4b:s2+s0], $0x80, v3, vm1, $0xb8;
	[tilespmem:$0x12400] =	vst v63  }
0x542: {  	s1 =	simm.s32 @!p0 $0xB400  }
0x543: {  	[tilespmem:s1], [sflag:$0x4] =	stream.indirect_vreg.gather @!p0 [hbm4b:s3+s0], $0x80, v3, vm1, $0xb8;
	[tilespmem:$0x12400] =	vst v63  }
0x544: {  	s24 =	rddreg [dreg:$0x13];
	s1 =	simm.s32 @!p0 $0xBC00  }
0x545: {  	[tilespmem:s1], [sflag:$0x4] =	stream.indirect_vreg.gather @!p0 [hbm4b:s4+s0], $0x80, v3, vm1, $0xb8;
	[tilespmem:$0x12400] =	vst v63  }
0x546: {  	s25 =	rddreg [dreg:$0x7];
	s26 =	simm.s32 $0x0;
	s0 =	sadd.s32 $0x300, s24  }
0x547: {  	s28 =	simm.s32 $0xDC00;
	s31 =	rddreg [dreg:$0x11];
	s1 =	sadd.s32 s25, s0  }
0x548: {  	[hbm4b:s1+s26] =	stream.linear.scatter [tilespmem:s28], [sflag:$0x6], $0x1800, $0x38;
	[tilespmem:$0x12400] =	vst v63  }
0x549: {  	s1 =	sadd.s32 $0x1, s31  }
0x54a: {  	p0 =	sne.s32 s1, $0x10  }
.Ltmp2:
0x54b: {  	_ = 	snop;
	(pc) =	sbr.rel @p0 .LBB2_2-.Ltmp2, $4  }
0x54c: {  	_ = 	snop  }
0x54d: {  	s29 =	rddreg [dreg:$0x8]  }
0x54e: {  	s30 =	simm.s32 $0x10C00;
	s0 =	sadd.s32 s29, s0  }
0x54f: {  	[hbm4b:s0+s26] =	stream.linear.scatter [tilespmem:s30], [sflag:$0x8], $0x1800, $0x38;
	[tilespmem:$0x12400] =	vst v63  }
0x550: {  	s0 =	simm.s32 $0x5  }
0x551: {  	_ =	swait.ge [sflag:s0], $0x1800  }
0x552: {  	[sflag:s0] =	ssyncset.done $0x0  }
0x553: {  	s29 =	simm.s32 $0x7;
	[sflag:s0] =	ssyncadd.s32 $0xFFFFE800  }
0x554: {  	_ =	swait.ge [sflag:s29], $0x1800  }
0x555: {  	[sflag:s29] =	ssyncset.done $0x0  }
0x556: {  	s30 =	simm.s32 $0x6;
	[sflag:s29] =	ssyncadd.s32 $0xFFFFE800  }
0x557: {  	_ =	swait.ge [sflag:s30], $0x1800  }
0x558: {  	[sflag:s30] =	ssyncset.done $0x0  }
0x559: {  	s1 =	simm.s32 $0x8;
	[sflag:s30] =	ssyncadd.s32 $0xFFFFE800  }
0x55a: {  	_ =	swait.ge [sflag:s1], $0x1800  }
0x55b: {  	s2 =	rddreg [dreg:$0x10]  }
0x55c: {  	s31 =	rddreg [dreg:$0xf];
	s2 =	sadd.s32 $0x1, s2  }
0x55d: {  	p0 =	sne.s32 s2, s31  }
.Ltmp3:
0x55e: {  	_ = 	snop;
	(pc) =	sbr.rel @p0 .LBB2_1-.Ltmp3, $3  }
0x55f: {  	_ =	sdelay $0x1  }
0x560: {  	[sflag:s1] =	ssyncset.done $0x0  }
0x561: {  	[sflag:s1] =	ssyncadd.s32 $0xFFFFE800  }
0x562: {  	_ =	sfence.sel $0x180000  }
0x563: {  	[bflag:$0x0] =	sbarrier.arrive $0xFFFF  }
0x564: {  	_ =	strace $0x90000047  }
0x565: {  	s0 =	stileid.u32;
	[bflag:$0x2] =	sbarrier.arrive $0xFFFF  }
0x566: {  	p0 =	sne.s32 s0, $0x0;
	s0 =	rddreg [dreg:$0x5]  }
0x567: {  	s0 =	sadd.s32 @!p0 $0x100000, s0  }
0x568: {  	[sflag:s0] =	ssyncadd.tile.s32 @!p0 $0x1;
	_ =	shalt  }
.Lfunc_end2:
_tile_overlayer_lowered:
.L_overlay_start_2:
0x569: {  	(tag) =	ssettag $0x2  }
0x56a: {  	s0 =	rddreg [dreg:$0x0];
	s2 =	stileid.u32  }
0x56b: {  	s1 =	rddreg [dreg:$0x1];
	p0 =	sne.s32 s2, $0x0  }
0x56c: {  	s3 =	rddreg [dreg:$0x2];
	[bflag:$0x3] =	sbarrier.arrive $0xFFFF;
	s2 =	simm.s32 @!p0 $0x1C09  }
0x56d: {  	[timem:s3], [sflag:s2] =	dma.local @!p0 [hbm:s0], s1  }
0x56e: {  	s0 =	simm.s32 @!p0 $0x9  }
0x56f: {  	_ =	swait.ge @!p0 [sflag:s0], s1  }
0x570: {  	s1 =	ssub.s32 @!p0 $0x0, s1;
	[sflag:s0] =	ssyncset.done @!p0 $0x0  }
0x571: {  	[sflag:s0] =	ssyncadd.s32 @!p0 s1  }
0x572: {  	[bflag:$0x3] =	sbarrier.arrive $0xFFFF  }
0x573: {  	_ =	shalt  }

</sc_bundles>
